<compile_context>
chip_gen: v7x
topology: tpu7x:2x2x1
jax: 0.10.2.dev20260603
libtpu: 0.0.44.dev20260713+nightly
codegen_flags: <defaults>
</compile_context>

<pallas_src>
import functools

import jax
import jax.numpy as jnp
from jax import lax
from jax.experimental import pallas as pl
from jax.experimental.pallas import tpu as pltpu
from jax.experimental.pallas import tpu_sc as plsc

_EPS = 1e-5



def _mm_bias_pack_body(x_ref, w_ref, b_ref, o_ref):
    h = (jnp.dot(x_ref[:, :], w_ref[:, :], preferred_element_type=jnp.float32)
         + b_ref[:, :])
    half = h.shape[1] // 2
    ai = lax.bitcast_convert_type(h[:, :half], jnp.int32)
    bi = lax.bitcast_convert_type(h[:, half:], jnp.int32)
    ta = (ai + 0x7FFF + ((ai >> 16) & 1)) >> 16
    tb = (bi + 0x7FFF + ((bi >> 16) & 1)) >> 16
    word = (tb << 16) | (ta & 0xFFFF)
    o_ref[:, :] = lax.bitcast_convert_type(word, jnp.float32)


def _mm_bias_pack(x, W, b, block):
    n, k = x.shape
    m = W.shape[1]
    return pl.pallas_call(
        _mm_bias_pack_body,
        grid=(n // block,),
        in_specs=[
            pl.BlockSpec((block, k), lambda i: (i, 0)),
            pl.BlockSpec((k, m), lambda i: (0, 0)),
            pl.BlockSpec((1, m), lambda i: (0, 0)),
        ],
        out_specs=pl.BlockSpec((block, m // 2), lambda i: (i, 0)),
        out_shape=jax.ShapeDtypeStruct((n, m // 2), jnp.float32),
    )(x, W, b.reshape(1, m))


def _ln(r, g, be):
    m = jnp.mean(r, axis=1, keepdims=True)
    d = r - m
    v = jnp.mean(d * d, axis=1, keepdims=True)
    return d * lax.rsqrt(v + _EPS) * g + be


def _edge_body(h_ref, a_ref, wl_ref, g_ref, be_ref, o_ref):
    w = lax.bitcast_convert_type(h_ref[:, :], jnp.int32)
    lo = lax.bitcast_convert_type(w << 16, jnp.float32)
    hi = lax.bitcast_convert_type(w & jnp.int32(-65536), jnp.float32)
    h = jnp.concatenate([lo, hi], axis=1)
    contrib = lax.dot_general(a_ref[0], wl_ref[:, :],
                              (((0,), (0,)), ((), ())),
                              preferred_element_type=jnp.float32)
    z = h + contrib
    r = jnp.maximum(z, 0.0)
    o_ref[:, :] = _ln(r, g_ref[:, :], be_ref[:, :])


def _edge_elem(Hrow, attr_row, w1l, g1, be1, block):
    e, dp = Hrow.shape
    d = dp * 2
    attr3 = attr_row.reshape(e // block, 1, block)
    return pl.pallas_call(
        _edge_body,
        grid=(e // block,),
        in_specs=[
            pl.BlockSpec((block, dp), lambda i: (i, 0)),
            pl.BlockSpec((1, 1, block), lambda i: (i, 0, 0)),
            pl.BlockSpec((1, d), lambda i: (0, 0)),
            pl.BlockSpec((1, d), lambda i: (0, 0)),
            pl.BlockSpec((1, d), lambda i: (0, 0)),
        ],
        out_specs=pl.BlockSpec((block, d), lambda i: (i, 0)),
        out_shape=jax.ShapeDtypeStruct((e, d), jnp.float32),
    )(Hrow, attr3, w1l.reshape(1, d), g1.reshape(1, d), be1.reshape(1, d))


def _node_pre_body(x_ref, bt_ref, u_ref, wx_ref, wu_ref, b_ref, o_ref):
    gsize = u_ref.shape[1]
    onehot = jnp.where(
        bt_ref[:, :] == lax.broadcasted_iota(jnp.int32, (1, gsize), 1), 1.0, 0.0)
    ub = jnp.sum(onehot * u_ref[:, :], axis=1, keepdims=True)
    o_ref[:, :] = (
        jnp.dot(x_ref[:, :], wx_ref[:, :], preferred_element_type=jnp.float32)
        + ub * wu_ref[:, :] + b_ref[:, :])


def _node_pre(x, u, batch, W2, b2, block):
    n, d = x.shape
    g = u.shape[0]
    wx = W2[:d]
    wu = W2[2 * d:2 * d + 1].reshape(1, d)
    return pl.pallas_call(
        _node_pre_body,
        grid=(n // block,),
        in_specs=[
            pl.BlockSpec((block, d), lambda i: (i, 0)),
            pl.BlockSpec((block, 1), lambda i: (i, 0)),
            pl.BlockSpec((1, g), lambda i: (0, 0)),
            pl.BlockSpec((d, d), lambda i: (0, 0)),
            pl.BlockSpec((1, d), lambda i: (0, 0)),
            pl.BlockSpec((1, d), lambda i: (0, 0)),
        ],
        out_specs=pl.BlockSpec((block, d), lambda i: (i, 0)),
        out_shape=jax.ShapeDtypeStruct((n, d), jnp.float32),
    )(x, batch.reshape(n, 1), u.reshape(1, g), wx, wu, b2.reshape(1, d))


def _node_stage(base, s_list, cnt16, wm, g2, be2, block, final):
    n, d = base.shape

    def body(*refs):
        nparts = len(refs) - 4 - (2 if final else 0)
        p_ref = refs[0]
        s_refs = refs[1:1 + nparts]
        rest = refs[1 + nparts:]
        c_ref, wm_ref = rest[0], rest[1]
        o_ref = rest[-1]
        cnt = c_ref[0, :, :1] + c_ref[1, :, :1]
        s = s_refs[0][:, :].astype(jnp.float32)
        for sr in s_refs[1:]:
            s = s + sr[:, :].astype(jnp.float32)
        mean = s / jnp.maximum(cnt, 1.0)
        z = p_ref[:, :] + jnp.dot(mean, wm_ref[:, :],
                                  preferred_element_type=jnp.float32)
        if final:
            r = jnp.maximum(z, 0.0)
            o_ref[:, :] = _ln(r, rest[2][:, :], rest[3][:, :])
        else:
            o_ref[:, :] = z

    extra = []
    extra_specs = []
    if final:
        extra = [g2.reshape(1, d), be2.reshape(1, d)]
        extra_specs = [pl.BlockSpec((1, d), lambda i: (0, 0)),
                       pl.BlockSpec((1, d), lambda i: (0, 0))]
    return pl.pallas_call(
        body,
        grid=(n // block,),
        in_specs=[
            pl.BlockSpec((block, d), lambda i: (i, 0)),
            *[pl.BlockSpec((block, d), lambda i: (i, 0)) for _ in s_list],
            pl.BlockSpec((2, block, 16), lambda i: (0, i, 0)),
            pl.BlockSpec((d, d), lambda i: (0, 0)),
            *extra_specs,
        ],
        out_specs=pl.BlockSpec((block, d), lambda i: (i, 0)),
        out_shape=jax.ShapeDtypeStruct((n, d), jnp.float32),
    )(base, *s_list, cnt16, wm, *extra)



_NW = 32
_GCHUNK = 200


def _sc_gather(H, row):
    e = row.shape[0]
    d = H.shape[1]
    per_w = e // _NW
    steps = per_w // _GCHUNK
    mesh = plsc.VectorSubcoreMesh(core_axis_name="c", subcore_axis_name="s")

    ch = _GCHUNK
    assert steps >= 4
    odd = steps % 2 == 1

    @functools.partial(
        pl.kernel, mesh=mesh,
        out_type=jax.ShapeDtypeStruct((e, d), jnp.float32),
        compiler_params=pltpu.CompilerParams(use_tc_tiling_on_sc=True),
        scratch_types=[
            pltpu.VMEM((ch,), jnp.int32),
            pltpu.VMEM((ch,), jnp.int32),
            pltpu.VMEM((ch, d), jnp.float32),
            pltpu.VMEM((ch, d), jnp.float32),
            pltpu.SemaphoreType.DMA,
            pltpu.SemaphoreType.DMA,
            pltpu.SemaphoreType.DMA,
            pltpu.SemaphoreType.DMA,
        ],
    )
    def k(h_hbm, row_hbm, out_hbm, ia, ib, ra, rb, sga, sgb, swa, swb):
        wid = lax.axis_index("s") * 2 + lax.axis_index("c")
        base = wid * per_w

        def off(kk):
            return pl.multiple_of(base + kk * ch, 8)

        def load_idx(kk, iv):
            pltpu.sync_copy(row_hbm.at[pl.ds(off(kk), ch)], iv)

        def start_g(iv, rv, sem):
            pltpu.async_copy(h_hbm.at[iv], rv, sem)

        def wait_g(iv, rv, sem):
            pltpu.make_async_copy(h_hbm.at[iv], rv, sem).wait()

        def start_w(kk, rv, sem):
            pltpu.async_copy(rv, out_hbm.at[pl.ds(off(kk), ch)], sem)

        def wait_w(kk, rv, sem):
            pltpu.make_async_copy(rv, out_hbm.at[pl.ds(off(kk), ch)], sem).wait()

        load_idx(0, ia)
        start_g(ia, ra, sga)
        load_idx(1, ib)
        start_g(ib, rb, sgb)

        def body(m, carry):
            k0 = 2 * m
            k1 = k0 + 1
            wait_g(ia, ra, sga)
            start_w(k0, ra, swa)
            wait_g(ib, rb, sgb)
            start_w(k1, rb, swb)
            load_idx(k0 + 2, ia)
            wait_w(k0, ra, swa)
            start_g(ia, ra, sga)
            load_idx(k1 + 2, ib)
            wait_w(k1, rb, swb)
            start_g(ib, rb, sgb)
            return carry

        if odd:
            lax.fori_loop(0, (steps - 3) // 2, body, 0)
            k2 = steps - 3
            wait_g(ia, ra, sga)
            start_w(k2, ra, swa)
            load_idx(steps - 1, ia)
            wait_w(k2, ra, swa)
            start_g(ia, ra, sga)
            wait_g(ib, rb, sgb)
            start_w(k2 + 1, rb, swb)
            wait_g(ia, ra, sga)
            start_w(k2 + 2, ra, swa)
            wait_w(k2 + 2, ra, swa)
            wait_w(k2 + 1, rb, swb)
        else:
            lax.fori_loop(0, (steps - 2) // 2, body, 0)
            wait_g(ia, ra, sga)
            start_w(steps - 2, ra, swa)
            wait_g(ib, rb, sgb)
            start_w(steps - 1, rb, swb)
            wait_w(steps - 2, ra, swa)
            wait_w(steps - 1, rb, swb)

    return k(H, row)


_DCHUNK = 192


def _sc_scatter(Eout, col, n):
    e, d = Eout.shape
    half = d // 2
    per_tile = e // 16
    ch = next(c for c in range(_DCHUNK, 40, -8) if per_tile % c == 0)
    steps = per_tile // ch
    assert steps >= 4
    odd = steps % 2 == 1
    n_wr = n // 10
    q_init = n_wr // ch
    r_init = n_wr % ch
    assert r_init % 8 == 0
    mesh = plsc.VectorSubcoreMesh(core_axis_name="c", subcore_axis_name="s")

    @functools.partial(
        pl.kernel, mesh=mesh,
        out_type=jax.ShapeDtypeStruct((n, d), jnp.float32),
        compiler_params=pltpu.CompilerParams(use_tc_tiling_on_sc=True),
        scratch_types=[
            pltpu.VMEM((ch,), jnp.int32),
            pltpu.VMEM((ch,), jnp.int32),
            pltpu.VMEM((ch, half), jnp.float32),
            pltpu.VMEM((ch, half), jnp.float32),
            pltpu.VMEM_SHARED((n, half), jnp.float32),
            pltpu.SemaphoreType.DMA,
            pltpu.SemaphoreType.DMA,
            pltpu.SemaphoreType.DMA,
            pltpu.SemaphoreType.DMA,
        ],
    )
    def k(eo_hbm, col_hbm, s_hbm, ia, ib, da, db, acc_sh, sra, srb, saa, sab):
        tid = lax.axis_index("s")
        core = lax.axis_index("c")
        f0 = pl.multiple_of(core * half, half)
        wbase = pl.multiple_of(tid * n_wr, 8)

        zero16 = jnp.zeros((16,), jnp.float32)

        def zdat_body(r, carry):
            for c8 in range(half // 16):
                da[r, pl.ds(c8 * 16, 16)] = zero16
            return carry
        lax.fori_loop(0, ch, zdat_body, 0)

        @pl.when(tid < 10)
        def _():
            for j in range(q_init):
                pltpu.sync_copy(da, acc_sh.at[pl.ds(wbase + j * ch, ch)])
            if r_init:
                pltpu.sync_copy(
                    da.at[pl.ds(0, r_init)],
                    acc_sh.at[pl.ds(wbase + q_init * ch, r_init)])

        plsc.subcore_barrier()

        ebase = tid * per_tile

        def off(kk):
            return pl.multiple_of(ebase + kk * ch, 8)

        def fetch(kk, iv, dv, sem):
            pltpu.sync_copy(col_hbm.at[pl.ds(off(kk), ch)], iv)
            pltpu.async_copy(
                eo_hbm.at[pl.ds(off(kk), ch), pl.ds(f0, half)], dv, sem)

        def wait_r(kk, dv, sem):
            pltpu.make_async_copy(
                eo_hbm.at[pl.ds(off(kk), ch), pl.ds(f0, half)], dv,
                sem).wait()

        def start_a(iv, dv, sem):
            pltpu.async_copy(dv, acc_sh.at[iv], sem, add=True)

        def wait_a(iv, dv, sem):
            pltpu.make_async_copy(dv, acc_sh.at[iv], sem).wait()

        fetch(0, ia, da, sra)
        fetch(1, ib, db, srb)

        def body(m, carry):
            k0 = 2 * m
            k1 = k0 + 1
            wait_r(k0, da, sra)
            start_a(ia, da, saa)
            wait_r(k1, db, srb)
            start_a(ib, db, sab)
            wait_a(ia, da, saa)
            fetch(k0 + 2, ia, da, sra)
            wait_a(ib, db, sab)
            fetch(k1 + 2, ib, db, srb)
            return carry

        if odd:
            lax.fori_loop(0, (steps - 3) // 2, body, 0)
            k2 = steps - 3
            wait_r(k2, da, sra)
            start_a(ia, da, saa)
            wait_a(ia, da, saa)
            fetch(steps - 1, ia, da, sra)
            wait_r(k2 + 1, db, srb)
            start_a(ib, db, sab)
            wait_r(k2 + 2, da, sra)
            start_a(ia, da, saa)
            wait_a(ia, da, saa)
            wait_a(ib, db, sab)
        else:
            lax.fori_loop(0, (steps - 2) // 2, body, 0)
            wait_r(steps - 2, da, sra)
            start_a(ia, da, saa)
            wait_r(steps - 1, db, srb)
            start_a(ib, db, sab)
            wait_a(ia, da, saa)
            wait_a(ib, db, sab)

        plsc.subcore_barrier()

        @pl.when(tid < 10)
        def _():
            pltpu.sync_copy(acc_sh.at[pl.ds(wbase, n_wr)],
                            s_hbm.at[pl.ds(wbase, n_wr), pl.ds(f0, half)])

    return k(Eout, col)


def _sc_counts(col, n):
    e = col.shape[0]
    per_w = e // _NW
    cch = 1000
    steps = per_w // cch
    n_wr = n // 10
    mesh = plsc.VectorSubcoreMesh(core_axis_name="c", subcore_axis_name="s")

    @functools.partial(
        pl.kernel, mesh=mesh,
        out_type=jax.ShapeDtypeStruct((2, n, 16), jnp.float32),
        compiler_params=pltpu.CompilerParams(use_tc_tiling_on_sc=False),
        scratch_types=[
            pltpu.VMEM((cch,), jnp.int32),
            pltpu.VMEM((cch, 16), jnp.float32),
            pltpu.VMEM_SHARED((n, 16), jnp.float32),
        ],
    )
    def k(col_hbm, cnt_hbm, idx_v, ones_v, cnt_sh):
        tid = lax.axis_index("s")
        core = lax.axis_index("c")
        wid = tid * 2 + core
        wbase = pl.multiple_of(tid * n_wr, 8)

        zero16 = jnp.zeros((16,), jnp.float32)
        one16 = jnp.ones((16,), jnp.float32)
        n_init = n_wr // cch

        def zb_body(r, carry):
            ones_v[r] = zero16
            return carry
        lax.fori_loop(0, cch, zb_body, 0)

        @pl.when(tid < 10)
        def _():
            for j in range(n_init):
                pltpu.sync_copy(
                    ones_v, cnt_sh.at[pl.ds(wbase + j * cch, cch)])

        def ones_body(r, carry):
            ones_v[r] = one16
            return carry
        lax.fori_loop(0, cch, ones_body, 0)

        plsc.subcore_barrier()

        ebase = wid * per_w

        def body(i, carry):
            off = ebase + i * cch
            pltpu.sync_copy(col_hbm.at[pl.ds(off, cch)], idx_v)
            pltpu.sync_copy(ones_v, cnt_sh.at[idx_v], add=True)
            return carry

        lax.fori_loop(0, steps, body, 0)

        plsc.subcore_barrier()

        @pl.when(tid < 10)
        def _():
            pltpu.sync_copy(cnt_sh.at[pl.ds(wbase, n_wr)],
                            cnt_hbm.at[core, pl.ds(wbase, n_wr)])

    return k(col)



def kernel(x, edge_index, edge_attr, u, batch, W1, b1, g1, be1, W2, b2, g2, be2):
    n, d = x.shape
    row = edge_index[0]
    col = edge_index[1]

    e = row.shape[0]
    part = (e // 3) // 6400 * 6400
    bounds = [0, part, 2 * part, e]

    attr_row = edge_attr.reshape(1, e)
    cnt16 = _sc_counts(col, n)
    H = _mm_bias_pack(x, W1[:d], b1, block=1000)
    pre = _node_pre(x, u, batch, W2, b2, block=1000)
    s_list = []
    for lo, hi in zip(bounds[:-1], bounds[1:]):
        Hrow = _sc_gather(H, row[lo:hi])
        Eout = _edge_elem(Hrow, attr_row[:, lo:hi], W1[d], g1, be1,
                          block=1600)
        s_list.append(_sc_scatter(Eout, col[lo:hi], n))
    wm = W2[d:2 * d]
    zmid = _node_stage(pre, s_list[:-1], cnt16, wm, g2, be2, 1000, False)
    return _node_stage(zmid, s_list[-1:], cnt16, wm, g2, be2, 1000, True)

# --- scband reference (transcript-rebuilt; emitter-appended) ---
"""Pipeline reference for scband-node-model-4707284156671 (READ-ONLY COPY).

The authoritative reference and input builder live on the scoring server;
editing this copy changes nothing except your own understanding.
"""

import jax, jax.numpy as jnp
import numpy as np

N = 10000
E = 160000
D = 256
G = 16


def _layer_norm(x, g, b, eps=1e-5):
    m = jnp.mean(x, axis=-1, keepdims=True)
    v = jnp.var(x, axis=-1, keepdims=True)
    return (x - m) / jnp.sqrt(v + eps) * g + b


def setup_inputs(seed: int = 0) -> dict:
    key = jax.random.key(seed)
    ks = jax.random.split(key, 8)
    x = jax.random.normal(ks[0], (N, D), dtype=jnp.float32)
    edge_index = jax.random.randint(ks[1], (2, E), 0, N, dtype=jnp.int32)
    edge_attr = jax.random.normal(ks[2], (E, 1), dtype=jnp.float32)
    u = jax.random.normal(ks[3], (G, 1), dtype=jnp.float32)
    batch = jnp.sort(jax.random.randint(ks[4], (N,), 0, G, dtype=jnp.int32))
    W1 = jax.random.normal(ks[5], (D + 1, D), dtype=jnp.float32) * (1.0 / np.sqrt(D + 1))
    b1 = jnp.zeros((D,), dtype=jnp.float32)
    g1 = jnp.ones((D,), dtype=jnp.float32)
    be1 = jnp.zeros((D,), dtype=jnp.float32)
    W2 = jax.random.normal(ks[6], (2 * D + 1, D), dtype=jnp.float32) * (1.0 / np.sqrt(2 * D + 1))
    b2 = jnp.zeros((D,), dtype=jnp.float32)
    g2 = jnp.ones((D,), dtype=jnp.float32)
    be2 = jnp.zeros((D,), dtype=jnp.float32)
    return {"x": x, "edge_index": edge_index, "edge_attr": edge_attr, "u": u, "batch": batch,
            "W1": W1, "b1": b1, "g1": g1, "be1": be1,
            "W2": W2, "b2": b2, "g2": g2, "be2": be2}


def reference(x, edge_index, edge_attr, u, batch, W1, b1, g1, be1, W2, b2, g2, be2):
    row = edge_index[0]
    col = edge_index[1]
    # node_mlp_1 on [x[row], edge_attr]
    out = jnp.concatenate([x[row], edge_attr], axis=1)
    out = _layer_norm(jax.nn.relu(out @ W1 + b1), g1, be1)
    # scatter_mean over destination nodes
    s = jax.ops.segment_sum(out, col, num_segments=N)
    cnt = jax.ops.segment_sum(jnp.ones((E,), dtype=out.dtype), col, num_segments=N)
    mean = s / jnp.maximum(cnt, 1.0)[:, None]
    # node_mlp_2 on [x, mean, u[batch]]
    out2 = jnp.concatenate([x, mean, u[batch]], axis=1)
    return _layer_norm(jax.nn.relu(out2 @ W2 + b2), g2, be2)

if __name__ == "__main__":
    import jax
    _d = setup_inputs()
    print(jax.jit(kernel)(*tuple(_d.values())))

</pallas_src>

<mosaic_0001>
#map = affine_map<(d0, d1) -> (0, 0)>
#map1 = affine_map<(d0, d1) -> (0)>
module attributes {stable_mosaic.version = 14 : i64} {
  func.func @k(%arg0: i32, %arg1: i32, %arg2: memref<10000x128xf32, #tpu.memory_space<hbm>>, %arg3: memref<57600xi32, #tpu.memory_space<hbm>>, %arg4: memref<57600x128xf32, #tpu.memory_space<hbm>>, %arg5: memref<200xi32, #tpu.memory_space<vmem>>, %arg6: memref<200xi32, #tpu.memory_space<vmem>>, %arg7: memref<200x128xf32, #tpu.memory_space<vmem>>, %arg8: memref<200x128xf32, #tpu.memory_space<vmem>>, %arg9: memref<!tpu.dma_semaphore, #tpu.memory_space<semaphore_mem>>, %arg10: memref<!tpu.dma_semaphore, #tpu.memory_space<semaphore_mem>>, %arg11: memref<!tpu.dma_semaphore, #tpu.memory_space<semaphore_mem>>, %arg12: memref<!tpu.dma_semaphore, #tpu.memory_space<semaphore_mem>>) attributes {dimension_semantics = [#tpu.dimension_semantics<core_parallel>, #tpu.dimension_semantics<subcore_parallel>], iteration_bounds = array<i64: 2, 16>, scalar_prefetch = 0 : i64, scratch_operands = 8 : i64, tpu.core_type = #tpu.core_type<sc_vector_subcore>, window_params = [{transform_indices = #map}, {transform_indices = #map1}, {transform_indices = #map}]} {
    %mul3A = arith.constant 2 : i32
    %mul3A_0 = arith.muli %arg1, %mul3A : i32
    %add3A = arith.addi %mul3A_0, %arg0 : i32
    %mul3A_1 = arith.constant 1800 : i32
    %mul3A_2 = arith.muli %add3A, %mul3A_1 : i32
    %add3A_3 = arith.constant 0 : i32
    %add3A_4 = arith.addi %mul3A_2, %add3A_3 : i32
    %multiple_of3A = tpu.assume_multiple %add3A_4, 8 : i32
    "tpu.region"() ({
      %run_scoped3A = tpu.sem_alloc : memref<!tpu.dma_semaphore, #tpu.memory_space<semaphore_mem>>
      %dma_start3A_74 = tpu.memref_slice %arg3[%multiple_of3A] : memref<57600xi32, #tpu.memory_space<hbm>> -> memref<200xi32, #tpu.memory_space<hbm>>
      %dma_start3A_75 = tpu.memref_slice %arg3[%multiple_of3A] : memref<57600xi32, #tpu.memory_space<hbm>> -> memref<200xi32, #tpu.memory_space<hbm>>
      tpu.enqueue_dma source(%dma_start3A_75 : memref<200xi32, #tpu.memory_space<hbm>>) target(%arg5 : memref<200xi32, #tpu.memory_space<vmem>>) target_semaphore(%run_scoped3A : memref<!tpu.dma_semaphore, #tpu.memory_space<semaphore_mem>>)
      %dma_wait3A_76 = tpu.memref_slice %arg3[%multiple_of3A] : memref<57600xi32, #tpu.memory_space<hbm>> -> memref<200xi32, #tpu.memory_space<hbm>>
      %dma_wait3A_77 = tpu.memref_slice %arg3[%multiple_of3A] : memref<57600xi32, #tpu.memory_space<hbm>> -> memref<200xi32, #tpu.memory_space<hbm>>
      tpu.wait_dma2 semaphore(%run_scoped3A : memref<!tpu.dma_semaphore, #tpu.memory_space<semaphore_mem>>) src(%dma_wait3A_77 : memref<200xi32, #tpu.memory_space<hbm>>) dst(%arg5 : memref<200xi32, #tpu.memory_space<vmem>>)
      tpu.yield
    }) : () -> ()
    %dma_start3A = arith.constant 0 : i32
    %dma_start3A_5 = arith.constant 0 : i32
    %dma_start3A_6 = tpu.memref_slice %arg2[%dma_start3A, %dma_start3A_5] : memref<10000x128xf32, #tpu.memory_space<hbm>> -> memref<10000x128xf32, #tpu.memory_space<hbm>>
    tpu.enqueue_indirect_dma source(%dma_start3A_6 : memref<10000x128xf32, #tpu.memory_space<hbm>>) target(%arg7 : memref<200x128xf32, #tpu.memory_space<vmem>>) offsets(%arg5 : memref<200xi32, #tpu.memory_space<vmem>>) semaphore(%arg9 : memref<!tpu.dma_semaphore, #tpu.memory_space<semaphore_mem>>)
    %add3A_7 = arith.constant 200 : i32
    %add3A_8 = arith.addi %mul3A_2, %add3A_7 : i32
    %multiple_of3A_9 = tpu.assume_multiple %add3A_8, 8 : i32
    "tpu.region"() ({
      %run_scoped3A = tpu.sem_alloc : memref<!tpu.dma_semaphore, #tpu.memory_space<semaphore_mem>>
      %dma_start3A_74 = tpu.memref_slice %arg3[%multiple_of3A_9] : memref<57600xi32, #tpu.memory_space<hbm>> -> memref<200xi32, #tpu.memory_space<hbm>>
      %dma_start3A_75 = tpu.memref_slice %arg3[%multiple_of3A_9] : memref<57600xi32, #tpu.memory_space<hbm>> -> memref<200xi32, #tpu.memory_space<hbm>>
      tpu.enqueue_dma source(%dma_start3A_75 : memref<200xi32, #tpu.memory_space<hbm>>) target(%arg6 : memref<200xi32, #tpu.memory_space<vmem>>) target_semaphore(%run_scoped3A : memref<!tpu.dma_semaphore, #tpu.memory_space<semaphore_mem>>)
      %dma_wait3A_76 = tpu.memref_slice %arg3[%multiple_of3A_9] : memref<57600xi32, #tpu.memory_space<hbm>> -> memref<200xi32, #tpu.memory_space<hbm>>
      %dma_wait3A_77 = tpu.memref_slice %arg3[%multiple_of3A_9] : memref<57600xi32, #tpu.memory_space<hbm>> -> memref<200xi32, #tpu.memory_space<hbm>>
      tpu.wait_dma2 semaphore(%run_scoped3A : memref<!tpu.dma_semaphore, #tpu.memory_space<semaphore_mem>>) src(%dma_wait3A_77 : memref<200xi32, #tpu.memory_space<hbm>>) dst(%arg6 : memref<200xi32, #tpu.memory_space<vmem>>)
      tpu.yield
    }) : () -> ()
    %dma_start3A_10 = arith.constant 0 : i32
    %dma_start3A_11 = arith.constant 0 : i32
    %dma_start3A_12 = tpu.memref_slice %arg2[%dma_start3A_10, %dma_start3A_11] : memref<10000x128xf32, #tpu.memory_space<hbm>> -> memref<10000x128xf32, #tpu.memory_space<hbm>>
    tpu.enqueue_indirect_dma source(%dma_start3A_12 : memref<10000x128xf32, #tpu.memory_space<hbm>>) target(%arg8 : memref<200x128xf32, #tpu.memory_space<vmem>>) offsets(%arg6 : memref<200xi32, #tpu.memory_space<vmem>>) semaphore(%arg10 : memref<!tpu.dma_semaphore, #tpu.memory_space<semaphore_mem>>)
    %scan3A = arith.constant 0 : i32
    %scan3A_13 = arith.constant 0 : i32
    %scan3A_14 = arith.constant 3 : i32
    %scan3A_15 = arith.addi %scan3A_13, %scan3A_14 : i32
    %scan3A_16 = arith.constant 1 : i32
    scf.for %scan3A_74 = %scan3A_13 to %scan3A_15 step %scan3A_16  : i32 {
      %mul3A_75 = arith.constant 2 : i32
      %mul3A_76 = arith.muli %mul3A_75, %scan3A_74 : i32
      %add3A_77 = arith.constant 1 : i32
      %add3A_78 = arith.addi %mul3A_76, %add3A_77 : i32
      %dma_wait3A_79 = arith.constant 0 : i32
      %dma_wait3A_80 = arith.constant 0 : i32
      %dma_wait3A_81 = tpu.memref_slice %arg2[%dma_wait3A_79, %dma_wait3A_80] : memref<10000x128xf32, #tpu.memory_space<hbm>> -> memref<10000x128xf32, #tpu.memory_space<hbm>>
      tpu.wait_indirect_dma semaphore(%arg9 : memref<!tpu.dma_semaphore, #tpu.memory_space<semaphore_mem>>) src(%dma_wait3A_81 : memref<10000x128xf32, #tpu.memory_space<hbm>>) dst(%arg7 : memref<200x128xf32, #tpu.memory_space<vmem>>)
      %mul3A_82 = arith.constant 200 : i32
      %mul3A_83 = arith.muli %mul3A_76, %mul3A_82 : i32
      %add3A_84 = arith.addi %mul3A_2, %mul3A_83 : i32
      %multiple_of3A_85 = tpu.assume_multiple %add3A_84, 8 : i32
      %dma_start3A_86 = arith.constant 0 : i32
      %dma_start3A_87 = tpu.memref_slice %arg4[%multiple_of3A_85, %dma_start3A_86] : memref<57600x128xf32, #tpu.memory_space<hbm>> -> memref<200x128xf32, #tpu.memory_space<hbm>>
      %dma_start3A_88 = arith.constant 0 : i32
      %dma_start3A_89 = tpu.memref_slice %arg4[%multiple_of3A_85, %dma_start3A_88] : memref<57600x128xf32, #tpu.memory_space<hbm>> -> memref<200x128xf32, #tpu.memory_space<hbm>>
      tpu.enqueue_dma source(%arg7 : memref<200x128xf32, #tpu.memory_space<vmem>>) target(%dma_start3A_89 : memref<200x128xf32, #tpu.memory_space<hbm>>) target_semaphore(%arg11 : memref<!tpu.dma_semaphore, #tpu.memory_space<semaphore_mem>>)
      %dma_wait3A_90 = arith.constant 0 : i32
      %dma_wait3A_91 = arith.constant 0 : i32
      %dma_wait3A_92 = tpu.memref_slice %arg2[%dma_wait3A_90, %dma_wait3A_91] : memref<10000x128xf32, #tpu.memory_space<hbm>> -> memref<10000x128xf32, #tpu.memory_space<hbm>>
      tpu.wait_indirect_dma semaphore(%arg10 : memref<!tpu.dma_semaphore, #tpu.memory_space<semaphore_mem>>) src(%dma_wait3A_92 : memref<10000x128xf32, #tpu.memory_space<hbm>>) dst(%arg8 : memref<200x128xf32, #tpu.memory_space<vmem>>)
      %mul3A_93 = arith.constant 200 : i32
      %mul3A_94 = arith.muli %add3A_78, %mul3A_93 : i32
      %add3A_95 = arith.addi %mul3A_2, %mul3A_94 : i32
      %multiple_of3A_96 = tpu.assume_multiple %add3A_95, 8 : i32
      %dma_start3A_97 = arith.constant 0 : i32
      %dma_start3A_98 = tpu.memref_slice %arg4[%multiple_of3A_96, %dma_start3A_97] : memref<57600x128xf32, #tpu.memory_space<hbm>> -> memref<200x128xf32, #tpu.memory_space<hbm>>
      %dma_start3A_99 = arith.constant 0 : i32
      %dma_start3A_100 = tpu.memref_slice %arg4[%multiple_of3A_96, %dma_start3A_99] : memref<57600x128xf32, #tpu.memory_space<hbm>> -> memref<200x128xf32, #tpu.memory_space<hbm>>
      tpu.enqueue_dma source(%arg8 : memref<200x128xf32, #tpu.memory_space<vmem>>) target(%dma_start3A_100 : memref<200x128xf32, #tpu.memory_space<hbm>>) target_semaphore(%arg12 : memref<!tpu.dma_semaphore, #tpu.memory_space<semaphore_mem>>)
      %add3A_101 = arith.constant 2 : i32
      %add3A_102 = arith.addi %mul3A_76, %add3A_101 : i32
      %mul3A_103 = arith.constant 200 : i32
      %mul3A_104 = arith.muli %add3A_102, %mul3A_103 : i32
      %add3A_105 = arith.addi %mul3A_2, %mul3A_104 : i32
      %multiple_of3A_106 = tpu.assume_multiple %add3A_105, 8 : i32
      "tpu.region"() ({
        %run_scoped3A = tpu.sem_alloc : memref<!tpu.dma_semaphore, #tpu.memory_space<semaphore_mem>>
        %dma_start3A_135 = tpu.memref_slice %arg3[%multiple_of3A_106] : memref<57600xi32, #tpu.memory_space<hbm>> -> memref<200xi32, #tpu.memory_space<hbm>>
        %dma_start3A_136 = tpu.memref_slice %arg3[%multiple_of3A_106] : memref<57600xi32, #tpu.memory_space<hbm>> -> memref<200xi32, #tpu.memory_space<hbm>>
        tpu.enqueue_dma source(%dma_start3A_136 : memref<200xi32, #tpu.memory_space<hbm>>) target(%arg5 : memref<200xi32, #tpu.memory_space<vmem>>) target_semaphore(%run_scoped3A : memref<!tpu.dma_semaphore, #tpu.memory_space<semaphore_mem>>)
        %dma_wait3A_137 = tpu.memref_slice %arg3[%multiple_of3A_106] : memref<57600xi32, #tpu.memory_space<hbm>> -> memref<200xi32, #tpu.memory_space<hbm>>
        %dma_wait3A_138 = tpu.memref_slice %arg3[%multiple_of3A_106] : memref<57600xi32, #tpu.memory_space<hbm>> -> memref<200xi32, #tpu.memory_space<hbm>>
        tpu.wait_dma2 semaphore(%run_scoped3A : memref<!tpu.dma_semaphore, #tpu.memory_space<semaphore_mem>>) src(%dma_wait3A_138 : memref<200xi32, #tpu.memory_space<hbm>>) dst(%arg5 : memref<200xi32, #tpu.memory_space<vmem>>)
        tpu.yield
      }) : () -> ()
      %mul3A_107 = arith.constant 200 : i32
      %mul3A_108 = arith.muli %mul3A_76, %mul3A_107 : i32
      %add3A_109 = arith.addi %mul3A_2, %mul3A_108 : i32
      %multiple_of3A_110 = tpu.assume_multiple %add3A_109, 8 : i32
      %dma_wait3A_111 = arith.constant 0 : i32
      %dma_wait3A_112 = tpu.memref_slice %arg4[%multiple_of3A_110, %dma_wait3A_111] : memref<57600x128xf32, #tpu.memory_space<hbm>> -> memref<200x128xf32, #tpu.memory_space<hbm>>
      %dma_wait3A_113 = arith.constant 0 : i32
      %dma_wait3A_114 = tpu.memref_slice %arg4[%multiple_of3A_110, %dma_wait3A_113] : memref<57600x128xf32, #tpu.memory_space<hbm>> -> memref<200x128xf32, #tpu.memory_space<hbm>>
      tpu.wait_dma2 semaphore(%arg11 : memref<!tpu.dma_semaphore, #tpu.memory_space<semaphore_mem>>) src(%arg7 : memref<200x128xf32, #tpu.memory_space<vmem>>) dst(%dma_wait3A_114 : memref<200x128xf32, #tpu.memory_space<hbm>>)
      %dma_start3A_115 = arith.constant 0 : i32
      %dma_start3A_116 = arith.constant 0 : i32
      %dma_start3A_117 = tpu.memref_slice %arg2[%dma_start3A_115, %dma_start3A_116] : memref<10000x128xf32, #tpu.memory_space<hbm>> -> memref<10000x128xf32, #tpu.memory_space<hbm>>
      tpu.enqueue_indirect_dma source(%dma_start3A_117 : memref<10000x128xf32, #tpu.memory_space<hbm>>) target(%arg7 : memref<200x128xf32, #tpu.memory_space<vmem>>) offsets(%arg5 : memref<200xi32, #tpu.memory_space<vmem>>) semaphore(%arg9 : memref<!tpu.dma_semaphore, #tpu.memory_space<semaphore_mem>>)
      %add3A_118 = arith.constant 2 : i32
      %add3A_119 = arith.addi %add3A_78, %add3A_118 : i32
      %mul3A_120 = arith.constant 200 : i32
      %mul3A_121 = arith.muli %add3A_119, %mul3A_120 : i32
      %add3A_122 = arith.addi %mul3A_2, %mul3A_121 : i32
      %multiple_of3A_123 = tpu.assume_multiple %add3A_122, 8 : i32
      "tpu.region"() ({
        %run_scoped3A = tpu.sem_alloc : memref<!tpu.dma_semaphore, #tpu.memory_space<semaphore_mem>>
        %dma_start3A_135 = tpu.memref_slice %arg3[%multiple_of3A_123] : memref<57600xi32, #tpu.memory_space<hbm>> -> memref<200xi32, #tpu.memory_space<hbm>>
        %dma_start3A_136 = tpu.memref_slice %arg3[%multiple_of3A_123] : memref<57600xi32, #tpu.memory_space<hbm>> -> memref<200xi32, #tpu.memory_space<hbm>>
        tpu.enqueue_dma source(%dma_start3A_136 : memref<200xi32, #tpu.memory_space<hbm>>) target(%arg6 : memref<200xi32, #tpu.memory_space<vmem>>) target_semaphore(%run_scoped3A : memref<!tpu.dma_semaphore, #tpu.memory_space<semaphore_mem>>)
        %dma_wait3A_137 = tpu.memref_slice %arg3[%multiple_of3A_123] : memref<57600xi32, #tpu.memory_space<hbm>> -> memref<200xi32, #tpu.memory_space<hbm>>
        %dma_wait3A_138 = tpu.memref_slice %arg3[%multiple_of3A_123] : memref<57600xi32, #tpu.memory_space<hbm>> -> memref<200xi32, #tpu.memory_space<hbm>>
        tpu.wait_dma2 semaphore(%run_scoped3A : memref<!tpu.dma_semaphore, #tpu.memory_space<semaphore_mem>>) src(%dma_wait3A_138 : memref<200xi32, #tpu.memory_space<hbm>>) dst(%arg6 : memref<200xi32, #tpu.memory_space<vmem>>)
        tpu.yield
      }) : () -> ()
      %mul3A_124 = arith.constant 200 : i32
      %mul3A_125 = arith.muli %add3A_78, %mul3A_124 : i32
      %add3A_126 = arith.addi %mul3A_2, %mul3A_125 : i32
      %multiple_of3A_127 = tpu.assume_multiple %add3A_126, 8 : i32
      %dma_wait3A_128 = arith.constant 0 : i32
      %dma_wait3A_129 = tpu.memref_slice %arg4[%multiple_of3A_127, %dma_wait3A_128] : memref<57600x128xf32, #tpu.memory_space<hbm>> -> memref<200x128xf32, #tpu.memory_space<hbm>>
      %dma_wait3A_130 = arith.constant 0 : i32
      %dma_wait3A_131 = tpu.memref_slice %arg4[%multiple_of3A_127, %dma_wait3A_130] : memref<57600x128xf32, #tpu.memory_space<hbm>> -> memref<200x128xf32, #tpu.memory_space<hbm>>
      tpu.wait_dma2 semaphore(%arg12 : memref<!tpu.dma_semaphore, #tpu.memory_space<semaphore_mem>>) src(%arg8 : memref<200x128xf32, #tpu.memory_space<vmem>>) dst(%dma_wait3A_131 : memref<200x128xf32, #tpu.memory_space<hbm>>)
      %dma_start3A_132 = arith.constant 0 : i32
      %dma_start3A_133 = arith.constant 0 : i32
      %dma_start3A_134 = tpu.memref_slice %arg2[%dma_start3A_132, %dma_start3A_133] : memref<10000x128xf32, #tpu.memory_space<hbm>> -> memref<10000x128xf32, #tpu.memory_space<hbm>>
      tpu.enqueue_indirect_dma source(%dma_start3A_134 : memref<10000x128xf32, #tpu.memory_space<hbm>>) target(%arg8 : memref<200x128xf32, #tpu.memory_space<vmem>>) offsets(%arg6 : memref<200xi32, #tpu.memory_space<vmem>>) semaphore(%arg10 : memref<!tpu.dma_semaphore, #tpu.memory_space<semaphore_mem>>)
    }
    %scan3A_17 = arith.constant 3 : i32
    %dma_wait3A = arith.constant 0 : i32
    %dma_wait3A_18 = arith.constant 0 : i32
    %dma_wait3A_19 = tpu.memref_slice %arg2[%dma_wait3A, %dma_wait3A_18] : memref<10000x128xf32, #tpu.memory_space<hbm>> -> memref<10000x128xf32, #tpu.memory_space<hbm>>
    tpu.wait_indirect_dma semaphore(%arg9 : memref<!tpu.dma_semaphore, #tpu.memory_space<semaphore_mem>>) src(%dma_wait3A_19 : memref<10000x128xf32, #tpu.memory_space<hbm>>) dst(%arg7 : memref<200x128xf32, #tpu.memory_space<vmem>>)
    %add3A_20 = arith.constant 1200 : i32
    %add3A_21 = arith.addi %mul3A_2, %add3A_20 : i32
    %multiple_of3A_22 = tpu.assume_multiple %add3A_21, 8 : i32
    %dma_start3A_23 = arith.constant 0 : i32
    %dma_start3A_24 = tpu.memref_slice %arg4[%multiple_of3A_22, %dma_start3A_23] : memref<57600x128xf32, #tpu.memory_space<hbm>> -> memref<200x128xf32, #tpu.memory_space<hbm>>
    %dma_start3A_25 = arith.constant 0 : i32
    %dma_start3A_26 = tpu.memref_slice %arg4[%multiple_of3A_22, %dma_start3A_25] : memref<57600x128xf32, #tpu.memory_space<hbm>> -> memref<200x128xf32, #tpu.memory_space<hbm>>
    tpu.enqueue_dma source(%arg7 : memref<200x128xf32, #tpu.memory_space<vmem>>) target(%dma_start3A_26 : memref<200x128xf32, #tpu.memory_space<hbm>>) target_semaphore(%arg11 : memref<!tpu.dma_semaphore, #tpu.memory_space<semaphore_mem>>)
    %add3A_27 = arith.constant 1600 : i32
    %add3A_28 = arith.addi %mul3A_2, %add3A_27 : i32
    %multiple_of3A_29 = tpu.assume_multiple %add3A_28, 8 : i32
    "tpu.region"() ({
      %run_scoped3A = tpu.sem_alloc : memref<!tpu.dma_semaphore, #tpu.memory_space<semaphore_mem>>
      %dma_start3A_74 = tpu.memref_slice %arg3[%multiple_of3A_29] : memref<57600xi32, #tpu.memory_space<hbm>> -> memref<200xi32, #tpu.memory_space<hbm>>
      %dma_start3A_75 = tpu.memref_slice %arg3[%multiple_of3A_29] : memref<57600xi32, #tpu.memory_space<hbm>> -> memref<200xi32, #tpu.memory_space<hbm>>
      tpu.enqueue_dma source(%dma_start3A_75 : memref<200xi32, #tpu.memory_space<hbm>>) target(%arg5 : memref<200xi32, #tpu.memory_space<vmem>>) target_semaphore(%run_scoped3A : memref<!tpu.dma_semaphore, #tpu.memory_space<semaphore_mem>>)
      %dma_wait3A_76 = tpu.memref_slice %arg3[%multiple_of3A_29] : memref<57600xi32, #tpu.memory_space<hbm>> -> memref<200xi32, #tpu.memory_space<hbm>>
      %dma_wait3A_77 = tpu.memref_slice %arg3[%multiple_of3A_29] : memref<57600xi32, #tpu.memory_space<hbm>> -> memref<200xi32, #tpu.memory_space<hbm>>
      tpu.wait_dma2 semaphore(%run_scoped3A : memref<!tpu.dma_semaphore, #tpu.memory_space<semaphore_mem>>) src(%dma_wait3A_77 : memref<200xi32, #tpu.memory_space<hbm>>) dst(%arg5 : memref<200xi32, #tpu.memory_space<vmem>>)
      tpu.yield
    }) : () -> ()
    %add3A_30 = arith.constant 1200 : i32
    %add3A_31 = arith.addi %mul3A_2, %add3A_30 : i32
    %multiple_of3A_32 = tpu.assume_multiple %add3A_31, 8 : i32
    %dma_wait3A_33 = arith.constant 0 : i32
    %dma_wait3A_34 = tpu.memref_slice %arg4[%multiple_of3A_32, %dma_wait3A_33] : memref<57600x128xf32, #tpu.memory_space<hbm>> -> memref<200x128xf32, #tpu.memory_space<hbm>>
    %dma_wait3A_35 = arith.constant 0 : i32
    %dma_wait3A_36 = tpu.memref_slice %arg4[%multiple_of3A_32, %dma_wait3A_35] : memref<57600x128xf32, #tpu.memory_space<hbm>> -> memref<200x128xf32, #tpu.memory_space<hbm>>
    tpu.wait_dma2 semaphore(%arg11 : memref<!tpu.dma_semaphore, #tpu.memory_space<semaphore_mem>>) src(%arg7 : memref<200x128xf32, #tpu.memory_space<vmem>>) dst(%dma_wait3A_36 : memref<200x128xf32, #tpu.memory_space<hbm>>)
    %dma_start3A_37 = arith.constant 0 : i32
    %dma_start3A_38 = arith.constant 0 : i32
    %dma_start3A_39 = tpu.memref_slice %arg2[%dma_start3A_37, %dma_start3A_38] : memref<10000x128xf32, #tpu.memory_space<hbm>> -> memref<10000x128xf32, #tpu.memory_space<hbm>>
    tpu.enqueue_indirect_dma source(%dma_start3A_39 : memref<10000x128xf32, #tpu.memory_space<hbm>>) target(%arg7 : memref<200x128xf32, #tpu.memory_space<vmem>>) offsets(%arg5 : memref<200xi32, #tpu.memory_space<vmem>>) semaphore(%arg9 : memref<!tpu.dma_semaphore, #tpu.memory_space<semaphore_mem>>)
    %dma_wait3A_40 = arith.constant 0 : i32
    %dma_wait3A_41 = arith.constant 0 : i32
    %dma_wait3A_42 = tpu.memref_slice %arg2[%dma_wait3A_40, %dma_wait3A_41] : memref<10000x128xf32, #tpu.memory_space<hbm>> -> memref<10000x128xf32, #tpu.memory_space<hbm>>
    tpu.wait_indirect_dma semaphore(%arg10 : memref<!tpu.dma_semaphore, #tpu.memory_space<semaphore_mem>>) src(%dma_wait3A_42 : memref<10000x128xf32, #tpu.memory_space<hbm>>) dst(%arg8 : memref<200x128xf32, #tpu.memory_space<vmem>>)
    %add3A_43 = arith.constant 1400 : i32
    %add3A_44 = arith.addi %mul3A_2, %add3A_43 : i32
    %multiple_of3A_45 = tpu.assume_multiple %add3A_44, 8 : i32
    %dma_start3A_46 = arith.constant 0 : i32
    %dma_start3A_47 = tpu.memref_slice %arg4[%multiple_of3A_45, %dma_start3A_46] : memref<57600x128xf32, #tpu.memory_space<hbm>> -> memref<200x128xf32, #tpu.memory_space<hbm>>
    %dma_start3A_48 = arith.constant 0 : i32
    %dma_start3A_49 = tpu.memref_slice %arg4[%multiple_of3A_45, %dma_start3A_48] : memref<57600x128xf32, #tpu.memory_space<hbm>> -> memref<200x128xf32, #tpu.memory_space<hbm>>
    tpu.enqueue_dma source(%arg8 : memref<200x128xf32, #tpu.memory_space<vmem>>) target(%dma_start3A_49 : memref<200x128xf32, #tpu.memory_space<hbm>>) target_semaphore(%arg12 : memref<!tpu.dma_semaphore, #tpu.memory_space<semaphore_mem>>)
    %dma_wait3A_50 = arith.constant 0 : i32
    %dma_wait3A_51 = arith.constant 0 : i32
    %dma_wait3A_52 = tpu.memref_slice %arg2[%dma_wait3A_50, %dma_wait3A_51] : memref<10000x128xf32, #tpu.memory_space<hbm>> -> memref<10000x128xf32, #tpu.memory_space<hbm>>
    tpu.wait_indirect_dma semaphore(%arg9 : memref<!tpu.dma_semaphore, #tpu.memory_space<semaphore_mem>>) src(%dma_wait3A_52 : memref<10000x128xf32, #tpu.memory_space<hbm>>) dst(%arg7 : memref<200x128xf32, #tpu.memory_space<vmem>>)
    %add3A_53 = arith.constant 1600 : i32
    %add3A_54 = arith.addi %mul3A_2, %add3A_53 : i32
    %multiple_of3A_55 = tpu.assume_multiple %add3A_54, 8 : i32
    %dma_start3A_56 = arith.constant 0 : i32
    %dma_start3A_57 = tpu.memref_slice %arg4[%multiple_of3A_55, %dma_start3A_56] : memref<57600x128xf32, #tpu.memory_space<hbm>> -> memref<200x128xf32, #tpu.memory_space<hbm>>
    %dma_start3A_58 = arith.constant 0 : i32
    %dma_start3A_59 = tpu.memref_slice %arg4[%multiple_of3A_55, %dma_start3A_58] : memref<57600x128xf32, #tpu.memory_space<hbm>> -> memref<200x128xf32, #tpu.memory_space<hbm>>
    tpu.enqueue_dma source(%arg7 : memref<200x128xf32, #tpu.memory_space<vmem>>) target(%dma_start3A_59 : memref<200x128xf32, #tpu.memory_space<hbm>>) target_semaphore(%arg11 : memref<!tpu.dma_semaphore, #tpu.memory_space<semaphore_mem>>)
    %add3A_60 = arith.constant 1600 : i32
    %add3A_61 = arith.addi %mul3A_2, %add3A_60 : i32
    %multiple_of3A_62 = tpu.assume_multiple %add3A_61, 8 : i32
    %dma_wait3A_63 = arith.constant 0 : i32
    %dma_wait3A_64 = tpu.memref_slice %arg4[%multiple_of3A_62, %dma_wait3A_63] : memref<57600x128xf32, #tpu.memory_space<hbm>> -> memref<200x128xf32, #tpu.memory_space<hbm>>
    %dma_wait3A_65 = arith.constant 0 : i32
    %dma_wait3A_66 = tpu.memref_slice %arg4[%multiple_of3A_62, %dma_wait3A_65] : memref<57600x128xf32, #tpu.memory_space<hbm>> -> memref<200x128xf32, #tpu.memory_space<hbm>>
    tpu.wait_dma2 semaphore(%arg11 : memref<!tpu.dma_semaphore, #tpu.memory_space<semaphore_mem>>) src(%arg7 : memref<200x128xf32, #tpu.memory_space<vmem>>) dst(%dma_wait3A_66 : memref<200x128xf32, #tpu.memory_space<hbm>>)
    %add3A_67 = arith.constant 1400 : i32
    %add3A_68 = arith.addi %mul3A_2, %add3A_67 : i32
    %multiple_of3A_69 = tpu.assume_multiple %add3A_68, 8 : i32
    %dma_wait3A_70 = arith.constant 0 : i32
    %dma_wait3A_71 = tpu.memref_slice %arg4[%multiple_of3A_69, %dma_wait3A_70] : memref<57600x128xf32, #tpu.memory_space<hbm>> -> memref<200x128xf32, #tpu.memory_space<hbm>>
    %dma_wait3A_72 = arith.constant 0 : i32
    %dma_wait3A_73 = tpu.memref_slice %arg4[%multiple_of3A_69, %dma_wait3A_72] : memref<57600x128xf32, #tpu.memory_space<hbm>> -> memref<200x128xf32, #tpu.memory_space<hbm>>
    tpu.wait_dma2 semaphore(%arg12 : memref<!tpu.dma_semaphore, #tpu.memory_space<semaphore_mem>>) src(%arg8 : memref<200x128xf32, #tpu.memory_space<vmem>>) dst(%dma_wait3A_73 : memref<200x128xf32, #tpu.memory_space<hbm>>)
    return
  }
}

#map = affine_map<(d0, d1) -> (0)>
#map1 = affine_map<(d0, d1) -> (0, 0, 0)>
module attributes {stable_mosaic.version = 14 : i64} {
  func.func @k(%arg0: i32, %arg1: i32, %arg2: memref<160000xi32, #tpu.memory_space<hbm>>, %arg3: memref<2x10000x16xf32, #tpu.memory_space<hbm>>, %arg4: memref<1000xi32, #tpu.memory_space<vmem>>, %arg5: memref<1000x16xf32, #tpu.memory_space<vmem>>, %arg6: memref<10000x16xf32, #tpu.memory_space<vmem_shared>>) attributes {dimension_semantics = [#tpu.dimension_semantics<core_parallel>, #tpu.dimension_semantics<subcore_parallel>], iteration_bounds = array<i64: 2, 16>, scalar_prefetch = 0 : i64, scratch_operands = 3 : i64, tpu.core_type = #tpu.core_type<sc_vector_subcore>, window_params = [{transform_indices = #map}, {transform_indices = #map1}]} {
    %mul3A = arith.constant 2 : i32
    %mul3A_0 = arith.muli %arg1, %mul3A : i32
    %add3A = arith.addi %mul3A_0, %arg0 : i32
    %mul3A_1 = arith.constant 1000 : i32
    %mul3A_2 = arith.muli %arg1, %mul3A_1 : i32
    %multiple_of3A = tpu.assume_multiple %mul3A_2, 8 : i32
    %broadcast_in_dim3A = arith.constant 0.000000e+00 : f32
    %broadcast_in_dim3A_3 = vector.broadcast %broadcast_in_dim3A : f32 to vector<16xf32>
    %broadcast_in_dim3A_4 = arith.constant 1.000000e+00 : f32
    %broadcast_in_dim3A_5 = vector.broadcast %broadcast_in_dim3A_4 : f32 to vector<16xf32>
    %scan3A = arith.constant 0 : i32
    %scan3A_6 = arith.constant 0 : i32
    %scan3A_7 = arith.constant 1000 : i32
    %scan3A_8 = arith.addi %scan3A_6, %scan3A_7 : i32
    %scan3A_9 = arith.constant 1 : i32
    scf.for %scan3A_33 = %scan3A_6 to %scan3A_8 step %scan3A_9  : i32 {
      %swap3A = arith.index_cast %scan3A_33 : i32 to index
      %swap3A_34 = arith.constant 0 : index
      %swap3A_35 = tpu.vector_load %arg5[%swap3A, %swap3A_34] {strides = array<i32>} : memref<1000x16xf32, #tpu.memory_space<vmem>>, vector<1x16xf32>,
      %swap3A_36 = vector.shape_cast %swap3A_35 : vector<1x16xf32> to vector<16xf32>
      %swap3A_37 = vector.shape_cast %broadcast_in_dim3A_3 : vector<16xf32> to vector<1x16xf32>
      tpu.vector_store %arg5[%swap3A, %swap3A_34], %swap3A_37 {strides = array<i32>} : memref<1000x16xf32, #tpu.memory_space<vmem>>, vector<1x16xf32>,
    }
    %scan3A_10 = arith.constant 1000 : i32
    %lt3A = arith.constant 10 : i32
    %lt3A_11 = arith.cmpi slt, %arg1, %lt3A : i32
    %convert_element_type3A = arith.extui %lt3A_11 : i1 to i32
    %cond3A = arith.constant 0 : i32
    %cond3A_12 = arith.cmpi ne, %convert_element_type3A, %cond3A : i32
    scf.if %cond3A_12 {
      %add3A_33 = arith.constant 0 : i32
      %add3A_34 = arith.addi %multiple_of3A, %add3A_33 : i32
      "tpu.region"() ({
        %run_scoped3A = tpu.sem_alloc : memref<!tpu.dma_semaphore, #tpu.memory_space<semaphore_mem>>
        %dma_start3A = arith.constant 0 : i32
        %dma_start3A_35 = tpu.memref_slice %arg6[%add3A_34, %dma_start3A] : memref<10000x16xf32, #tpu.memory_space<vmem_shared>> -> memref<1000x16xf32, #tpu.memory_space<vmem_shared>>
        %dma_start3A_36 = arith.constant 0 : i32
        %dma_start3A_37 = tpu.memref_slice %arg6[%add3A_34, %dma_start3A_36] : memref<10000x16xf32, #tpu.memory_space<vmem_shared>> -> memref<1000x16xf32, #tpu.memory_space<vmem_shared>>
        tpu.enqueue_dma source(%arg5 : memref<1000x16xf32, #tpu.memory_space<vmem>>) target(%dma_start3A_37 : memref<1000x16xf32, #tpu.memory_space<vmem_shared>>) target_semaphore(%run_scoped3A : memref<!tpu.dma_semaphore, #tpu.memory_space<semaphore_mem>>)
        %dma_wait3A = arith.constant 0 : i32
        %dma_wait3A_38 = tpu.memref_slice %arg6[%add3A_34, %dma_wait3A] : memref<10000x16xf32, #tpu.memory_space<vmem_shared>> -> memref<1000x16xf32, #tpu.memory_space<vmem_shared>>
        %dma_wait3A_39 = arith.constant 0 : i32
        %dma_wait3A_40 = tpu.memref_slice %arg6[%add3A_34, %dma_wait3A_39] : memref<10000x16xf32, #tpu.memory_space<vmem_shared>> -> memref<1000x16xf32, #tpu.memory_space<vmem_shared>>
        tpu.wait_dma2 semaphore(%run_scoped3A : memref<!tpu.dma_semaphore, #tpu.memory_space<semaphore_mem>>) src(%arg5 : memref<1000x16xf32, #tpu.memory_space<vmem>>) dst(%dma_wait3A_40 : memref<1000x16xf32, #tpu.memory_space<vmem_shared>>)
        tpu.yield
      }) : () -> ()
    } else {
    }
    %scan3A_13 = arith.constant 0 : i32
    %scan3A_14 = arith.constant 0 : i32
    %scan3A_15 = arith.constant 1000 : i32
    %scan3A_16 = arith.addi %scan3A_14, %scan3A_15 : i32
    %scan3A_17 = arith.constant 1 : i32
    scf.for %scan3A_33 = %scan3A_14 to %scan3A_16 step %scan3A_17  : i32 {
      %swap3A = arith.index_cast %scan3A_33 : i32 to index
      %swap3A_34 = arith.constant 0 : index
      %swap3A_35 = tpu.vector_load %arg5[%swap3A, %swap3A_34] {strides = array<i32>} : memref<1000x16xf32, #tpu.memory_space<vmem>>, vector<1x16xf32>,
      %swap3A_36 = vector.shape_cast %swap3A_35 : vector<1x16xf32> to vector<16xf32>
      %swap3A_37 = vector.shape_cast %broadcast_in_dim3A_5 : vector<16xf32> to vector<1x16xf32>
      tpu.vector_store %arg5[%swap3A, %swap3A_34], %swap3A_37 {strides = array<i32>} : memref<1000x16xf32, #tpu.memory_space<vmem>>, vector<1x16xf32>,
    }
    %scan3A_18 = arith.constant 1000 : i32
    %barrier3A = arith.constant 0 : index
    tpu.barrier barrier_id(%barrier3A)
    %mul3A_19 = arith.constant 5000 : i32
    %mul3A_20 = arith.muli %add3A, %mul3A_19 : i32
    %scan3A_21 = arith.constant 0 : i32
    %scan3A_22 = arith.constant 0 : i32
    %scan3A_23 = arith.constant 5 : i32
    %scan3A_24 = arith.addi %scan3A_22, %scan3A_23 : i32
    %scan3A_25 = arith.constant 1 : i32
    scf.for %scan3A_33 = %scan3A_22 to %scan3A_24 step %scan3A_25  : i32 {
      %mul3A_34 = arith.constant 1000 : i32
      %mul3A_35 = arith.muli %scan3A_33, %mul3A_34 : i32
      %add3A_36 = arith.addi %mul3A_20, %mul3A_35 : i32
      "tpu.region"() ({
        %run_scoped3A = tpu.sem_alloc : memref<!tpu.dma_semaphore, #tpu.memory_space<semaphore_mem>>
        %dma_start3A = tpu.memref_slice %arg2[%add3A_36] : memref<160000xi32, #tpu.memory_space<hbm>> -> memref<1000xi32, #tpu.memory_space<hbm>>
        %dma_start3A_37 = tpu.memref_slice %arg2[%add3A_36] : memref<160000xi32, #tpu.memory_space<hbm>> -> memref<1000xi32, #tpu.memory_space<hbm>>
        tpu.enqueue_dma source(%dma_start3A_37 : memref<1000xi32, #tpu.memory_space<hbm>>) target(%arg4 : memref<1000xi32, #tpu.memory_space<vmem>>) target_semaphore(%run_scoped3A : memref<!tpu.dma_semaphore, #tpu.memory_space<semaphore_mem>>)
        %dma_wait3A = tpu.memref_slice %arg2[%add3A_36] : memref<160000xi32, #tpu.memory_space<hbm>> -> memref<1000xi32, #tpu.memory_space<hbm>>
        %dma_wait3A_38 = tpu.memref_slice %arg2[%add3A_36] : memref<160000xi32, #tpu.memory_space<hbm>> -> memref<1000xi32, #tpu.memory_space<hbm>>
        tpu.wait_dma2 semaphore(%run_scoped3A : memref<!tpu.dma_semaphore, #tpu.memory_space<semaphore_mem>>) src(%dma_wait3A_38 : memref<1000xi32, #tpu.memory_space<hbm>>) dst(%arg4 : memref<1000xi32, #tpu.memory_space<vmem>>)
        tpu.yield
      }) : () -> ()
      "tpu.region"() ({
        %run_scoped3A = tpu.sem_alloc : memref<!tpu.dma_semaphore, #tpu.memory_space<semaphore_mem>>
        %dma_start3A = arith.constant 0 : i32
        %dma_start3A_37 = arith.constant 0 : i32
        %dma_start3A_38 = tpu.memref_slice %arg6[%dma_start3A, %dma_start3A_37] : memref<10000x16xf32, #tpu.memory_space<vmem_shared>> -> memref<10000x16xf32, #tpu.memory_space<vmem_shared>>
        tpu.enqueue_indirect_dma source(%arg5 : memref<1000x16xf32, #tpu.memory_space<vmem>>) target(%dma_start3A_38 : memref<10000x16xf32, #tpu.memory_space<vmem_shared>>) offsets(%arg4 : memref<1000xi32, #tpu.memory_space<vmem>>) semaphore(%run_scoped3A : memref<!tpu.dma_semaphore, #tpu.memory_space<semaphore_mem>>) {add = true}
        %dma_wait3A = arith.constant 0 : i32
        %dma_wait3A_39 = arith.constant 0 : i32
        %dma_wait3A_40 = tpu.memref_slice %arg6[%dma_wait3A, %dma_wait3A_39] : memref<10000x16xf32, #tpu.memory_space<vmem_shared>> -> memref<10000x16xf32, #tpu.memory_space<vmem_shared>>
        tpu.wait_indirect_dma semaphore(%run_scoped3A : memref<!tpu.dma_semaphore, #tpu.memory_space<semaphore_mem>>) src(%arg5 : memref<1000x16xf32, #tpu.memory_space<vmem>>) dst(%dma_wait3A_40 : memref<10000x16xf32, #tpu.memory_space<vmem_shared>>)
        tpu.yield
      }) : () -> ()
    }
    %scan3A_26 = arith.constant 5 : i32
    %barrier3A_27 = arith.constant 0 : index
    tpu.barrier barrier_id(%barrier3A_27)
    %lt3A_28 = arith.constant 10 : i32
    %lt3A_29 = arith.cmpi slt, %arg1, %lt3A_28 : i32
    %convert_element_type3A_30 = arith.extui %lt3A_29 : i1 to i32
    %cond3A_31 = arith.constant 0 : i32
    %cond3A_32 = arith.cmpi ne, %convert_element_type3A_30, %cond3A_31 : i32
    scf.if %cond3A_32 {
      "tpu.region"() ({
        %run_scoped3A = tpu.sem_alloc : memref<!tpu.dma_semaphore, #tpu.memory_space<semaphore_mem>>
        %dma_start3A = arith.constant 0 : i32
        %dma_start3A_33 = tpu.memref_slice %arg3[%arg0, %multiple_of3A, %dma_start3A] : memref<2x10000x16xf32, #tpu.memory_space<hbm>> -> memref<1x1000x16xf32, #tpu.memory_space<hbm>>
        %dma_start3A_34 = tpu.memref_squeeze %dma_start3A_33 : memref<1x1000x16xf32, #tpu.memory_space<hbm>> -> memref<1000x16xf32, #tpu.memory_space<hbm>>
        %dma_start3A_35 = arith.constant 0 : i32
        %dma_start3A_36 = tpu.memref_slice %arg6[%multiple_of3A, %dma_start3A_35] : memref<10000x16xf32, #tpu.memory_space<vmem_shared>> -> memref<1000x16xf32, #tpu.memory_space<vmem_shared>>
        tpu.enqueue_dma source(%dma_start3A_36 : memref<1000x16xf32, #tpu.memory_space<vmem_shared>>) target(%dma_start3A_34 : memref<1000x16xf32, #tpu.memory_space<hbm>>) target_semaphore(%run_scoped3A : memref<!tpu.dma_semaphore, #tpu.memory_space<semaphore_mem>>)
        %dma_wait3A = arith.constant 0 : i32
        %dma_wait3A_37 = tpu.memref_slice %arg3[%arg0, %multiple_of3A, %dma_wait3A] : memref<2x10000x16xf32, #tpu.memory_space<hbm>> -> memref<1x1000x16xf32, #tpu.memory_space<hbm>>
        %dma_wait3A_38 = tpu.memref_squeeze %dma_wait3A_37 : memref<1x1000x16xf32, #tpu.memory_space<hbm>> -> memref<1000x16xf32, #tpu.memory_space<hbm>>
        %dma_wait3A_39 = arith.constant 0 : i32
        %dma_wait3A_40 = tpu.memref_slice %arg6[%multiple_of3A, %dma_wait3A_39] : memref<10000x16xf32, #tpu.memory_space<vmem_shared>> -> memref<1000x16xf32, #tpu.memory_space<vmem_shared>>
        tpu.wait_dma2 semaphore(%run_scoped3A : memref<!tpu.dma_semaphore, #tpu.memory_space<semaphore_mem>>) src(%dma_wait3A_40 : memref<1000x16xf32, #tpu.memory_space<vmem_shared>>) dst(%dma_wait3A_38 : memref<1000x16xf32, #tpu.memory_space<hbm>>)
        tpu.yield
      }) : () -> ()
    } else {
    }
    return
  }
}

#map = affine_map<(d0, d1) -> (0, 0)>
#map1 = affine_map<(d0, d1) -> (0)>
module attributes {stable_mosaic.version = 14 : i64} {
  func.func @k(%arg0: i32, %arg1: i32, %arg2: memref<10000x128xf32, #tpu.memory_space<hbm>>, %arg3: memref<51200xi32, #tpu.memory_space<hbm>>, %arg4: memref<51200x128xf32, #tpu.memory_space<hbm>>, %arg5: memref<200xi32, #tpu.memory_space<vmem>>, %arg6: memref<200xi32, #tpu.memory_space<vmem>>, %arg7: memref<200x128xf32, #tpu.memory_space<vmem>>, %arg8: memref<200x128xf32, #tpu.memory_space<vmem>>, %arg9: memref<!tpu.dma_semaphore, #tpu.memory_space<semaphore_mem>>, %arg10: memref<!tpu.dma_semaphore, #tpu.memory_space<semaphore_mem>>, %arg11: memref<!tpu.dma_semaphore, #tpu.memory_space<semaphore_mem>>, %arg12: memref<!tpu.dma_semaphore, #tpu.memory_space<semaphore_mem>>) attributes {dimension_semantics = [#tpu.dimension_semantics<core_parallel>, #tpu.dimension_semantics<subcore_parallel>], iteration_bounds = array<i64: 2, 16>, scalar_prefetch = 0 : i64, scratch_operands = 8 : i64, tpu.core_type = #tpu.core_type<sc_vector_subcore>, window_params = [{transform_indices = #map}, {transform_indices = #map1}, {transform_indices = #map}]} {
    %mul3A = arith.constant 2 : i32
    %mul3A_0 = arith.muli %arg1, %mul3A : i32
    %add3A = arith.addi %mul3A_0, %arg0 : i32
    %mul3A_1 = arith.constant 1600 : i32
    %mul3A_2 = arith.muli %add3A, %mul3A_1 : i32
    %add3A_3 = arith.constant 0 : i32
    %add3A_4 = arith.addi %mul3A_2, %add3A_3 : i32
    %multiple_of3A = tpu.assume_multiple %add3A_4, 8 : i32
    "tpu.region"() ({
      %run_scoped3A = tpu.sem_alloc : memref<!tpu.dma_semaphore, #tpu.memory_space<semaphore_mem>>
      %dma_start3A_51 = tpu.memref_slice %arg3[%multiple_of3A] : memref<51200xi32, #tpu.memory_space<hbm>> -> memref<200xi32, #tpu.memory_space<hbm>>
      %dma_start3A_52 = tpu.memref_slice %arg3[%multiple_of3A] : memref<51200xi32, #tpu.memory_space<hbm>> -> memref<200xi32, #tpu.memory_space<hbm>>
      tpu.enqueue_dma source(%dma_start3A_52 : memref<200xi32, #tpu.memory_space<hbm>>) target(%arg5 : memref<200xi32, #tpu.memory_space<vmem>>) target_semaphore(%run_scoped3A : memref<!tpu.dma_semaphore, #tpu.memory_space<semaphore_mem>>)
      %dma_wait3A_53 = tpu.memref_slice %arg3[%multiple_of3A] : memref<51200xi32, #tpu.memory_space<hbm>> -> memref<200xi32, #tpu.memory_space<hbm>>
      %dma_wait3A_54 = tpu.memref_slice %arg3[%multiple_of3A] : memref<51200xi32, #tpu.memory_space<hbm>> -> memref<200xi32, #tpu.memory_space<hbm>>
      tpu.wait_dma2 semaphore(%run_scoped3A : memref<!tpu.dma_semaphore, #tpu.memory_space<semaphore_mem>>) src(%dma_wait3A_54 : memref<200xi32, #tpu.memory_space<hbm>>) dst(%arg5 : memref<200xi32, #tpu.memory_space<vmem>>)
      tpu.yield
    }) : () -> ()
    %dma_start3A = arith.constant 0 : i32
    %dma_start3A_5 = arith.constant 0 : i32
    %dma_start3A_6 = tpu.memref_slice %arg2[%dma_start3A, %dma_start3A_5] : memref<10000x128xf32, #tpu.memory_space<hbm>> -> memref<10000x128xf32, #tpu.memory_space<hbm>>
    tpu.enqueue_indirect_dma source(%dma_start3A_6 : memref<10000x128xf32, #tpu.memory_space<hbm>>) target(%arg7 : memref<200x128xf32, #tpu.memory_space<vmem>>) offsets(%arg5 : memref<200xi32, #tpu.memory_space<vmem>>) semaphore(%arg9 : memref<!tpu.dma_semaphore, #tpu.memory_space<semaphore_mem>>)
    %add3A_7 = arith.constant 200 : i32
    %add3A_8 = arith.addi %mul3A_2, %add3A_7 : i32
    %multiple_of3A_9 = tpu.assume_multiple %add3A_8, 8 : i32
    "tpu.region"() ({
      %run_scoped3A = tpu.sem_alloc : memref<!tpu.dma_semaphore, #tpu.memory_space<semaphore_mem>>
      %dma_start3A_51 = tpu.memref_slice %arg3[%multiple_of3A_9] : memref<51200xi32, #tpu.memory_space<hbm>> -> memref<200xi32, #tpu.memory_space<hbm>>
      %dma_start3A_52 = tpu.memref_slice %arg3[%multiple_of3A_9] : memref<51200xi32, #tpu.memory_space<hbm>> -> memref<200xi32, #tpu.memory_space<hbm>>
      tpu.enqueue_dma source(%dma_start3A_52 : memref<200xi32, #tpu.memory_space<hbm>>) target(%arg6 : memref<200xi32, #tpu.memory_space<vmem>>) target_semaphore(%run_scoped3A : memref<!tpu.dma_semaphore, #tpu.memory_space<semaphore_mem>>)
      %dma_wait3A_53 = tpu.memref_slice %arg3[%multiple_of3A_9] : memref<51200xi32, #tpu.memory_space<hbm>> -> memref<200xi32, #tpu.memory_space<hbm>>
      %dma_wait3A_54 = tpu.memref_slice %arg3[%multiple_of3A_9] : memref<51200xi32, #tpu.memory_space<hbm>> -> memref<200xi32, #tpu.memory_space<hbm>>
      tpu.wait_dma2 semaphore(%run_scoped3A : memref<!tpu.dma_semaphore, #tpu.memory_space<semaphore_mem>>) src(%dma_wait3A_54 : memref<200xi32, #tpu.memory_space<hbm>>) dst(%arg6 : memref<200xi32, #tpu.memory_space<vmem>>)
      tpu.yield
    }) : () -> ()
    %dma_start3A_10 = arith.constant 0 : i32
    %dma_start3A_11 = arith.constant 0 : i32
    %dma_start3A_12 = tpu.memref_slice %arg2[%dma_start3A_10, %dma_start3A_11] : memref<10000x128xf32, #tpu.memory_space<hbm>> -> memref<10000x128xf32, #tpu.memory_space<hbm>>
    tpu.enqueue_indirect_dma source(%dma_start3A_12 : memref<10000x128xf32, #tpu.memory_space<hbm>>) target(%arg8 : memref<200x128xf32, #tpu.memory_space<vmem>>) offsets(%arg6 : memref<200xi32, #tpu.memory_space<vmem>>) semaphore(%arg10 : memref<!tpu.dma_semaphore, #tpu.memory_space<semaphore_mem>>)
    %scan3A = arith.constant 0 : i32
    %scan3A_13 = arith.constant 0 : i32
    %scan3A_14 = arith.constant 3 : i32
    %scan3A_15 = arith.addi %scan3A_13, %scan3A_14 : i32
    %scan3A_16 = arith.constant 1 : i32
    scf.for %scan3A_51 = %scan3A_13 to %scan3A_15 step %scan3A_16  : i32 {
      %mul3A_52 = arith.constant 2 : i32
      %mul3A_53 = arith.muli %mul3A_52, %scan3A_51 : i32
      %add3A_54 = arith.constant 1 : i32
      %add3A_55 = arith.addi %mul3A_53, %add3A_54 : i32
      %dma_wait3A_56 = arith.constant 0 : i32
      %dma_wait3A_57 = arith.constant 0 : i32
      %dma_wait3A_58 = tpu.memref_slice %arg2[%dma_wait3A_56, %dma_wait3A_57] : memref<10000x128xf32, #tpu.memory_space<hbm>> -> memref<10000x128xf32, #tpu.memory_space<hbm>>
      tpu.wait_indirect_dma semaphore(%arg9 : memref<!tpu.dma_semaphore, #tpu.memory_space<semaphore_mem>>) src(%dma_wait3A_58 : memref<10000x128xf32, #tpu.memory_space<hbm>>) dst(%arg7 : memref<200x128xf32, #tpu.memory_space<vmem>>)
      %mul3A_59 = arith.constant 200 : i32
      %mul3A_60 = arith.muli %mul3A_53, %mul3A_59 : i32
      %add3A_61 = arith.addi %mul3A_2, %mul3A_60 : i32
      %multiple_of3A_62 = tpu.assume_multiple %add3A_61, 8 : i32
      %dma_start3A_63 = arith.constant 0 : i32
      %dma_start3A_64 = tpu.memref_slice %arg4[%multiple_of3A_62, %dma_start3A_63] : memref<51200x128xf32, #tpu.memory_space<hbm>> -> memref<200x128xf32, #tpu.memory_space<hbm>>
      %dma_start3A_65 = arith.constant 0 : i32
      %dma_start3A_66 = tpu.memref_slice %arg4[%multiple_of3A_62, %dma_start3A_65] : memref<51200x128xf32, #tpu.memory_space<hbm>> -> memref<200x128xf32, #tpu.memory_space<hbm>>
      tpu.enqueue_dma source(%arg7 : memref<200x128xf32, #tpu.memory_space<vmem>>) target(%dma_start3A_66 : memref<200x128xf32, #tpu.memory_space<hbm>>) target_semaphore(%arg11 : memref<!tpu.dma_semaphore, #tpu.memory_space<semaphore_mem>>)
      %dma_wait3A_67 = arith.constant 0 : i32
      %dma_wait3A_68 = arith.constant 0 : i32
      %dma_wait3A_69 = tpu.memref_slice %arg2[%dma_wait3A_67, %dma_wait3A_68] : memref<10000x128xf32, #tpu.memory_space<hbm>> -> memref<10000x128xf32, #tpu.memory_space<hbm>>
      tpu.wait_indirect_dma semaphore(%arg10 : memref<!tpu.dma_semaphore, #tpu.memory_space<semaphore_mem>>) src(%dma_wait3A_69 : memref<10000x128xf32, #tpu.memory_space<hbm>>) dst(%arg8 : memref<200x128xf32, #tpu.memory_space<vmem>>)
      %mul3A_70 = arith.constant 200 : i32
      %mul3A_71 = arith.muli %add3A_55, %mul3A_70 : i32
      %add3A_72 = arith.addi %mul3A_2, %mul3A_71 : i32
      %multiple_of3A_73 = tpu.assume_multiple %add3A_72, 8 : i32
      %dma_start3A_74 = arith.constant 0 : i32
      %dma_start3A_75 = tpu.memref_slice %arg4[%multiple_of3A_73, %dma_start3A_74] : memref<51200x128xf32, #tpu.memory_space<hbm>> -> memref<200x128xf32, #tpu.memory_space<hbm>>
      %dma_start3A_76 = arith.constant 0 : i32
      %dma_start3A_77 = tpu.memref_slice %arg4[%multiple_of3A_73, %dma_start3A_76] : memref<51200x128xf32, #tpu.memory_space<hbm>> -> memref<200x128xf32, #tpu.memory_space<hbm>>
      tpu.enqueue_dma source(%arg8 : memref<200x128xf32, #tpu.memory_space<vmem>>) target(%dma_start3A_77 : memref<200x128xf32, #tpu.memory_space<hbm>>) target_semaphore(%arg12 : memref<!tpu.dma_semaphore, #tpu.memory_space<semaphore_mem>>)
      %add3A_78 = arith.constant 2 : i32
      %add3A_79 = arith.addi %mul3A_53, %add3A_78 : i32
      %mul3A_80 = arith.constant 200 : i32
      %mul3A_81 = arith.muli %add3A_79, %mul3A_80 : i32
      %add3A_82 = arith.addi %mul3A_2, %mul3A_81 : i32
      %multiple_of3A_83 = tpu.assume_multiple %add3A_82, 8 : i32
      "tpu.region"() ({
        %run_scoped3A = tpu.sem_alloc : memref<!tpu.dma_semaphore, #tpu.memory_space<semaphore_mem>>
        %dma_start3A_112 = tpu.memref_slice %arg3[%multiple_of3A_83] : memref<51200xi32, #tpu.memory_space<hbm>> -> memref<200xi32, #tpu.memory_space<hbm>>
        %dma_start3A_113 = tpu.memref_slice %arg3[%multiple_of3A_83] : memref<51200xi32, #tpu.memory_space<hbm>> -> memref<200xi32, #tpu.memory_space<hbm>>
        tpu.enqueue_dma source(%dma_start3A_113 : memref<200xi32, #tpu.memory_space<hbm>>) target(%arg5 : memref<200xi32, #tpu.memory_space<vmem>>) target_semaphore(%run_scoped3A : memref<!tpu.dma_semaphore, #tpu.memory_space<semaphore_mem>>)
        %dma_wait3A_114 = tpu.memref_slice %arg3[%multiple_of3A_83] : memref<51200xi32, #tpu.memory_space<hbm>> -> memref<200xi32, #tpu.memory_space<hbm>>
        %dma_wait3A_115 = tpu.memref_slice %arg3[%multiple_of3A_83] : memref<51200xi32, #tpu.memory_space<hbm>> -> memref<200xi32, #tpu.memory_space<hbm>>
        tpu.wait_dma2 semaphore(%run_scoped3A : memref<!tpu.dma_semaphore, #tpu.memory_space<semaphore_mem>>) src(%dma_wait3A_115 : memref<200xi32, #tpu.memory_space<hbm>>) dst(%arg5 : memref<200xi32, #tpu.memory_space<vmem>>)
        tpu.yield
      }) : () -> ()
      %mul3A_84 = arith.constant 200 : i32
      %mul3A_85 = arith.muli %mul3A_53, %mul3A_84 : i32
      %add3A_86 = arith.addi %mul3A_2, %mul3A_85 : i32
      %multiple_of3A_87 = tpu.assume_multiple %add3A_86, 8 : i32
      %dma_wait3A_88 = arith.constant 0 : i32
      %dma_wait3A_89 = tpu.memref_slice %arg4[%multiple_of3A_87, %dma_wait3A_88] : memref<51200x128xf32, #tpu.memory_space<hbm>> -> memref<200x128xf32, #tpu.memory_space<hbm>>
      %dma_wait3A_90 = arith.constant 0 : i32
      %dma_wait3A_91 = tpu.memref_slice %arg4[%multiple_of3A_87, %dma_wait3A_90] : memref<51200x128xf32, #tpu.memory_space<hbm>> -> memref<200x128xf32, #tpu.memory_space<hbm>>
      tpu.wait_dma2 semaphore(%arg11 : memref<!tpu.dma_semaphore, #tpu.memory_space<semaphore_mem>>) src(%arg7 : memref<200x128xf32, #tpu.memory_space<vmem>>) dst(%dma_wait3A_91 : memref<200x128xf32, #tpu.memory_space<hbm>>)
      %dma_start3A_92 = arith.constant 0 : i32
      %dma_start3A_93 = arith.constant 0 : i32
      %dma_start3A_94 = tpu.memref_slice %arg2[%dma_start3A_92, %dma_start3A_93] : memref<10000x128xf32, #tpu.memory_space<hbm>> -> memref<10000x128xf32, #tpu.memory_space<hbm>>
      tpu.enqueue_indirect_dma source(%dma_start3A_94 : memref<10000x128xf32, #tpu.memory_space<hbm>>) target(%arg7 : memref<200x128xf32, #tpu.memory_space<vmem>>) offsets(%arg5 : memref<200xi32, #tpu.memory_space<vmem>>) semaphore(%arg9 : memref<!tpu.dma_semaphore, #tpu.memory_space<semaphore_mem>>)
      %add3A_95 = arith.constant 2 : i32
      %add3A_96 = arith.addi %add3A_55, %add3A_95 : i32
      %mul3A_97 = arith.constant 200 : i32
      %mul3A_98 = arith.muli %add3A_96, %mul3A_97 : i32
      %add3A_99 = arith.addi %mul3A_2, %mul3A_98 : i32
      %multiple_of3A_100 = tpu.assume_multiple %add3A_99, 8 : i32
      "tpu.region"() ({
        %run_scoped3A = tpu.sem_alloc : memref<!tpu.dma_semaphore, #tpu.memory_space<semaphore_mem>>
        %dma_start3A_112 = tpu.memref_slice %arg3[%multiple_of3A_100] : memref<51200xi32, #tpu.memory_space<hbm>> -> memref<200xi32, #tpu.memory_space<hbm>>
        %dma_start3A_113 = tpu.memref_slice %arg3[%multiple_of3A_100] : memref<51200xi32, #tpu.memory_space<hbm>> -> memref<200xi32, #tpu.memory_space<hbm>>
        tpu.enqueue_dma source(%dma_start3A_113 : memref<200xi32, #tpu.memory_space<hbm>>) target(%arg6 : memref<200xi32, #tpu.memory_space<vmem>>) target_semaphore(%run_scoped3A : memref<!tpu.dma_semaphore, #tpu.memory_space<semaphore_mem>>)
        %dma_wait3A_114 = tpu.memref_slice %arg3[%multiple_of3A_100] : memref<51200xi32, #tpu.memory_space<hbm>> -> memref<200xi32, #tpu.memory_space<hbm>>
        %dma_wait3A_115 = tpu.memref_slice %arg3[%multiple_of3A_100] : memref<51200xi32, #tpu.memory_space<hbm>> -> memref<200xi32, #tpu.memory_space<hbm>>
        tpu.wait_dma2 semaphore(%run_scoped3A : memref<!tpu.dma_semaphore, #tpu.memory_space<semaphore_mem>>) src(%dma_wait3A_115 : memref<200xi32, #tpu.memory_space<hbm>>) dst(%arg6 : memref<200xi32, #tpu.memory_space<vmem>>)
        tpu.yield
      }) : () -> ()
      %mul3A_101 = arith.constant 200 : i32
      %mul3A_102 = arith.muli %add3A_55, %mul3A_101 : i32
      %add3A_103 = arith.addi %mul3A_2, %mul3A_102 : i32
      %multiple_of3A_104 = tpu.assume_multiple %add3A_103, 8 : i32
      %dma_wait3A_105 = arith.constant 0 : i32
      %dma_wait3A_106 = tpu.memref_slice %arg4[%multiple_of3A_104, %dma_wait3A_105] : memref<51200x128xf32, #tpu.memory_space<hbm>> -> memref<200x128xf32, #tpu.memory_space<hbm>>
      %dma_wait3A_107 = arith.constant 0 : i32
      %dma_wait3A_108 = tpu.memref_slice %arg4[%multiple_of3A_104, %dma_wait3A_107] : memref<51200x128xf32, #tpu.memory_space<hbm>> -> memref<200x128xf32, #tpu.memory_space<hbm>>
      tpu.wait_dma2 semaphore(%arg12 : memref<!tpu.dma_semaphore, #tpu.memory_space<semaphore_mem>>) src(%arg8 : memref<200x128xf32, #tpu.memory_space<vmem>>) dst(%dma_wait3A_108 : memref<200x128xf32, #tpu.memory_space<hbm>>)
      %dma_start3A_109 = arith.constant 0 : i32
      %dma_start3A_110 = arith.constant 0 : i32
      %dma_start3A_111 = tpu.memref_slice %arg2[%dma_start3A_109, %dma_start3A_110] : memref<10000x128xf32, #tpu.memory_space<hbm>> -> memref<10000x128xf32, #tpu.memory_space<hbm>>
      tpu.enqueue_indirect_dma source(%dma_start3A_111 : memref<10000x128xf32, #tpu.memory_space<hbm>>) target(%arg8 : memref<200x128xf32, #tpu.memory_space<vmem>>) offsets(%arg6 : memref<200xi32, #tpu.memory_space<vmem>>) semaphore(%arg10 : memref<!tpu.dma_semaphore, #tpu.memory_space<semaphore_mem>>)
    }
    %scan3A_17 = arith.constant 3 : i32
    %dma_wait3A = arith.constant 0 : i32
    %dma_wait3A_18 = arith.constant 0 : i32
    %dma_wait3A_19 = tpu.memref_slice %arg2[%dma_wait3A, %dma_wait3A_18] : memref<10000x128xf32, #tpu.memory_space<hbm>> -> memref<10000x128xf32, #tpu.memory_space<hbm>>
    tpu.wait_indirect_dma semaphore(%arg9 : memref<!tpu.dma_semaphore, #tpu.memory_space<semaphore_mem>>) src(%dma_wait3A_19 : memref<10000x128xf32, #tpu.memory_space<hbm>>) dst(%arg7 : memref<200x128xf32, #tpu.memory_space<vmem>>)
    %add3A_20 = arith.constant 1200 : i32
    %add3A_21 = arith.addi %mul3A_2, %add3A_20 : i32
    %multiple_of3A_22 = tpu.assume_multiple %add3A_21, 8 : i32
    %dma_start3A_23 = arith.constant 0 : i32
    %dma_start3A_24 = tpu.memref_slice %arg4[%multiple_of3A_22, %dma_start3A_23] : memref<51200x128xf32, #tpu.memory_space<hbm>> -> memref<200x128xf32, #tpu.memory_space<hbm>>
    %dma_start3A_25 = arith.constant 0 : i32
    %dma_start3A_26 = tpu.memref_slice %arg4[%multiple_of3A_22, %dma_start3A_25] : memref<51200x128xf32, #tpu.memory_space<hbm>> -> memref<200x128xf32, #tpu.memory_space<hbm>>
    tpu.enqueue_dma source(%arg7 : memref<200x128xf32, #tpu.memory_space<vmem>>) target(%dma_start3A_26 : memref<200x128xf32, #tpu.memory_space<hbm>>) target_semaphore(%arg11 : memref<!tpu.dma_semaphore, #tpu.memory_space<semaphore_mem>>)
    %dma_wait3A_27 = arith.constant 0 : i32
    %dma_wait3A_28 = arith.constant 0 : i32
    %dma_wait3A_29 = tpu.memref_slice %arg2[%dma_wait3A_27, %dma_wait3A_28] : memref<10000x128xf32, #tpu.memory_space<hbm>> -> memref<10000x128xf32, #tpu.memory_space<hbm>>
    tpu.wait_indirect_dma semaphore(%arg10 : memref<!tpu.dma_semaphore, #tpu.memory_space<semaphore_mem>>) src(%dma_wait3A_29 : memref<10000x128xf32, #tpu.memory_space<hbm>>) dst(%arg8 : memref<200x128xf32, #tpu.memory_space<vmem>>)
    %add3A_30 = arith.constant 1400 : i32
    %add3A_31 = arith.addi %mul3A_2, %add3A_30 : i32
    %multiple_of3A_32 = tpu.assume_multiple %add3A_31, 8 : i32
    %dma_start3A_33 = arith.constant 0 : i32
    %dma_start3A_34 = tpu.memref_slice %arg4[%multiple_of3A_32, %dma_start3A_33] : memref<51200x128xf32, #tpu.memory_space<hbm>> -> memref<200x128xf32, #tpu.memory_space<hbm>>
    %dma_start3A_35 = arith.constant 0 : i32
    %dma_start3A_36 = tpu.memref_slice %arg4[%multiple_of3A_32, %dma_start3A_35] : memref<51200x128xf32, #tpu.memory_space<hbm>> -> memref<200x128xf32, #tpu.memory_space<hbm>>
    tpu.enqueue_dma source(%arg8 : memref<200x128xf32, #tpu.memory_space<vmem>>) target(%dma_start3A_36 : memref<200x128xf32, #tpu.memory_space<hbm>>) target_semaphore(%arg12 : memref<!tpu.dma_semaphore, #tpu.memory_space<semaphore_mem>>)
    %add3A_37 = arith.constant 1200 : i32
    %add3A_38 = arith.addi %mul3A_2, %add3A_37 : i32
    %multiple_of3A_39 = tpu.assume_multiple %add3A_38, 8 : i32
    %dma_wait3A_40 = arith.constant 0 : i32
    %dma_wait3A_41 = tpu.memref_slice %arg4[%multiple_of3A_39, %dma_wait3A_40] : memref<51200x128xf32, #tpu.memory_space<hbm>> -> memref<200x128xf32, #tpu.memory_space<hbm>>
    %dma_wait3A_42 = arith.constant 0 : i32
    %dma_wait3A_43 = tpu.memref_slice %arg4[%multiple_of3A_39, %dma_wait3A_42] : memref<51200x128xf32, #tpu.memory_space<hbm>> -> memref<200x128xf32, #tpu.memory_space<hbm>>
    tpu.wait_dma2 semaphore(%arg11 : memref<!tpu.dma_semaphore, #tpu.memory_space<semaphore_mem>>) src(%arg7 : memref<200x128xf32, #tpu.memory_space<vmem>>) dst(%dma_wait3A_43 : memref<200x128xf32, #tpu.memory_space<hbm>>)
    %add3A_44 = arith.constant 1400 : i32
    %add3A_45 = arith.addi %mul3A_2, %add3A_44 : i32
    %multiple_of3A_46 = tpu.assume_multiple %add3A_45, 8 : i32
    %dma_wait3A_47 = arith.constant 0 : i32
    %dma_wait3A_48 = tpu.memref_slice %arg4[%multiple_of3A_46, %dma_wait3A_47] : memref<51200x128xf32, #tpu.memory_space<hbm>> -> memref<200x128xf32, #tpu.memory_space<hbm>>
    %dma_wait3A_49 = arith.constant 0 : i32
    %dma_wait3A_50 = tpu.memref_slice %arg4[%multiple_of3A_46, %dma_wait3A_49] : memref<51200x128xf32, #tpu.memory_space<hbm>> -> memref<200x128xf32, #tpu.memory_space<hbm>>
    tpu.wait_dma2 semaphore(%arg12 : memref<!tpu.dma_semaphore, #tpu.memory_space<semaphore_mem>>) src(%arg8 : memref<200x128xf32, #tpu.memory_space<vmem>>) dst(%dma_wait3A_50 : memref<200x128xf32, #tpu.memory_space<hbm>>)
    return
  }
}

#map = affine_map<(d0, d1) -> (0, 0)>
#map1 = affine_map<(d0, d1) -> (0)>
module attributes {stable_mosaic.version = 14 : i64} {
  func.func @k(%arg0: i32, %arg1: i32, %arg2: memref<10000x128xf32, #tpu.memory_space<hbm>>, %arg3: memref<51200xi32, #tpu.memory_space<hbm>>, %arg4: memref<51200x128xf32, #tpu.memory_space<hbm>>, %arg5: memref<200xi32, #tpu.memory_space<vmem>>, %arg6: memref<200xi32, #tpu.memory_space<vmem>>, %arg7: memref<200x128xf32, #tpu.memory_space<vmem>>, %arg8: memref<200x128xf32, #tpu.memory_space<vmem>>, %arg9: memref<!tpu.dma_semaphore, #tpu.memory_space<semaphore_mem>>, %arg10: memref<!tpu.dma_semaphore, #tpu.memory_space<semaphore_mem>>, %arg11: memref<!tpu.dma_semaphore, #tpu.memory_space<semaphore_mem>>, %arg12: memref<!tpu.dma_semaphore, #tpu.memory_space<semaphore_mem>>) attributes {dimension_semantics = [#tpu.dimension_semantics<core_parallel>, #tpu.dimension_semantics<subcore_parallel>], iteration_bounds = array<i64: 2, 16>, scalar_prefetch = 0 : i64, scratch_operands = 8 : i64, tpu.core_type = #tpu.core_type<sc_vector_subcore>, window_params = [{transform_indices = #map}, {transform_indices = #map1}, {transform_indices = #map}]} {
    %mul3A = arith.constant 2 : i32
    %mul3A_0 = arith.muli %arg1, %mul3A : i32
    %add3A = arith.addi %mul3A_0, %arg0 : i32
    %mul3A_1 = arith.constant 1600 : i32
    %mul3A_2 = arith.muli %add3A, %mul3A_1 : i32
    %add3A_3 = arith.constant 0 : i32
    %add3A_4 = arith.addi %mul3A_2, %add3A_3 : i32
    %multiple_of3A = tpu.assume_multiple %add3A_4, 8 : i32
    "tpu.region"() ({
      %run_scoped3A = tpu.sem_alloc : memref<!tpu.dma_semaphore, #tpu.memory_space<semaphore_mem>>
      %dma_start3A_51 = tpu.memref_slice %arg3[%multiple_of3A] : memref<51200xi32, #tpu.memory_space<hbm>> -> memref<200xi32, #tpu.memory_space<hbm>>
      %dma_start3A_52 = tpu.memref_slice %arg3[%multiple_of3A] : memref<51200xi32, #tpu.memory_space<hbm>> -> memref<200xi32, #tpu.memory_space<hbm>>
      tpu.enqueue_dma source(%dma_start3A_52 : memref<200xi32, #tpu.memory_space<hbm>>) target(%arg5 : memref<200xi32, #tpu.memory_space<vmem>>) target_semaphore(%run_scoped3A : memref<!tpu.dma_semaphore, #tpu.memory_space<semaphore_mem>>)
      %dma_wait3A_53 = tpu.memref_slice %arg3[%multiple_of3A] : memref<51200xi32, #tpu.memory_space<hbm>> -> memref<200xi32, #tpu.memory_space<hbm>>
      %dma_wait3A_54 = tpu.memref_slice %arg3[%multiple_of3A] : memref<51200xi32, #tpu.memory_space<hbm>> -> memref<200xi32, #tpu.memory_space<hbm>>
      tpu.wait_dma2 semaphore(%run_scoped3A : memref<!tpu.dma_semaphore, #tpu.memory_space<semaphore_mem>>) src(%dma_wait3A_54 : memref<200xi32, #tpu.memory_space<hbm>>) dst(%arg5 : memref<200xi32, #tpu.memory_space<vmem>>)
      tpu.yield
    }) : () -> ()
    %dma_start3A = arith.constant 0 : i32
    %dma_start3A_5 = arith.constant 0 : i32
    %dma_start3A_6 = tpu.memref_slice %arg2[%dma_start3A, %dma_start3A_5] : memref<10000x128xf32, #tpu.memory_space<hbm>> -> memref<10000x128xf32, #tpu.memory_space<hbm>>
    tpu.enqueue_indirect_dma source(%dma_start3A_6 : memref<10000x128xf32, #tpu.memory_space<hbm>>) target(%arg7 : memref<200x128xf32, #tpu.memory_space<vmem>>) offsets(%arg5 : memref<200xi32, #tpu.memory_space<vmem>>) semaphore(%arg9 : memref<!tpu.dma_semaphore, #tpu.memory_space<semaphore_mem>>)
    %add3A_7 = arith.constant 200 : i32
    %add3A_8 = arith.addi %mul3A_2, %add3A_7 : i32
    %multiple_of3A_9 = tpu.assume_multiple %add3A_8, 8 : i32
    "tpu.region"() ({
      %run_scoped3A = tpu.sem_alloc : memref<!tpu.dma_semaphore, #tpu.memory_space<semaphore_mem>>
      %dma_start3A_51 = tpu.memref_slice %arg3[%multiple_of3A_9] : memref<51200xi32, #tpu.memory_space<hbm>> -> memref<200xi32, #tpu.memory_space<hbm>>
      %dma_start3A_52 = tpu.memref_slice %arg3[%multiple_of3A_9] : memref<51200xi32, #tpu.memory_space<hbm>> -> memref<200xi32, #tpu.memory_space<hbm>>
      tpu.enqueue_dma source(%dma_start3A_52 : memref<200xi32, #tpu.memory_space<hbm>>) target(%arg6 : memref<200xi32, #tpu.memory_space<vmem>>) target_semaphore(%run_scoped3A : memref<!tpu.dma_semaphore, #tpu.memory_space<semaphore_mem>>)
      %dma_wait3A_53 = tpu.memref_slice %arg3[%multiple_of3A_9] : memref<51200xi32, #tpu.memory_space<hbm>> -> memref<200xi32, #tpu.memory_space<hbm>>
      %dma_wait3A_54 = tpu.memref_slice %arg3[%multiple_of3A_9] : memref<51200xi32, #tpu.memory_space<hbm>> -> memref<200xi32, #tpu.memory_space<hbm>>
      tpu.wait_dma2 semaphore(%run_scoped3A : memref<!tpu.dma_semaphore, #tpu.memory_space<semaphore_mem>>) src(%dma_wait3A_54 : memref<200xi32, #tpu.memory_space<hbm>>) dst(%arg6 : memref<200xi32, #tpu.memory_space<vmem>>)
      tpu.yield
    }) : () -> ()
    %dma_start3A_10 = arith.constant 0 : i32
    %dma_start3A_11 = arith.constant 0 : i32
    %dma_start3A_12 = tpu.memref_slice %arg2[%dma_start3A_10, %dma_start3A_11] : memref<10000x128xf32, #tpu.memory_space<hbm>> -> memref<10000x128xf32, #tpu.memory_space<hbm>>
    tpu.enqueue_indirect_dma source(%dma_start3A_12 : memref<10000x128xf32, #tpu.memory_space<hbm>>) target(%arg8 : memref<200x128xf32, #tpu.memory_space<vmem>>) offsets(%arg6 : memref<200xi32, #tpu.memory_space<vmem>>) semaphore(%arg10 : memref<!tpu.dma_semaphore, #tpu.memory_space<semaphore_mem>>)
    %scan3A = arith.constant 0 : i32
    %scan3A_13 = arith.constant 0 : i32
    %scan3A_14 = arith.constant 3 : i32
    %scan3A_15 = arith.addi %scan3A_13, %scan3A_14 : i32
    %scan3A_16 = arith.constant 1 : i32
    scf.for %scan3A_51 = %scan3A_13 to %scan3A_15 step %scan3A_16  : i32 {
      %mul3A_52 = arith.constant 2 : i32
      %mul3A_53 = arith.muli %mul3A_52, %scan3A_51 : i32
      %add3A_54 = arith.constant 1 : i32
      %add3A_55 = arith.addi %mul3A_53, %add3A_54 : i32
      %dma_wait3A_56 = arith.constant 0 : i32
      %dma_wait3A_57 = arith.constant 0 : i32
      %dma_wait3A_58 = tpu.memref_slice %arg2[%dma_wait3A_56, %dma_wait3A_57] : memref<10000x128xf32, #tpu.memory_space<hbm>> -> memref<10000x128xf32, #tpu.memory_space<hbm>>
      tpu.wait_indirect_dma semaphore(%arg9 : memref<!tpu.dma_semaphore, #tpu.memory_space<semaphore_mem>>) src(%dma_wait3A_58 : memref<10000x128xf32, #tpu.memory_space<hbm>>) dst(%arg7 : memref<200x128xf32, #tpu.memory_space<vmem>>)
      %mul3A_59 = arith.constant 200 : i32
      %mul3A_60 = arith.muli %mul3A_53, %mul3A_59 : i32
      %add3A_61 = arith.addi %mul3A_2, %mul3A_60 : i32
      %multiple_of3A_62 = tpu.assume_multiple %add3A_61, 8 : i32
      %dma_start3A_63 = arith.constant 0 : i32
      %dma_start3A_64 = tpu.memref_slice %arg4[%multiple_of3A_62, %dma_start3A_63] : memref<51200x128xf32, #tpu.memory_space<hbm>> -> memref<200x128xf32, #tpu.memory_space<hbm>>
      %dma_start3A_65 = arith.constant 0 : i32
      %dma_start3A_66 = tpu.memref_slice %arg4[%multiple_of3A_62, %dma_start3A_65] : memref<51200x128xf32, #tpu.memory_space<hbm>> -> memref<200x128xf32, #tpu.memory_space<hbm>>
      tpu.enqueue_dma source(%arg7 : memref<200x128xf32, #tpu.memory_space<vmem>>) target(%dma_start3A_66 : memref<200x128xf32, #tpu.memory_space<hbm>>) target_semaphore(%arg11 : memref<!tpu.dma_semaphore, #tpu.memory_space<semaphore_mem>>)
      %dma_wait3A_67 = arith.constant 0 : i32
      %dma_wait3A_68 = arith.constant 0 : i32
      %dma_wait3A_69 = tpu.memref_slice %arg2[%dma_wait3A_67, %dma_wait3A_68] : memref<10000x128xf32, #tpu.memory_space<hbm>> -> memref<10000x128xf32, #tpu.memory_space<hbm>>
      tpu.wait_indirect_dma semaphore(%arg10 : memref<!tpu.dma_semaphore, #tpu.memory_space<semaphore_mem>>) src(%dma_wait3A_69 : memref<10000x128xf32, #tpu.memory_space<hbm>>) dst(%arg8 : memref<200x128xf32, #tpu.memory_space<vmem>>)
      %mul3A_70 = arith.constant 200 : i32
      %mul3A_71 = arith.muli %add3A_55, %mul3A_70 : i32
      %add3A_72 = arith.addi %mul3A_2, %mul3A_71 : i32
      %multiple_of3A_73 = tpu.assume_multiple %add3A_72, 8 : i32
      %dma_start3A_74 = arith.constant 0 : i32
      %dma_start3A_75 = tpu.memref_slice %arg4[%multiple_of3A_73, %dma_start3A_74] : memref<51200x128xf32, #tpu.memory_space<hbm>> -> memref<200x128xf32, #tpu.memory_space<hbm>>
      %dma_start3A_76 = arith.constant 0 : i32
      %dma_start3A_77 = tpu.memref_slice %arg4[%multiple_of3A_73, %dma_start3A_76] : memref<51200x128xf32, #tpu.memory_space<hbm>> -> memref<200x128xf32, #tpu.memory_space<hbm>>
      tpu.enqueue_dma source(%arg8 : memref<200x128xf32, #tpu.memory_space<vmem>>) target(%dma_start3A_77 : memref<200x128xf32, #tpu.memory_space<hbm>>) target_semaphore(%arg12 : memref<!tpu.dma_semaphore, #tpu.memory_space<semaphore_mem>>)
      %add3A_78 = arith.constant 2 : i32
      %add3A_79 = arith.addi %mul3A_53, %add3A_78 : i32
      %mul3A_80 = arith.constant 200 : i32
      %mul3A_81 = arith.muli %add3A_79, %mul3A_80 : i32
      %add3A_82 = arith.addi %mul3A_2, %mul3A_81 : i32
      %multiple_of3A_83 = tpu.assume_multiple %add3A_82, 8 : i32
      "tpu.region"() ({
        %run_scoped3A = tpu.sem_alloc : memref<!tpu.dma_semaphore, #tpu.memory_space<semaphore_mem>>
        %dma_start3A_112 = tpu.memref_slice %arg3[%multiple_of3A_83] : memref<51200xi32, #tpu.memory_space<hbm>> -> memref<200xi32, #tpu.memory_space<hbm>>
        %dma_start3A_113 = tpu.memref_slice %arg3[%multiple_of3A_83] : memref<51200xi32, #tpu.memory_space<hbm>> -> memref<200xi32, #tpu.memory_space<hbm>>
        tpu.enqueue_dma source(%dma_start3A_113 : memref<200xi32, #tpu.memory_space<hbm>>) target(%arg5 : memref<200xi32, #tpu.memory_space<vmem>>) target_semaphore(%run_scoped3A : memref<!tpu.dma_semaphore, #tpu.memory_space<semaphore_mem>>)
        %dma_wait3A_114 = tpu.memref_slice %arg3[%multiple_of3A_83] : memref<51200xi32, #tpu.memory_space<hbm>> -> memref<200xi32, #tpu.memory_space<hbm>>
        %dma_wait3A_115 = tpu.memref_slice %arg3[%multiple_of3A_83] : memref<51200xi32, #tpu.memory_space<hbm>> -> memref<200xi32, #tpu.memory_space<hbm>>
        tpu.wait_dma2 semaphore(%run_scoped3A : memref<!tpu.dma_semaphore, #tpu.memory_space<semaphore_mem>>) src(%dma_wait3A_115 : memref<200xi32, #tpu.memory_space<hbm>>) dst(%arg5 : memref<200xi32, #tpu.memory_space<vmem>>)
        tpu.yield
      }) : () -> ()
      %mul3A_84 = arith.constant 200 : i32
      %mul3A_85 = arith.muli %mul3A_53, %mul3A_84 : i32
      %add3A_86 = arith.addi %mul3A_2, %mul3A_85 : i32
      %multiple_of3A_87 = tpu.assume_multiple %add3A_86, 8 : i32
      %dma_wait3A_88 = arith.constant 0 : i32
      %dma_wait3A_89 = tpu.memref_slice %arg4[%multiple_of3A_87, %dma_wait3A_88] : memref<51200x128xf32, #tpu.memory_space<hbm>> -> memref<200x128xf32, #tpu.memory_space<hbm>>
      %dma_wait3A_90 = arith.constant 0 : i32
      %dma_wait3A_91 = tpu.memref_slice %arg4[%multiple_of3A_87, %dma_wait3A_90] : memref<51200x128xf32, #tpu.memory_space<hbm>> -> memref<200x128xf32, #tpu.memory_space<hbm>>
      tpu.wait_dma2 semaphore(%arg11 : memref<!tpu.dma_semaphore, #tpu.memory_space<semaphore_mem>>) src(%arg7 : memref<200x128xf32, #tpu.memory_space<vmem>>) dst(%dma_wait3A_91 : memref<200x128xf32, #tpu.memory_space<hbm>>)
      %dma_start3A_92 = arith.constant 0 : i32
      %dma_start3A_93 = arith.constant 0 : i32
      %dma_start3A_94 = tpu.memref_slice %arg2[%dma_start3A_92, %dma_start3A_93] : memref<10000x128xf32, #tpu.memory_space<hbm>> -> memref<10000x128xf32, #tpu.memory_space<hbm>>
      tpu.enqueue_indirect_dma source(%dma_start3A_94 : memref<10000x128xf32, #tpu.memory_space<hbm>>) target(%arg7 : memref<200x128xf32, #tpu.memory_space<vmem>>) offsets(%arg5 : memref<200xi32, #tpu.memory_space<vmem>>) semaphore(%arg9 : memref<!tpu.dma_semaphore, #tpu.memory_space<semaphore_mem>>)
      %add3A_95 = arith.constant 2 : i32
      %add3A_96 = arith.addi %add3A_55, %add3A_95 : i32
      %mul3A_97 = arith.constant 200 : i32
      %mul3A_98 = arith.muli %add3A_96, %mul3A_97 : i32
      %add3A_99 = arith.addi %mul3A_2, %mul3A_98 : i32
      %multiple_of3A_100 = tpu.assume_multiple %add3A_99, 8 : i32
      "tpu.region"() ({
        %run_scoped3A = tpu.sem_alloc : memref<!tpu.dma_semaphore, #tpu.memory_space<semaphore_mem>>
        %dma_start3A_112 = tpu.memref_slice %arg3[%multiple_of3A_100] : memref<51200xi32, #tpu.memory_space<hbm>> -> memref<200xi32, #tpu.memory_space<hbm>>
        %dma_start3A_113 = tpu.memref_slice %arg3[%multiple_of3A_100] : memref<51200xi32, #tpu.memory_space<hbm>> -> memref<200xi32, #tpu.memory_space<hbm>>
        tpu.enqueue_dma source(%dma_start3A_113 : memref<200xi32, #tpu.memory_space<hbm>>) target(%arg6 : memref<200xi32, #tpu.memory_space<vmem>>) target_semaphore(%run_scoped3A : memref<!tpu.dma_semaphore, #tpu.memory_space<semaphore_mem>>)
        %dma_wait3A_114 = tpu.memref_slice %arg3[%multiple_of3A_100] : memref<51200xi32, #tpu.memory_space<hbm>> -> memref<200xi32, #tpu.memory_space<hbm>>
        %dma_wait3A_115 = tpu.memref_slice %arg3[%multiple_of3A_100] : memref<51200xi32, #tpu.memory_space<hbm>> -> memref<200xi32, #tpu.memory_space<hbm>>
        tpu.wait_dma2 semaphore(%run_scoped3A : memref<!tpu.dma_semaphore, #tpu.memory_space<semaphore_mem>>) src(%dma_wait3A_115 : memref<200xi32, #tpu.memory_space<hbm>>) dst(%arg6 : memref<200xi32, #tpu.memory_space<vmem>>)
        tpu.yield
      }) : () -> ()
      %mul3A_101 = arith.constant 200 : i32
      %mul3A_102 = arith.muli %add3A_55, %mul3A_101 : i32
      %add3A_103 = arith.addi %mul3A_2, %mul3A_102 : i32
      %multiple_of3A_104 = tpu.assume_multiple %add3A_103, 8 : i32
      %dma_wait3A_105 = arith.constant 0 : i32
      %dma_wait3A_106 = tpu.memref_slice %arg4[%multiple_of3A_104, %dma_wait3A_105] : memref<51200x128xf32, #tpu.memory_space<hbm>> -> memref<200x128xf32, #tpu.memory_space<hbm>>
      %dma_wait3A_107 = arith.constant 0 : i32
      %dma_wait3A_108 = tpu.memref_slice %arg4[%multiple_of3A_104, %dma_wait3A_107] : memref<51200x128xf32, #tpu.memory_space<hbm>> -> memref<200x128xf32, #tpu.memory_space<hbm>>
      tpu.wait_dma2 semaphore(%arg12 : memref<!tpu.dma_semaphore, #tpu.memory_space<semaphore_mem>>) src(%arg8 : memref<200x128xf32, #tpu.memory_space<vmem>>) dst(%dma_wait3A_108 : memref<200x128xf32, #tpu.memory_space<hbm>>)
      %dma_start3A_109 = arith.constant 0 : i32
      %dma_start3A_110 = arith.constant 0 : i32
      %dma_start3A_111 = tpu.memref_slice %arg2[%dma_start3A_109, %dma_start3A_110] : memref<10000x128xf32, #tpu.memory_space<hbm>> -> memref<10000x128xf32, #tpu.memory_space<hbm>>
      tpu.enqueue_indirect_dma source(%dma_start3A_111 : memref<10000x128xf32, #tpu.memory_space<hbm>>) target(%arg8 : memref<200x128xf32, #tpu.memory_space<vmem>>) offsets(%arg6 : memref<200xi32, #tpu.memory_space<vmem>>) semaphore(%arg10 : memref<!tpu.dma_semaphore, #tpu.memory_space<semaphore_mem>>)
    }
    %scan3A_17 = arith.constant 3 : i32
    %dma_wait3A = arith.constant 0 : i32
    %dma_wait3A_18 = arith.constant 0 : i32
    %dma_wait3A_19 = tpu.memref_slice %arg2[%dma_wait3A, %dma_wait3A_18] : memref<10000x128xf32, #tpu.memory_space<hbm>> -> memref<10000x128xf32, #tpu.memory_space<hbm>>
    tpu.wait_indirect_dma semaphore(%arg9 : memref<!tpu.dma_semaphore, #tpu.memory_space<semaphore_mem>>) src(%dma_wait3A_19 : memref<10000x128xf32, #tpu.memory_space<hbm>>) dst(%arg7 : memref<200x128xf32, #tpu.memory_space<vmem>>)
    %add3A_20 = arith.constant 1200 : i32
    %add3A_21 = arith.addi %mul3A_2, %add3A_20 : i32
    %multiple_of3A_22 = tpu.assume_multiple %add3A_21, 8 : i32
    %dma_start3A_23 = arith.constant 0 : i32
    %dma_start3A_24 = tpu.memref_slice %arg4[%multiple_of3A_22, %dma_start3A_23] : memref<51200x128xf32, #tpu.memory_space<hbm>> -> memref<200x128xf32, #tpu.memory_space<hbm>>
    %dma_start3A_25 = arith.constant 0 : i32
    %dma_start3A_26 = tpu.memref_slice %arg4[%multiple_of3A_22, %dma_start3A_25] : memref<51200x128xf32, #tpu.memory_space<hbm>> -> memref<200x128xf32, #tpu.memory_space<hbm>>
    tpu.enqueue_dma source(%arg7 : memref<200x128xf32, #tpu.memory_space<vmem>>) target(%dma_start3A_26 : memref<200x128xf32, #tpu.memory_space<hbm>>) target_semaphore(%arg11 : memref<!tpu.dma_semaphore, #tpu.memory_space<semaphore_mem>>)
    %dma_wait3A_27 = arith.constant 0 : i32
    %dma_wait3A_28 = arith.constant 0 : i32
    %dma_wait3A_29 = tpu.memref_slice %arg2[%dma_wait3A_27, %dma_wait3A_28] : memref<10000x128xf32, #tpu.memory_space<hbm>> -> memref<10000x128xf32, #tpu.memory_space<hbm>>
    tpu.wait_indirect_dma semaphore(%arg10 : memref<!tpu.dma_semaphore, #tpu.memory_space<semaphore_mem>>) src(%dma_wait3A_29 : memref<10000x128xf32, #tpu.memory_space<hbm>>) dst(%arg8 : memref<200x128xf32, #tpu.memory_space<vmem>>)
    %add3A_30 = arith.constant 1400 : i32
    %add3A_31 = arith.addi %mul3A_2, %add3A_30 : i32
    %multiple_of3A_32 = tpu.assume_multiple %add3A_31, 8 : i32
    %dma_start3A_33 = arith.constant 0 : i32
    %dma_start3A_34 = tpu.memref_slice %arg4[%multiple_of3A_32, %dma_start3A_33] : memref<51200x128xf32, #tpu.memory_space<hbm>> -> memref<200x128xf32, #tpu.memory_space<hbm>>
    %dma_start3A_35 = arith.constant 0 : i32
    %dma_start3A_36 = tpu.memref_slice %arg4[%multiple_of3A_32, %dma_start3A_35] : memref<51200x128xf32, #tpu.memory_space<hbm>> -> memref<200x128xf32, #tpu.memory_space<hbm>>
    tpu.enqueue_dma source(%arg8 : memref<200x128xf32, #tpu.memory_space<vmem>>) target(%dma_start3A_36 : memref<200x128xf32, #tpu.memory_space<hbm>>) target_semaphore(%arg12 : memref<!tpu.dma_semaphore, #tpu.memory_space<semaphore_mem>>)
    %add3A_37 = arith.constant 1200 : i32
    %add3A_38 = arith.addi %mul3A_2, %add3A_37 : i32
    %multiple_of3A_39 = tpu.assume_multiple %add3A_38, 8 : i32
    %dma_wait3A_40 = arith.constant 0 : i32
    %dma_wait3A_41 = tpu.memref_slice %arg4[%multiple_of3A_39, %dma_wait3A_40] : memref<51200x128xf32, #tpu.memory_space<hbm>> -> memref<200x128xf32, #tpu.memory_space<hbm>>
    %dma_wait3A_42 = arith.constant 0 : i32
    %dma_wait3A_43 = tpu.memref_slice %arg4[%multiple_of3A_39, %dma_wait3A_42] : memref<51200x128xf32, #tpu.memory_space<hbm>> -> memref<200x128xf32, #tpu.memory_space<hbm>>
    tpu.wait_dma2 semaphore(%arg11 : memref<!tpu.dma_semaphore, #tpu.memory_space<semaphore_mem>>) src(%arg7 : memref<200x128xf32, #tpu.memory_space<vmem>>) dst(%dma_wait3A_43 : memref<200x128xf32, #tpu.memory_space<hbm>>)
    %add3A_44 = arith.constant 1400 : i32
    %add3A_45 = arith.addi %mul3A_2, %add3A_44 : i32
    %multiple_of3A_46 = tpu.assume_multiple %add3A_45, 8 : i32
    %dma_wait3A_47 = arith.constant 0 : i32
    %dma_wait3A_48 = tpu.memref_slice %arg4[%multiple_of3A_46, %dma_wait3A_47] : memref<51200x128xf32, #tpu.memory_space<hbm>> -> memref<200x128xf32, #tpu.memory_space<hbm>>
    %dma_wait3A_49 = arith.constant 0 : i32
    %dma_wait3A_50 = tpu.memref_slice %arg4[%multiple_of3A_46, %dma_wait3A_49] : memref<51200x128xf32, #tpu.memory_space<hbm>> -> memref<200x128xf32, #tpu.memory_space<hbm>>
    tpu.wait_dma2 semaphore(%arg12 : memref<!tpu.dma_semaphore, #tpu.memory_space<semaphore_mem>>) src(%arg8 : memref<200x128xf32, #tpu.memory_space<vmem>>) dst(%dma_wait3A_50 : memref<200x128xf32, #tpu.memory_space<hbm>>)
    return
  }
}

#map = affine_map<(d0, d1) -> (0, 0)>
#map1 = affine_map<(d0, d1) -> (0)>
module attributes {stable_mosaic.version = 14 : i64} {
  func.func @k(%arg0: i32, %arg1: i32, %arg2: memref<51200x256xf32, #tpu.memory_space<hbm>>, %arg3: memref<51200xi32, #tpu.memory_space<hbm>>, %arg4: memref<10000x256xf32, #tpu.memory_space<hbm>>, %arg5: memref<160xi32, #tpu.memory_space<vmem>>, %arg6: memref<160xi32, #tpu.memory_space<vmem>>, %arg7: memref<160x128xf32, #tpu.memory_space<vmem>>, %arg8: memref<160x128xf32, #tpu.memory_space<vmem>>, %arg9: memref<10000x128xf32, #tpu.memory_space<vmem_shared>>, %arg10: memref<!tpu.dma_semaphore, #tpu.memory_space<semaphore_mem>>, %arg11: memref<!tpu.dma_semaphore, #tpu.memory_space<semaphore_mem>>, %arg12: memref<!tpu.dma_semaphore, #tpu.memory_space<semaphore_mem>>, %arg13: memref<!tpu.dma_semaphore, #tpu.memory_space<semaphore_mem>>) attributes {dimension_semantics = [#tpu.dimension_semantics<core_parallel>, #tpu.dimension_semantics<subcore_parallel>], iteration_bounds = array<i64: 2, 16>, scalar_prefetch = 0 : i64, scratch_operands = 9 : i64, tpu.core_type = #tpu.core_type<sc_vector_subcore>, window_params = [{transform_indices = #map}, {transform_indices = #map1}, {transform_indices = #map}]} {
    %mul3A = arith.constant 128 : i32
    %mul3A_0 = arith.muli %arg0, %mul3A : i32
    %multiple_of3A = tpu.assume_multiple %mul3A_0, 128 : i32
    %mul3A_1 = arith.constant 1000 : i32
    %mul3A_2 = arith.muli %arg1, %mul3A_1 : i32
    %multiple_of3A_3 = tpu.assume_multiple %mul3A_2, 8 : i32
    %broadcast_in_dim3A = arith.constant 0.000000e+00 : f32
    %broadcast_in_dim3A_4 = vector.broadcast %broadcast_in_dim3A : f32 to vector<16xf32>
    %scan3A = arith.constant 0 : i32
    %scan3A_5 = arith.constant 0 : i32
    %scan3A_6 = arith.constant 160 : i32
    %scan3A_7 = arith.addi %scan3A_5, %scan3A_6 : i32
    %scan3A_8 = arith.constant 1 : i32
    scf.for %scan3A_61 = %scan3A_5 to %scan3A_7 step %scan3A_8  : i32 {
      %swap3A = arith.index_cast %scan3A_61 : i32 to index
      %swap3A_62 = arith.constant 0 : index
      %swap3A_63 = tpu.vector_load %arg7[%swap3A, %swap3A_62] {strides = array<i32>} : memref<160x128xf32, #tpu.memory_space<vmem>>, vector<1x16xf32>,
      %swap3A_64 = vector.shape_cast %swap3A_63 : vector<1x16xf32> to vector<16xf32>
      %swap3A_65 = vector.shape_cast %broadcast_in_dim3A_4 : vector<16xf32> to vector<1x16xf32>
      tpu.vector_store %arg7[%swap3A, %swap3A_62], %swap3A_65 {strides = array<i32>} : memref<160x128xf32, #tpu.memory_space<vmem>>, vector<1x16xf32>,
      %swap3A_66 = arith.index_cast %scan3A_61 : i32 to index
      %swap3A_67 = arith.constant 16 : index
      %swap3A_68 = tpu.vector_load %arg7[%swap3A_66, %swap3A_67] {strides = array<i32>} : memref<160x128xf32, #tpu.memory_space<vmem>>, vector<1x16xf32>,
      %swap3A_69 = vector.shape_cast %swap3A_68 : vector<1x16xf32> to vector<16xf32>
      %swap3A_70 = vector.shape_cast %broadcast_in_dim3A_4 : vector<16xf32> to vector<1x16xf32>
      tpu.vector_store %arg7[%swap3A_66, %swap3A_67], %swap3A_70 {strides = array<i32>} : memref<160x128xf32, #tpu.memory_space<vmem>>, vector<1x16xf32>,
      %swap3A_71 = arith.index_cast %scan3A_61 : i32 to index
      %swap3A_72 = arith.constant 32 : index
      %swap3A_73 = tpu.vector_load %arg7[%swap3A_71, %swap3A_72] {strides = array<i32>} : memref<160x128xf32, #tpu.memory_space<vmem>>, vector<1x16xf32>,
      %swap3A_74 = vector.shape_cast %swap3A_73 : vector<1x16xf32> to vector<16xf32>
      %swap3A_75 = vector.shape_cast %broadcast_in_dim3A_4 : vector<16xf32> to vector<1x16xf32>
      tpu.vector_store %arg7[%swap3A_71, %swap3A_72], %swap3A_75 {strides = array<i32>} : memref<160x128xf32, #tpu.memory_space<vmem>>, vector<1x16xf32>,
      %swap3A_76 = arith.index_cast %scan3A_61 : i32 to index
      %swap3A_77 = arith.constant 48 : index
      %swap3A_78 = tpu.vector_load %arg7[%swap3A_76, %swap3A_77] {strides = array<i32>} : memref<160x128xf32, #tpu.memory_space<vmem>>, vector<1x16xf32>,
      %swap3A_79 = vector.shape_cast %swap3A_78 : vector<1x16xf32> to vector<16xf32>
      %swap3A_80 = vector.shape_cast %broadcast_in_dim3A_4 : vector<16xf32> to vector<1x16xf32>
      tpu.vector_store %arg7[%swap3A_76, %swap3A_77], %swap3A_80 {strides = array<i32>} : memref<160x128xf32, #tpu.memory_space<vmem>>, vector<1x16xf32>,
      %swap3A_81 = arith.index_cast %scan3A_61 : i32 to index
      %swap3A_82 = arith.constant 64 : index
      %swap3A_83 = tpu.vector_load %arg7[%swap3A_81, %swap3A_82] {strides = array<i32>} : memref<160x128xf32, #tpu.memory_space<vmem>>, vector<1x16xf32>,
      %swap3A_84 = vector.shape_cast %swap3A_83 : vector<1x16xf32> to vector<16xf32>
      %swap3A_85 = vector.shape_cast %broadcast_in_dim3A_4 : vector<16xf32> to vector<1x16xf32>
      tpu.vector_store %arg7[%swap3A_81, %swap3A_82], %swap3A_85 {strides = array<i32>} : memref<160x128xf32, #tpu.memory_space<vmem>>, vector<1x16xf32>,
      %swap3A_86 = arith.index_cast %scan3A_61 : i32 to index
      %swap3A_87 = arith.constant 80 : index
      %swap3A_88 = tpu.vector_load %arg7[%swap3A_86, %swap3A_87] {strides = array<i32>} : memref<160x128xf32, #tpu.memory_space<vmem>>, vector<1x16xf32>,
      %swap3A_89 = vector.shape_cast %swap3A_88 : vector<1x16xf32> to vector<16xf32>
      %swap3A_90 = vector.shape_cast %broadcast_in_dim3A_4 : vector<16xf32> to vector<1x16xf32>
      tpu.vector_store %arg7[%swap3A_86, %swap3A_87], %swap3A_90 {strides = array<i32>} : memref<160x128xf32, #tpu.memory_space<vmem>>, vector<1x16xf32>,
      %swap3A_91 = arith.index_cast %scan3A_61 : i32 to index
      %swap3A_92 = arith.constant 96 : index
      %swap3A_93 = tpu.vector_load %arg7[%swap3A_91, %swap3A_92] {strides = array<i32>} : memref<160x128xf32, #tpu.memory_space<vmem>>, vector<1x16xf32>,
      %swap3A_94 = vector.shape_cast %swap3A_93 : vector<1x16xf32> to vector<16xf32>
      %swap3A_95 = vector.shape_cast %broadcast_in_dim3A_4 : vector<16xf32> to vector<1x16xf32>
      tpu.vector_store %arg7[%swap3A_91, %swap3A_92], %swap3A_95 {strides = array<i32>} : memref<160x128xf32, #tpu.memory_space<vmem>>, vector<1x16xf32>,
      %swap3A_96 = arith.index_cast %scan3A_61 : i32 to index
      %swap3A_97 = arith.constant 112 : index
      %swap3A_98 = tpu.vector_load %arg7[%swap3A_96, %swap3A_97] {strides = array<i32>} : memref<160x128xf32, #tpu.memory_space<vmem>>, vector<1x16xf32>,
      %swap3A_99 = vector.shape_cast %swap3A_98 : vector<1x16xf32> to vector<16xf32>
      %swap3A_100 = vector.shape_cast %broadcast_in_dim3A_4 : vector<16xf32> to vector<1x16xf32>
      tpu.vector_store %arg7[%swap3A_96, %swap3A_97], %swap3A_100 {strides = array<i32>} : memref<160x128xf32, #tpu.memory_space<vmem>>, vector<1x16xf32>,
    }
    %scan3A_9 = arith.constant 160 : i32
    %lt3A = arith.constant 10 : i32
    %lt3A_10 = arith.cmpi slt, %arg1, %lt3A : i32
    %convert_element_type3A = arith.extui %lt3A_10 : i1 to i32
    %cond3A = arith.constant 0 : i32
    %cond3A_11 = arith.cmpi ne, %convert_element_type3A, %cond3A : i32
    scf.if %cond3A_11 {
      %add3A_61 = arith.constant 0 : i32
      %add3A_62 = arith.addi %multiple_of3A_3, %add3A_61 : i32
      "tpu.region"() ({
        %run_scoped3A = tpu.sem_alloc : memref<!tpu.dma_semaphore, #tpu.memory_space<semaphore_mem>>
        %dma_start3A_75 = arith.constant 0 : i32
        %dma_start3A_76 = tpu.memref_slice %arg9[%add3A_62, %dma_start3A_75] : memref<10000x128xf32, #tpu.memory_space<vmem_shared>> -> memref<160x128xf32, #tpu.memory_space<vmem_shared>>
        %dma_start3A_77 = arith.constant 0 : i32
        %dma_start3A_78 = tpu.memref_slice %arg9[%add3A_62, %dma_start3A_77] : memref<10000x128xf32, #tpu.memory_space<vmem_shared>> -> memref<160x128xf32, #tpu.memory_space<vmem_shared>>
        tpu.enqueue_dma source(%arg7 : memref<160x128xf32, #tpu.memory_space<vmem>>) target(%dma_start3A_78 : memref<160x128xf32, #tpu.memory_space<vmem_shared>>) target_semaphore(%run_scoped3A : memref<!tpu.dma_semaphore, #tpu.memory_space<semaphore_mem>>)
        %dma_wait3A_79 = arith.constant 0 : i32
        %dma_wait3A_80 = tpu.memref_slice %arg9[%add3A_62, %dma_wait3A_79] : memref<10000x128xf32, #tpu.memory_space<vmem_shared>> -> memref<160x128xf32, #tpu.memory_space<vmem_shared>>
        %dma_wait3A_81 = arith.constant 0 : i32
        %dma_wait3A_82 = tpu.memref_slice %arg9[%add3A_62, %dma_wait3A_81] : memref<10000x128xf32, #tpu.memory_space<vmem_shared>> -> memref<160x128xf32, #tpu.memory_space<vmem_shared>>
        tpu.wait_dma2 semaphore(%run_scoped3A : memref<!tpu.dma_semaphore, #tpu.memory_space<semaphore_mem>>) src(%arg7 : memref<160x128xf32, #tpu.memory_space<vmem>>) dst(%dma_wait3A_82 : memref<160x128xf32, #tpu.memory_space<vmem_shared>>)
        tpu.yield
      }) : () -> ()
      %add3A_63 = arith.constant 160 : i32
      %add3A_64 = arith.addi %multiple_of3A_3, %add3A_63 : i32
      "tpu.region"() ({
        %run_scoped3A = tpu.sem_alloc : memref<!tpu.dma_semaphore, #tpu.memory_space<semaphore_mem>>
        %dma_start3A_75 = arith.constant 0 : i32
        %dma_start3A_76 = tpu.memref_slice %arg9[%add3A_64, %dma_start3A_75] : memref<10000x128xf32, #tpu.memory_space<vmem_shared>> -> memref<160x128xf32, #tpu.memory_space<vmem_shared>>
        %dma_start3A_77 = arith.constant 0 : i32
        %dma_start3A_78 = tpu.memref_slice %arg9[%add3A_64, %dma_start3A_77] : memref<10000x128xf32, #tpu.memory_space<vmem_shared>> -> memref<160x128xf32, #tpu.memory_space<vmem_shared>>
        tpu.enqueue_dma source(%arg7 : memref<160x128xf32, #tpu.memory_space<vmem>>) target(%dma_start3A_78 : memref<160x128xf32, #tpu.memory_space<vmem_shared>>) target_semaphore(%run_scoped3A : memref<!tpu.dma_semaphore, #tpu.memory_space<semaphore_mem>>)
        %dma_wait3A_79 = arith.constant 0 : i32
        %dma_wait3A_80 = tpu.memref_slice %arg9[%add3A_64, %dma_wait3A_79] : memref<10000x128xf32, #tpu.memory_space<vmem_shared>> -> memref<160x128xf32, #tpu.memory_space<vmem_shared>>
        %dma_wait3A_81 = arith.constant 0 : i32
        %dma_wait3A_82 = tpu.memref_slice %arg9[%add3A_64, %dma_wait3A_81] : memref<10000x128xf32, #tpu.memory_space<vmem_shared>> -> memref<160x128xf32, #tpu.memory_space<vmem_shared>>
        tpu.wait_dma2 semaphore(%run_scoped3A : memref<!tpu.dma_semaphore, #tpu.memory_space<semaphore_mem>>) src(%arg7 : memref<160x128xf32, #tpu.memory_space<vmem>>) dst(%dma_wait3A_82 : memref<160x128xf32, #tpu.memory_space<vmem_shared>>)
        tpu.yield
      }) : () -> ()
      %add3A_65 = arith.constant 320 : i32
      %add3A_66 = arith.addi %multiple_of3A_3, %add3A_65 : i32
      "tpu.region"() ({
        %run_scoped3A = tpu.sem_alloc : memref<!tpu.dma_semaphore, #tpu.memory_space<semaphore_mem>>
        %dma_start3A_75 = arith.constant 0 : i32
        %dma_start3A_76 = tpu.memref_slice %arg9[%add3A_66, %dma_start3A_75] : memref<10000x128xf32, #tpu.memory_space<vmem_shared>> -> memref<160x128xf32, #tpu.memory_space<vmem_shared>>
        %dma_start3A_77 = arith.constant 0 : i32
        %dma_start3A_78 = tpu.memref_slice %arg9[%add3A_66, %dma_start3A_77] : memref<10000x128xf32, #tpu.memory_space<vmem_shared>> -> memref<160x128xf32, #tpu.memory_space<vmem_shared>>
        tpu.enqueue_dma source(%arg7 : memref<160x128xf32, #tpu.memory_space<vmem>>) target(%dma_start3A_78 : memref<160x128xf32, #tpu.memory_space<vmem_shared>>) target_semaphore(%run_scoped3A : memref<!tpu.dma_semaphore, #tpu.memory_space<semaphore_mem>>)
        %dma_wait3A_79 = arith.constant 0 : i32
        %dma_wait3A_80 = tpu.memref_slice %arg9[%add3A_66, %dma_wait3A_79] : memref<10000x128xf32, #tpu.memory_space<vmem_shared>> -> memref<160x128xf32, #tpu.memory_space<vmem_shared>>
        %dma_wait3A_81 = arith.constant 0 : i32
        %dma_wait3A_82 = tpu.memref_slice %arg9[%add3A_66, %dma_wait3A_81] : memref<10000x128xf32, #tpu.memory_space<vmem_shared>> -> memref<160x128xf32, #tpu.memory_space<vmem_shared>>
        tpu.wait_dma2 semaphore(%run_scoped3A : memref<!tpu.dma_semaphore, #tpu.memory_space<semaphore_mem>>) src(%arg7 : memref<160x128xf32, #tpu.memory_space<vmem>>) dst(%dma_wait3A_82 : memref<160x128xf32, #tpu.memory_space<vmem_shared>>)
        tpu.yield
      }) : () -> ()
      %add3A_67 = arith.constant 480 : i32
      %add3A_68 = arith.addi %multiple_of3A_3, %add3A_67 : i32
      "tpu.region"() ({
        %run_scoped3A = tpu.sem_alloc : memref<!tpu.dma_semaphore, #tpu.memory_space<semaphore_mem>>
        %dma_start3A_75 = arith.constant 0 : i32
        %dma_start3A_76 = tpu.memref_slice %arg9[%add3A_68, %dma_start3A_75] : memref<10000x128xf32, #tpu.memory_space<vmem_shared>> -> memref<160x128xf32, #tpu.memory_space<vmem_shared>>
        %dma_start3A_77 = arith.constant 0 : i32
        %dma_start3A_78 = tpu.memref_slice %arg9[%add3A_68, %dma_start3A_77] : memref<10000x128xf32, #tpu.memory_space<vmem_shared>> -> memref<160x128xf32, #tpu.memory_space<vmem_shared>>
        tpu.enqueue_dma source(%arg7 : memref<160x128xf32, #tpu.memory_space<vmem>>) target(%dma_start3A_78 : memref<160x128xf32, #tpu.memory_space<vmem_shared>>) target_semaphore(%run_scoped3A : memref<!tpu.dma_semaphore, #tpu.memory_space<semaphore_mem>>)
        %dma_wait3A_79 = arith.constant 0 : i32
        %dma_wait3A_80 = tpu.memref_slice %arg9[%add3A_68, %dma_wait3A_79] : memref<10000x128xf32, #tpu.memory_space<vmem_shared>> -> memref<160x128xf32, #tpu.memory_space<vmem_shared>>
        %dma_wait3A_81 = arith.constant 0 : i32
        %dma_wait3A_82 = tpu.memref_slice %arg9[%add3A_68, %dma_wait3A_81] : memref<10000x128xf32, #tpu.memory_space<vmem_shared>> -> memref<160x128xf32, #tpu.memory_space<vmem_shared>>
        tpu.wait_dma2 semaphore(%run_scoped3A : memref<!tpu.dma_semaphore, #tpu.memory_space<semaphore_mem>>) src(%arg7 : memref<160x128xf32, #tpu.memory_space<vmem>>) dst(%dma_wait3A_82 : memref<160x128xf32, #tpu.memory_space<vmem_shared>>)
        tpu.yield
      }) : () -> ()
      %add3A_69 = arith.constant 640 : i32
      %add3A_70 = arith.addi %multiple_of3A_3, %add3A_69 : i32
      "tpu.region"() ({
        %run_scoped3A = tpu.sem_alloc : memref<!tpu.dma_semaphore, #tpu.memory_space<semaphore_mem>>
        %dma_start3A_75 = arith.constant 0 : i32
        %dma_start3A_76 = tpu.memref_slice %arg9[%add3A_70, %dma_start3A_75] : memref<10000x128xf32, #tpu.memory_space<vmem_shared>> -> memref<160x128xf32, #tpu.memory_space<vmem_shared>>
        %dma_start3A_77 = arith.constant 0 : i32
        %dma_start3A_78 = tpu.memref_slice %arg9[%add3A_70, %dma_start3A_77] : memref<10000x128xf32, #tpu.memory_space<vmem_shared>> -> memref<160x128xf32, #tpu.memory_space<vmem_shared>>
        tpu.enqueue_dma source(%arg7 : memref<160x128xf32, #tpu.memory_space<vmem>>) target(%dma_start3A_78 : memref<160x128xf32, #tpu.memory_space<vmem_shared>>) target_semaphore(%run_scoped3A : memref<!tpu.dma_semaphore, #tpu.memory_space<semaphore_mem>>)
        %dma_wait3A_79 = arith.constant 0 : i32
        %dma_wait3A_80 = tpu.memref_slice %arg9[%add3A_70, %dma_wait3A_79] : memref<10000x128xf32, #tpu.memory_space<vmem_shared>> -> memref<160x128xf32, #tpu.memory_space<vmem_shared>>
        %dma_wait3A_81 = arith.constant 0 : i32
        %dma_wait3A_82 = tpu.memref_slice %arg9[%add3A_70, %dma_wait3A_81] : memref<10000x128xf32, #tpu.memory_space<vmem_shared>> -> memref<160x128xf32, #tpu.memory_space<vmem_shared>>
        tpu.wait_dma2 semaphore(%run_scoped3A : memref<!tpu.dma_semaphore, #tpu.memory_space<semaphore_mem>>) src(%arg7 : memref<160x128xf32, #tpu.memory_space<vmem>>) dst(%dma_wait3A_82 : memref<160x128xf32, #tpu.memory_space<vmem_shared>>)
        tpu.yield
      }) : () -> ()
      %add3A_71 = arith.constant 800 : i32
      %add3A_72 = arith.addi %multiple_of3A_3, %add3A_71 : i32
      "tpu.region"() ({
        %run_scoped3A = tpu.sem_alloc : memref<!tpu.dma_semaphore, #tpu.memory_space<semaphore_mem>>
        %dma_start3A_75 = arith.constant 0 : i32
        %dma_start3A_76 = tpu.memref_slice %arg9[%add3A_72, %dma_start3A_75] : memref<10000x128xf32, #tpu.memory_space<vmem_shared>> -> memref<160x128xf32, #tpu.memory_space<vmem_shared>>
        %dma_start3A_77 = arith.constant 0 : i32
        %dma_start3A_78 = tpu.memref_slice %arg9[%add3A_72, %dma_start3A_77] : memref<10000x128xf32, #tpu.memory_space<vmem_shared>> -> memref<160x128xf32, #tpu.memory_space<vmem_shared>>
        tpu.enqueue_dma source(%arg7 : memref<160x128xf32, #tpu.memory_space<vmem>>) target(%dma_start3A_78 : memref<160x128xf32, #tpu.memory_space<vmem_shared>>) target_semaphore(%run_scoped3A : memref<!tpu.dma_semaphore, #tpu.memory_space<semaphore_mem>>)
        %dma_wait3A_79 = arith.constant 0 : i32
        %dma_wait3A_80 = tpu.memref_slice %arg9[%add3A_72, %dma_wait3A_79] : memref<10000x128xf32, #tpu.memory_space<vmem_shared>> -> memref<160x128xf32, #tpu.memory_space<vmem_shared>>
        %dma_wait3A_81 = arith.constant 0 : i32
        %dma_wait3A_82 = tpu.memref_slice %arg9[%add3A_72, %dma_wait3A_81] : memref<10000x128xf32, #tpu.memory_space<vmem_shared>> -> memref<160x128xf32, #tpu.memory_space<vmem_shared>>
        tpu.wait_dma2 semaphore(%run_scoped3A : memref<!tpu.dma_semaphore, #tpu.memory_space<semaphore_mem>>) src(%arg7 : memref<160x128xf32, #tpu.memory_space<vmem>>) dst(%dma_wait3A_82 : memref<160x128xf32, #tpu.memory_space<vmem_shared>>)
        tpu.yield
      }) : () -> ()
      %add3A_73 = arith.constant 960 : i32
      %add3A_74 = arith.addi %multiple_of3A_3, %add3A_73 : i32
      "tpu.region"() ({
        %run_scoped3A = tpu.sem_alloc : memref<!tpu.dma_semaphore, #tpu.memory_space<semaphore_mem>>
        %dma_start3A_75 = arith.constant 0 : i32
        %dma_start3A_76 = arith.constant 0 : i32
        %dma_start3A_77 = tpu.memref_slice %arg7[%dma_start3A_75, %dma_start3A_76] : memref<160x128xf32, #tpu.memory_space<vmem>> -> memref<40x128xf32, #tpu.memory_space<vmem>>
        %dma_start3A_78 = arith.constant 0 : i32
        %dma_start3A_79 = tpu.memref_slice %arg9[%add3A_74, %dma_start3A_78] : memref<10000x128xf32, #tpu.memory_space<vmem_shared>> -> memref<40x128xf32, #tpu.memory_space<vmem_shared>>
        %dma_start3A_80 = arith.constant 0 : i32
        %dma_start3A_81 = tpu.memref_slice %arg9[%add3A_74, %dma_start3A_80] : memref<10000x128xf32, #tpu.memory_space<vmem_shared>> -> memref<40x128xf32, #tpu.memory_space<vmem_shared>>
        %dma_start3A_82 = arith.constant 0 : i32
        %dma_start3A_83 = arith.constant 0 : i32
        %dma_start3A_84 = tpu.memref_slice %arg7[%dma_start3A_82, %dma_start3A_83] : memref<160x128xf32, #tpu.memory_space<vmem>> -> memref<40x128xf32, #tpu.memory_space<vmem>>
        tpu.enqueue_dma source(%dma_start3A_84 : memref<40x128xf32, #tpu.memory_space<vmem>>) target(%dma_start3A_81 : memref<40x128xf32, #tpu.memory_space<vmem_shared>>) target_semaphore(%run_scoped3A : memref<!tpu.dma_semaphore, #tpu.memory_space<semaphore_mem>>)
        %dma_wait3A_85 = arith.constant 0 : i32
        %dma_wait3A_86 = arith.constant 0 : i32
        %dma_wait3A_87 = tpu.memref_slice %arg7[%dma_wait3A_85, %dma_wait3A_86] : memref<160x128xf32, #tpu.memory_space<vmem>> -> memref<40x128xf32, #tpu.memory_space<vmem>>
        %dma_wait3A_88 = arith.constant 0 : i32
        %dma_wait3A_89 = tpu.memref_slice %arg9[%add3A_74, %dma_wait3A_88] : memref<10000x128xf32, #tpu.memory_space<vmem_shared>> -> memref<40x128xf32, #tpu.memory_space<vmem_shared>>
        %dma_wait3A_90 = arith.constant 0 : i32
        %dma_wait3A_91 = tpu.memref_slice %arg9[%add3A_74, %dma_wait3A_90] : memref<10000x128xf32, #tpu.memory_space<vmem_shared>> -> memref<40x128xf32, #tpu.memory_space<vmem_shared>>
        %dma_wait3A_92 = arith.constant 0 : i32
        %dma_wait3A_93 = arith.constant 0 : i32
        %dma_wait3A_94 = tpu.memref_slice %arg7[%dma_wait3A_92, %dma_wait3A_93] : memref<160x128xf32, #tpu.memory_space<vmem>> -> memref<40x128xf32, #tpu.memory_space<vmem>>
        tpu.wait_dma2 semaphore(%run_scoped3A : memref<!tpu.dma_semaphore, #tpu.memory_space<semaphore_mem>>) src(%dma_wait3A_94 : memref<40x128xf32, #tpu.memory_space<vmem>>) dst(%dma_wait3A_91 : memref<40x128xf32, #tpu.memory_space<vmem_shared>>)
        tpu.yield
      }) : () -> ()
    } else {
    }
    %barrier3A = arith.constant 0 : index
    tpu.barrier barrier_id(%barrier3A)
    %mul3A_12 = arith.constant 3200 : i32
    %mul3A_13 = arith.muli %arg1, %mul3A_12 : i32
    %add3A = arith.constant 0 : i32
    %add3A_14 = arith.addi %mul3A_13, %add3A : i32
    %multiple_of3A_15 = tpu.assume_multiple %add3A_14, 8 : i32
    "tpu.region"() ({
      %run_scoped3A = tpu.sem_alloc : memref<!tpu.dma_semaphore, #tpu.memory_space<semaphore_mem>>
      %dma_start3A_61 = tpu.memref_slice %arg3[%multiple_of3A_15] : memref<51200xi32, #tpu.memory_space<hbm>> -> memref<160xi32, #tpu.memory_space<hbm>>
      %dma_start3A_62 = tpu.memref_slice %arg3[%multiple_of3A_15] : memref<51200xi32, #tpu.memory_space<hbm>> -> memref<160xi32, #tpu.memory_space<hbm>>
      tpu.enqueue_dma source(%dma_start3A_62 : memref<160xi32, #tpu.memory_space<hbm>>) target(%arg5 : memref<160xi32, #tpu.memory_space<vmem>>) target_semaphore(%run_scoped3A : memref<!tpu.dma_semaphore, #tpu.memory_space<semaphore_mem>>)
      %dma_wait3A_63 = tpu.memref_slice %arg3[%multiple_of3A_15] : memref<51200xi32, #tpu.memory_space<hbm>> -> memref<160xi32, #tpu.memory_space<hbm>>
      %dma_wait3A_64 = tpu.memref_slice %arg3[%multiple_of3A_15] : memref<51200xi32, #tpu.memory_space<hbm>> -> memref<160xi32, #tpu.memory_space<hbm>>
      tpu.wait_dma2 semaphore(%run_scoped3A : memref<!tpu.dma_semaphore, #tpu.memory_space<semaphore_mem>>) src(%dma_wait3A_64 : memref<160xi32, #tpu.memory_space<hbm>>) dst(%arg5 : memref<160xi32, #tpu.memory_space<vmem>>)
      tpu.yield
    }) : () -> ()
    %add3A_16 = arith.constant 0 : i32
    %add3A_17 = arith.addi %mul3A_13, %add3A_16 : i32
    %multiple_of3A_18 = tpu.assume_multiple %add3A_17, 8 : i32
    %dma_start3A = tpu.memref_slice %arg2[%multiple_of3A_18, %multiple_of3A] : memref<51200x256xf32, #tpu.memory_space<hbm>> -> memref<160x128xf32, #tpu.memory_space<hbm>>
    %dma_start3A_19 = tpu.memref_slice %arg2[%multiple_of3A_18, %multiple_of3A] : memref<51200x256xf32, #tpu.memory_space<hbm>> -> memref<160x128xf32, #tpu.memory_space<hbm>>
    tpu.enqueue_dma source(%dma_start3A_19 : memref<160x128xf32, #tpu.memory_space<hbm>>) target(%arg7 : memref<160x128xf32, #tpu.memory_space<vmem>>) target_semaphore(%arg10 : memref<!tpu.dma_semaphore, #tpu.memory_space<semaphore_mem>>)
    %add3A_20 = arith.constant 160 : i32
    %add3A_21 = arith.addi %mul3A_13, %add3A_20 : i32
    %multiple_of3A_22 = tpu.assume_multiple %add3A_21, 8 : i32
    "tpu.region"() ({
      %run_scoped3A = tpu.sem_alloc : memref<!tpu.dma_semaphore, #tpu.memory_space<semaphore_mem>>
      %dma_start3A_61 = tpu.memref_slice %arg3[%multiple_of3A_22] : memref<51200xi32, #tpu.memory_space<hbm>> -> memref<160xi32, #tpu.memory_space<hbm>>
      %dma_start3A_62 = tpu.memref_slice %arg3[%multiple_of3A_22] : memref<51200xi32, #tpu.memory_space<hbm>> -> memref<160xi32, #tpu.memory_space<hbm>>
      tpu.enqueue_dma source(%dma_start3A_62 : memref<160xi32, #tpu.memory_space<hbm>>) target(%arg6 : memref<160xi32, #tpu.memory_space<vmem>>) target_semaphore(%run_scoped3A : memref<!tpu.dma_semaphore, #tpu.memory_space<semaphore_mem>>)
      %dma_wait3A_63 = tpu.memref_slice %arg3[%multiple_of3A_22] : memref<51200xi32, #tpu.memory_space<hbm>> -> memref<160xi32, #tpu.memory_space<hbm>>
      %dma_wait3A_64 = tpu.memref_slice %arg3[%multiple_of3A_22] : memref<51200xi32, #tpu.memory_space<hbm>> -> memref<160xi32, #tpu.memory_space<hbm>>
      tpu.wait_dma2 semaphore(%run_scoped3A : memref<!tpu.dma_semaphore, #tpu.memory_space<semaphore_mem>>) src(%dma_wait3A_64 : memref<160xi32, #tpu.memory_space<hbm>>) dst(%arg6 : memref<160xi32, #tpu.memory_space<vmem>>)
      tpu.yield
    }) : () -> ()
    %add3A_23 = arith.constant 160 : i32
    %add3A_24 = arith.addi %mul3A_13, %add3A_23 : i32
    %multiple_of3A_25 = tpu.assume_multiple %add3A_24, 8 : i32
    %dma_start3A_26 = tpu.memref_slice %arg2[%multiple_of3A_25, %multiple_of3A] : memref<51200x256xf32, #tpu.memory_space<hbm>> -> memref<160x128xf32, #tpu.memory_space<hbm>>
    %dma_start3A_27 = tpu.memref_slice %arg2[%multiple_of3A_25, %multiple_of3A] : memref<51200x256xf32, #tpu.memory_space<hbm>> -> memref<160x128xf32, #tpu.memory_space<hbm>>
    tpu.enqueue_dma source(%dma_start3A_27 : memref<160x128xf32, #tpu.memory_space<hbm>>) target(%arg8 : memref<160x128xf32, #tpu.memory_space<vmem>>) target_semaphore(%arg11 : memref<!tpu.dma_semaphore, #tpu.memory_space<semaphore_mem>>)
    %scan3A_28 = arith.constant 0 : i32
    %scan3A_29 = arith.constant 0 : i32
    %scan3A_30 = arith.constant 9 : i32
    %scan3A_31 = arith.addi %scan3A_29, %scan3A_30 : i32
    %scan3A_32 = arith.constant 1 : i32
    scf.for %scan3A_61 = %scan3A_29 to %scan3A_31 step %scan3A_32  : i32 {
      %mul3A_62 = arith.constant 2 : i32
      %mul3A_63 = arith.muli %mul3A_62, %scan3A_61 : i32
      %add3A_64 = arith.constant 1 : i32
      %add3A_65 = arith.addi %mul3A_63, %add3A_64 : i32
      %mul3A_66 = arith.constant 160 : i32
      %mul3A_67 = arith.muli %mul3A_63, %mul3A_66 : i32
      %add3A_68 = arith.addi %mul3A_13, %mul3A_67 : i32
      %multiple_of3A_69 = tpu.assume_multiple %add3A_68, 8 : i32
      %dma_wait3A_70 = tpu.memref_slice %arg2[%multiple_of3A_69, %multiple_of3A] : memref<51200x256xf32, #tpu.memory_space<hbm>> -> memref<160x128xf32, #tpu.memory_space<hbm>>
      %dma_wait3A_71 = tpu.memref_slice %arg2[%multiple_of3A_69, %multiple_of3A] : memref<51200x256xf32, #tpu.memory_space<hbm>> -> memref<160x128xf32, #tpu.memory_space<hbm>>
      tpu.wait_dma2 semaphore(%arg10 : memref<!tpu.dma_semaphore, #tpu.memory_space<semaphore_mem>>) src(%dma_wait3A_71 : memref<160x128xf32, #tpu.memory_space<hbm>>) dst(%arg7 : memref<160x128xf32, #tpu.memory_space<vmem>>)
      %dma_start3A_72 = arith.constant 0 : i32
      %dma_start3A_73 = arith.constant 0 : i32
      %dma_start3A_74 = tpu.memref_slice %arg9[%dma_start3A_72, %dma_start3A_73] : memref<10000x128xf32, #tpu.memory_space<vmem_shared>> -> memref<10000x128xf32, #tpu.memory_space<vmem_shared>>
      tpu.enqueue_indirect_dma source(%arg7 : memref<160x128xf32, #tpu.memory_space<vmem>>) target(%dma_start3A_74 : memref<10000x128xf32, #tpu.memory_space<vmem_shared>>) offsets(%arg5 : memref<160xi32, #tpu.memory_space<vmem>>) semaphore(%arg12 : memref<!tpu.dma_semaphore, #tpu.memory_space<semaphore_mem>>) {add = true}
      %mul3A_75 = arith.constant 160 : i32
      %mul3A_76 = arith.muli %add3A_65, %mul3A_75 : i32
      %add3A_77 = arith.addi %mul3A_13, %mul3A_76 : i32
      %multiple_of3A_78 = tpu.assume_multiple %add3A_77, 8 : i32
      %dma_wait3A_79 = tpu.memref_slice %arg2[%multiple_of3A_78, %multiple_of3A] : memref<51200x256xf32, #tpu.memory_space<hbm>> -> memref<160x128xf32, #tpu.memory_space<hbm>>
      %dma_wait3A_80 = tpu.memref_slice %arg2[%multiple_of3A_78, %multiple_of3A] : memref<51200x256xf32, #tpu.memory_space<hbm>> -> memref<160x128xf32, #tpu.memory_space<hbm>>
      tpu.wait_dma2 semaphore(%arg11 : memref<!tpu.dma_semaphore, #tpu.memory_space<semaphore_mem>>) src(%dma_wait3A_80 : memref<160x128xf32, #tpu.memory_space<hbm>>) dst(%arg8 : memref<160x128xf32, #tpu.memory_space<vmem>>)
      %dma_start3A_81 = arith.constant 0 : i32
      %dma_start3A_82 = arith.constant 0 : i32
      %dma_start3A_83 = tpu.memref_slice %arg9[%dma_start3A_81, %dma_start3A_82] : memref<10000x128xf32, #tpu.memory_space<vmem_shared>> -> memref<10000x128xf32, #tpu.memory_space<vmem_shared>>
      tpu.enqueue_indirect_dma source(%arg8 : memref<160x128xf32, #tpu.memory_space<vmem>>) target(%dma_start3A_83 : memref<10000x128xf32, #tpu.memory_space<vmem_shared>>) offsets(%arg6 : memref<160xi32, #tpu.memory_space<vmem>>) semaphore(%arg13 : memref<!tpu.dma_semaphore, #tpu.memory_space<semaphore_mem>>) {add = true}
      %dma_wait3A_84 = arith.constant 0 : i32
      %dma_wait3A_85 = arith.constant 0 : i32
      %dma_wait3A_86 = tpu.memref_slice %arg9[%dma_wait3A_84, %dma_wait3A_85] : memref<10000x128xf32, #tpu.memory_space<vmem_shared>> -> memref<10000x128xf32, #tpu.memory_space<vmem_shared>>
      tpu.wait_indirect_dma semaphore(%arg12 : memref<!tpu.dma_semaphore, #tpu.memory_space<semaphore_mem>>) src(%arg7 : memref<160x128xf32, #tpu.memory_space<vmem>>) dst(%dma_wait3A_86 : memref<10000x128xf32, #tpu.memory_space<vmem_shared>>)
      %add3A_87 = arith.constant 2 : i32
      %add3A_88 = arith.addi %mul3A_63, %add3A_87 : i32
      %mul3A_89 = arith.constant 160 : i32
      %mul3A_90 = arith.muli %add3A_88, %mul3A_89 : i32
      %add3A_91 = arith.addi %mul3A_13, %mul3A_90 : i32
      %multiple_of3A_92 = tpu.assume_multiple %add3A_91, 8 : i32
      "tpu.region"() ({
        %run_scoped3A = tpu.sem_alloc : memref<!tpu.dma_semaphore, #tpu.memory_space<semaphore_mem>>
        %dma_start3A_114 = tpu.memref_slice %arg3[%multiple_of3A_92] : memref<51200xi32, #tpu.memory_space<hbm>> -> memref<160xi32, #tpu.memory_space<hbm>>
        %dma_start3A_115 = tpu.memref_slice %arg3[%multiple_of3A_92] : memref<51200xi32, #tpu.memory_space<hbm>> -> memref<160xi32, #tpu.memory_space<hbm>>
        tpu.enqueue_dma source(%dma_start3A_115 : memref<160xi32, #tpu.memory_space<hbm>>) target(%arg5 : memref<160xi32, #tpu.memory_space<vmem>>) target_semaphore(%run_scoped3A : memref<!tpu.dma_semaphore, #tpu.memory_space<semaphore_mem>>)
        %dma_wait3A_116 = tpu.memref_slice %arg3[%multiple_of3A_92] : memref<51200xi32, #tpu.memory_space<hbm>> -> memref<160xi32, #tpu.memory_space<hbm>>
        %dma_wait3A_117 = tpu.memref_slice %arg3[%multiple_of3A_92] : memref<51200xi32, #tpu.memory_space<hbm>> -> memref<160xi32, #tpu.memory_space<hbm>>
        tpu.wait_dma2 semaphore(%run_scoped3A : memref<!tpu.dma_semaphore, #tpu.memory_space<semaphore_mem>>) src(%dma_wait3A_117 : memref<160xi32, #tpu.memory_space<hbm>>) dst(%arg5 : memref<160xi32, #tpu.memory_space<vmem>>)
        tpu.yield
      }) : () -> ()
      %mul3A_93 = arith.constant 160 : i32
      %mul3A_94 = arith.muli %add3A_88, %mul3A_93 : i32
      %add3A_95 = arith.addi %mul3A_13, %mul3A_94 : i32
      %multiple_of3A_96 = tpu.assume_multiple %add3A_95, 8 : i32
      %dma_start3A_97 = tpu.memref_slice %arg2[%multiple_of3A_96, %multiple_of3A] : memref<51200x256xf32, #tpu.memory_space<hbm>> -> memref<160x128xf32, #tpu.memory_space<hbm>>
      %dma_start3A_98 = tpu.memref_slice %arg2[%multiple_of3A_96, %multiple_of3A] : memref<51200x256xf32, #tpu.memory_space<hbm>> -> memref<160x128xf32, #tpu.memory_space<hbm>>
      tpu.enqueue_dma source(%dma_start3A_98 : memref<160x128xf32, #tpu.memory_space<hbm>>) target(%arg7 : memref<160x128xf32, #tpu.memory_space<vmem>>) target_semaphore(%arg10 : memref<!tpu.dma_semaphore, #tpu.memory_space<semaphore_mem>>)
      %dma_wait3A_99 = arith.constant 0 : i32
      %dma_wait3A_100 = arith.constant 0 : i32
      %dma_wait3A_101 = tpu.memref_slice %arg9[%dma_wait3A_99, %dma_wait3A_100] : memref<10000x128xf32, #tpu.memory_space<vmem_shared>> -> memref<10000x128xf32, #tpu.memory_space<vmem_shared>>
      tpu.wait_indirect_dma semaphore(%arg13 : memref<!tpu.dma_semaphore, #tpu.memory_space<semaphore_mem>>) src(%arg8 : memref<160x128xf32, #tpu.memory_space<vmem>>) dst(%dma_wait3A_101 : memref<10000x128xf32, #tpu.memory_space<vmem_shared>>)
      %add3A_102 = arith.constant 2 : i32
      %add3A_103 = arith.addi %add3A_65, %add3A_102 : i32
      %mul3A_104 = arith.constant 160 : i32
      %mul3A_105 = arith.muli %add3A_103, %mul3A_104 : i32
      %add3A_106 = arith.addi %mul3A_13, %mul3A_105 : i32
      %multiple_of3A_107 = tpu.assume_multiple %add3A_106, 8 : i32
      "tpu.region"() ({
        %run_scoped3A = tpu.sem_alloc : memref<!tpu.dma_semaphore, #tpu.memory_space<semaphore_mem>>
        %dma_start3A_114 = tpu.memref_slice %arg3[%multiple_of3A_107] : memref<51200xi32, #tpu.memory_space<hbm>> -> memref<160xi32, #tpu.memory_space<hbm>>
        %dma_start3A_115 = tpu.memref_slice %arg3[%multiple_of3A_107] : memref<51200xi32, #tpu.memory_space<hbm>> -> memref<160xi32, #tpu.memory_space<hbm>>
        tpu.enqueue_dma source(%dma_start3A_115 : memref<160xi32, #tpu.memory_space<hbm>>) target(%arg6 : memref<160xi32, #tpu.memory_space<vmem>>) target_semaphore(%run_scoped3A : memref<!tpu.dma_semaphore, #tpu.memory_space<semaphore_mem>>)
        %dma_wait3A_116 = tpu.memref_slice %arg3[%multiple_of3A_107] : memref<51200xi32, #tpu.memory_space<hbm>> -> memref<160xi32, #tpu.memory_space<hbm>>
        %dma_wait3A_117 = tpu.memref_slice %arg3[%multiple_of3A_107] : memref<51200xi32, #tpu.memory_space<hbm>> -> memref<160xi32, #tpu.memory_space<hbm>>
        tpu.wait_dma2 semaphore(%run_scoped3A : memref<!tpu.dma_semaphore, #tpu.memory_space<semaphore_mem>>) src(%dma_wait3A_117 : memref<160xi32, #tpu.memory_space<hbm>>) dst(%arg6 : memref<160xi32, #tpu.memory_space<vmem>>)
        tpu.yield
      }) : () -> ()
      %mul3A_108 = arith.constant 160 : i32
      %mul3A_109 = arith.muli %add3A_103, %mul3A_108 : i32
      %add3A_110 = arith.addi %mul3A_13, %mul3A_109 : i32
      %multiple_of3A_111 = tpu.assume_multiple %add3A_110, 8 : i32
      %dma_start3A_112 = tpu.memref_slice %arg2[%multiple_of3A_111, %multiple_of3A] : memref<51200x256xf32, #tpu.memory_space<hbm>> -> memref<160x128xf32, #tpu.memory_space<hbm>>
      %dma_start3A_113 = tpu.memref_slice %arg2[%multiple_of3A_111, %multiple_of3A] : memref<51200x256xf32, #tpu.memory_space<hbm>> -> memref<160x128xf32, #tpu.memory_space<hbm>>
      tpu.enqueue_dma source(%dma_start3A_113 : memref<160x128xf32, #tpu.memory_space<hbm>>) target(%arg8 : memref<160x128xf32, #tpu.memory_space<vmem>>) target_semaphore(%arg11 : memref<!tpu.dma_semaphore, #tpu.memory_space<semaphore_mem>>)
    }
    %scan3A_33 = arith.constant 9 : i32
    %add3A_34 = arith.constant 2880 : i32
    %add3A_35 = arith.addi %mul3A_13, %add3A_34 : i32
    %multiple_of3A_36 = tpu.assume_multiple %add3A_35, 8 : i32
    %dma_wait3A = tpu.memref_slice %arg2[%multiple_of3A_36, %multiple_of3A] : memref<51200x256xf32, #tpu.memory_space<hbm>> -> memref<160x128xf32, #tpu.memory_space<hbm>>
    %dma_wait3A_37 = tpu.memref_slice %arg2[%multiple_of3A_36, %multiple_of3A] : memref<51200x256xf32, #tpu.memory_space<hbm>> -> memref<160x128xf32, #tpu.memory_space<hbm>>
    tpu.wait_dma2 semaphore(%arg10 : memref<!tpu.dma_semaphore, #tpu.memory_space<semaphore_mem>>) src(%dma_wait3A_37 : memref<160x128xf32, #tpu.memory_space<hbm>>) dst(%arg7 : memref<160x128xf32, #tpu.memory_space<vmem>>)
    %dma_start3A_38 = arith.constant 0 : i32
    %dma_start3A_39 = arith.constant 0 : i32
    %dma_start3A_40 = tpu.memref_slice %arg9[%dma_start3A_38, %dma_start3A_39] : memref<10000x128xf32, #tpu.memory_space<vmem_shared>> -> memref<10000x128xf32, #tpu.memory_space<vmem_shared>>
    tpu.enqueue_indirect_dma source(%arg7 : memref<160x128xf32, #tpu.memory_space<vmem>>) target(%dma_start3A_40 : memref<10000x128xf32, #tpu.memory_space<vmem_shared>>) offsets(%arg5 : memref<160xi32, #tpu.memory_space<vmem>>) semaphore(%arg12 : memref<!tpu.dma_semaphore, #tpu.memory_space<semaphore_mem>>) {add = true}
    %add3A_41 = arith.constant 3040 : i32
    %add3A_42 = arith.addi %mul3A_13, %add3A_41 : i32
    %multiple_of3A_43 = tpu.assume_multiple %add3A_42, 8 : i32
    %dma_wait3A_44 = tpu.memref_slice %arg2[%multiple_of3A_43, %multiple_of3A] : memref<51200x256xf32, #tpu.memory_space<hbm>> -> memref<160x128xf32, #tpu.memory_space<hbm>>
    %dma_wait3A_45 = tpu.memref_slice %arg2[%multiple_of3A_43, %multiple_of3A] : memref<51200x256xf32, #tpu.memory_space<hbm>> -> memref<160x128xf32, #tpu.memory_space<hbm>>
    tpu.wait_dma2 semaphore(%arg11 : memref<!tpu.dma_semaphore, #tpu.memory_space<semaphore_mem>>) src(%dma_wait3A_45 : memref<160x128xf32, #tpu.memory_space<hbm>>) dst(%arg8 : memref<160x128xf32, #tpu.memory_space<vmem>>)
    %dma_start3A_46 = arith.constant 0 : i32
    %dma_start3A_47 = arith.constant 0 : i32
    %dma_start3A_48 = tpu.memref_slice %arg9[%dma_start3A_46, %dma_start3A_47] : memref<10000x128xf32, #tpu.memory_space<vmem_shared>> -> memref<10000x128xf32, #tpu.memory_space<vmem_shared>>
    tpu.enqueue_indirect_dma source(%arg8 : memref<160x128xf32, #tpu.memory_space<vmem>>) target(%dma_start3A_48 : memref<10000x128xf32, #tpu.memory_space<vmem_shared>>) offsets(%arg6 : memref<160xi32, #tpu.memory_space<vmem>>) semaphore(%arg13 : memref<!tpu.dma_semaphore, #tpu.memory_space<semaphore_mem>>) {add = true}
    %dma_wait3A_49 = arith.constant 0 : i32
    %dma_wait3A_50 = arith.constant 0 : i32
    %dma_wait3A_51 = tpu.memref_slice %arg9[%dma_wait3A_49, %dma_wait3A_50] : memref<10000x128xf32, #tpu.memory_space<vmem_shared>> -> memref<10000x128xf32, #tpu.memory_space<vmem_shared>>
    tpu.wait_indirect_dma semaphore(%arg12 : memref<!tpu.dma_semaphore, #tpu.memory_space<semaphore_mem>>) src(%arg7 : memref<160x128xf32, #tpu.memory_space<vmem>>) dst(%dma_wait3A_51 : memref<10000x128xf32, #tpu.memory_space<vmem_shared>>)
    %dma_wait3A_52 = arith.constant 0 : i32
    %dma_wait3A_53 = arith.constant 0 : i32
    %dma_wait3A_54 = tpu.memref_slice %arg9[%dma_wait3A_52, %dma_wait3A_53] : memref<10000x128xf32, #tpu.memory_space<vmem_shared>> -> memref<10000x128xf32, #tpu.memory_space<vmem_shared>>
    tpu.wait_indirect_dma semaphore(%arg13 : memref<!tpu.dma_semaphore, #tpu.memory_space<semaphore_mem>>) src(%arg8 : memref<160x128xf32, #tpu.memory_space<vmem>>) dst(%dma_wait3A_54 : memref<10000x128xf32, #tpu.memory_space<vmem_shared>>)
    %barrier3A_55 = arith.constant 0 : index
    tpu.barrier barrier_id(%barrier3A_55)
    %lt3A_56 = arith.constant 10 : i32
    %lt3A_57 = arith.cmpi slt, %arg1, %lt3A_56 : i32
    %convert_element_type3A_58 = arith.extui %lt3A_57 : i1 to i32
    %cond3A_59 = arith.constant 0 : i32
    %cond3A_60 = arith.cmpi ne, %convert_element_type3A_58, %cond3A_59 : i32
    scf.if %cond3A_60 {
      "tpu.region"() ({
        %run_scoped3A = tpu.sem_alloc : memref<!tpu.dma_semaphore, #tpu.memory_space<semaphore_mem>>
        %dma_start3A_61 = tpu.memref_slice %arg4[%multiple_of3A_3, %multiple_of3A] : memref<10000x256xf32, #tpu.memory_space<hbm>> -> memref<1000x128xf32, #tpu.memory_space<hbm>>
        %dma_start3A_62 = arith.constant 0 : i32
        %dma_start3A_63 = tpu.memref_slice %arg9[%multiple_of3A_3, %dma_start3A_62] : memref<10000x128xf32, #tpu.memory_space<vmem_shared>> -> memref<1000x128xf32, #tpu.memory_space<vmem_shared>>
        tpu.enqueue_dma source(%dma_start3A_63 : memref<1000x128xf32, #tpu.memory_space<vmem_shared>>) target(%dma_start3A_61 : memref<1000x128xf32, #tpu.memory_space<hbm>>) target_semaphore(%run_scoped3A : memref<!tpu.dma_semaphore, #tpu.memory_space<semaphore_mem>>)
        %dma_wait3A_64 = tpu.memref_slice %arg4[%multiple_of3A_3, %multiple_of3A] : memref<10000x256xf32, #tpu.memory_space<hbm>> -> memref<1000x128xf32, #tpu.memory_space<hbm>>
        %dma_wait3A_65 = arith.constant 0 : i32
        %dma_wait3A_66 = tpu.memref_slice %arg9[%multiple_of3A_3, %dma_wait3A_65] : memref<10000x128xf32, #tpu.memory_space<vmem_shared>> -> memref<1000x128xf32, #tpu.memory_space<vmem_shared>>
        tpu.wait_dma2 semaphore(%run_scoped3A : memref<!tpu.dma_semaphore, #tpu.memory_space<semaphore_mem>>) src(%dma_wait3A_66 : memref<1000x128xf32, #tpu.memory_space<vmem_shared>>) dst(%dma_wait3A_64 : memref<1000x128xf32, #tpu.memory_space<hbm>>)
        tpu.yield
      }) : () -> ()
    } else {
    }
    return
  }
}

#map = affine_map<(d0, d1) -> (0, 0)>
#map1 = affine_map<(d0, d1) -> (0)>
module attributes {stable_mosaic.version = 14 : i64} {
  func.func @k(%arg0: i32, %arg1: i32, %arg2: memref<51200x256xf32, #tpu.memory_space<hbm>>, %arg3: memref<51200xi32, #tpu.memory_space<hbm>>, %arg4: memref<10000x256xf32, #tpu.memory_space<hbm>>, %arg5: memref<160xi32, #tpu.memory_space<vmem>>, %arg6: memref<160xi32, #tpu.memory_space<vmem>>, %arg7: memref<160x128xf32, #tpu.memory_space<vmem>>, %arg8: memref<160x128xf32, #tpu.memory_space<vmem>>, %arg9: memref<10000x128xf32, #tpu.memory_space<vmem_shared>>, %arg10: memref<!tpu.dma_semaphore, #tpu.memory_space<semaphore_mem>>, %arg11: memref<!tpu.dma_semaphore, #tpu.memory_space<semaphore_mem>>, %arg12: memref<!tpu.dma_semaphore, #tpu.memory_space<semaphore_mem>>, %arg13: memref<!tpu.dma_semaphore, #tpu.memory_space<semaphore_mem>>) attributes {dimension_semantics = [#tpu.dimension_semantics<core_parallel>, #tpu.dimension_semantics<subcore_parallel>], iteration_bounds = array<i64: 2, 16>, scalar_prefetch = 0 : i64, scratch_operands = 9 : i64, tpu.core_type = #tpu.core_type<sc_vector_subcore>, window_params = [{transform_indices = #map}, {transform_indices = #map1}, {transform_indices = #map}]} {
    %mul3A = arith.constant 128 : i32
    %mul3A_0 = arith.muli %arg0, %mul3A : i32
    %multiple_of3A = tpu.assume_multiple %mul3A_0, 128 : i32
    %mul3A_1 = arith.constant 1000 : i32
    %mul3A_2 = arith.muli %arg1, %mul3A_1 : i32
    %multiple_of3A_3 = tpu.assume_multiple %mul3A_2, 8 : i32
    %broadcast_in_dim3A = arith.constant 0.000000e+00 : f32
    %broadcast_in_dim3A_4 = vector.broadcast %broadcast_in_dim3A : f32 to vector<16xf32>
    %scan3A = arith.constant 0 : i32
    %scan3A_5 = arith.constant 0 : i32
    %scan3A_6 = arith.constant 160 : i32
    %scan3A_7 = arith.addi %scan3A_5, %scan3A_6 : i32
    %scan3A_8 = arith.constant 1 : i32
    scf.for %scan3A_61 = %scan3A_5 to %scan3A_7 step %scan3A_8  : i32 {
      %swap3A = arith.index_cast %scan3A_61 : i32 to index
      %swap3A_62 = arith.constant 0 : index
      %swap3A_63 = tpu.vector_load %arg7[%swap3A, %swap3A_62] {strides = array<i32>} : memref<160x128xf32, #tpu.memory_space<vmem>>, vector<1x16xf32>,
      %swap3A_64 = vector.shape_cast %swap3A_63 : vector<1x16xf32> to vector<16xf32>
      %swap3A_65 = vector.shape_cast %broadcast_in_dim3A_4 : vector<16xf32> to vector<1x16xf32>
      tpu.vector_store %arg7[%swap3A, %swap3A_62], %swap3A_65 {strides = array<i32>} : memref<160x128xf32, #tpu.memory_space<vmem>>, vector<1x16xf32>,
      %swap3A_66 = arith.index_cast %scan3A_61 : i32 to index
      %swap3A_67 = arith.constant 16 : index
      %swap3A_68 = tpu.vector_load %arg7[%swap3A_66, %swap3A_67] {strides = array<i32>} : memref<160x128xf32, #tpu.memory_space<vmem>>, vector<1x16xf32>,
      %swap3A_69 = vector.shape_cast %swap3A_68 : vector<1x16xf32> to vector<16xf32>
      %swap3A_70 = vector.shape_cast %broadcast_in_dim3A_4 : vector<16xf32> to vector<1x16xf32>
      tpu.vector_store %arg7[%swap3A_66, %swap3A_67], %swap3A_70 {strides = array<i32>} : memref<160x128xf32, #tpu.memory_space<vmem>>, vector<1x16xf32>,
      %swap3A_71 = arith.index_cast %scan3A_61 : i32 to index
      %swap3A_72 = arith.constant 32 : index
      %swap3A_73 = tpu.vector_load %arg7[%swap3A_71, %swap3A_72] {strides = array<i32>} : memref<160x128xf32, #tpu.memory_space<vmem>>, vector<1x16xf32>,
      %swap3A_74 = vector.shape_cast %swap3A_73 : vector<1x16xf32> to vector<16xf32>
      %swap3A_75 = vector.shape_cast %broadcast_in_dim3A_4 : vector<16xf32> to vector<1x16xf32>
      tpu.vector_store %arg7[%swap3A_71, %swap3A_72], %swap3A_75 {strides = array<i32>} : memref<160x128xf32, #tpu.memory_space<vmem>>, vector<1x16xf32>,
      %swap3A_76 = arith.index_cast %scan3A_61 : i32 to index
      %swap3A_77 = arith.constant 48 : index
      %swap3A_78 = tpu.vector_load %arg7[%swap3A_76, %swap3A_77] {strides = array<i32>} : memref<160x128xf32, #tpu.memory_space<vmem>>, vector<1x16xf32>,
      %swap3A_79 = vector.shape_cast %swap3A_78 : vector<1x16xf32> to vector<16xf32>
      %swap3A_80 = vector.shape_cast %broadcast_in_dim3A_4 : vector<16xf32> to vector<1x16xf32>
      tpu.vector_store %arg7[%swap3A_76, %swap3A_77], %swap3A_80 {strides = array<i32>} : memref<160x128xf32, #tpu.memory_space<vmem>>, vector<1x16xf32>,
      %swap3A_81 = arith.index_cast %scan3A_61 : i32 to index
      %swap3A_82 = arith.constant 64 : index
      %swap3A_83 = tpu.vector_load %arg7[%swap3A_81, %swap3A_82] {strides = array<i32>} : memref<160x128xf32, #tpu.memory_space<vmem>>, vector<1x16xf32>,
      %swap3A_84 = vector.shape_cast %swap3A_83 : vector<1x16xf32> to vector<16xf32>
      %swap3A_85 = vector.shape_cast %broadcast_in_dim3A_4 : vector<16xf32> to vector<1x16xf32>
      tpu.vector_store %arg7[%swap3A_81, %swap3A_82], %swap3A_85 {strides = array<i32>} : memref<160x128xf32, #tpu.memory_space<vmem>>, vector<1x16xf32>,
      %swap3A_86 = arith.index_cast %scan3A_61 : i32 to index
      %swap3A_87 = arith.constant 80 : index
      %swap3A_88 = tpu.vector_load %arg7[%swap3A_86, %swap3A_87] {strides = array<i32>} : memref<160x128xf32, #tpu.memory_space<vmem>>, vector<1x16xf32>,
      %swap3A_89 = vector.shape_cast %swap3A_88 : vector<1x16xf32> to vector<16xf32>
      %swap3A_90 = vector.shape_cast %broadcast_in_dim3A_4 : vector<16xf32> to vector<1x16xf32>
      tpu.vector_store %arg7[%swap3A_86, %swap3A_87], %swap3A_90 {strides = array<i32>} : memref<160x128xf32, #tpu.memory_space<vmem>>, vector<1x16xf32>,
      %swap3A_91 = arith.index_cast %scan3A_61 : i32 to index
      %swap3A_92 = arith.constant 96 : index
      %swap3A_93 = tpu.vector_load %arg7[%swap3A_91, %swap3A_92] {strides = array<i32>} : memref<160x128xf32, #tpu.memory_space<vmem>>, vector<1x16xf32>,
      %swap3A_94 = vector.shape_cast %swap3A_93 : vector<1x16xf32> to vector<16xf32>
      %swap3A_95 = vector.shape_cast %broadcast_in_dim3A_4 : vector<16xf32> to vector<1x16xf32>
      tpu.vector_store %arg7[%swap3A_91, %swap3A_92], %swap3A_95 {strides = array<i32>} : memref<160x128xf32, #tpu.memory_space<vmem>>, vector<1x16xf32>,
      %swap3A_96 = arith.index_cast %scan3A_61 : i32 to index
      %swap3A_97 = arith.constant 112 : index
      %swap3A_98 = tpu.vector_load %arg7[%swap3A_96, %swap3A_97] {strides = array<i32>} : memref<160x128xf32, #tpu.memory_space<vmem>>, vector<1x16xf32>,
      %swap3A_99 = vector.shape_cast %swap3A_98 : vector<1x16xf32> to vector<16xf32>
      %swap3A_100 = vector.shape_cast %broadcast_in_dim3A_4 : vector<16xf32> to vector<1x16xf32>
      tpu.vector_store %arg7[%swap3A_96, %swap3A_97], %swap3A_100 {strides = array<i32>} : memref<160x128xf32, #tpu.memory_space<vmem>>, vector<1x16xf32>,
    }
    %scan3A_9 = arith.constant 160 : i32
    %lt3A = arith.constant 10 : i32
    %lt3A_10 = arith.cmpi slt, %arg1, %lt3A : i32
    %convert_element_type3A = arith.extui %lt3A_10 : i1 to i32
    %cond3A = arith.constant 0 : i32
    %cond3A_11 = arith.cmpi ne, %convert_element_type3A, %cond3A : i32
    scf.if %cond3A_11 {
      %add3A_61 = arith.constant 0 : i32
      %add3A_62 = arith.addi %multiple_of3A_3, %add3A_61 : i32
      "tpu.region"() ({
        %run_scoped3A = tpu.sem_alloc : memref<!tpu.dma_semaphore, #tpu.memory_space<semaphore_mem>>
        %dma_start3A_75 = arith.constant 0 : i32
        %dma_start3A_76 = tpu.memref_slice %arg9[%add3A_62, %dma_start3A_75] : memref<10000x128xf32, #tpu.memory_space<vmem_shared>> -> memref<160x128xf32, #tpu.memory_space<vmem_shared>>
        %dma_start3A_77 = arith.constant 0 : i32
        %dma_start3A_78 = tpu.memref_slice %arg9[%add3A_62, %dma_start3A_77] : memref<10000x128xf32, #tpu.memory_space<vmem_shared>> -> memref<160x128xf32, #tpu.memory_space<vmem_shared>>
        tpu.enqueue_dma source(%arg7 : memref<160x128xf32, #tpu.memory_space<vmem>>) target(%dma_start3A_78 : memref<160x128xf32, #tpu.memory_space<vmem_shared>>) target_semaphore(%run_scoped3A : memref<!tpu.dma_semaphore, #tpu.memory_space<semaphore_mem>>)
        %dma_wait3A_79 = arith.constant 0 : i32
        %dma_wait3A_80 = tpu.memref_slice %arg9[%add3A_62, %dma_wait3A_79] : memref<10000x128xf32, #tpu.memory_space<vmem_shared>> -> memref<160x128xf32, #tpu.memory_space<vmem_shared>>
        %dma_wait3A_81 = arith.constant 0 : i32
        %dma_wait3A_82 = tpu.memref_slice %arg9[%add3A_62, %dma_wait3A_81] : memref<10000x128xf32, #tpu.memory_space<vmem_shared>> -> memref<160x128xf32, #tpu.memory_space<vmem_shared>>
        tpu.wait_dma2 semaphore(%run_scoped3A : memref<!tpu.dma_semaphore, #tpu.memory_space<semaphore_mem>>) src(%arg7 : memref<160x128xf32, #tpu.memory_space<vmem>>) dst(%dma_wait3A_82 : memref<160x128xf32, #tpu.memory_space<vmem_shared>>)
        tpu.yield
      }) : () -> ()
      %add3A_63 = arith.constant 160 : i32
      %add3A_64 = arith.addi %multiple_of3A_3, %add3A_63 : i32
      "tpu.region"() ({
        %run_scoped3A = tpu.sem_alloc : memref<!tpu.dma_semaphore, #tpu.memory_space<semaphore_mem>>
        %dma_start3A_75 = arith.constant 0 : i32
        %dma_start3A_76 = tpu.memref_slice %arg9[%add3A_64, %dma_start3A_75] : memref<10000x128xf32, #tpu.memory_space<vmem_shared>> -> memref<160x128xf32, #tpu.memory_space<vmem_shared>>
        %dma_start3A_77 = arith.constant 0 : i32
        %dma_start3A_78 = tpu.memref_slice %arg9[%add3A_64, %dma_start3A_77] : memref<10000x128xf32, #tpu.memory_space<vmem_shared>> -> memref<160x128xf32, #tpu.memory_space<vmem_shared>>
        tpu.enqueue_dma source(%arg7 : memref<160x128xf32, #tpu.memory_space<vmem>>) target(%dma_start3A_78 : memref<160x128xf32, #tpu.memory_space<vmem_shared>>) target_semaphore(%run_scoped3A : memref<!tpu.dma_semaphore, #tpu.memory_space<semaphore_mem>>)
        %dma_wait3A_79 = arith.constant 0 : i32
        %dma_wait3A_80 = tpu.memref_slice %arg9[%add3A_64, %dma_wait3A_79] : memref<10000x128xf32, #tpu.memory_space<vmem_shared>> -> memref<160x128xf32, #tpu.memory_space<vmem_shared>>
        %dma_wait3A_81 = arith.constant 0 : i32
        %dma_wait3A_82 = tpu.memref_slice %arg9[%add3A_64, %dma_wait3A_81] : memref<10000x128xf32, #tpu.memory_space<vmem_shared>> -> memref<160x128xf32, #tpu.memory_space<vmem_shared>>
        tpu.wait_dma2 semaphore(%run_scoped3A : memref<!tpu.dma_semaphore, #tpu.memory_space<semaphore_mem>>) src(%arg7 : memref<160x128xf32, #tpu.memory_space<vmem>>) dst(%dma_wait3A_82 : memref<160x128xf32, #tpu.memory_space<vmem_shared>>)
        tpu.yield
      }) : () -> ()
      %add3A_65 = arith.constant 320 : i32
      %add3A_66 = arith.addi %multiple_of3A_3, %add3A_65 : i32
      "tpu.region"() ({
        %run_scoped3A = tpu.sem_alloc : memref<!tpu.dma_semaphore, #tpu.memory_space<semaphore_mem>>
        %dma_start3A_75 = arith.constant 0 : i32
        %dma_start3A_76 = tpu.memref_slice %arg9[%add3A_66, %dma_start3A_75] : memref<10000x128xf32, #tpu.memory_space<vmem_shared>> -> memref<160x128xf32, #tpu.memory_space<vmem_shared>>
        %dma_start3A_77 = arith.constant 0 : i32
        %dma_start3A_78 = tpu.memref_slice %arg9[%add3A_66, %dma_start3A_77] : memref<10000x128xf32, #tpu.memory_space<vmem_shared>> -> memref<160x128xf32, #tpu.memory_space<vmem_shared>>
        tpu.enqueue_dma source(%arg7 : memref<160x128xf32, #tpu.memory_space<vmem>>) target(%dma_start3A_78 : memref<160x128xf32, #tpu.memory_space<vmem_shared>>) target_semaphore(%run_scoped3A : memref<!tpu.dma_semaphore, #tpu.memory_space<semaphore_mem>>)
        %dma_wait3A_79 = arith.constant 0 : i32
        %dma_wait3A_80 = tpu.memref_slice %arg9[%add3A_66, %dma_wait3A_79] : memref<10000x128xf32, #tpu.memory_space<vmem_shared>> -> memref<160x128xf32, #tpu.memory_space<vmem_shared>>
        %dma_wait3A_81 = arith.constant 0 : i32
        %dma_wait3A_82 = tpu.memref_slice %arg9[%add3A_66, %dma_wait3A_81] : memref<10000x128xf32, #tpu.memory_space<vmem_shared>> -> memref<160x128xf32, #tpu.memory_space<vmem_shared>>
        tpu.wait_dma2 semaphore(%run_scoped3A : memref<!tpu.dma_semaphore, #tpu.memory_space<semaphore_mem>>) src(%arg7 : memref<160x128xf32, #tpu.memory_space<vmem>>) dst(%dma_wait3A_82 : memref<160x128xf32, #tpu.memory_space<vmem_shared>>)
        tpu.yield
      }) : () -> ()
      %add3A_67 = arith.constant 480 : i32
      %add3A_68 = arith.addi %multiple_of3A_3, %add3A_67 : i32
      "tpu.region"() ({
        %run_scoped3A = tpu.sem_alloc : memref<!tpu.dma_semaphore, #tpu.memory_space<semaphore_mem>>
        %dma_start3A_75 = arith.constant 0 : i32
        %dma_start3A_76 = tpu.memref_slice %arg9[%add3A_68, %dma_start3A_75] : memref<10000x128xf32, #tpu.memory_space<vmem_shared>> -> memref<160x128xf32, #tpu.memory_space<vmem_shared>>
        %dma_start3A_77 = arith.constant 0 : i32
        %dma_start3A_78 = tpu.memref_slice %arg9[%add3A_68, %dma_start3A_77] : memref<10000x128xf32, #tpu.memory_space<vmem_shared>> -> memref<160x128xf32, #tpu.memory_space<vmem_shared>>
        tpu.enqueue_dma source(%arg7 : memref<160x128xf32, #tpu.memory_space<vmem>>) target(%dma_start3A_78 : memref<160x128xf32, #tpu.memory_space<vmem_shared>>) target_semaphore(%run_scoped3A : memref<!tpu.dma_semaphore, #tpu.memory_space<semaphore_mem>>)
        %dma_wait3A_79 = arith.constant 0 : i32
        %dma_wait3A_80 = tpu.memref_slice %arg9[%add3A_68, %dma_wait3A_79] : memref<10000x128xf32, #tpu.memory_space<vmem_shared>> -> memref<160x128xf32, #tpu.memory_space<vmem_shared>>
        %dma_wait3A_81 = arith.constant 0 : i32
        %dma_wait3A_82 = tpu.memref_slice %arg9[%add3A_68, %dma_wait3A_81] : memref<10000x128xf32, #tpu.memory_space<vmem_shared>> -> memref<160x128xf32, #tpu.memory_space<vmem_shared>>
        tpu.wait_dma2 semaphore(%run_scoped3A : memref<!tpu.dma_semaphore, #tpu.memory_space<semaphore_mem>>) src(%arg7 : memref<160x128xf32, #tpu.memory_space<vmem>>) dst(%dma_wait3A_82 : memref<160x128xf32, #tpu.memory_space<vmem_shared>>)
        tpu.yield
      }) : () -> ()
      %add3A_69 = arith.constant 640 : i32
      %add3A_70 = arith.addi %multiple_of3A_3, %add3A_69 : i32
      "tpu.region"() ({
        %run_scoped3A = tpu.sem_alloc : memref<!tpu.dma_semaphore, #tpu.memory_space<semaphore_mem>>
        %dma_start3A_75 = arith.constant 0 : i32
        %dma_start3A_76 = tpu.memref_slice %arg9[%add3A_70, %dma_start3A_75] : memref<10000x128xf32, #tpu.memory_space<vmem_shared>> -> memref<160x128xf32, #tpu.memory_space<vmem_shared>>
        %dma_start3A_77 = arith.constant 0 : i32
        %dma_start3A_78 = tpu.memref_slice %arg9[%add3A_70, %dma_start3A_77] : memref<10000x128xf32, #tpu.memory_space<vmem_shared>> -> memref<160x128xf32, #tpu.memory_space<vmem_shared>>
        tpu.enqueue_dma source(%arg7 : memref<160x128xf32, #tpu.memory_space<vmem>>) target(%dma_start3A_78 : memref<160x128xf32, #tpu.memory_space<vmem_shared>>) target_semaphore(%run_scoped3A : memref<!tpu.dma_semaphore, #tpu.memory_space<semaphore_mem>>)
        %dma_wait3A_79 = arith.constant 0 : i32
        %dma_wait3A_80 = tpu.memref_slice %arg9[%add3A_70, %dma_wait3A_79] : memref<10000x128xf32, #tpu.memory_space<vmem_shared>> -> memref<160x128xf32, #tpu.memory_space<vmem_shared>>
        %dma_wait3A_81 = arith.constant 0 : i32
        %dma_wait3A_82 = tpu.memref_slice %arg9[%add3A_70, %dma_wait3A_81] : memref<10000x128xf32, #tpu.memory_space<vmem_shared>> -> memref<160x128xf32, #tpu.memory_space<vmem_shared>>
        tpu.wait_dma2 semaphore(%run_scoped3A : memref<!tpu.dma_semaphore, #tpu.memory_space<semaphore_mem>>) src(%arg7 : memref<160x128xf32, #tpu.memory_space<vmem>>) dst(%dma_wait3A_82 : memref<160x128xf32, #tpu.memory_space<vmem_shared>>)
        tpu.yield
      }) : () -> ()
      %add3A_71 = arith.constant 800 : i32
      %add3A_72 = arith.addi %multiple_of3A_3, %add3A_71 : i32
      "tpu.region"() ({
        %run_scoped3A = tpu.sem_alloc : memref<!tpu.dma_semaphore, #tpu.memory_space<semaphore_mem>>
        %dma_start3A_75 = arith.constant 0 : i32
        %dma_start3A_76 = tpu.memref_slice %arg9[%add3A_72, %dma_start3A_75] : memref<10000x128xf32, #tpu.memory_space<vmem_shared>> -> memref<160x128xf32, #tpu.memory_space<vmem_shared>>
        %dma_start3A_77 = arith.constant 0 : i32
        %dma_start3A_78 = tpu.memref_slice %arg9[%add3A_72, %dma_start3A_77] : memref<10000x128xf32, #tpu.memory_space<vmem_shared>> -> memref<160x128xf32, #tpu.memory_space<vmem_shared>>
        tpu.enqueue_dma source(%arg7 : memref<160x128xf32, #tpu.memory_space<vmem>>) target(%dma_start3A_78 : memref<160x128xf32, #tpu.memory_space<vmem_shared>>) target_semaphore(%run_scoped3A : memref<!tpu.dma_semaphore, #tpu.memory_space<semaphore_mem>>)
        %dma_wait3A_79 = arith.constant 0 : i32
        %dma_wait3A_80 = tpu.memref_slice %arg9[%add3A_72, %dma_wait3A_79] : memref<10000x128xf32, #tpu.memory_space<vmem_shared>> -> memref<160x128xf32, #tpu.memory_space<vmem_shared>>
        %dma_wait3A_81 = arith.constant 0 : i32
        %dma_wait3A_82 = tpu.memref_slice %arg9[%add3A_72, %dma_wait3A_81] : memref<10000x128xf32, #tpu.memory_space<vmem_shared>> -> memref<160x128xf32, #tpu.memory_space<vmem_shared>>
        tpu.wait_dma2 semaphore(%run_scoped3A : memref<!tpu.dma_semaphore, #tpu.memory_space<semaphore_mem>>) src(%arg7 : memref<160x128xf32, #tpu.memory_space<vmem>>) dst(%dma_wait3A_82 : memref<160x128xf32, #tpu.memory_space<vmem_shared>>)
        tpu.yield
      }) : () -> ()
      %add3A_73 = arith.constant 960 : i32
      %add3A_74 = arith.addi %multiple_of3A_3, %add3A_73 : i32
      "tpu.region"() ({
        %run_scoped3A = tpu.sem_alloc : memref<!tpu.dma_semaphore, #tpu.memory_space<semaphore_mem>>
        %dma_start3A_75 = arith.constant 0 : i32
        %dma_start3A_76 = arith.constant 0 : i32
        %dma_start3A_77 = tpu.memref_slice %arg7[%dma_start3A_75, %dma_start3A_76] : memref<160x128xf32, #tpu.memory_space<vmem>> -> memref<40x128xf32, #tpu.memory_space<vmem>>
        %dma_start3A_78 = arith.constant 0 : i32
        %dma_start3A_79 = tpu.memref_slice %arg9[%add3A_74, %dma_start3A_78] : memref<10000x128xf32, #tpu.memory_space<vmem_shared>> -> memref<40x128xf32, #tpu.memory_space<vmem_shared>>
        %dma_start3A_80 = arith.constant 0 : i32
        %dma_start3A_81 = tpu.memref_slice %arg9[%add3A_74, %dma_start3A_80] : memref<10000x128xf32, #tpu.memory_space<vmem_shared>> -> memref<40x128xf32, #tpu.memory_space<vmem_shared>>
        %dma_start3A_82 = arith.constant 0 : i32
        %dma_start3A_83 = arith.constant 0 : i32
        %dma_start3A_84 = tpu.memref_slice %arg7[%dma_start3A_82, %dma_start3A_83] : memref<160x128xf32, #tpu.memory_space<vmem>> -> memref<40x128xf32, #tpu.memory_space<vmem>>
        tpu.enqueue_dma source(%dma_start3A_84 : memref<40x128xf32, #tpu.memory_space<vmem>>) target(%dma_start3A_81 : memref<40x128xf32, #tpu.memory_space<vmem_shared>>) target_semaphore(%run_scoped3A : memref<!tpu.dma_semaphore, #tpu.memory_space<semaphore_mem>>)
        %dma_wait3A_85 = arith.constant 0 : i32
        %dma_wait3A_86 = arith.constant 0 : i32
        %dma_wait3A_87 = tpu.memref_slice %arg7[%dma_wait3A_85, %dma_wait3A_86] : memref<160x128xf32, #tpu.memory_space<vmem>> -> memref<40x128xf32, #tpu.memory_space<vmem>>
        %dma_wait3A_88 = arith.constant 0 : i32
        %dma_wait3A_89 = tpu.memref_slice %arg9[%add3A_74, %dma_wait3A_88] : memref<10000x128xf32, #tpu.memory_space<vmem_shared>> -> memref<40x128xf32, #tpu.memory_space<vmem_shared>>
        %dma_wait3A_90 = arith.constant 0 : i32
        %dma_wait3A_91 = tpu.memref_slice %arg9[%add3A_74, %dma_wait3A_90] : memref<10000x128xf32, #tpu.memory_space<vmem_shared>> -> memref<40x128xf32, #tpu.memory_space<vmem_shared>>
        %dma_wait3A_92 = arith.constant 0 : i32
        %dma_wait3A_93 = arith.constant 0 : i32
        %dma_wait3A_94 = tpu.memref_slice %arg7[%dma_wait3A_92, %dma_wait3A_93] : memref<160x128xf32, #tpu.memory_space<vmem>> -> memref<40x128xf32, #tpu.memory_space<vmem>>
        tpu.wait_dma2 semaphore(%run_scoped3A : memref<!tpu.dma_semaphore, #tpu.memory_space<semaphore_mem>>) src(%dma_wait3A_94 : memref<40x128xf32, #tpu.memory_space<vmem>>) dst(%dma_wait3A_91 : memref<40x128xf32, #tpu.memory_space<vmem_shared>>)
        tpu.yield
      }) : () -> ()
    } else {
    }
    %barrier3A = arith.constant 0 : index
    tpu.barrier barrier_id(%barrier3A)
    %mul3A_12 = arith.constant 3200 : i32
    %mul3A_13 = arith.muli %arg1, %mul3A_12 : i32
    %add3A = arith.constant 0 : i32
    %add3A_14 = arith.addi %mul3A_13, %add3A : i32
    %multiple_of3A_15 = tpu.assume_multiple %add3A_14, 8 : i32
    "tpu.region"() ({
      %run_scoped3A = tpu.sem_alloc : memref<!tpu.dma_semaphore, #tpu.memory_space<semaphore_mem>>
      %dma_start3A_61 = tpu.memref_slice %arg3[%multiple_of3A_15] : memref<51200xi32, #tpu.memory_space<hbm>> -> memref<160xi32, #tpu.memory_space<hbm>>
      %dma_start3A_62 = tpu.memref_slice %arg3[%multiple_of3A_15] : memref<51200xi32, #tpu.memory_space<hbm>> -> memref<160xi32, #tpu.memory_space<hbm>>
      tpu.enqueue_dma source(%dma_start3A_62 : memref<160xi32, #tpu.memory_space<hbm>>) target(%arg5 : memref<160xi32, #tpu.memory_space<vmem>>) target_semaphore(%run_scoped3A : memref<!tpu.dma_semaphore, #tpu.memory_space<semaphore_mem>>)
      %dma_wait3A_63 = tpu.memref_slice %arg3[%multiple_of3A_15] : memref<51200xi32, #tpu.memory_space<hbm>> -> memref<160xi32, #tpu.memory_space<hbm>>
      %dma_wait3A_64 = tpu.memref_slice %arg3[%multiple_of3A_15] : memref<51200xi32, #tpu.memory_space<hbm>> -> memref<160xi32, #tpu.memory_space<hbm>>
      tpu.wait_dma2 semaphore(%run_scoped3A : memref<!tpu.dma_semaphore, #tpu.memory_space<semaphore_mem>>) src(%dma_wait3A_64 : memref<160xi32, #tpu.memory_space<hbm>>) dst(%arg5 : memref<160xi32, #tpu.memory_space<vmem>>)
      tpu.yield
    }) : () -> ()
    %add3A_16 = arith.constant 0 : i32
    %add3A_17 = arith.addi %mul3A_13, %add3A_16 : i32
    %multiple_of3A_18 = tpu.assume_multiple %add3A_17, 8 : i32
    %dma_start3A = tpu.memref_slice %arg2[%multiple_of3A_18, %multiple_of3A] : memref<51200x256xf32, #tpu.memory_space<hbm>> -> memref<160x128xf32, #tpu.memory_space<hbm>>
    %dma_start3A_19 = tpu.memref_slice %arg2[%multiple_of3A_18, %multiple_of3A] : memref<51200x256xf32, #tpu.memory_space<hbm>> -> memref<160x128xf32, #tpu.memory_space<hbm>>
    tpu.enqueue_dma source(%dma_start3A_19 : memref<160x128xf32, #tpu.memory_space<hbm>>) target(%arg7 : memref<160x128xf32, #tpu.memory_space<vmem>>) target_semaphore(%arg10 : memref<!tpu.dma_semaphore, #tpu.memory_space<semaphore_mem>>)
    %add3A_20 = arith.constant 160 : i32
    %add3A_21 = arith.addi %mul3A_13, %add3A_20 : i32
    %multiple_of3A_22 = tpu.assume_multiple %add3A_21, 8 : i32
    "tpu.region"() ({
      %run_scoped3A = tpu.sem_alloc : memref<!tpu.dma_semaphore, #tpu.memory_space<semaphore_mem>>
      %dma_start3A_61 = tpu.memref_slice %arg3[%multiple_of3A_22] : memref<51200xi32, #tpu.memory_space<hbm>> -> memref<160xi32, #tpu.memory_space<hbm>>
      %dma_start3A_62 = tpu.memref_slice %arg3[%multiple_of3A_22] : memref<51200xi32, #tpu.memory_space<hbm>> -> memref<160xi32, #tpu.memory_space<hbm>>
      tpu.enqueue_dma source(%dma_start3A_62 : memref<160xi32, #tpu.memory_space<hbm>>) target(%arg6 : memref<160xi32, #tpu.memory_space<vmem>>) target_semaphore(%run_scoped3A : memref<!tpu.dma_semaphore, #tpu.memory_space<semaphore_mem>>)
      %dma_wait3A_63 = tpu.memref_slice %arg3[%multiple_of3A_22] : memref<51200xi32, #tpu.memory_space<hbm>> -> memref<160xi32, #tpu.memory_space<hbm>>
      %dma_wait3A_64 = tpu.memref_slice %arg3[%multiple_of3A_22] : memref<51200xi32, #tpu.memory_space<hbm>> -> memref<160xi32, #tpu.memory_space<hbm>>
      tpu.wait_dma2 semaphore(%run_scoped3A : memref<!tpu.dma_semaphore, #tpu.memory_space<semaphore_mem>>) src(%dma_wait3A_64 : memref<160xi32, #tpu.memory_space<hbm>>) dst(%arg6 : memref<160xi32, #tpu.memory_space<vmem>>)
      tpu.yield
    }) : () -> ()
    %add3A_23 = arith.constant 160 : i32
    %add3A_24 = arith.addi %mul3A_13, %add3A_23 : i32
    %multiple_of3A_25 = tpu.assume_multiple %add3A_24, 8 : i32
    %dma_start3A_26 = tpu.memref_slice %arg2[%multiple_of3A_25, %multiple_of3A] : memref<51200x256xf32, #tpu.memory_space<hbm>> -> memref<160x128xf32, #tpu.memory_space<hbm>>
    %dma_start3A_27 = tpu.memref_slice %arg2[%multiple_of3A_25, %multiple_of3A] : memref<51200x256xf32, #tpu.memory_space<hbm>> -> memref<160x128xf32, #tpu.memory_space<hbm>>
    tpu.enqueue_dma source(%dma_start3A_27 : memref<160x128xf32, #tpu.memory_space<hbm>>) target(%arg8 : memref<160x128xf32, #tpu.memory_space<vmem>>) target_semaphore(%arg11 : memref<!tpu.dma_semaphore, #tpu.memory_space<semaphore_mem>>)
    %scan3A_28 = arith.constant 0 : i32
    %scan3A_29 = arith.constant 0 : i32
    %scan3A_30 = arith.constant 9 : i32
    %scan3A_31 = arith.addi %scan3A_29, %scan3A_30 : i32
    %scan3A_32 = arith.constant 1 : i32
    scf.for %scan3A_61 = %scan3A_29 to %scan3A_31 step %scan3A_32  : i32 {
      %mul3A_62 = arith.constant 2 : i32
      %mul3A_63 = arith.muli %mul3A_62, %scan3A_61 : i32
      %add3A_64 = arith.constant 1 : i32
      %add3A_65 = arith.addi %mul3A_63, %add3A_64 : i32
      %mul3A_66 = arith.constant 160 : i32
      %mul3A_67 = arith.muli %mul3A_63, %mul3A_66 : i32
      %add3A_68 = arith.addi %mul3A_13, %mul3A_67 : i32
      %multiple_of3A_69 = tpu.assume_multiple %add3A_68, 8 : i32
      %dma_wait3A_70 = tpu.memref_slice %arg2[%multiple_of3A_69, %multiple_of3A] : memref<51200x256xf32, #tpu.memory_space<hbm>> -> memref<160x128xf32, #tpu.memory_space<hbm>>
      %dma_wait3A_71 = tpu.memref_slice %arg2[%multiple_of3A_69, %multiple_of3A] : memref<51200x256xf32, #tpu.memory_space<hbm>> -> memref<160x128xf32, #tpu.memory_space<hbm>>
      tpu.wait_dma2 semaphore(%arg10 : memref<!tpu.dma_semaphore, #tpu.memory_space<semaphore_mem>>) src(%dma_wait3A_71 : memref<160x128xf32, #tpu.memory_space<hbm>>) dst(%arg7 : memref<160x128xf32, #tpu.memory_space<vmem>>)
      %dma_start3A_72 = arith.constant 0 : i32
      %dma_start3A_73 = arith.constant 0 : i32
      %dma_start3A_74 = tpu.memref_slice %arg9[%dma_start3A_72, %dma_start3A_73] : memref<10000x128xf32, #tpu.memory_space<vmem_shared>> -> memref<10000x128xf32, #tpu.memory_space<vmem_shared>>
      tpu.enqueue_indirect_dma source(%arg7 : memref<160x128xf32, #tpu.memory_space<vmem>>) target(%dma_start3A_74 : memref<10000x128xf32, #tpu.memory_space<vmem_shared>>) offsets(%arg5 : memref<160xi32, #tpu.memory_space<vmem>>) semaphore(%arg12 : memref<!tpu.dma_semaphore, #tpu.memory_space<semaphore_mem>>) {add = true}
      %mul3A_75 = arith.constant 160 : i32
      %mul3A_76 = arith.muli %add3A_65, %mul3A_75 : i32
      %add3A_77 = arith.addi %mul3A_13, %mul3A_76 : i32
      %multiple_of3A_78 = tpu.assume_multiple %add3A_77, 8 : i32
      %dma_wait3A_79 = tpu.memref_slice %arg2[%multiple_of3A_78, %multiple_of3A] : memref<51200x256xf32, #tpu.memory_space<hbm>> -> memref<160x128xf32, #tpu.memory_space<hbm>>
      %dma_wait3A_80 = tpu.memref_slice %arg2[%multiple_of3A_78, %multiple_of3A] : memref<51200x256xf32, #tpu.memory_space<hbm>> -> memref<160x128xf32, #tpu.memory_space<hbm>>
      tpu.wait_dma2 semaphore(%arg11 : memref<!tpu.dma_semaphore, #tpu.memory_space<semaphore_mem>>) src(%dma_wait3A_80 : memref<160x128xf32, #tpu.memory_space<hbm>>) dst(%arg8 : memref<160x128xf32, #tpu.memory_space<vmem>>)
      %dma_start3A_81 = arith.constant 0 : i32
      %dma_start3A_82 = arith.constant 0 : i32
      %dma_start3A_83 = tpu.memref_slice %arg9[%dma_start3A_81, %dma_start3A_82] : memref<10000x128xf32, #tpu.memory_space<vmem_shared>> -> memref<10000x128xf32, #tpu.memory_space<vmem_shared>>
      tpu.enqueue_indirect_dma source(%arg8 : memref<160x128xf32, #tpu.memory_space<vmem>>) target(%dma_start3A_83 : memref<10000x128xf32, #tpu.memory_space<vmem_shared>>) offsets(%arg6 : memref<160xi32, #tpu.memory_space<vmem>>) semaphore(%arg13 : memref<!tpu.dma_semaphore, #tpu.memory_space<semaphore_mem>>) {add = true}
      %dma_wait3A_84 = arith.constant 0 : i32
      %dma_wait3A_85 = arith.constant 0 : i32
      %dma_wait3A_86 = tpu.memref_slice %arg9[%dma_wait3A_84, %dma_wait3A_85] : memref<10000x128xf32, #tpu.memory_space<vmem_shared>> -> memref<10000x128xf32, #tpu.memory_space<vmem_shared>>
      tpu.wait_indirect_dma semaphore(%arg12 : memref<!tpu.dma_semaphore, #tpu.memory_space<semaphore_mem>>) src(%arg7 : memref<160x128xf32, #tpu.memory_space<vmem>>) dst(%dma_wait3A_86 : memref<10000x128xf32, #tpu.memory_space<vmem_shared>>)
      %add3A_87 = arith.constant 2 : i32
      %add3A_88 = arith.addi %mul3A_63, %add3A_87 : i32
      %mul3A_89 = arith.constant 160 : i32
      %mul3A_90 = arith.muli %add3A_88, %mul3A_89 : i32
      %add3A_91 = arith.addi %mul3A_13, %mul3A_90 : i32
      %multiple_of3A_92 = tpu.assume_multiple %add3A_91, 8 : i32
      "tpu.region"() ({
        %run_scoped3A = tpu.sem_alloc : memref<!tpu.dma_semaphore, #tpu.memory_space<semaphore_mem>>
        %dma_start3A_114 = tpu.memref_slice %arg3[%multiple_of3A_92] : memref<51200xi32, #tpu.memory_space<hbm>> -> memref<160xi32, #tpu.memory_space<hbm>>
        %dma_start3A_115 = tpu.memref_slice %arg3[%multiple_of3A_92] : memref<51200xi32, #tpu.memory_space<hbm>> -> memref<160xi32, #tpu.memory_space<hbm>>
        tpu.enqueue_dma source(%dma_start3A_115 : memref<160xi32, #tpu.memory_space<hbm>>) target(%arg5 : memref<160xi32, #tpu.memory_space<vmem>>) target_semaphore(%run_scoped3A : memref<!tpu.dma_semaphore, #tpu.memory_space<semaphore_mem>>)
        %dma_wait3A_116 = tpu.memref_slice %arg3[%multiple_of3A_92] : memref<51200xi32, #tpu.memory_space<hbm>> -> memref<160xi32, #tpu.memory_space<hbm>>
        %dma_wait3A_117 = tpu.memref_slice %arg3[%multiple_of3A_92] : memref<51200xi32, #tpu.memory_space<hbm>> -> memref<160xi32, #tpu.memory_space<hbm>>
        tpu.wait_dma2 semaphore(%run_scoped3A : memref<!tpu.dma_semaphore, #tpu.memory_space<semaphore_mem>>) src(%dma_wait3A_117 : memref<160xi32, #tpu.memory_space<hbm>>) dst(%arg5 : memref<160xi32, #tpu.memory_space<vmem>>)
        tpu.yield
      }) : () -> ()
      %mul3A_93 = arith.constant 160 : i32
      %mul3A_94 = arith.muli %add3A_88, %mul3A_93 : i32
      %add3A_95 = arith.addi %mul3A_13, %mul3A_94 : i32
      %multiple_of3A_96 = tpu.assume_multiple %add3A_95, 8 : i32
      %dma_start3A_97 = tpu.memref_slice %arg2[%multiple_of3A_96, %multiple_of3A] : memref<51200x256xf32, #tpu.memory_space<hbm>> -> memref<160x128xf32, #tpu.memory_space<hbm>>
      %dma_start3A_98 = tpu.memref_slice %arg2[%multiple_of3A_96, %multiple_of3A] : memref<51200x256xf32, #tpu.memory_space<hbm>> -> memref<160x128xf32, #tpu.memory_space<hbm>>
      tpu.enqueue_dma source(%dma_start3A_98 : memref<160x128xf32, #tpu.memory_space<hbm>>) target(%arg7 : memref<160x128xf32, #tpu.memory_space<vmem>>) target_semaphore(%arg10 : memref<!tpu.dma_semaphore, #tpu.memory_space<semaphore_mem>>)
      %dma_wait3A_99 = arith.constant 0 : i32
      %dma_wait3A_100 = arith.constant 0 : i32
      %dma_wait3A_101 = tpu.memref_slice %arg9[%dma_wait3A_99, %dma_wait3A_100] : memref<10000x128xf32, #tpu.memory_space<vmem_shared>> -> memref<10000x128xf32, #tpu.memory_space<vmem_shared>>
      tpu.wait_indirect_dma semaphore(%arg13 : memref<!tpu.dma_semaphore, #tpu.memory_space<semaphore_mem>>) src(%arg8 : memref<160x128xf32, #tpu.memory_space<vmem>>) dst(%dma_wait3A_101 : memref<10000x128xf32, #tpu.memory_space<vmem_shared>>)
      %add3A_102 = arith.constant 2 : i32
      %add3A_103 = arith.addi %add3A_65, %add3A_102 : i32
      %mul3A_104 = arith.constant 160 : i32
      %mul3A_105 = arith.muli %add3A_103, %mul3A_104 : i32
      %add3A_106 = arith.addi %mul3A_13, %mul3A_105 : i32
      %multiple_of3A_107 = tpu.assume_multiple %add3A_106, 8 : i32
      "tpu.region"() ({
        %run_scoped3A = tpu.sem_alloc : memref<!tpu.dma_semaphore, #tpu.memory_space<semaphore_mem>>
        %dma_start3A_114 = tpu.memref_slice %arg3[%multiple_of3A_107] : memref<51200xi32, #tpu.memory_space<hbm>> -> memref<160xi32, #tpu.memory_space<hbm>>
        %dma_start3A_115 = tpu.memref_slice %arg3[%multiple_of3A_107] : memref<51200xi32, #tpu.memory_space<hbm>> -> memref<160xi32, #tpu.memory_space<hbm>>
        tpu.enqueue_dma source(%dma_start3A_115 : memref<160xi32, #tpu.memory_space<hbm>>) target(%arg6 : memref<160xi32, #tpu.memory_space<vmem>>) target_semaphore(%run_scoped3A : memref<!tpu.dma_semaphore, #tpu.memory_space<semaphore_mem>>)
        %dma_wait3A_116 = tpu.memref_slice %arg3[%multiple_of3A_107] : memref<51200xi32, #tpu.memory_space<hbm>> -> memref<160xi32, #tpu.memory_space<hbm>>
        %dma_wait3A_117 = tpu.memref_slice %arg3[%multiple_of3A_107] : memref<51200xi32, #tpu.memory_space<hbm>> -> memref<160xi32, #tpu.memory_space<hbm>>
        tpu.wait_dma2 semaphore(%run_scoped3A : memref<!tpu.dma_semaphore, #tpu.memory_space<semaphore_mem>>) src(%dma_wait3A_117 : memref<160xi32, #tpu.memory_space<hbm>>) dst(%arg6 : memref<160xi32, #tpu.memory_space<vmem>>)
        tpu.yield
      }) : () -> ()
      %mul3A_108 = arith.constant 160 : i32
      %mul3A_109 = arith.muli %add3A_103, %mul3A_108 : i32
      %add3A_110 = arith.addi %mul3A_13, %mul3A_109 : i32
      %multiple_of3A_111 = tpu.assume_multiple %add3A_110, 8 : i32
      %dma_start3A_112 = tpu.memref_slice %arg2[%multiple_of3A_111, %multiple_of3A] : memref<51200x256xf32, #tpu.memory_space<hbm>> -> memref<160x128xf32, #tpu.memory_space<hbm>>
      %dma_start3A_113 = tpu.memref_slice %arg2[%multiple_of3A_111, %multiple_of3A] : memref<51200x256xf32, #tpu.memory_space<hbm>> -> memref<160x128xf32, #tpu.memory_space<hbm>>
      tpu.enqueue_dma source(%dma_start3A_113 : memref<160x128xf32, #tpu.memory_space<hbm>>) target(%arg8 : memref<160x128xf32, #tpu.memory_space<vmem>>) target_semaphore(%arg11 : memref<!tpu.dma_semaphore, #tpu.memory_space<semaphore_mem>>)
    }
    %scan3A_33 = arith.constant 9 : i32
    %add3A_34 = arith.constant 2880 : i32
    %add3A_35 = arith.addi %mul3A_13, %add3A_34 : i32
    %multiple_of3A_36 = tpu.assume_multiple %add3A_35, 8 : i32
    %dma_wait3A = tpu.memref_slice %arg2[%multiple_of3A_36, %multiple_of3A] : memref<51200x256xf32, #tpu.memory_space<hbm>> -> memref<160x128xf32, #tpu.memory_space<hbm>>
    %dma_wait3A_37 = tpu.memref_slice %arg2[%multiple_of3A_36, %multiple_of3A] : memref<51200x256xf32, #tpu.memory_space<hbm>> -> memref<160x128xf32, #tpu.memory_space<hbm>>
    tpu.wait_dma2 semaphore(%arg10 : memref<!tpu.dma_semaphore, #tpu.memory_space<semaphore_mem>>) src(%dma_wait3A_37 : memref<160x128xf32, #tpu.memory_space<hbm>>) dst(%arg7 : memref<160x128xf32, #tpu.memory_space<vmem>>)
    %dma_start3A_38 = arith.constant 0 : i32
    %dma_start3A_39 = arith.constant 0 : i32
    %dma_start3A_40 = tpu.memref_slice %arg9[%dma_start3A_38, %dma_start3A_39] : memref<10000x128xf32, #tpu.memory_space<vmem_shared>> -> memref<10000x128xf32, #tpu.memory_space<vmem_shared>>
    tpu.enqueue_indirect_dma source(%arg7 : memref<160x128xf32, #tpu.memory_space<vmem>>) target(%dma_start3A_40 : memref<10000x128xf32, #tpu.memory_space<vmem_shared>>) offsets(%arg5 : memref<160xi32, #tpu.memory_space<vmem>>) semaphore(%arg12 : memref<!tpu.dma_semaphore, #tpu.memory_space<semaphore_mem>>) {add = true}
    %add3A_41 = arith.constant 3040 : i32
    %add3A_42 = arith.addi %mul3A_13, %add3A_41 : i32
    %multiple_of3A_43 = tpu.assume_multiple %add3A_42, 8 : i32
    %dma_wait3A_44 = tpu.memref_slice %arg2[%multiple_of3A_43, %multiple_of3A] : memref<51200x256xf32, #tpu.memory_space<hbm>> -> memref<160x128xf32, #tpu.memory_space<hbm>>
    %dma_wait3A_45 = tpu.memref_slice %arg2[%multiple_of3A_43, %multiple_of3A] : memref<51200x256xf32, #tpu.memory_space<hbm>> -> memref<160x128xf32, #tpu.memory_space<hbm>>
    tpu.wait_dma2 semaphore(%arg11 : memref<!tpu.dma_semaphore, #tpu.memory_space<semaphore_mem>>) src(%dma_wait3A_45 : memref<160x128xf32, #tpu.memory_space<hbm>>) dst(%arg8 : memref<160x128xf32, #tpu.memory_space<vmem>>)
    %dma_start3A_46 = arith.constant 0 : i32
    %dma_start3A_47 = arith.constant 0 : i32
    %dma_start3A_48 = tpu.memref_slice %arg9[%dma_start3A_46, %dma_start3A_47] : memref<10000x128xf32, #tpu.memory_space<vmem_shared>> -> memref<10000x128xf32, #tpu.memory_space<vmem_shared>>
    tpu.enqueue_indirect_dma source(%arg8 : memref<160x128xf32, #tpu.memory_space<vmem>>) target(%dma_start3A_48 : memref<10000x128xf32, #tpu.memory_space<vmem_shared>>) offsets(%arg6 : memref<160xi32, #tpu.memory_space<vmem>>) semaphore(%arg13 : memref<!tpu.dma_semaphore, #tpu.memory_space<semaphore_mem>>) {add = true}
    %dma_wait3A_49 = arith.constant 0 : i32
    %dma_wait3A_50 = arith.constant 0 : i32
    %dma_wait3A_51 = tpu.memref_slice %arg9[%dma_wait3A_49, %dma_wait3A_50] : memref<10000x128xf32, #tpu.memory_space<vmem_shared>> -> memref<10000x128xf32, #tpu.memory_space<vmem_shared>>
    tpu.wait_indirect_dma semaphore(%arg12 : memref<!tpu.dma_semaphore, #tpu.memory_space<semaphore_mem>>) src(%arg7 : memref<160x128xf32, #tpu.memory_space<vmem>>) dst(%dma_wait3A_51 : memref<10000x128xf32, #tpu.memory_space<vmem_shared>>)
    %dma_wait3A_52 = arith.constant 0 : i32
    %dma_wait3A_53 = arith.constant 0 : i32
    %dma_wait3A_54 = tpu.memref_slice %arg9[%dma_wait3A_52, %dma_wait3A_53] : memref<10000x128xf32, #tpu.memory_space<vmem_shared>> -> memref<10000x128xf32, #tpu.memory_space<vmem_shared>>
    tpu.wait_indirect_dma semaphore(%arg13 : memref<!tpu.dma_semaphore, #tpu.memory_space<semaphore_mem>>) src(%arg8 : memref<160x128xf32, #tpu.memory_space<vmem>>) dst(%dma_wait3A_54 : memref<10000x128xf32, #tpu.memory_space<vmem_shared>>)
    %barrier3A_55 = arith.constant 0 : index
    tpu.barrier barrier_id(%barrier3A_55)
    %lt3A_56 = arith.constant 10 : i32
    %lt3A_57 = arith.cmpi slt, %arg1, %lt3A_56 : i32
    %convert_element_type3A_58 = arith.extui %lt3A_57 : i1 to i32
    %cond3A_59 = arith.constant 0 : i32
    %cond3A_60 = arith.cmpi ne, %convert_element_type3A_58, %cond3A_59 : i32
    scf.if %cond3A_60 {
      "tpu.region"() ({
        %run_scoped3A = tpu.sem_alloc : memref<!tpu.dma_semaphore, #tpu.memory_space<semaphore_mem>>
        %dma_start3A_61 = tpu.memref_slice %arg4[%multiple_of3A_3, %multiple_of3A] : memref<10000x256xf32, #tpu.memory_space<hbm>> -> memref<1000x128xf32, #tpu.memory_space<hbm>>
        %dma_start3A_62 = arith.constant 0 : i32
        %dma_start3A_63 = tpu.memref_slice %arg9[%multiple_of3A_3, %dma_start3A_62] : memref<10000x128xf32, #tpu.memory_space<vmem_shared>> -> memref<1000x128xf32, #tpu.memory_space<vmem_shared>>
        tpu.enqueue_dma source(%dma_start3A_63 : memref<1000x128xf32, #tpu.memory_space<vmem_shared>>) target(%dma_start3A_61 : memref<1000x128xf32, #tpu.memory_space<hbm>>) target_semaphore(%run_scoped3A : memref<!tpu.dma_semaphore, #tpu.memory_space<semaphore_mem>>)
        %dma_wait3A_64 = tpu.memref_slice %arg4[%multiple_of3A_3, %multiple_of3A] : memref<10000x256xf32, #tpu.memory_space<hbm>> -> memref<1000x128xf32, #tpu.memory_space<hbm>>
        %dma_wait3A_65 = arith.constant 0 : i32
        %dma_wait3A_66 = tpu.memref_slice %arg9[%multiple_of3A_3, %dma_wait3A_65] : memref<10000x128xf32, #tpu.memory_space<vmem_shared>> -> memref<1000x128xf32, #tpu.memory_space<vmem_shared>>
        tpu.wait_dma2 semaphore(%run_scoped3A : memref<!tpu.dma_semaphore, #tpu.memory_space<semaphore_mem>>) src(%dma_wait3A_66 : memref<1000x128xf32, #tpu.memory_space<vmem_shared>>) dst(%dma_wait3A_64 : memref<1000x128xf32, #tpu.memory_space<hbm>>)
        tpu.yield
      }) : () -> ()
    } else {
    }
    return
  }
}

#map = affine_map<(d0, d1) -> (0, 0)>
#map1 = affine_map<(d0, d1) -> (0)>
module attributes {stable_mosaic.version = 14 : i64} {
  func.func @k(%arg0: i32, %arg1: i32, %arg2: memref<57600x256xf32, #tpu.memory_space<hbm>>, %arg3: memref<57600xi32, #tpu.memory_space<hbm>>, %arg4: memref<10000x256xf32, #tpu.memory_space<hbm>>, %arg5: memref<144xi32, #tpu.memory_space<vmem>>, %arg6: memref<144xi32, #tpu.memory_space<vmem>>, %arg7: memref<144x128xf32, #tpu.memory_space<vmem>>, %arg8: memref<144x128xf32, #tpu.memory_space<vmem>>, %arg9: memref<10000x128xf32, #tpu.memory_space<vmem_shared>>, %arg10: memref<!tpu.dma_semaphore, #tpu.memory_space<semaphore_mem>>, %arg11: memref<!tpu.dma_semaphore, #tpu.memory_space<semaphore_mem>>, %arg12: memref<!tpu.dma_semaphore, #tpu.memory_space<semaphore_mem>>, %arg13: memref<!tpu.dma_semaphore, #tpu.memory_space<semaphore_mem>>) attributes {dimension_semantics = [#tpu.dimension_semantics<core_parallel>, #tpu.dimension_semantics<subcore_parallel>], iteration_bounds = array<i64: 2, 16>, scalar_prefetch = 0 : i64, scratch_operands = 9 : i64, tpu.core_type = #tpu.core_type<sc_vector_subcore>, window_params = [{transform_indices = #map}, {transform_indices = #map1}, {transform_indices = #map}]} {
    %mul3A = arith.constant 128 : i32
    %mul3A_0 = arith.muli %arg0, %mul3A : i32
    %multiple_of3A = tpu.assume_multiple %mul3A_0, 128 : i32
    %mul3A_1 = arith.constant 1000 : i32
    %mul3A_2 = arith.muli %arg1, %mul3A_1 : i32
    %multiple_of3A_3 = tpu.assume_multiple %mul3A_2, 8 : i32
    %broadcast_in_dim3A = arith.constant 0.000000e+00 : f32
    %broadcast_in_dim3A_4 = vector.broadcast %broadcast_in_dim3A : f32 to vector<16xf32>
    %scan3A = arith.constant 0 : i32
    %scan3A_5 = arith.constant 0 : i32
    %scan3A_6 = arith.constant 144 : i32
    %scan3A_7 = arith.addi %scan3A_5, %scan3A_6 : i32
    %scan3A_8 = arith.constant 1 : i32
    scf.for %scan3A_80 = %scan3A_5 to %scan3A_7 step %scan3A_8  : i32 {
      %swap3A = arith.index_cast %scan3A_80 : i32 to index
      %swap3A_81 = arith.constant 0 : index
      %swap3A_82 = tpu.vector_load %arg7[%swap3A, %swap3A_81] {strides = array<i32>} : memref<144x128xf32, #tpu.memory_space<vmem>>, vector<1x16xf32>,
      %swap3A_83 = vector.shape_cast %swap3A_82 : vector<1x16xf32> to vector<16xf32>
      %swap3A_84 = vector.shape_cast %broadcast_in_dim3A_4 : vector<16xf32> to vector<1x16xf32>
      tpu.vector_store %arg7[%swap3A, %swap3A_81], %swap3A_84 {strides = array<i32>} : memref<144x128xf32, #tpu.memory_space<vmem>>, vector<1x16xf32>,
      %swap3A_85 = arith.index_cast %scan3A_80 : i32 to index
      %swap3A_86 = arith.constant 16 : index
      %swap3A_87 = tpu.vector_load %arg7[%swap3A_85, %swap3A_86] {strides = array<i32>} : memref<144x128xf32, #tpu.memory_space<vmem>>, vector<1x16xf32>,
      %swap3A_88 = vector.shape_cast %swap3A_87 : vector<1x16xf32> to vector<16xf32>
      %swap3A_89 = vector.shape_cast %broadcast_in_dim3A_4 : vector<16xf32> to vector<1x16xf32>
      tpu.vector_store %arg7[%swap3A_85, %swap3A_86], %swap3A_89 {strides = array<i32>} : memref<144x128xf32, #tpu.memory_space<vmem>>, vector<1x16xf32>,
      %swap3A_90 = arith.index_cast %scan3A_80 : i32 to index
      %swap3A_91 = arith.constant 32 : index
      %swap3A_92 = tpu.vector_load %arg7[%swap3A_90, %swap3A_91] {strides = array<i32>} : memref<144x128xf32, #tpu.memory_space<vmem>>, vector<1x16xf32>,
      %swap3A_93 = vector.shape_cast %swap3A_92 : vector<1x16xf32> to vector<16xf32>
      %swap3A_94 = vector.shape_cast %broadcast_in_dim3A_4 : vector<16xf32> to vector<1x16xf32>
      tpu.vector_store %arg7[%swap3A_90, %swap3A_91], %swap3A_94 {strides = array<i32>} : memref<144x128xf32, #tpu.memory_space<vmem>>, vector<1x16xf32>,
      %swap3A_95 = arith.index_cast %scan3A_80 : i32 to index
      %swap3A_96 = arith.constant 48 : index
      %swap3A_97 = tpu.vector_load %arg7[%swap3A_95, %swap3A_96] {strides = array<i32>} : memref<144x128xf32, #tpu.memory_space<vmem>>, vector<1x16xf32>,
      %swap3A_98 = vector.shape_cast %swap3A_97 : vector<1x16xf32> to vector<16xf32>
      %swap3A_99 = vector.shape_cast %broadcast_in_dim3A_4 : vector<16xf32> to vector<1x16xf32>
      tpu.vector_store %arg7[%swap3A_95, %swap3A_96], %swap3A_99 {strides = array<i32>} : memref<144x128xf32, #tpu.memory_space<vmem>>, vector<1x16xf32>,
      %swap3A_100 = arith.index_cast %scan3A_80 : i32 to index
      %swap3A_101 = arith.constant 64 : index
      %swap3A_102 = tpu.vector_load %arg7[%swap3A_100, %swap3A_101] {strides = array<i32>} : memref<144x128xf32, #tpu.memory_space<vmem>>, vector<1x16xf32>,
      %swap3A_103 = vector.shape_cast %swap3A_102 : vector<1x16xf32> to vector<16xf32>
      %swap3A_104 = vector.shape_cast %broadcast_in_dim3A_4 : vector<16xf32> to vector<1x16xf32>
      tpu.vector_store %arg7[%swap3A_100, %swap3A_101], %swap3A_104 {strides = array<i32>} : memref<144x128xf32, #tpu.memory_space<vmem>>, vector<1x16xf32>,
      %swap3A_105 = arith.index_cast %scan3A_80 : i32 to index
      %swap3A_106 = arith.constant 80 : index
      %swap3A_107 = tpu.vector_load %arg7[%swap3A_105, %swap3A_106] {strides = array<i32>} : memref<144x128xf32, #tpu.memory_space<vmem>>, vector<1x16xf32>,
      %swap3A_108 = vector.shape_cast %swap3A_107 : vector<1x16xf32> to vector<16xf32>
      %swap3A_109 = vector.shape_cast %broadcast_in_dim3A_4 : vector<16xf32> to vector<1x16xf32>
      tpu.vector_store %arg7[%swap3A_105, %swap3A_106], %swap3A_109 {strides = array<i32>} : memref<144x128xf32, #tpu.memory_space<vmem>>, vector<1x16xf32>,
      %swap3A_110 = arith.index_cast %scan3A_80 : i32 to index
      %swap3A_111 = arith.constant 96 : index
      %swap3A_112 = tpu.vector_load %arg7[%swap3A_110, %swap3A_111] {strides = array<i32>} : memref<144x128xf32, #tpu.memory_space<vmem>>, vector<1x16xf32>,
      %swap3A_113 = vector.shape_cast %swap3A_112 : vector<1x16xf32> to vector<16xf32>
      %swap3A_114 = vector.shape_cast %broadcast_in_dim3A_4 : vector<16xf32> to vector<1x16xf32>
      tpu.vector_store %arg7[%swap3A_110, %swap3A_111], %swap3A_114 {strides = array<i32>} : memref<144x128xf32, #tpu.memory_space<vmem>>, vector<1x16xf32>,
      %swap3A_115 = arith.index_cast %scan3A_80 : i32 to index
      %swap3A_116 = arith.constant 112 : index
      %swap3A_117 = tpu.vector_load %arg7[%swap3A_115, %swap3A_116] {strides = array<i32>} : memref<144x128xf32, #tpu.memory_space<vmem>>, vector<1x16xf32>,
      %swap3A_118 = vector.shape_cast %swap3A_117 : vector<1x16xf32> to vector<16xf32>
      %swap3A_119 = vector.shape_cast %broadcast_in_dim3A_4 : vector<16xf32> to vector<1x16xf32>
      tpu.vector_store %arg7[%swap3A_115, %swap3A_116], %swap3A_119 {strides = array<i32>} : memref<144x128xf32, #tpu.memory_space<vmem>>, vector<1x16xf32>,
    }
    %scan3A_9 = arith.constant 144 : i32
    %lt3A = arith.constant 10 : i32
    %lt3A_10 = arith.cmpi slt, %arg1, %lt3A : i32
    %convert_element_type3A = arith.extui %lt3A_10 : i1 to i32
    %cond3A = arith.constant 0 : i32
    %cond3A_11 = arith.cmpi ne, %convert_element_type3A, %cond3A : i32
    scf.if %cond3A_11 {
      %add3A_80 = arith.constant 0 : i32
      %add3A_81 = arith.addi %multiple_of3A_3, %add3A_80 : i32
      "tpu.region"() ({
        %run_scoped3A = tpu.sem_alloc : memref<!tpu.dma_semaphore, #tpu.memory_space<semaphore_mem>>
        %dma_start3A_94 = arith.constant 0 : i32
        %dma_start3A_95 = tpu.memref_slice %arg9[%add3A_81, %dma_start3A_94] : memref<10000x128xf32, #tpu.memory_space<vmem_shared>> -> memref<144x128xf32, #tpu.memory_space<vmem_shared>>
        %dma_start3A_96 = arith.constant 0 : i32
        %dma_start3A_97 = tpu.memref_slice %arg9[%add3A_81, %dma_start3A_96] : memref<10000x128xf32, #tpu.memory_space<vmem_shared>> -> memref<144x128xf32, #tpu.memory_space<vmem_shared>>
        tpu.enqueue_dma source(%arg7 : memref<144x128xf32, #tpu.memory_space<vmem>>) target(%dma_start3A_97 : memref<144x128xf32, #tpu.memory_space<vmem_shared>>) target_semaphore(%run_scoped3A : memref<!tpu.dma_semaphore, #tpu.memory_space<semaphore_mem>>)
        %dma_wait3A_98 = arith.constant 0 : i32
        %dma_wait3A_99 = tpu.memref_slice %arg9[%add3A_81, %dma_wait3A_98] : memref<10000x128xf32, #tpu.memory_space<vmem_shared>> -> memref<144x128xf32, #tpu.memory_space<vmem_shared>>
        %dma_wait3A_100 = arith.constant 0 : i32
        %dma_wait3A_101 = tpu.memref_slice %arg9[%add3A_81, %dma_wait3A_100] : memref<10000x128xf32, #tpu.memory_space<vmem_shared>> -> memref<144x128xf32, #tpu.memory_space<vmem_shared>>
        tpu.wait_dma2 semaphore(%run_scoped3A : memref<!tpu.dma_semaphore, #tpu.memory_space<semaphore_mem>>) src(%arg7 : memref<144x128xf32, #tpu.memory_space<vmem>>) dst(%dma_wait3A_101 : memref<144x128xf32, #tpu.memory_space<vmem_shared>>)
        tpu.yield
      }) : () -> ()
      %add3A_82 = arith.constant 144 : i32
      %add3A_83 = arith.addi %multiple_of3A_3, %add3A_82 : i32
      "tpu.region"() ({
        %run_scoped3A = tpu.sem_alloc : memref<!tpu.dma_semaphore, #tpu.memory_space<semaphore_mem>>
        %dma_start3A_94 = arith.constant 0 : i32
        %dma_start3A_95 = tpu.memref_slice %arg9[%add3A_83, %dma_start3A_94] : memref<10000x128xf32, #tpu.memory_space<vmem_shared>> -> memref<144x128xf32, #tpu.memory_space<vmem_shared>>
        %dma_start3A_96 = arith.constant 0 : i32
        %dma_start3A_97 = tpu.memref_slice %arg9[%add3A_83, %dma_start3A_96] : memref<10000x128xf32, #tpu.memory_space<vmem_shared>> -> memref<144x128xf32, #tpu.memory_space<vmem_shared>>
        tpu.enqueue_dma source(%arg7 : memref<144x128xf32, #tpu.memory_space<vmem>>) target(%dma_start3A_97 : memref<144x128xf32, #tpu.memory_space<vmem_shared>>) target_semaphore(%run_scoped3A : memref<!tpu.dma_semaphore, #tpu.memory_space<semaphore_mem>>)
        %dma_wait3A_98 = arith.constant 0 : i32
        %dma_wait3A_99 = tpu.memref_slice %arg9[%add3A_83, %dma_wait3A_98] : memref<10000x128xf32, #tpu.memory_space<vmem_shared>> -> memref<144x128xf32, #tpu.memory_space<vmem_shared>>
        %dma_wait3A_100 = arith.constant 0 : i32
        %dma_wait3A_101 = tpu.memref_slice %arg9[%add3A_83, %dma_wait3A_100] : memref<10000x128xf32, #tpu.memory_space<vmem_shared>> -> memref<144x128xf32, #tpu.memory_space<vmem_shared>>
        tpu.wait_dma2 semaphore(%run_scoped3A : memref<!tpu.dma_semaphore, #tpu.memory_space<semaphore_mem>>) src(%arg7 : memref<144x128xf32, #tpu.memory_space<vmem>>) dst(%dma_wait3A_101 : memref<144x128xf32, #tpu.memory_space<vmem_shared>>)
        tpu.yield
      }) : () -> ()
      %add3A_84 = arith.constant 288 : i32
      %add3A_85 = arith.addi %multiple_of3A_3, %add3A_84 : i32
      "tpu.region"() ({
        %run_scoped3A = tpu.sem_alloc : memref<!tpu.dma_semaphore, #tpu.memory_space<semaphore_mem>>
        %dma_start3A_94 = arith.constant 0 : i32
        %dma_start3A_95 = tpu.memref_slice %arg9[%add3A_85, %dma_start3A_94] : memref<10000x128xf32, #tpu.memory_space<vmem_shared>> -> memref<144x128xf32, #tpu.memory_space<vmem_shared>>
        %dma_start3A_96 = arith.constant 0 : i32
        %dma_start3A_97 = tpu.memref_slice %arg9[%add3A_85, %dma_start3A_96] : memref<10000x128xf32, #tpu.memory_space<vmem_shared>> -> memref<144x128xf32, #tpu.memory_space<vmem_shared>>
        tpu.enqueue_dma source(%arg7 : memref<144x128xf32, #tpu.memory_space<vmem>>) target(%dma_start3A_97 : memref<144x128xf32, #tpu.memory_space<vmem_shared>>) target_semaphore(%run_scoped3A : memref<!tpu.dma_semaphore, #tpu.memory_space<semaphore_mem>>)
        %dma_wait3A_98 = arith.constant 0 : i32
        %dma_wait3A_99 = tpu.memref_slice %arg9[%add3A_85, %dma_wait3A_98] : memref<10000x128xf32, #tpu.memory_space<vmem_shared>> -> memref<144x128xf32, #tpu.memory_space<vmem_shared>>
        %dma_wait3A_100 = arith.constant 0 : i32
        %dma_wait3A_101 = tpu.memref_slice %arg9[%add3A_85, %dma_wait3A_100] : memref<10000x128xf32, #tpu.memory_space<vmem_shared>> -> memref<144x128xf32, #tpu.memory_space<vmem_shared>>
        tpu.wait_dma2 semaphore(%run_scoped3A : memref<!tpu.dma_semaphore, #tpu.memory_space<semaphore_mem>>) src(%arg7 : memref<144x128xf32, #tpu.memory_space<vmem>>) dst(%dma_wait3A_101 : memref<144x128xf32, #tpu.memory_space<vmem_shared>>)
        tpu.yield
      }) : () -> ()
      %add3A_86 = arith.constant 432 : i32
      %add3A_87 = arith.addi %multiple_of3A_3, %add3A_86 : i32
      "tpu.region"() ({
        %run_scoped3A = tpu.sem_alloc : memref<!tpu.dma_semaphore, #tpu.memory_space<semaphore_mem>>
        %dma_start3A_94 = arith.constant 0 : i32
        %dma_start3A_95 = tpu.memref_slice %arg9[%add3A_87, %dma_start3A_94] : memref<10000x128xf32, #tpu.memory_space<vmem_shared>> -> memref<144x128xf32, #tpu.memory_space<vmem_shared>>
        %dma_start3A_96 = arith.constant 0 : i32
        %dma_start3A_97 = tpu.memref_slice %arg9[%add3A_87, %dma_start3A_96] : memref<10000x128xf32, #tpu.memory_space<vmem_shared>> -> memref<144x128xf32, #tpu.memory_space<vmem_shared>>
        tpu.enqueue_dma source(%arg7 : memref<144x128xf32, #tpu.memory_space<vmem>>) target(%dma_start3A_97 : memref<144x128xf32, #tpu.memory_space<vmem_shared>>) target_semaphore(%run_scoped3A : memref<!tpu.dma_semaphore, #tpu.memory_space<semaphore_mem>>)
        %dma_wait3A_98 = arith.constant 0 : i32
        %dma_wait3A_99 = tpu.memref_slice %arg9[%add3A_87, %dma_wait3A_98] : memref<10000x128xf32, #tpu.memory_space<vmem_shared>> -> memref<144x128xf32, #tpu.memory_space<vmem_shared>>
        %dma_wait3A_100 = arith.constant 0 : i32
        %dma_wait3A_101 = tpu.memref_slice %arg9[%add3A_87, %dma_wait3A_100] : memref<10000x128xf32, #tpu.memory_space<vmem_shared>> -> memref<144x128xf32, #tpu.memory_space<vmem_shared>>
        tpu.wait_dma2 semaphore(%run_scoped3A : memref<!tpu.dma_semaphore, #tpu.memory_space<semaphore_mem>>) src(%arg7 : memref<144x128xf32, #tpu.memory_space<vmem>>) dst(%dma_wait3A_101 : memref<144x128xf32, #tpu.memory_space<vmem_shared>>)
        tpu.yield
      }) : () -> ()
      %add3A_88 = arith.constant 576 : i32
      %add3A_89 = arith.addi %multiple_of3A_3, %add3A_88 : i32
      "tpu.region"() ({
        %run_scoped3A = tpu.sem_alloc : memref<!tpu.dma_semaphore, #tpu.memory_space<semaphore_mem>>
        %dma_start3A_94 = arith.constant 0 : i32
        %dma_start3A_95 = tpu.memref_slice %arg9[%add3A_89, %dma_start3A_94] : memref<10000x128xf32, #tpu.memory_space<vmem_shared>> -> memref<144x128xf32, #tpu.memory_space<vmem_shared>>
        %dma_start3A_96 = arith.constant 0 : i32
        %dma_start3A_97 = tpu.memref_slice %arg9[%add3A_89, %dma_start3A_96] : memref<10000x128xf32, #tpu.memory_space<vmem_shared>> -> memref<144x128xf32, #tpu.memory_space<vmem_shared>>
        tpu.enqueue_dma source(%arg7 : memref<144x128xf32, #tpu.memory_space<vmem>>) target(%dma_start3A_97 : memref<144x128xf32, #tpu.memory_space<vmem_shared>>) target_semaphore(%run_scoped3A : memref<!tpu.dma_semaphore, #tpu.memory_space<semaphore_mem>>)
        %dma_wait3A_98 = arith.constant 0 : i32
        %dma_wait3A_99 = tpu.memref_slice %arg9[%add3A_89, %dma_wait3A_98] : memref<10000x128xf32, #tpu.memory_space<vmem_shared>> -> memref<144x128xf32, #tpu.memory_space<vmem_shared>>
        %dma_wait3A_100 = arith.constant 0 : i32
        %dma_wait3A_101 = tpu.memref_slice %arg9[%add3A_89, %dma_wait3A_100] : memref<10000x128xf32, #tpu.memory_space<vmem_shared>> -> memref<144x128xf32, #tpu.memory_space<vmem_shared>>
        tpu.wait_dma2 semaphore(%run_scoped3A : memref<!tpu.dma_semaphore, #tpu.memory_space<semaphore_mem>>) src(%arg7 : memref<144x128xf32, #tpu.memory_space<vmem>>) dst(%dma_wait3A_101 : memref<144x128xf32, #tpu.memory_space<vmem_shared>>)
        tpu.yield
      }) : () -> ()
      %add3A_90 = arith.constant 720 : i32
      %add3A_91 = arith.addi %multiple_of3A_3, %add3A_90 : i32
      "tpu.region"() ({
        %run_scoped3A = tpu.sem_alloc : memref<!tpu.dma_semaphore, #tpu.memory_space<semaphore_mem>>
        %dma_start3A_94 = arith.constant 0 : i32
        %dma_start3A_95 = tpu.memref_slice %arg9[%add3A_91, %dma_start3A_94] : memref<10000x128xf32, #tpu.memory_space<vmem_shared>> -> memref<144x128xf32, #tpu.memory_space<vmem_shared>>
        %dma_start3A_96 = arith.constant 0 : i32
        %dma_start3A_97 = tpu.memref_slice %arg9[%add3A_91, %dma_start3A_96] : memref<10000x128xf32, #tpu.memory_space<vmem_shared>> -> memref<144x128xf32, #tpu.memory_space<vmem_shared>>
        tpu.enqueue_dma source(%arg7 : memref<144x128xf32, #tpu.memory_space<vmem>>) target(%dma_start3A_97 : memref<144x128xf32, #tpu.memory_space<vmem_shared>>) target_semaphore(%run_scoped3A : memref<!tpu.dma_semaphore, #tpu.memory_space<semaphore_mem>>)
        %dma_wait3A_98 = arith.constant 0 : i32
        %dma_wait3A_99 = tpu.memref_slice %arg9[%add3A_91, %dma_wait3A_98] : memref<10000x128xf32, #tpu.memory_space<vmem_shared>> -> memref<144x128xf32, #tpu.memory_space<vmem_shared>>
        %dma_wait3A_100 = arith.constant 0 : i32
        %dma_wait3A_101 = tpu.memref_slice %arg9[%add3A_91, %dma_wait3A_100] : memref<10000x128xf32, #tpu.memory_space<vmem_shared>> -> memref<144x128xf32, #tpu.memory_space<vmem_shared>>
        tpu.wait_dma2 semaphore(%run_scoped3A : memref<!tpu.dma_semaphore, #tpu.memory_space<semaphore_mem>>) src(%arg7 : memref<144x128xf32, #tpu.memory_space<vmem>>) dst(%dma_wait3A_101 : memref<144x128xf32, #tpu.memory_space<vmem_shared>>)
        tpu.yield
      }) : () -> ()
      %add3A_92 = arith.constant 864 : i32
      %add3A_93 = arith.addi %multiple_of3A_3, %add3A_92 : i32
      "tpu.region"() ({
        %run_scoped3A = tpu.sem_alloc : memref<!tpu.dma_semaphore, #tpu.memory_space<semaphore_mem>>
        %dma_start3A_94 = arith.constant 0 : i32
        %dma_start3A_95 = arith.constant 0 : i32
        %dma_start3A_96 = tpu.memref_slice %arg7[%dma_start3A_94, %dma_start3A_95] : memref<144x128xf32, #tpu.memory_space<vmem>> -> memref<136x128xf32, #tpu.memory_space<vmem>>
        %dma_start3A_97 = arith.constant 0 : i32
        %dma_start3A_98 = tpu.memref_slice %arg9[%add3A_93, %dma_start3A_97] : memref<10000x128xf32, #tpu.memory_space<vmem_shared>> -> memref<136x128xf32, #tpu.memory_space<vmem_shared>>
        %dma_start3A_99 = arith.constant 0 : i32
        %dma_start3A_100 = tpu.memref_slice %arg9[%add3A_93, %dma_start3A_99] : memref<10000x128xf32, #tpu.memory_space<vmem_shared>> -> memref<136x128xf32, #tpu.memory_space<vmem_shared>>
        %dma_start3A_101 = arith.constant 0 : i32
        %dma_start3A_102 = arith.constant 0 : i32
        %dma_start3A_103 = tpu.memref_slice %arg7[%dma_start3A_101, %dma_start3A_102] : memref<144x128xf32, #tpu.memory_space<vmem>> -> memref<136x128xf32, #tpu.memory_space<vmem>>
        tpu.enqueue_dma source(%dma_start3A_103 : memref<136x128xf32, #tpu.memory_space<vmem>>) target(%dma_start3A_100 : memref<136x128xf32, #tpu.memory_space<vmem_shared>>) target_semaphore(%run_scoped3A : memref<!tpu.dma_semaphore, #tpu.memory_space<semaphore_mem>>)
        %dma_wait3A_104 = arith.constant 0 : i32
        %dma_wait3A_105 = arith.constant 0 : i32
        %dma_wait3A_106 = tpu.memref_slice %arg7[%dma_wait3A_104, %dma_wait3A_105] : memref<144x128xf32, #tpu.memory_space<vmem>> -> memref<136x128xf32, #tpu.memory_space<vmem>>
        %dma_wait3A_107 = arith.constant 0 : i32
        %dma_wait3A_108 = tpu.memref_slice %arg9[%add3A_93, %dma_wait3A_107] : memref<10000x128xf32, #tpu.memory_space<vmem_shared>> -> memref<136x128xf32, #tpu.memory_space<vmem_shared>>
        %dma_wait3A_109 = arith.constant 0 : i32
        %dma_wait3A_110 = tpu.memref_slice %arg9[%add3A_93, %dma_wait3A_109] : memref<10000x128xf32, #tpu.memory_space<vmem_shared>> -> memref<136x128xf32, #tpu.memory_space<vmem_shared>>
        %dma_wait3A_111 = arith.constant 0 : i32
        %dma_wait3A_112 = arith.constant 0 : i32
        %dma_wait3A_113 = tpu.memref_slice %arg7[%dma_wait3A_111, %dma_wait3A_112] : memref<144x128xf32, #tpu.memory_space<vmem>> -> memref<136x128xf32, #tpu.memory_space<vmem>>
        tpu.wait_dma2 semaphore(%run_scoped3A : memref<!tpu.dma_semaphore, #tpu.memory_space<semaphore_mem>>) src(%dma_wait3A_113 : memref<136x128xf32, #tpu.memory_space<vmem>>) dst(%dma_wait3A_110 : memref<136x128xf32, #tpu.memory_space<vmem_shared>>)
        tpu.yield
      }) : () -> ()
    } else {
    }
    %barrier3A = arith.constant 0 : index
    tpu.barrier barrier_id(%barrier3A)
    %mul3A_12 = arith.constant 3600 : i32
    %mul3A_13 = arith.muli %arg1, %mul3A_12 : i32
    %add3A = arith.constant 0 : i32
    %add3A_14 = arith.addi %mul3A_13, %add3A : i32
    %multiple_of3A_15 = tpu.assume_multiple %add3A_14, 8 : i32
    "tpu.region"() ({
      %run_scoped3A = tpu.sem_alloc : memref<!tpu.dma_semaphore, #tpu.memory_space<semaphore_mem>>
      %dma_start3A_80 = tpu.memref_slice %arg3[%multiple_of3A_15] : memref<57600xi32, #tpu.memory_space<hbm>> -> memref<144xi32, #tpu.memory_space<hbm>>
      %dma_start3A_81 = tpu.memref_slice %arg3[%multiple_of3A_15] : memref<57600xi32, #tpu.memory_space<hbm>> -> memref<144xi32, #tpu.memory_space<hbm>>
      tpu.enqueue_dma source(%dma_start3A_81 : memref<144xi32, #tpu.memory_space<hbm>>) target(%arg5 : memref<144xi32, #tpu.memory_space<vmem>>) target_semaphore(%run_scoped3A : memref<!tpu.dma_semaphore, #tpu.memory_space<semaphore_mem>>)
      %dma_wait3A_82 = tpu.memref_slice %arg3[%multiple_of3A_15] : memref<57600xi32, #tpu.memory_space<hbm>> -> memref<144xi32, #tpu.memory_space<hbm>>
      %dma_wait3A_83 = tpu.memref_slice %arg3[%multiple_of3A_15] : memref<57600xi32, #tpu.memory_space<hbm>> -> memref<144xi32, #tpu.memory_space<hbm>>
      tpu.wait_dma2 semaphore(%run_scoped3A : memref<!tpu.dma_semaphore, #tpu.memory_space<semaphore_mem>>) src(%dma_wait3A_83 : memref<144xi32, #tpu.memory_space<hbm>>) dst(%arg5 : memref<144xi32, #tpu.memory_space<vmem>>)
      tpu.yield
    }) : () -> ()
    %add3A_16 = arith.constant 0 : i32
    %add3A_17 = arith.addi %mul3A_13, %add3A_16 : i32
    %multiple_of3A_18 = tpu.assume_multiple %add3A_17, 8 : i32
    %dma_start3A = tpu.memref_slice %arg2[%multiple_of3A_18, %multiple_of3A] : memref<57600x256xf32, #tpu.memory_space<hbm>> -> memref<144x128xf32, #tpu.memory_space<hbm>>
    %dma_start3A_19 = tpu.memref_slice %arg2[%multiple_of3A_18, %multiple_of3A] : memref<57600x256xf32, #tpu.memory_space<hbm>> -> memref<144x128xf32, #tpu.memory_space<hbm>>
    tpu.enqueue_dma source(%dma_start3A_19 : memref<144x128xf32, #tpu.memory_space<hbm>>) target(%arg7 : memref<144x128xf32, #tpu.memory_space<vmem>>) target_semaphore(%arg10 : memref<!tpu.dma_semaphore, #tpu.memory_space<semaphore_mem>>)
    %add3A_20 = arith.constant 144 : i32
    %add3A_21 = arith.addi %mul3A_13, %add3A_20 : i32
    %multiple_of3A_22 = tpu.assume_multiple %add3A_21, 8 : i32
    "tpu.region"() ({
      %run_scoped3A = tpu.sem_alloc : memref<!tpu.dma_semaphore, #tpu.memory_space<semaphore_mem>>
      %dma_start3A_80 = tpu.memref_slice %arg3[%multiple_of3A_22] : memref<57600xi32, #tpu.memory_space<hbm>> -> memref<144xi32, #tpu.memory_space<hbm>>
      %dma_start3A_81 = tpu.memref_slice %arg3[%multiple_of3A_22] : memref<57600xi32, #tpu.memory_space<hbm>> -> memref<144xi32, #tpu.memory_space<hbm>>
      tpu.enqueue_dma source(%dma_start3A_81 : memref<144xi32, #tpu.memory_space<hbm>>) target(%arg6 : memref<144xi32, #tpu.memory_space<vmem>>) target_semaphore(%run_scoped3A : memref<!tpu.dma_semaphore, #tpu.memory_space<semaphore_mem>>)
      %dma_wait3A_82 = tpu.memref_slice %arg3[%multiple_of3A_22] : memref<57600xi32, #tpu.memory_space<hbm>> -> memref<144xi32, #tpu.memory_space<hbm>>
      %dma_wait3A_83 = tpu.memref_slice %arg3[%multiple_of3A_22] : memref<57600xi32, #tpu.memory_space<hbm>> -> memref<144xi32, #tpu.memory_space<hbm>>
      tpu.wait_dma2 semaphore(%run_scoped3A : memref<!tpu.dma_semaphore, #tpu.memory_space<semaphore_mem>>) src(%dma_wait3A_83 : memref<144xi32, #tpu.memory_space<hbm>>) dst(%arg6 : memref<144xi32, #tpu.memory_space<vmem>>)
      tpu.yield
    }) : () -> ()
    %add3A_23 = arith.constant 144 : i32
    %add3A_24 = arith.addi %mul3A_13, %add3A_23 : i32
    %multiple_of3A_25 = tpu.assume_multiple %add3A_24, 8 : i32
    %dma_start3A_26 = tpu.memref_slice %arg2[%multiple_of3A_25, %multiple_of3A] : memref<57600x256xf32, #tpu.memory_space<hbm>> -> memref<144x128xf32, #tpu.memory_space<hbm>>
    %dma_start3A_27 = tpu.memref_slice %arg2[%multiple_of3A_25, %multiple_of3A] : memref<57600x256xf32, #tpu.memory_space<hbm>> -> memref<144x128xf32, #tpu.memory_space<hbm>>
    tpu.enqueue_dma source(%dma_start3A_27 : memref<144x128xf32, #tpu.memory_space<hbm>>) target(%arg8 : memref<144x128xf32, #tpu.memory_space<vmem>>) target_semaphore(%arg11 : memref<!tpu.dma_semaphore, #tpu.memory_space<semaphore_mem>>)
    %scan3A_28 = arith.constant 0 : i32
    %scan3A_29 = arith.constant 0 : i32
    %scan3A_30 = arith.constant 11 : i32
    %scan3A_31 = arith.addi %scan3A_29, %scan3A_30 : i32
    %scan3A_32 = arith.constant 1 : i32
    scf.for %scan3A_80 = %scan3A_29 to %scan3A_31 step %scan3A_32  : i32 {
      %mul3A_81 = arith.constant 2 : i32
      %mul3A_82 = arith.muli %mul3A_81, %scan3A_80 : i32
      %add3A_83 = arith.constant 1 : i32
      %add3A_84 = arith.addi %mul3A_82, %add3A_83 : i32
      %mul3A_85 = arith.constant 144 : i32
      %mul3A_86 = arith.muli %mul3A_82, %mul3A_85 : i32
      %add3A_87 = arith.addi %mul3A_13, %mul3A_86 : i32
      %multiple_of3A_88 = tpu.assume_multiple %add3A_87, 8 : i32
      %dma_wait3A_89 = tpu.memref_slice %arg2[%multiple_of3A_88, %multiple_of3A] : memref<57600x256xf32, #tpu.memory_space<hbm>> -> memref<144x128xf32, #tpu.memory_space<hbm>>
      %dma_wait3A_90 = tpu.memref_slice %arg2[%multiple_of3A_88, %multiple_of3A] : memref<57600x256xf32, #tpu.memory_space<hbm>> -> memref<144x128xf32, #tpu.memory_space<hbm>>
      tpu.wait_dma2 semaphore(%arg10 : memref<!tpu.dma_semaphore, #tpu.memory_space<semaphore_mem>>) src(%dma_wait3A_90 : memref<144x128xf32, #tpu.memory_space<hbm>>) dst(%arg7 : memref<144x128xf32, #tpu.memory_space<vmem>>)
      %dma_start3A_91 = arith.constant 0 : i32
      %dma_start3A_92 = arith.constant 0 : i32
      %dma_start3A_93 = tpu.memref_slice %arg9[%dma_start3A_91, %dma_start3A_92] : memref<10000x128xf32, #tpu.memory_space<vmem_shared>> -> memref<10000x128xf32, #tpu.memory_space<vmem_shared>>
      tpu.enqueue_indirect_dma source(%arg7 : memref<144x128xf32, #tpu.memory_space<vmem>>) target(%dma_start3A_93 : memref<10000x128xf32, #tpu.memory_space<vmem_shared>>) offsets(%arg5 : memref<144xi32, #tpu.memory_space<vmem>>) semaphore(%arg12 : memref<!tpu.dma_semaphore, #tpu.memory_space<semaphore_mem>>) {add = true}
      %mul3A_94 = arith.constant 144 : i32
      %mul3A_95 = arith.muli %add3A_84, %mul3A_94 : i32
      %add3A_96 = arith.addi %mul3A_13, %mul3A_95 : i32
      %multiple_of3A_97 = tpu.assume_multiple %add3A_96, 8 : i32
      %dma_wait3A_98 = tpu.memref_slice %arg2[%multiple_of3A_97, %multiple_of3A] : memref<57600x256xf32, #tpu.memory_space<hbm>> -> memref<144x128xf32, #tpu.memory_space<hbm>>
      %dma_wait3A_99 = tpu.memref_slice %arg2[%multiple_of3A_97, %multiple_of3A] : memref<57600x256xf32, #tpu.memory_space<hbm>> -> memref<144x128xf32, #tpu.memory_space<hbm>>
      tpu.wait_dma2 semaphore(%arg11 : memref<!tpu.dma_semaphore, #tpu.memory_space<semaphore_mem>>) src(%dma_wait3A_99 : memref<144x128xf32, #tpu.memory_space<hbm>>) dst(%arg8 : memref<144x128xf32, #tpu.memory_space<vmem>>)
      %dma_start3A_100 = arith.constant 0 : i32
      %dma_start3A_101 = arith.constant 0 : i32
      %dma_start3A_102 = tpu.memref_slice %arg9[%dma_start3A_100, %dma_start3A_101] : memref<10000x128xf32, #tpu.memory_space<vmem_shared>> -> memref<10000x128xf32, #tpu.memory_space<vmem_shared>>
      tpu.enqueue_indirect_dma source(%arg8 : memref<144x128xf32, #tpu.memory_space<vmem>>) target(%dma_start3A_102 : memref<10000x128xf32, #tpu.memory_space<vmem_shared>>) offsets(%arg6 : memref<144xi32, #tpu.memory_space<vmem>>) semaphore(%arg13 : memref<!tpu.dma_semaphore, #tpu.memory_space<semaphore_mem>>) {add = true}
      %dma_wait3A_103 = arith.constant 0 : i32
      %dma_wait3A_104 = arith.constant 0 : i32
      %dma_wait3A_105 = tpu.memref_slice %arg9[%dma_wait3A_103, %dma_wait3A_104] : memref<10000x128xf32, #tpu.memory_space<vmem_shared>> -> memref<10000x128xf32, #tpu.memory_space<vmem_shared>>
      tpu.wait_indirect_dma semaphore(%arg12 : memref<!tpu.dma_semaphore, #tpu.memory_space<semaphore_mem>>) src(%arg7 : memref<144x128xf32, #tpu.memory_space<vmem>>) dst(%dma_wait3A_105 : memref<10000x128xf32, #tpu.memory_space<vmem_shared>>)
      %add3A_106 = arith.constant 2 : i32
      %add3A_107 = arith.addi %mul3A_82, %add3A_106 : i32
      %mul3A_108 = arith.constant 144 : i32
      %mul3A_109 = arith.muli %add3A_107, %mul3A_108 : i32
      %add3A_110 = arith.addi %mul3A_13, %mul3A_109 : i32
      %multiple_of3A_111 = tpu.assume_multiple %add3A_110, 8 : i32
      "tpu.region"() ({
        %run_scoped3A = tpu.sem_alloc : memref<!tpu.dma_semaphore, #tpu.memory_space<semaphore_mem>>
        %dma_start3A_133 = tpu.memref_slice %arg3[%multiple_of3A_111] : memref<57600xi32, #tpu.memory_space<hbm>> -> memref<144xi32, #tpu.memory_space<hbm>>
        %dma_start3A_134 = tpu.memref_slice %arg3[%multiple_of3A_111] : memref<57600xi32, #tpu.memory_space<hbm>> -> memref<144xi32, #tpu.memory_space<hbm>>
        tpu.enqueue_dma source(%dma_start3A_134 : memref<144xi32, #tpu.memory_space<hbm>>) target(%arg5 : memref<144xi32, #tpu.memory_space<vmem>>) target_semaphore(%run_scoped3A : memref<!tpu.dma_semaphore, #tpu.memory_space<semaphore_mem>>)
        %dma_wait3A_135 = tpu.memref_slice %arg3[%multiple_of3A_111] : memref<57600xi32, #tpu.memory_space<hbm>> -> memref<144xi32, #tpu.memory_space<hbm>>
        %dma_wait3A_136 = tpu.memref_slice %arg3[%multiple_of3A_111] : memref<57600xi32, #tpu.memory_space<hbm>> -> memref<144xi32, #tpu.memory_space<hbm>>
        tpu.wait_dma2 semaphore(%run_scoped3A : memref<!tpu.dma_semaphore, #tpu.memory_space<semaphore_mem>>) src(%dma_wait3A_136 : memref<144xi32, #tpu.memory_space<hbm>>) dst(%arg5 : memref<144xi32, #tpu.memory_space<vmem>>)
        tpu.yield
      }) : () -> ()
      %mul3A_112 = arith.constant 144 : i32
      %mul3A_113 = arith.muli %add3A_107, %mul3A_112 : i32
      %add3A_114 = arith.addi %mul3A_13, %mul3A_113 : i32
      %multiple_of3A_115 = tpu.assume_multiple %add3A_114, 8 : i32
      %dma_start3A_116 = tpu.memref_slice %arg2[%multiple_of3A_115, %multiple_of3A] : memref<57600x256xf32, #tpu.memory_space<hbm>> -> memref<144x128xf32, #tpu.memory_space<hbm>>
      %dma_start3A_117 = tpu.memref_slice %arg2[%multiple_of3A_115, %multiple_of3A] : memref<57600x256xf32, #tpu.memory_space<hbm>> -> memref<144x128xf32, #tpu.memory_space<hbm>>
      tpu.enqueue_dma source(%dma_start3A_117 : memref<144x128xf32, #tpu.memory_space<hbm>>) target(%arg7 : memref<144x128xf32, #tpu.memory_space<vmem>>) target_semaphore(%arg10 : memref<!tpu.dma_semaphore, #tpu.memory_space<semaphore_mem>>)
      %dma_wait3A_118 = arith.constant 0 : i32
      %dma_wait3A_119 = arith.constant 0 : i32
      %dma_wait3A_120 = tpu.memref_slice %arg9[%dma_wait3A_118, %dma_wait3A_119] : memref<10000x128xf32, #tpu.memory_space<vmem_shared>> -> memref<10000x128xf32, #tpu.memory_space<vmem_shared>>
      tpu.wait_indirect_dma semaphore(%arg13 : memref<!tpu.dma_semaphore, #tpu.memory_space<semaphore_mem>>) src(%arg8 : memref<144x128xf32, #tpu.memory_space<vmem>>) dst(%dma_wait3A_120 : memref<10000x128xf32, #tpu.memory_space<vmem_shared>>)
      %add3A_121 = arith.constant 2 : i32
      %add3A_122 = arith.addi %add3A_84, %add3A_121 : i32
      %mul3A_123 = arith.constant 144 : i32
      %mul3A_124 = arith.muli %add3A_122, %mul3A_123 : i32
      %add3A_125 = arith.addi %mul3A_13, %mul3A_124 : i32
      %multiple_of3A_126 = tpu.assume_multiple %add3A_125, 8 : i32
      "tpu.region"() ({
        %run_scoped3A = tpu.sem_alloc : memref<!tpu.dma_semaphore, #tpu.memory_space<semaphore_mem>>
        %dma_start3A_133 = tpu.memref_slice %arg3[%multiple_of3A_126] : memref<57600xi32, #tpu.memory_space<hbm>> -> memref<144xi32, #tpu.memory_space<hbm>>
        %dma_start3A_134 = tpu.memref_slice %arg3[%multiple_of3A_126] : memref<57600xi32, #tpu.memory_space<hbm>> -> memref<144xi32, #tpu.memory_space<hbm>>
        tpu.enqueue_dma source(%dma_start3A_134 : memref<144xi32, #tpu.memory_space<hbm>>) target(%arg6 : memref<144xi32, #tpu.memory_space<vmem>>) target_semaphore(%run_scoped3A : memref<!tpu.dma_semaphore, #tpu.memory_space<semaphore_mem>>)
        %dma_wait3A_135 = tpu.memref_slice %arg3[%multiple_of3A_126] : memref<57600xi32, #tpu.memory_space<hbm>> -> memref<144xi32, #tpu.memory_space<hbm>>
        %dma_wait3A_136 = tpu.memref_slice %arg3[%multiple_of3A_126] : memref<57600xi32, #tpu.memory_space<hbm>> -> memref<144xi32, #tpu.memory_space<hbm>>
        tpu.wait_dma2 semaphore(%run_scoped3A : memref<!tpu.dma_semaphore, #tpu.memory_space<semaphore_mem>>) src(%dma_wait3A_136 : memref<144xi32, #tpu.memory_space<hbm>>) dst(%arg6 : memref<144xi32, #tpu.memory_space<vmem>>)
        tpu.yield
      }) : () -> ()
      %mul3A_127 = arith.constant 144 : i32
      %mul3A_128 = arith.muli %add3A_122, %mul3A_127 : i32
      %add3A_129 = arith.addi %mul3A_13, %mul3A_128 : i32
      %multiple_of3A_130 = tpu.assume_multiple %add3A_129, 8 : i32
      %dma_start3A_131 = tpu.memref_slice %arg2[%multiple_of3A_130, %multiple_of3A] : memref<57600x256xf32, #tpu.memory_space<hbm>> -> memref<144x128xf32, #tpu.memory_space<hbm>>
      %dma_start3A_132 = tpu.memref_slice %arg2[%multiple_of3A_130, %multiple_of3A] : memref<57600x256xf32, #tpu.memory_space<hbm>> -> memref<144x128xf32, #tpu.memory_space<hbm>>
      tpu.enqueue_dma source(%dma_start3A_132 : memref<144x128xf32, #tpu.memory_space<hbm>>) target(%arg8 : memref<144x128xf32, #tpu.memory_space<vmem>>) target_semaphore(%arg11 : memref<!tpu.dma_semaphore, #tpu.memory_space<semaphore_mem>>)
    }
    %scan3A_33 = arith.constant 11 : i32
    %add3A_34 = arith.constant 3168 : i32
    %add3A_35 = arith.addi %mul3A_13, %add3A_34 : i32
    %multiple_of3A_36 = tpu.assume_multiple %add3A_35, 8 : i32
    %dma_wait3A = tpu.memref_slice %arg2[%multiple_of3A_36, %multiple_of3A] : memref<57600x256xf32, #tpu.memory_space<hbm>> -> memref<144x128xf32, #tpu.memory_space<hbm>>
    %dma_wait3A_37 = tpu.memref_slice %arg2[%multiple_of3A_36, %multiple_of3A] : memref<57600x256xf32, #tpu.memory_space<hbm>> -> memref<144x128xf32, #tpu.memory_space<hbm>>
    tpu.wait_dma2 semaphore(%arg10 : memref<!tpu.dma_semaphore, #tpu.memory_space<semaphore_mem>>) src(%dma_wait3A_37 : memref<144x128xf32, #tpu.memory_space<hbm>>) dst(%arg7 : memref<144x128xf32, #tpu.memory_space<vmem>>)
    %dma_start3A_38 = arith.constant 0 : i32
    %dma_start3A_39 = arith.constant 0 : i32
    %dma_start3A_40 = tpu.memref_slice %arg9[%dma_start3A_38, %dma_start3A_39] : memref<10000x128xf32, #tpu.memory_space<vmem_shared>> -> memref<10000x128xf32, #tpu.memory_space<vmem_shared>>
    tpu.enqueue_indirect_dma source(%arg7 : memref<144x128xf32, #tpu.memory_space<vmem>>) target(%dma_start3A_40 : memref<10000x128xf32, #tpu.memory_space<vmem_shared>>) offsets(%arg5 : memref<144xi32, #tpu.memory_space<vmem>>) semaphore(%arg12 : memref<!tpu.dma_semaphore, #tpu.memory_space<semaphore_mem>>) {add = true}
    %dma_wait3A_41 = arith.constant 0 : i32
    %dma_wait3A_42 = arith.constant 0 : i32
    %dma_wait3A_43 = tpu.memref_slice %arg9[%dma_wait3A_41, %dma_wait3A_42] : memref<10000x128xf32, #tpu.memory_space<vmem_shared>> -> memref<10000x128xf32, #tpu.memory_space<vmem_shared>>
    tpu.wait_indirect_dma semaphore(%arg12 : memref<!tpu.dma_semaphore, #tpu.memory_space<semaphore_mem>>) src(%arg7 : memref<144x128xf32, #tpu.memory_space<vmem>>) dst(%dma_wait3A_43 : memref<10000x128xf32, #tpu.memory_space<vmem_shared>>)
    %add3A_44 = arith.constant 3456 : i32
    %add3A_45 = arith.addi %mul3A_13, %add3A_44 : i32
    %multiple_of3A_46 = tpu.assume_multiple %add3A_45, 8 : i32
    "tpu.region"() ({
      %run_scoped3A = tpu.sem_alloc : memref<!tpu.dma_semaphore, #tpu.memory_space<semaphore_mem>>
      %dma_start3A_80 = tpu.memref_slice %arg3[%multiple_of3A_46] : memref<57600xi32, #tpu.memory_space<hbm>> -> memref<144xi32, #tpu.memory_space<hbm>>
      %dma_start3A_81 = tpu.memref_slice %arg3[%multiple_of3A_46] : memref<57600xi32, #tpu.memory_space<hbm>> -> memref<144xi32, #tpu.memory_space<hbm>>
      tpu.enqueue_dma source(%dma_start3A_81 : memref<144xi32, #tpu.memory_space<hbm>>) target(%arg5 : memref<144xi32, #tpu.memory_space<vmem>>) target_semaphore(%run_scoped3A : memref<!tpu.dma_semaphore, #tpu.memory_space<semaphore_mem>>)
      %dma_wait3A_82 = tpu.memref_slice %arg3[%multiple_of3A_46] : memref<57600xi32, #tpu.memory_space<hbm>> -> memref<144xi32, #tpu.memory_space<hbm>>
      %dma_wait3A_83 = tpu.memref_slice %arg3[%multiple_of3A_46] : memref<57600xi32, #tpu.memory_space<hbm>> -> memref<144xi32, #tpu.memory_space<hbm>>
      tpu.wait_dma2 semaphore(%run_scoped3A : memref<!tpu.dma_semaphore, #tpu.memory_space<semaphore_mem>>) src(%dma_wait3A_83 : memref<144xi32, #tpu.memory_space<hbm>>) dst(%arg5 : memref<144xi32, #tpu.memory_space<vmem>>)
      tpu.yield
    }) : () -> ()
    %add3A_47 = arith.constant 3456 : i32
    %add3A_48 = arith.addi %mul3A_13, %add3A_47 : i32
    %multiple_of3A_49 = tpu.assume_multiple %add3A_48, 8 : i32
    %dma_start3A_50 = tpu.memref_slice %arg2[%multiple_of3A_49, %multiple_of3A] : memref<57600x256xf32, #tpu.memory_space<hbm>> -> memref<144x128xf32, #tpu.memory_space<hbm>>
    %dma_start3A_51 = tpu.memref_slice %arg2[%multiple_of3A_49, %multiple_of3A] : memref<57600x256xf32, #tpu.memory_space<hbm>> -> memref<144x128xf32, #tpu.memory_space<hbm>>
    tpu.enqueue_dma source(%dma_start3A_51 : memref<144x128xf32, #tpu.memory_space<hbm>>) target(%arg7 : memref<144x128xf32, #tpu.memory_space<vmem>>) target_semaphore(%arg10 : memref<!tpu.dma_semaphore, #tpu.memory_space<semaphore_mem>>)
    %add3A_52 = arith.constant 3312 : i32
    %add3A_53 = arith.addi %mul3A_13, %add3A_52 : i32
    %multiple_of3A_54 = tpu.assume_multiple %add3A_53, 8 : i32
    %dma_wait3A_55 = tpu.memref_slice %arg2[%multiple_of3A_54, %multiple_of3A] : memref<57600x256xf32, #tpu.memory_space<hbm>> -> memref<144x128xf32, #tpu.memory_space<hbm>>
    %dma_wait3A_56 = tpu.memref_slice %arg2[%multiple_of3A_54, %multiple_of3A] : memref<57600x256xf32, #tpu.memory_space<hbm>> -> memref<144x128xf32, #tpu.memory_space<hbm>>
    tpu.wait_dma2 semaphore(%arg11 : memref<!tpu.dma_semaphore, #tpu.memory_space<semaphore_mem>>) src(%dma_wait3A_56 : memref<144x128xf32, #tpu.memory_space<hbm>>) dst(%arg8 : memref<144x128xf32, #tpu.memory_space<vmem>>)
    %dma_start3A_57 = arith.constant 0 : i32
    %dma_start3A_58 = arith.constant 0 : i32
    %dma_start3A_59 = tpu.memref_slice %arg9[%dma_start3A_57, %dma_start3A_58] : memref<10000x128xf32, #tpu.memory_space<vmem_shared>> -> memref<10000x128xf32, #tpu.memory_space<vmem_shared>>
    tpu.enqueue_indirect_dma source(%arg8 : memref<144x128xf32, #tpu.memory_space<vmem>>) target(%dma_start3A_59 : memref<10000x128xf32, #tpu.memory_space<vmem_shared>>) offsets(%arg6 : memref<144xi32, #tpu.memory_space<vmem>>) semaphore(%arg13 : memref<!tpu.dma_semaphore, #tpu.memory_space<semaphore_mem>>) {add = true}
    %add3A_60 = arith.constant 3456 : i32
    %add3A_61 = arith.addi %mul3A_13, %add3A_60 : i32
    %multiple_of3A_62 = tpu.assume_multiple %add3A_61, 8 : i32
    %dma_wait3A_63 = tpu.memref_slice %arg2[%multiple_of3A_62, %multiple_of3A] : memref<57600x256xf32, #tpu.memory_space<hbm>> -> memref<144x128xf32, #tpu.memory_space<hbm>>
    %dma_wait3A_64 = tpu.memref_slice %arg2[%multiple_of3A_62, %multiple_of3A] : memref<57600x256xf32, #tpu.memory_space<hbm>> -> memref<144x128xf32, #tpu.memory_space<hbm>>
    tpu.wait_dma2 semaphore(%arg10 : memref<!tpu.dma_semaphore, #tpu.memory_space<semaphore_mem>>) src(%dma_wait3A_64 : memref<144x128xf32, #tpu.memory_space<hbm>>) dst(%arg7 : memref<144x128xf32, #tpu.memory_space<vmem>>)
    %dma_start3A_65 = arith.constant 0 : i32
    %dma_start3A_66 = arith.constant 0 : i32
    %dma_start3A_67 = tpu.memref_slice %arg9[%dma_start3A_65, %dma_start3A_66] : memref<10000x128xf32, #tpu.memory_space<vmem_shared>> -> memref<10000x128xf32, #tpu.memory_space<vmem_shared>>
    tpu.enqueue_indirect_dma source(%arg7 : memref<144x128xf32, #tpu.memory_space<vmem>>) target(%dma_start3A_67 : memref<10000x128xf32, #tpu.memory_space<vmem_shared>>) offsets(%arg5 : memref<144xi32, #tpu.memory_space<vmem>>) semaphore(%arg12 : memref<!tpu.dma_semaphore, #tpu.memory_space<semaphore_mem>>) {add = true}
    %dma_wait3A_68 = arith.constant 0 : i32
    %dma_wait3A_69 = arith.constant 0 : i32
    %dma_wait3A_70 = tpu.memref_slice %arg9[%dma_wait3A_68, %dma_wait3A_69] : memref<10000x128xf32, #tpu.memory_space<vmem_shared>> -> memref<10000x128xf32, #tpu.memory_space<vmem_shared>>
    tpu.wait_indirect_dma semaphore(%arg12 : memref<!tpu.dma_semaphore, #tpu.memory_space<semaphore_mem>>) src(%arg7 : memref<144x128xf32, #tpu.memory_space<vmem>>) dst(%dma_wait3A_70 : memref<10000x128xf32, #tpu.memory_space<vmem_shared>>)
    %dma_wait3A_71 = arith.constant 0 : i32
    %dma_wait3A_72 = arith.constant 0 : i32
    %dma_wait3A_73 = tpu.memref_slice %arg9[%dma_wait3A_71, %dma_wait3A_72] : memref<10000x128xf32, #tpu.memory_space<vmem_shared>> -> memref<10000x128xf32, #tpu.memory_space<vmem_shared>>
    tpu.wait_indirect_dma semaphore(%arg13 : memref<!tpu.dma_semaphore, #tpu.memory_space<semaphore_mem>>) src(%arg8 : memref<144x128xf32, #tpu.memory_space<vmem>>) dst(%dma_wait3A_73 : memref<10000x128xf32, #tpu.memory_space<vmem_shared>>)
    %barrier3A_74 = arith.constant 0 : index
    tpu.barrier barrier_id(%barrier3A_74)
    %lt3A_75 = arith.constant 10 : i32
    %lt3A_76 = arith.cmpi slt, %arg1, %lt3A_75 : i32
    %convert_element_type3A_77 = arith.extui %lt3A_76 : i1 to i32
    %cond3A_78 = arith.constant 0 : i32
    %cond3A_79 = arith.cmpi ne, %convert_element_type3A_77, %cond3A_78 : i32
    scf.if %cond3A_79 {
      "tpu.region"() ({
        %run_scoped3A = tpu.sem_alloc : memref<!tpu.dma_semaphore, #tpu.memory_space<semaphore_mem>>
        %dma_start3A_80 = tpu.memref_slice %arg4[%multiple_of3A_3, %multiple_of3A] : memref<10000x256xf32, #tpu.memory_space<hbm>> -> memref<1000x128xf32, #tpu.memory_space<hbm>>
        %dma_start3A_81 = arith.constant 0 : i32
        %dma_start3A_82 = tpu.memref_slice %arg9[%multiple_of3A_3, %dma_start3A_81] : memref<10000x128xf32, #tpu.memory_space<vmem_shared>> -> memref<1000x128xf32, #tpu.memory_space<vmem_shared>>
        tpu.enqueue_dma source(%dma_start3A_82 : memref<1000x128xf32, #tpu.memory_space<vmem_shared>>) target(%dma_start3A_80 : memref<1000x128xf32, #tpu.memory_space<hbm>>) target_semaphore(%run_scoped3A : memref<!tpu.dma_semaphore, #tpu.memory_space<semaphore_mem>>)
        %dma_wait3A_83 = tpu.memref_slice %arg4[%multiple_of3A_3, %multiple_of3A] : memref<10000x256xf32, #tpu.memory_space<hbm>> -> memref<1000x128xf32, #tpu.memory_space<hbm>>
        %dma_wait3A_84 = arith.constant 0 : i32
        %dma_wait3A_85 = tpu.memref_slice %arg9[%multiple_of3A_3, %dma_wait3A_84] : memref<10000x128xf32, #tpu.memory_space<vmem_shared>> -> memref<1000x128xf32, #tpu.memory_space<vmem_shared>>
        tpu.wait_dma2 semaphore(%run_scoped3A : memref<!tpu.dma_semaphore, #tpu.memory_space<semaphore_mem>>) src(%dma_wait3A_85 : memref<1000x128xf32, #tpu.memory_space<vmem_shared>>) dst(%dma_wait3A_83 : memref<1000x128xf32, #tpu.memory_space<hbm>>)
        tpu.yield
      }) : () -> ()
    } else {
    }
    return
  }
}

module attributes {stable_mosaic.version = 14 : i64} {
  func.func @_mm_bias_pack_body(%arg0: i32, %arg1: memref<1000x256xf32, #tpu.memory_space<vmem>>, %arg2: memref<256x256xf32, #tpu.memory_space<vmem>>, %arg3: memref<1x256xf32, #tpu.memory_space<vmem>>, %arg4: memref<1000x128xf32, #tpu.memory_space<vmem>>) attributes {dimension_semantics = [#tpu.dimension_semantics<arbitrary>], iteration_bounds = array<i64: 10>, scalar_prefetch = 0 : i64, scratch_operands = 0 : i64, tpu.core_type = #tpu.core_type<tc>, window_params = [{transform_indices = @transform_0, window_bounds = array<i64: 1000, 256>}, {pipeline_mode = #tpu.pipeline_mode<synchronous>, transform_indices = @transform_1, window_bounds = array<i64: 256, 256>}, {pipeline_mode = #tpu.pipeline_mode<synchronous>, transform_indices = @transform_2, window_bounds = array<i64: 1, 256>}, {transform_indices = @transform_3, window_bounds = array<i64: 1000, 128>}]} {
    %get3A = arith.constant 0 : index
    %get3A_0 = arith.constant 0 : index
    %get3A_1 = vector.load %arg1[%get3A, %get3A_0] : memref<1000x256xf32, #tpu.memory_space<vmem>>, vector<1000x256xf32>
    %get3A_2 = arith.constant 0 : index
    %get3A_3 = arith.constant 0 : index
    %get3A_4 = vector.load %arg2[%get3A_2, %get3A_3] : memref<256x256xf32, #tpu.memory_space<vmem>>, vector<256x256xf32>
    %dot_general3A = arith.constant dense<0.000000e+00> : vector<1000x256xf32>
    %dot_general3A_5 = tpu.matmul %get3A_1, %get3A_4, %dot_general3A {dimension_numbers = #tpu.dot_dimension_numbers<[1], [0], [0], [1], [0, 0, 1, 1], [], []>, transpose_lhs_hint = false} : vector<1000x256xf32>, vector<256x256xf32>, vector<1000x256xf32> -> vector<1000x256xf32>
    %get3A_6 = arith.constant 0 : index
    %get3A_7 = arith.constant 0 : index
    %get3A_8 = vector.load %arg3[%get3A_6, %get3A_7] : memref<1x256xf32, #tpu.memory_space<vmem>>, vector<1x256xf32>
    %add3A = vector.broadcast %get3A_8 : vector<1x256xf32> to vector<1000x256xf32>
    %add3A_9 = arith.addf %dot_general3A_5, %add3A : vector<1000x256xf32>
    %slice3A = vector.extract_strided_slice %add3A_9 {offsets = [0, 0], sizes = [1000, 128], strides = [1, 1]} : vector<1000x256xf32> to vector<1000x128xf32>
    %bitcast_convert_type3A = tpu.bitcast %slice3A : vector<1000x128xf32> -> vector<1000x128xi32>
    %slice3A_10 = vector.extract_strided_slice %add3A_9 {offsets = [0, 128], sizes = [1000, 128], strides = [1, 1]} : vector<1000x256xf32> to vector<1000x128xf32>
    %bitcast_convert_type3A_11 = tpu.bitcast %slice3A_10 : vector<1000x128xf32> -> vector<1000x128xi32>
    %add3A_12 = arith.constant 32767 : i32
    %add3A_13 = vector.broadcast %add3A_12 : i32 to vector<1000x128xi32>
    %add3A_14 = arith.addi %bitcast_convert_type3A, %add3A_13 : vector<1000x128xi32>
    %shift_right_arithmetic3A = arith.constant 16 : i32
    %shift_right_arithmetic3A_15 = vector.broadcast %shift_right_arithmetic3A : i32 to vector<1000x128xi32>
    %shift_right_arithmetic3A_16 = arith.shrsi %bitcast_convert_type3A, %shift_right_arithmetic3A_15 : vector<1000x128xi32>
    %and3A = arith.constant 1 : i32
    %and3A_17 = vector.broadcast %and3A : i32 to vector<1000x128xi32>
    %and3A_18 = arith.andi %shift_right_arithmetic3A_16, %and3A_17 : vector<1000x128xi32>
    %add3A_19 = arith.addi %add3A_14, %and3A_18 : vector<1000x128xi32>
    %shift_right_arithmetic3A_20 = arith.constant 16 : i32
    %shift_right_arithmetic3A_21 = vector.broadcast %shift_right_arithmetic3A_20 : i32 to vector<1000x128xi32>
    %shift_right_arithmetic3A_22 = arith.shrsi %add3A_19, %shift_right_arithmetic3A_21 : vector<1000x128xi32>
    %add3A_23 = arith.constant 32767 : i32
    %add3A_24 = vector.broadcast %add3A_23 : i32 to vector<1000x128xi32>
    %add3A_25 = arith.addi %bitcast_convert_type3A_11, %add3A_24 : vector<1000x128xi32>
    %shift_right_arithmetic3A_26 = arith.constant 16 : i32
    %shift_right_arithmetic3A_27 = vector.broadcast %shift_right_arithmetic3A_26 : i32 to vector<1000x128xi32>
    %shift_right_arithmetic3A_28 = arith.shrsi %bitcast_convert_type3A_11, %shift_right_arithmetic3A_27 : vector<1000x128xi32>
    %and3A_29 = arith.constant 1 : i32
    %and3A_30 = vector.broadcast %and3A_29 : i32 to vector<1000x128xi32>
    %and3A_31 = arith.andi %shift_right_arithmetic3A_28, %and3A_30 : vector<1000x128xi32>
    %add3A_32 = arith.addi %add3A_25, %and3A_31 : vector<1000x128xi32>
    %shift_right_arithmetic3A_33 = arith.constant 16 : i32
    %shift_right_arithmetic3A_34 = vector.broadcast %shift_right_arithmetic3A_33 : i32 to vector<1000x128xi32>
    %shift_right_arithmetic3A_35 = arith.shrsi %add3A_32, %shift_right_arithmetic3A_34 : vector<1000x128xi32>
    %shift_left3A = arith.constant 16 : i32
    %shift_left3A_36 = vector.broadcast %shift_left3A : i32 to vector<1000x128xi32>
    %shift_left3A_37 = arith.shli %shift_right_arithmetic3A_35, %shift_left3A_36 : vector<1000x128xi32>
    %and3A_38 = arith.constant 65535 : i32
    %and3A_39 = vector.broadcast %and3A_38 : i32 to vector<1000x128xi32>
    %and3A_40 = arith.andi %shift_right_arithmetic3A_22, %and3A_39 : vector<1000x128xi32>
    %or3A = arith.ori %shift_left3A_37, %and3A_40 : vector<1000x128xi32>
    %bitcast_convert_type3A_41 = tpu.bitcast %or3A : vector<1000x128xi32> -> vector<1000x128xf32>
    %swap3A = arith.constant 0 : index
    %swap3A_42 = arith.constant 0 : index
    %swap3A_43 = vector.load %arg4[%swap3A, %swap3A_42] : memref<1000x128xf32, #tpu.memory_space<vmem>>, vector<1000x128xf32>
    tpu.vector_store %arg4[%swap3A, %swap3A_42], %bitcast_convert_type3A_41 {strides = array<i32>} : memref<1000x128xf32, #tpu.memory_space<vmem>>, vector<1000x128xf32>,
    return
  }
  func.func @transform_0(%arg0: i32) -> (i32, i32) {
    %c0_i32 = arith.constant 0 : i32
    %c0_i32_0 = arith.constant 0 : i32
    return %arg0, %c0_i32 : i32, i32
  }
  func.func @transform_1(%arg0: i32) -> (i32, i32) {
    %c0_i32 = arith.constant 0 : i32
    %c0_i32_0 = arith.constant 0 : i32
    %c0_i32_1 = arith.constant 0 : i32
    return %c0_i32, %c0_i32_0 : i32, i32
  }
  func.func @transform_2(%arg0: i32) -> (i32, i32) {
    %c0_i32 = arith.constant 0 : i32
    %c0_i32_0 = arith.constant 0 : i32
    %c0_i32_1 = arith.constant 0 : i32
    return %c0_i32, %c0_i32_0 : i32, i32
  }
  func.func @transform_3(%arg0: i32) -> (i32, i32) {
    %c0_i32 = arith.constant 0 : i32
    %c0_i32_0 = arith.constant 0 : i32
    return %arg0, %c0_i32 : i32, i32
  }
}

module attributes {stable_mosaic.version = 14 : i64} {
  func.func @_edge_body(%arg0: i32, %arg1: memref<1600x128xf32, #tpu.memory_space<vmem>>, %arg2: memref<1x1x1600xf32, #tpu.memory_space<vmem>>, %arg3: memref<1x256xf32, #tpu.memory_space<vmem>>, %arg4: memref<1x256xf32, #tpu.memory_space<vmem>>, %arg5: memref<1x256xf32, #tpu.memory_space<vmem>>, %arg6: memref<1600x256xf32, #tpu.memory_space<vmem>>) attributes {dimension_semantics = [#tpu.dimension_semantics<arbitrary>], iteration_bounds = array<i64: 32>, scalar_prefetch = 0 : i64, scratch_operands = 0 : i64, tpu.core_type = #tpu.core_type<tc>, window_params = [{transform_indices = @transform_0, window_bounds = array<i64: 1600, 128>}, {transform_indices = @transform_1, window_bounds = array<i64: 1, 1, 1600>}, {pipeline_mode = #tpu.pipeline_mode<synchronous>, transform_indices = @transform_2, window_bounds = array<i64: 1, 256>}, {pipeline_mode = #tpu.pipeline_mode<synchronous>, transform_indices = @transform_3, window_bounds = array<i64: 1, 256>}, {pipeline_mode = #tpu.pipeline_mode<synchronous>, transform_indices = @transform_4, window_bounds = array<i64: 1, 256>}, {transform_indices = @transform_5, window_bounds = array<i64: 1600, 256>}]} {
    %get3A = arith.constant 0 : index
    %get3A_0 = arith.constant 0 : index
    %get3A_1 = vector.load %arg1[%get3A, %get3A_0] : memref<1600x128xf32, #tpu.memory_space<vmem>>, vector<1600x128xf32>
    %bitcast_convert_type3A = tpu.bitcast %get3A_1 : vector<1600x128xf32> -> vector<1600x128xi32>
    %shift_left3A = arith.constant 16 : i32
    %shift_left3A_2 = vector.broadcast %shift_left3A : i32 to vector<1600x128xi32>
    %shift_left3A_3 = arith.shli %bitcast_convert_type3A, %shift_left3A_2 : vector<1600x128xi32>
    %bitcast_convert_type3A_4 = tpu.bitcast %shift_left3A_3 : vector<1600x128xi32> -> vector<1600x128xf32>
    %and3A = arith.constant -65536 : i32
    %and3A_5 = vector.broadcast %and3A : i32 to vector<1600x128xi32>
    %and3A_6 = arith.andi %bitcast_convert_type3A, %and3A_5 : vector<1600x128xi32>
    %bitcast_convert_type3A_7 = tpu.bitcast %and3A_6 : vector<1600x128xi32> -> vector<1600x128xf32>
    %concatenate3A = tpu.concatenate %bitcast_convert_type3A_4, %bitcast_convert_type3A_7 in 1 : vector<1600x128xf32>, vector<1600x128xf32> -> vector<1600x256xf32>
    %get3A_8 = arith.constant 0 : index
    %get3A_9 = arith.constant 0 : index
    %get3A_10 = arith.constant 0 : index
    %get3A_11 = vector.load %arg2[%get3A_8, %get3A_9, %get3A_10] : memref<1x1x1600xf32, #tpu.memory_space<vmem>>, vector<1x1x1600xf32>
    %get3A_12 = vector.shape_cast %get3A_11 : vector<1x1x1600xf32> to vector<1x1600xf32>
    %get3A_13 = arith.constant 0 : index
    %get3A_14 = arith.constant 0 : index
    %get3A_15 = vector.load %arg3[%get3A_13, %get3A_14] : memref<1x256xf32, #tpu.memory_space<vmem>>, vector<1x256xf32>
    %dot_general3A = arith.constant dense<0.000000e+00> : vector<1600x256xf32>
    %dot_general3A_16 = tpu.matmul %get3A_12, %get3A_15, %dot_general3A {dimension_numbers = #tpu.dot_dimension_numbers<[0], [0], [1], [1], [0, 1, 1, 1], [], []>, transpose_lhs_hint = false} : vector<1x1600xf32>, vector<1x256xf32>, vector<1600x256xf32> -> vector<1600x256xf32>
    %add3A = arith.addf %concatenate3A, %dot_general3A_16 : vector<1600x256xf32>
    %max3A = arith.constant 0.000000e+00 : f32
    %max3A_17 = vector.broadcast %max3A : f32 to vector<1600x256xf32>
    %max3A_18 = arith.maximumf %add3A, %max3A_17 : vector<1600x256xf32>
    %get3A_19 = arith.constant 0 : index
    %get3A_20 = arith.constant 0 : index
    %get3A_21 = vector.load %arg4[%get3A_19, %get3A_20] : memref<1x256xf32, #tpu.memory_space<vmem>>, vector<1x256xf32>
    %get3A_22 = arith.constant 0 : index
    %get3A_23 = arith.constant 0 : index
    %get3A_24 = vector.load %arg5[%get3A_22, %get3A_23] : memref<1x256xf32, #tpu.memory_space<vmem>>, vector<1x256xf32>
    %reduce_sum3A = arith.constant dense<0.000000e+00> : vector<1600xf32>
    %reduce_sum3A_25 = vector.multi_reduction <add>, %max3A_18, %reduce_sum3A [1] : vector<1600x256xf32> to vector<1600xf32>
    %broadcast_in_dim3A = vector.shape_cast %reduce_sum3A_25 : vector<1600xf32> to vector<1600x1xf32>
    %div3A = arith.constant 2.560000e+02 : f32
    %div3A_26 = vector.broadcast %div3A : f32 to vector<1600x1xf32>
    %div3A_27 = arith.divf %broadcast_in_dim3A, %div3A_26 : vector<1600x1xf32>
    %sub3A = vector.broadcast %div3A_27 : vector<1600x1xf32> to vector<1600x256xf32>
    %sub3A_28 = arith.subf %max3A_18, %sub3A : vector<1600x256xf32>
    %mul3A = arith.mulf %sub3A_28, %sub3A_28 : vector<1600x256xf32>
    %reduce_sum3A_29 = arith.constant dense<0.000000e+00> : vector<1600xf32>
    %reduce_sum3A_30 = vector.multi_reduction <add>, %mul3A, %reduce_sum3A_29 [1] : vector<1600x256xf32> to vector<1600xf32>
    %broadcast_in_dim3A_31 = vector.shape_cast %reduce_sum3A_30 : vector<1600xf32> to vector<1600x1xf32>
    %div3A_32 = arith.constant 2.560000e+02 : f32
    %div3A_33 = vector.broadcast %div3A_32 : f32 to vector<1600x1xf32>
    %div3A_34 = arith.divf %broadcast_in_dim3A_31, %div3A_33 : vector<1600x1xf32>
    %add3A_35 = arith.constant 9.99999974E-6 : f32
    %add3A_36 = vector.broadcast %add3A_35 : f32 to vector<1600x1xf32>
    %add3A_37 = arith.addf %div3A_34, %add3A_36 : vector<1600x1xf32>
    %rsqrt3A = math.rsqrt %add3A_37 : vector<1600x1xf32>
    %mul3A_38 = vector.broadcast %rsqrt3A : vector<1600x1xf32> to vector<1600x256xf32>
    %mul3A_39 = arith.mulf %sub3A_28, %mul3A_38 : vector<1600x256xf32>
    %mul3A_40 = vector.broadcast %get3A_21 : vector<1x256xf32> to vector<1600x256xf32>
    %mul3A_41 = arith.mulf %mul3A_39, %mul3A_40 : vector<1600x256xf32>
    %add3A_42 = vector.broadcast %get3A_24 : vector<1x256xf32> to vector<1600x256xf32>
    %add3A_43 = arith.addf %mul3A_41, %add3A_42 : vector<1600x256xf32>
    %swap3A = arith.constant 0 : index
    %swap3A_44 = arith.constant 0 : index
    %swap3A_45 = vector.load %arg6[%swap3A, %swap3A_44] : memref<1600x256xf32, #tpu.memory_space<vmem>>, vector<1600x256xf32>
    tpu.vector_store %arg6[%swap3A, %swap3A_44], %add3A_43 {strides = array<i32>} : memref<1600x256xf32, #tpu.memory_space<vmem>>, vector<1600x256xf32>,
    return
  }
  func.func @transform_0(%arg0: i32) -> (i32, i32) {
    %c0_i32 = arith.constant 0 : i32
    %c0_i32_0 = arith.constant 0 : i32
    return %arg0, %c0_i32 : i32, i32
  }
  func.func @transform_1(%arg0: i32) -> (i32, i32, i32) {
    %c0_i32 = arith.constant 0 : i32
    %c0_i32_0 = arith.constant 0 : i32
    %c0_i32_1 = arith.constant 0 : i32
    return %arg0, %c0_i32, %c0_i32_0 : i32, i32, i32
  }
  func.func @transform_2(%arg0: i32) -> (i32, i32) {
    %c0_i32 = arith.constant 0 : i32
    %c0_i32_0 = arith.constant 0 : i32
    %c0_i32_1 = arith.constant 0 : i32
    return %c0_i32, %c0_i32_0 : i32, i32
  }
  func.func @transform_3(%arg0: i32) -> (i32, i32) {
    %c0_i32 = arith.constant 0 : i32
    %c0_i32_0 = arith.constant 0 : i32
    %c0_i32_1 = arith.constant 0 : i32
    return %c0_i32, %c0_i32_0 : i32, i32
  }
  func.func @transform_4(%arg0: i32) -> (i32, i32) {
    %c0_i32 = arith.constant 0 : i32
    %c0_i32_0 = arith.constant 0 : i32
    %c0_i32_1 = arith.constant 0 : i32
    return %c0_i32, %c0_i32_0 : i32, i32
  }
  func.func @transform_5(%arg0: i32) -> (i32, i32) {
    %c0_i32 = arith.constant 0 : i32
    %c0_i32_0 = arith.constant 0 : i32
    return %arg0, %c0_i32 : i32, i32
  }
}

module attributes {stable_mosaic.version = 14 : i64} {
  func.func @_edge_body(%arg0: i32, %arg1: memref<1600x128xf32, #tpu.memory_space<vmem>>, %arg2: memref<1x1x1600xf32, #tpu.memory_space<vmem>>, %arg3: memref<1x256xf32, #tpu.memory_space<vmem>>, %arg4: memref<1x256xf32, #tpu.memory_space<vmem>>, %arg5: memref<1x256xf32, #tpu.memory_space<vmem>>, %arg6: memref<1600x256xf32, #tpu.memory_space<vmem>>) attributes {dimension_semantics = [#tpu.dimension_semantics<arbitrary>], iteration_bounds = array<i64: 36>, scalar_prefetch = 0 : i64, scratch_operands = 0 : i64, tpu.core_type = #tpu.core_type<tc>, window_params = [{transform_indices = @transform_0, window_bounds = array<i64: 1600, 128>}, {transform_indices = @transform_1, window_bounds = array<i64: 1, 1, 1600>}, {pipeline_mode = #tpu.pipeline_mode<synchronous>, transform_indices = @transform_2, window_bounds = array<i64: 1, 256>}, {pipeline_mode = #tpu.pipeline_mode<synchronous>, transform_indices = @transform_3, window_bounds = array<i64: 1, 256>}, {pipeline_mode = #tpu.pipeline_mode<synchronous>, transform_indices = @transform_4, window_bounds = array<i64: 1, 256>}, {transform_indices = @transform_5, window_bounds = array<i64: 1600, 256>}]} {
    %get3A = arith.constant 0 : index
    %get3A_0 = arith.constant 0 : index
    %get3A_1 = vector.load %arg1[%get3A, %get3A_0] : memref<1600x128xf32, #tpu.memory_space<vmem>>, vector<1600x128xf32>
    %bitcast_convert_type3A = tpu.bitcast %get3A_1 : vector<1600x128xf32> -> vector<1600x128xi32>
    %shift_left3A = arith.constant 16 : i32
    %shift_left3A_2 = vector.broadcast %shift_left3A : i32 to vector<1600x128xi32>
    %shift_left3A_3 = arith.shli %bitcast_convert_type3A, %shift_left3A_2 : vector<1600x128xi32>
    %bitcast_convert_type3A_4 = tpu.bitcast %shift_left3A_3 : vector<1600x128xi32> -> vector<1600x128xf32>
    %and3A = arith.constant -65536 : i32
    %and3A_5 = vector.broadcast %and3A : i32 to vector<1600x128xi32>
    %and3A_6 = arith.andi %bitcast_convert_type3A, %and3A_5 : vector<1600x128xi32>
    %bitcast_convert_type3A_7 = tpu.bitcast %and3A_6 : vector<1600x128xi32> -> vector<1600x128xf32>
    %concatenate3A = tpu.concatenate %bitcast_convert_type3A_4, %bitcast_convert_type3A_7 in 1 : vector<1600x128xf32>, vector<1600x128xf32> -> vector<1600x256xf32>
    %get3A_8 = arith.constant 0 : index
    %get3A_9 = arith.constant 0 : index
    %get3A_10 = arith.constant 0 : index
    %get3A_11 = vector.load %arg2[%get3A_8, %get3A_9, %get3A_10] : memref<1x1x1600xf32, #tpu.memory_space<vmem>>, vector<1x1x1600xf32>
    %get3A_12 = vector.shape_cast %get3A_11 : vector<1x1x1600xf32> to vector<1x1600xf32>
    %get3A_13 = arith.constant 0 : index
    %get3A_14 = arith.constant 0 : index
    %get3A_15 = vector.load %arg3[%get3A_13, %get3A_14] : memref<1x256xf32, #tpu.memory_space<vmem>>, vector<1x256xf32>
    %dot_general3A = arith.constant dense<0.000000e+00> : vector<1600x256xf32>
    %dot_general3A_16 = tpu.matmul %get3A_12, %get3A_15, %dot_general3A {dimension_numbers = #tpu.dot_dimension_numbers<[0], [0], [1], [1], [0, 1, 1, 1], [], []>, transpose_lhs_hint = false} : vector<1x1600xf32>, vector<1x256xf32>, vector<1600x256xf32> -> vector<1600x256xf32>
    %add3A = arith.addf %concatenate3A, %dot_general3A_16 : vector<1600x256xf32>
    %max3A = arith.constant 0.000000e+00 : f32
    %max3A_17 = vector.broadcast %max3A : f32 to vector<1600x256xf32>
    %max3A_18 = arith.maximumf %add3A, %max3A_17 : vector<1600x256xf32>
    %get3A_19 = arith.constant 0 : index
    %get3A_20 = arith.constant 0 : index
    %get3A_21 = vector.load %arg4[%get3A_19, %get3A_20] : memref<1x256xf32, #tpu.memory_space<vmem>>, vector<1x256xf32>
    %get3A_22 = arith.constant 0 : index
    %get3A_23 = arith.constant 0 : index
    %get3A_24 = vector.load %arg5[%get3A_22, %get3A_23] : memref<1x256xf32, #tpu.memory_space<vmem>>, vector<1x256xf32>
    %reduce_sum3A = arith.constant dense<0.000000e+00> : vector<1600xf32>
    %reduce_sum3A_25 = vector.multi_reduction <add>, %max3A_18, %reduce_sum3A [1] : vector<1600x256xf32> to vector<1600xf32>
    %broadcast_in_dim3A = vector.shape_cast %reduce_sum3A_25 : vector<1600xf32> to vector<1600x1xf32>
    %div3A = arith.constant 2.560000e+02 : f32
    %div3A_26 = vector.broadcast %div3A : f32 to vector<1600x1xf32>
    %div3A_27 = arith.divf %broadcast_in_dim3A, %div3A_26 : vector<1600x1xf32>
    %sub3A = vector.broadcast %div3A_27 : vector<1600x1xf32> to vector<1600x256xf32>
    %sub3A_28 = arith.subf %max3A_18, %sub3A : vector<1600x256xf32>
    %mul3A = arith.mulf %sub3A_28, %sub3A_28 : vector<1600x256xf32>
    %reduce_sum3A_29 = arith.constant dense<0.000000e+00> : vector<1600xf32>
    %reduce_sum3A_30 = vector.multi_reduction <add>, %mul3A, %reduce_sum3A_29 [1] : vector<1600x256xf32> to vector<1600xf32>
    %broadcast_in_dim3A_31 = vector.shape_cast %reduce_sum3A_30 : vector<1600xf32> to vector<1600x1xf32>
    %div3A_32 = arith.constant 2.560000e+02 : f32
    %div3A_33 = vector.broadcast %div3A_32 : f32 to vector<1600x1xf32>
    %div3A_34 = arith.divf %broadcast_in_dim3A_31, %div3A_33 : vector<1600x1xf32>
    %add3A_35 = arith.constant 9.99999974E-6 : f32
    %add3A_36 = vector.broadcast %add3A_35 : f32 to vector<1600x1xf32>
    %add3A_37 = arith.addf %div3A_34, %add3A_36 : vector<1600x1xf32>
    %rsqrt3A = math.rsqrt %add3A_37 : vector<1600x1xf32>
    %mul3A_38 = vector.broadcast %rsqrt3A : vector<1600x1xf32> to vector<1600x256xf32>
    %mul3A_39 = arith.mulf %sub3A_28, %mul3A_38 : vector<1600x256xf32>
    %mul3A_40 = vector.broadcast %get3A_21 : vector<1x256xf32> to vector<1600x256xf32>
    %mul3A_41 = arith.mulf %mul3A_39, %mul3A_40 : vector<1600x256xf32>
    %add3A_42 = vector.broadcast %get3A_24 : vector<1x256xf32> to vector<1600x256xf32>
    %add3A_43 = arith.addf %mul3A_41, %add3A_42 : vector<1600x256xf32>
    %swap3A = arith.constant 0 : index
    %swap3A_44 = arith.constant 0 : index
    %swap3A_45 = vector.load %arg6[%swap3A, %swap3A_44] : memref<1600x256xf32, #tpu.memory_space<vmem>>, vector<1600x256xf32>
    tpu.vector_store %arg6[%swap3A, %swap3A_44], %add3A_43 {strides = array<i32>} : memref<1600x256xf32, #tpu.memory_space<vmem>>, vector<1600x256xf32>,
    return
  }
  func.func @transform_0(%arg0: i32) -> (i32, i32) {
    %c0_i32 = arith.constant 0 : i32
    %c0_i32_0 = arith.constant 0 : i32
    return %arg0, %c0_i32 : i32, i32
  }
  func.func @transform_1(%arg0: i32) -> (i32, i32, i32) {
    %c0_i32 = arith.constant 0 : i32
    %c0_i32_0 = arith.constant 0 : i32
    %c0_i32_1 = arith.constant 0 : i32
    return %arg0, %c0_i32, %c0_i32_0 : i32, i32, i32
  }
  func.func @transform_2(%arg0: i32) -> (i32, i32) {
    %c0_i32 = arith.constant 0 : i32
    %c0_i32_0 = arith.constant 0 : i32
    %c0_i32_1 = arith.constant 0 : i32
    return %c0_i32, %c0_i32_0 : i32, i32
  }
  func.func @transform_3(%arg0: i32) -> (i32, i32) {
    %c0_i32 = arith.constant 0 : i32
    %c0_i32_0 = arith.constant 0 : i32
    %c0_i32_1 = arith.constant 0 : i32
    return %c0_i32, %c0_i32_0 : i32, i32
  }
  func.func @transform_4(%arg0: i32) -> (i32, i32) {
    %c0_i32 = arith.constant 0 : i32
    %c0_i32_0 = arith.constant 0 : i32
    %c0_i32_1 = arith.constant 0 : i32
    return %c0_i32, %c0_i32_0 : i32, i32
  }
  func.func @transform_5(%arg0: i32) -> (i32, i32) {
    %c0_i32 = arith.constant 0 : i32
    %c0_i32_0 = arith.constant 0 : i32
    return %arg0, %c0_i32 : i32, i32
  }
}

module attributes {stable_mosaic.version = 14 : i64} {
  func.func @_node_pre_body(%arg0: i32, %arg1: memref<1000x256xf32, #tpu.memory_space<vmem>>, %arg2: memref<1000x1xi32, #tpu.memory_space<vmem>>, %arg3: memref<1x16xf32, #tpu.memory_space<vmem>>, %arg4: memref<256x256xf32, #tpu.memory_space<vmem>>, %arg5: memref<1x256xf32, #tpu.memory_space<vmem>>, %arg6: memref<1x256xf32, #tpu.memory_space<vmem>>, %arg7: memref<1000x256xf32, #tpu.memory_space<vmem>>) attributes {dimension_semantics = [#tpu.dimension_semantics<arbitrary>], iteration_bounds = array<i64: 10>, scalar_prefetch = 0 : i64, scratch_operands = 0 : i64, tpu.core_type = #tpu.core_type<tc>, window_params = [{transform_indices = @transform_0, window_bounds = array<i64: 1000, 256>}, {transform_indices = @transform_1, window_bounds = array<i64: 1000, 1>}, {pipeline_mode = #tpu.pipeline_mode<synchronous>, transform_indices = @transform_2, window_bounds = array<i64: 1, 16>}, {pipeline_mode = #tpu.pipeline_mode<synchronous>, transform_indices = @transform_3, window_bounds = array<i64: 256, 256>}, {pipeline_mode = #tpu.pipeline_mode<synchronous>, transform_indices = @transform_4, window_bounds = array<i64: 1, 256>}, {pipeline_mode = #tpu.pipeline_mode<synchronous>, transform_indices = @transform_5, window_bounds = array<i64: 1, 256>}, {transform_indices = @transform_6, window_bounds = array<i64: 1000, 256>}]} {
    %get3A = arith.constant 0 : index
    %get3A_0 = arith.constant 0 : index
    %get3A_1 = vector.load %arg2[%get3A, %get3A_0] : memref<1000x1xi32, #tpu.memory_space<vmem>>, vector<1000x1xi32>
    %iota3A = tpu.iota {dimensions = array<i32: 1>} : vector<1x16xi32>
    %eq3A = vector.broadcast %get3A_1 : vector<1000x1xi32> to vector<1000x16xi32>
    %eq3A_2 = vector.broadcast %iota3A : vector<1x16xi32> to vector<1000x16xi32>
    %eq3A_3 = arith.cmpi eq, %eq3A, %eq3A_2 : vector<1000x16xi32>
    %jit3A = arith.constant 1.000000e+00 : f32
    %jit3A_4 = arith.constant 0.000000e+00 : f32
    %broadcast_in_dim3A = vector.broadcast %jit3A : f32 to vector<1000x16xf32>
    %broadcast_in_dim3A_5 = vector.broadcast %jit3A_4 : f32 to vector<1000x16xf32>
    %select_n3A = arith.select %eq3A_3, %broadcast_in_dim3A, %broadcast_in_dim3A_5 : vector<1000x16xi1>, vector<1000x16xf32>
    %get3A_6 = arith.constant 0 : index
    %get3A_7 = arith.constant 0 : index
    %get3A_8 = vector.load %arg3[%get3A_6, %get3A_7] : memref<1x16xf32, #tpu.memory_space<vmem>>, vector<1x16xf32>
    %mul3A = vector.broadcast %get3A_8 : vector<1x16xf32> to vector<1000x16xf32>
    %mul3A_9 = arith.mulf %select_n3A, %mul3A : vector<1000x16xf32>
    %reduce_sum3A = arith.constant dense<0.000000e+00> : vector<1000xf32>
    %reduce_sum3A_10 = vector.multi_reduction <add>, %mul3A_9, %reduce_sum3A [1] : vector<1000x16xf32> to vector<1000xf32>
    %broadcast_in_dim3A_11 = vector.shape_cast %reduce_sum3A_10 : vector<1000xf32> to vector<1000x1xf32>
    %get3A_12 = arith.constant 0 : index
    %get3A_13 = arith.constant 0 : index
    %get3A_14 = vector.load %arg1[%get3A_12, %get3A_13] : memref<1000x256xf32, #tpu.memory_space<vmem>>, vector<1000x256xf32>
    %get3A_15 = arith.constant 0 : index
    %get3A_16 = arith.constant 0 : index
    %get3A_17 = vector.load %arg4[%get3A_15, %get3A_16] : memref<256x256xf32, #tpu.memory_space<vmem>>, vector<256x256xf32>
    %dot_general3A = arith.constant dense<0.000000e+00> : vector<1000x256xf32>
    %dot_general3A_18 = tpu.matmul %get3A_14, %get3A_17, %dot_general3A {dimension_numbers = #tpu.dot_dimension_numbers<[1], [0], [0], [1], [0, 0, 1, 1], [], []>, transpose_lhs_hint = false} : vector<1000x256xf32>, vector<256x256xf32>, vector<1000x256xf32> -> vector<1000x256xf32>
    %get3A_19 = arith.constant 0 : index
    %get3A_20 = arith.constant 0 : index
    %get3A_21 = vector.load %arg5[%get3A_19, %get3A_20] : memref<1x256xf32, #tpu.memory_space<vmem>>, vector<1x256xf32>
    %mul3A_22 = vector.broadcast %broadcast_in_dim3A_11 : vector<1000x1xf32> to vector<1000x256xf32>
    %mul3A_23 = vector.broadcast %get3A_21 : vector<1x256xf32> to vector<1000x256xf32>
    %mul3A_24 = arith.mulf %mul3A_22, %mul3A_23 : vector<1000x256xf32>
    %add3A = arith.addf %dot_general3A_18, %mul3A_24 : vector<1000x256xf32>
    %get3A_25 = arith.constant 0 : index
    %get3A_26 = arith.constant 0 : index
    %get3A_27 = vector.load %arg6[%get3A_25, %get3A_26] : memref<1x256xf32, #tpu.memory_space<vmem>>, vector<1x256xf32>
    %add3A_28 = vector.broadcast %get3A_27 : vector<1x256xf32> to vector<1000x256xf32>
    %add3A_29 = arith.addf %add3A, %add3A_28 : vector<1000x256xf32>
    %swap3A = arith.constant 0 : index
    %swap3A_30 = arith.constant 0 : index
    %swap3A_31 = vector.load %arg7[%swap3A, %swap3A_30] : memref<1000x256xf32, #tpu.memory_space<vmem>>, vector<1000x256xf32>
    tpu.vector_store %arg7[%swap3A, %swap3A_30], %add3A_29 {strides = array<i32>} : memref<1000x256xf32, #tpu.memory_space<vmem>>, vector<1000x256xf32>,
    return
  }
  func.func @transform_0(%arg0: i32) -> (i32, i32) {
    %c0_i32 = arith.constant 0 : i32
    %c0_i32_0 = arith.constant 0 : i32
    return %arg0, %c0_i32 : i32, i32
  }
  func.func @transform_1(%arg0: i32) -> (i32, i32) {
    %c0_i32 = arith.constant 0 : i32
    %c0_i32_0 = arith.constant 0 : i32
    return %arg0, %c0_i32 : i32, i32
  }
  func.func @transform_2(%arg0: i32) -> (i32, i32) {
    %c0_i32 = arith.constant 0 : i32
    %c0_i32_0 = arith.constant 0 : i32
    %c0_i32_1 = arith.constant 0 : i32
    return %c0_i32, %c0_i32_0 : i32, i32
  }
  func.func @transform_3(%arg0: i32) -> (i32, i32) {
    %c0_i32 = arith.constant 0 : i32
    %c0_i32_0 = arith.constant 0 : i32
    %c0_i32_1 = arith.constant 0 : i32
    return %c0_i32, %c0_i32_0 : i32, i32
  }
  func.func @transform_4(%arg0: i32) -> (i32, i32) {
    %c0_i32 = arith.constant 0 : i32
    %c0_i32_0 = arith.constant 0 : i32
    %c0_i32_1 = arith.constant 0 : i32
    return %c0_i32, %c0_i32_0 : i32, i32
  }
  func.func @transform_5(%arg0: i32) -> (i32, i32) {
    %c0_i32 = arith.constant 0 : i32
    %c0_i32_0 = arith.constant 0 : i32
    %c0_i32_1 = arith.constant 0 : i32
    return %c0_i32, %c0_i32_0 : i32, i32
  }
  func.func @transform_6(%arg0: i32) -> (i32, i32) {
    %c0_i32 = arith.constant 0 : i32
    %c0_i32_0 = arith.constant 0 : i32
    return %arg0, %c0_i32 : i32, i32
  }
}

module attributes {stable_mosaic.version = 14 : i64} {
  func.func @body(%arg0: i32, %arg1: memref<1000x256xf32, #tpu.memory_space<vmem>>, %arg2: memref<1000x256xf32, #tpu.memory_space<vmem>>, %arg3: memref<1000x256xf32, #tpu.memory_space<vmem>>, %arg4: memref<2x1000x16xf32, #tpu.memory_space<vmem>>, %arg5: memref<256x256xf32, #tpu.memory_space<vmem>>, %arg6: memref<1000x256xf32, #tpu.memory_space<vmem>>) attributes {dimension_semantics = [#tpu.dimension_semantics<arbitrary>], iteration_bounds = array<i64: 10>, scalar_prefetch = 0 : i64, scratch_operands = 0 : i64, tpu.core_type = #tpu.core_type<tc>, window_params = [{transform_indices = @transform_0, window_bounds = array<i64: 1000, 256>}, {transform_indices = @transform_1, window_bounds = array<i64: 1000, 256>}, {transform_indices = @transform_2, window_bounds = array<i64: 1000, 256>}, {transform_indices = @transform_3, window_bounds = array<i64: 2, 1000, 16>}, {pipeline_mode = #tpu.pipeline_mode<synchronous>, transform_indices = @transform_4, window_bounds = array<i64: 256, 256>}, {transform_indices = @transform_5, window_bounds = array<i64: 1000, 256>}]} {
    %get3A = arith.constant 0 : index
    %get3A_0 = arith.constant 0 : index
    %get3A_1 = arith.constant 0 : index
    %get3A_2 = vector.load %arg4[%get3A, %get3A_0, %get3A_1] : memref<2x1000x16xf32, #tpu.memory_space<vmem>>, vector<1x1000x1xf32>
    %get3A_3 = vector.shape_cast %get3A_2 : vector<1x1000x1xf32> to vector<1000x1xf32>
    %get3A_4 = arith.constant 1 : index
    %get3A_5 = arith.constant 0 : index
    %get3A_6 = arith.constant 0 : index
    %get3A_7 = vector.load %arg4[%get3A_4, %get3A_5, %get3A_6] : memref<2x1000x16xf32, #tpu.memory_space<vmem>>, vector<1x1000x1xf32>
    %get3A_8 = vector.shape_cast %get3A_7 : vector<1x1000x1xf32> to vector<1000x1xf32>
    %add3A = arith.addf %get3A_3, %get3A_8 : vector<1000x1xf32>
    %get3A_9 = arith.constant 0 : index
    %get3A_10 = arith.constant 0 : index
    %get3A_11 = vector.load %arg2[%get3A_9, %get3A_10] : memref<1000x256xf32, #tpu.memory_space<vmem>>, vector<1000x256xf32>
    %get3A_12 = arith.constant 0 : index
    %get3A_13 = arith.constant 0 : index
    %get3A_14 = vector.load %arg3[%get3A_12, %get3A_13] : memref<1000x256xf32, #tpu.memory_space<vmem>>, vector<1000x256xf32>
    %add3A_15 = arith.addf %get3A_11, %get3A_14 : vector<1000x256xf32>
    %max3A = arith.constant 1.000000e+00 : f32
    %max3A_16 = vector.broadcast %max3A : f32 to vector<1000x1xf32>
    %max3A_17 = arith.maximumf %add3A, %max3A_16 : vector<1000x1xf32>
    %div3A = vector.broadcast %max3A_17 : vector<1000x1xf32> to vector<1000x256xf32>
    %div3A_18 = arith.divf %add3A_15, %div3A : vector<1000x256xf32>
    %get3A_19 = arith.constant 0 : index
    %get3A_20 = arith.constant 0 : index
    %get3A_21 = vector.load %arg1[%get3A_19, %get3A_20] : memref<1000x256xf32, #tpu.memory_space<vmem>>, vector<1000x256xf32>
    %get3A_22 = arith.constant 0 : index
    %get3A_23 = arith.constant 0 : index
    %get3A_24 = vector.load %arg5[%get3A_22, %get3A_23] : memref<256x256xf32, #tpu.memory_space<vmem>>, vector<256x256xf32>
    %dot_general3A = arith.constant dense<0.000000e+00> : vector<1000x256xf32>
    %dot_general3A_25 = tpu.matmul %div3A_18, %get3A_24, %dot_general3A {dimension_numbers = #tpu.dot_dimension_numbers<[1], [0], [0], [1], [0, 0, 1, 1], [], []>, transpose_lhs_hint = false} : vector<1000x256xf32>, vector<256x256xf32>, vector<1000x256xf32> -> vector<1000x256xf32>
    %add3A_26 = arith.addf %get3A_21, %dot_general3A_25 : vector<1000x256xf32>
    %swap3A = arith.constant 0 : index
    %swap3A_27 = arith.constant 0 : index
    %swap3A_28 = vector.load %arg6[%swap3A, %swap3A_27] : memref<1000x256xf32, #tpu.memory_space<vmem>>, vector<1000x256xf32>
    tpu.vector_store %arg6[%swap3A, %swap3A_27], %add3A_26 {strides = array<i32>} : memref<1000x256xf32, #tpu.memory_space<vmem>>, vector<1000x256xf32>,
    return
  }
  func.func @transform_0(%arg0: i32) -> (i32, i32) {
    %c0_i32 = arith.constant 0 : i32
    %c0_i32_0 = arith.constant 0 : i32
    return %arg0, %c0_i32 : i32, i32
  }
  func.func @transform_1(%arg0: i32) -> (i32, i32) {
    %c0_i32 = arith.constant 0 : i32
    %c0_i32_0 = arith.constant 0 : i32
    return %arg0, %c0_i32 : i32, i32
  }
  func.func @transform_2(%arg0: i32) -> (i32, i32) {
    %c0_i32 = arith.constant 0 : i32
    %c0_i32_0 = arith.constant 0 : i32
    return %arg0, %c0_i32 : i32, i32
  }
  func.func @transform_3(%arg0: i32) -> (i32, i32, i32) {
    %c0_i32 = arith.constant 0 : i32
    %c0_i32_0 = arith.constant 0 : i32
    %c0_i32_1 = arith.constant 0 : i32
    return %c0_i32, %arg0, %c0_i32_0 : i32, i32, i32
  }
  func.func @transform_4(%arg0: i32) -> (i32, i32) {
    %c0_i32 = arith.constant 0 : i32
    %c0_i32_0 = arith.constant 0 : i32
    %c0_i32_1 = arith.constant 0 : i32
    return %c0_i32, %c0_i32_0 : i32, i32
  }
  func.func @transform_5(%arg0: i32) -> (i32, i32) {
    %c0_i32 = arith.constant 0 : i32
    %c0_i32_0 = arith.constant 0 : i32
    return %arg0, %c0_i32 : i32, i32
  }
}

module attributes {stable_mosaic.version = 14 : i64} {
  func.func @body(%arg0: i32, %arg1: memref<1000x256xf32, #tpu.memory_space<vmem>>, %arg2: memref<1000x256xf32, #tpu.memory_space<vmem>>, %arg3: memref<2x1000x16xf32, #tpu.memory_space<vmem>>, %arg4: memref<256x256xf32, #tpu.memory_space<vmem>>, %arg5: memref<1x256xf32, #tpu.memory_space<vmem>>, %arg6: memref<1x256xf32, #tpu.memory_space<vmem>>, %arg7: memref<1000x256xf32, #tpu.memory_space<vmem>>) attributes {dimension_semantics = [#tpu.dimension_semantics<arbitrary>], iteration_bounds = array<i64: 10>, scalar_prefetch = 0 : i64, scratch_operands = 0 : i64, tpu.core_type = #tpu.core_type<tc>, window_params = [{transform_indices = @transform_0, window_bounds = array<i64: 1000, 256>}, {transform_indices = @transform_1, window_bounds = array<i64: 1000, 256>}, {transform_indices = @transform_2, window_bounds = array<i64: 2, 1000, 16>}, {pipeline_mode = #tpu.pipeline_mode<synchronous>, transform_indices = @transform_3, window_bounds = array<i64: 256, 256>}, {pipeline_mode = #tpu.pipeline_mode<synchronous>, transform_indices = @transform_4, window_bounds = array<i64: 1, 256>}, {pipeline_mode = #tpu.pipeline_mode<synchronous>, transform_indices = @transform_5, window_bounds = array<i64: 1, 256>}, {transform_indices = @transform_6, window_bounds = array<i64: 1000, 256>}]} {
    %get3A = arith.constant 0 : index
    %get3A_0 = arith.constant 0 : index
    %get3A_1 = arith.constant 0 : index
    %get3A_2 = vector.load %arg3[%get3A, %get3A_0, %get3A_1] : memref<2x1000x16xf32, #tpu.memory_space<vmem>>, vector<1x1000x1xf32>
    %get3A_3 = vector.shape_cast %get3A_2 : vector<1x1000x1xf32> to vector<1000x1xf32>
    %get3A_4 = arith.constant 1 : index
    %get3A_5 = arith.constant 0 : index
    %get3A_6 = arith.constant 0 : index
    %get3A_7 = vector.load %arg3[%get3A_4, %get3A_5, %get3A_6] : memref<2x1000x16xf32, #tpu.memory_space<vmem>>, vector<1x1000x1xf32>
    %get3A_8 = vector.shape_cast %get3A_7 : vector<1x1000x1xf32> to vector<1000x1xf32>
    %add3A = arith.addf %get3A_3, %get3A_8 : vector<1000x1xf32>
    %get3A_9 = arith.constant 0 : index
    %get3A_10 = arith.constant 0 : index
    %get3A_11 = vector.load %arg2[%get3A_9, %get3A_10] : memref<1000x256xf32, #tpu.memory_space<vmem>>, vector<1000x256xf32>
    %max3A = arith.constant 1.000000e+00 : f32
    %max3A_12 = vector.broadcast %max3A : f32 to vector<1000x1xf32>
    %max3A_13 = arith.maximumf %add3A, %max3A_12 : vector<1000x1xf32>
    %div3A = vector.broadcast %max3A_13 : vector<1000x1xf32> to vector<1000x256xf32>
    %div3A_14 = arith.divf %get3A_11, %div3A : vector<1000x256xf32>
    %get3A_15 = arith.constant 0 : index
    %get3A_16 = arith.constant 0 : index
    %get3A_17 = vector.load %arg1[%get3A_15, %get3A_16] : memref<1000x256xf32, #tpu.memory_space<vmem>>, vector<1000x256xf32>
    %get3A_18 = arith.constant 0 : index
    %get3A_19 = arith.constant 0 : index
    %get3A_20 = vector.load %arg4[%get3A_18, %get3A_19] : memref<256x256xf32, #tpu.memory_space<vmem>>, vector<256x256xf32>
    %dot_general3A = arith.constant dense<0.000000e+00> : vector<1000x256xf32>
    %dot_general3A_21 = tpu.matmul %div3A_14, %get3A_20, %dot_general3A {dimension_numbers = #tpu.dot_dimension_numbers<[1], [0], [0], [1], [0, 0, 1, 1], [], []>, transpose_lhs_hint = false} : vector<1000x256xf32>, vector<256x256xf32>, vector<1000x256xf32> -> vector<1000x256xf32>
    %add3A_22 = arith.addf %get3A_17, %dot_general3A_21 : vector<1000x256xf32>
    %max3A_23 = arith.constant 0.000000e+00 : f32
    %max3A_24 = vector.broadcast %max3A_23 : f32 to vector<1000x256xf32>
    %max3A_25 = arith.maximumf %add3A_22, %max3A_24 : vector<1000x256xf32>
    %get3A_26 = arith.constant 0 : index
    %get3A_27 = arith.constant 0 : index
    %get3A_28 = vector.load %arg5[%get3A_26, %get3A_27] : memref<1x256xf32, #tpu.memory_space<vmem>>, vector<1x256xf32>
    %get3A_29 = arith.constant 0 : index
    %get3A_30 = arith.constant 0 : index
    %get3A_31 = vector.load %arg6[%get3A_29, %get3A_30] : memref<1x256xf32, #tpu.memory_space<vmem>>, vector<1x256xf32>
    %reduce_sum3A = arith.constant dense<0.000000e+00> : vector<1000xf32>
    %reduce_sum3A_32 = vector.multi_reduction <add>, %max3A_25, %reduce_sum3A [1] : vector<1000x256xf32> to vector<1000xf32>
    %broadcast_in_dim3A = vector.shape_cast %reduce_sum3A_32 : vector<1000xf32> to vector<1000x1xf32>
    %div3A_33 = arith.constant 2.560000e+02 : f32
    %div3A_34 = vector.broadcast %div3A_33 : f32 to vector<1000x1xf32>
    %div3A_35 = arith.divf %broadcast_in_dim3A, %div3A_34 : vector<1000x1xf32>
    %sub3A = vector.broadcast %div3A_35 : vector<1000x1xf32> to vector<1000x256xf32>
    %sub3A_36 = arith.subf %max3A_25, %sub3A : vector<1000x256xf32>
    %mul3A = arith.mulf %sub3A_36, %sub3A_36 : vector<1000x256xf32>
    %reduce_sum3A_37 = arith.constant dense<0.000000e+00> : vector<1000xf32>
    %reduce_sum3A_38 = vector.multi_reduction <add>, %mul3A, %reduce_sum3A_37 [1] : vector<1000x256xf32> to vector<1000xf32>
    %broadcast_in_dim3A_39 = vector.shape_cast %reduce_sum3A_38 : vector<1000xf32> to vector<1000x1xf32>
    %div3A_40 = arith.constant 2.560000e+02 : f32
    %div3A_41 = vector.broadcast %div3A_40 : f32 to vector<1000x1xf32>
    %div3A_42 = arith.divf %broadcast_in_dim3A_39, %div3A_41 : vector<1000x1xf32>
    %add3A_43 = arith.constant 9.99999974E-6 : f32
    %add3A_44 = vector.broadcast %add3A_43 : f32 to vector<1000x1xf32>
    %add3A_45 = arith.addf %div3A_42, %add3A_44 : vector<1000x1xf32>
    %rsqrt3A = math.rsqrt %add3A_45 : vector<1000x1xf32>
    %mul3A_46 = vector.broadcast %rsqrt3A : vector<1000x1xf32> to vector<1000x256xf32>
    %mul3A_47 = arith.mulf %sub3A_36, %mul3A_46 : vector<1000x256xf32>
    %mul3A_48 = vector.broadcast %get3A_28 : vector<1x256xf32> to vector<1000x256xf32>
    %mul3A_49 = arith.mulf %mul3A_47, %mul3A_48 : vector<1000x256xf32>
    %add3A_50 = vector.broadcast %get3A_31 : vector<1x256xf32> to vector<1000x256xf32>
    %add3A_51 = arith.addf %mul3A_49, %add3A_50 : vector<1000x256xf32>
    %swap3A = arith.constant 0 : index
    %swap3A_52 = arith.constant 0 : index
    %swap3A_53 = vector.load %arg7[%swap3A, %swap3A_52] : memref<1000x256xf32, #tpu.memory_space<vmem>>, vector<1000x256xf32>
    tpu.vector_store %arg7[%swap3A, %swap3A_52], %add3A_51 {strides = array<i32>} : memref<1000x256xf32, #tpu.memory_space<vmem>>, vector<1000x256xf32>,
    return
  }
  func.func @transform_0(%arg0: i32) -> (i32, i32) {
    %c0_i32 = arith.constant 0 : i32
    %c0_i32_0 = arith.constant 0 : i32
    return %arg0, %c0_i32 : i32, i32
  }
  func.func @transform_1(%arg0: i32) -> (i32, i32) {
    %c0_i32 = arith.constant 0 : i32
    %c0_i32_0 = arith.constant 0 : i32
    return %arg0, %c0_i32 : i32, i32
  }
  func.func @transform_2(%arg0: i32) -> (i32, i32, i32) {
    %c0_i32 = arith.constant 0 : i32
    %c0_i32_0 = arith.constant 0 : i32
    %c0_i32_1 = arith.constant 0 : i32
    return %c0_i32, %arg0, %c0_i32_0 : i32, i32, i32
  }
  func.func @transform_3(%arg0: i32) -> (i32, i32) {
    %c0_i32 = arith.constant 0 : i32
    %c0_i32_0 = arith.constant 0 : i32
    %c0_i32_1 = arith.constant 0 : i32
    return %c0_i32, %c0_i32_0 : i32, i32
  }
  func.func @transform_4(%arg0: i32) -> (i32, i32) {
    %c0_i32 = arith.constant 0 : i32
    %c0_i32_0 = arith.constant 0 : i32
    %c0_i32_1 = arith.constant 0 : i32
    return %c0_i32, %c0_i32_0 : i32, i32
  }
  func.func @transform_5(%arg0: i32) -> (i32, i32) {
    %c0_i32 = arith.constant 0 : i32
    %c0_i32_0 = arith.constant 0 : i32
    %c0_i32_1 = arith.constant 0 : i32
    return %c0_i32, %c0_i32_0 : i32, i32
  }
  func.func @transform_6(%arg0: i32) -> (i32, i32) {
    %c0_i32 = arith.constant 0 : i32
    %c0_i32_0 = arith.constant 0 : i32
    return %arg0, %c0_i32 : i32, i32
  }
}

</mosaic_0001>

<sc_bundles>
// kernel: kernel.16.cloned.1.call-start
scs
__scs_entry_jumppad:
0x0: {  	(pc) =	sbr.rel $0x88, $3  }
0x1: {  	(tag) =	ssettag $0x0;
	lr =	simm.s32 $0x1  }
0x2: {  	[smem:$0x3F94] =	sst lr;
	_ =	strace $0xD0000000  }
0x3: {  	_ = 	snop  }
0x4: {  	_ = 	snop  }
0x5: {  	_ = 	snop  }
0x6: {  	_ = 	snop  }
0x7: {  	_ = 	snop  }
__scs_overlays_trampoline_lowered:
0x8: {  	[smem:$0x3FA3] =	sst s0  }
0x9: {  	[smem:$0x3FA4] =	sst s1  }
0xa: {  	[smem:$0x3FA5] =	sst s2  }
0xb: {  	[smem:$0x3FA6] =	sst s3  }
0xc: {  	[smem:$0x3FA7] =	sst s4  }
0xd: {  	[smem:$0x3FA8] =	sst s5  }
0xe: {  	[smem:$0x3FA9] =	sst s6  }
0xf: {  	[smem:$0x3FAA] =	sst s7  }
0x10: {  	[smem:$0x3FAB] =	sst s8  }
0x11: {  	[smem:$0x3FAC] =	sst s9;
	s0 =	simm.s32 @!p0 $0x0  }
0x12: {  	s1 =	sld [smem:$0x3F92];
	s0 =	simm.s32 @p0 $0x1  }
0x13: {  	[smem:$0x3FAD] =	sst s0;
	s0 =	simm.s32 @!p1 $0x0  }
0x14: {  	s2 =	sld [smem:$0x3F91];
	s0 =	simm.s32 @p1 $0x1  }
0x15: {  	[smem:$0x3FAE] =	sst s0;
	s0 =	simm.s32 @!p2 $0x0  }
0x16: {  	s3 =	sld [smem:$0x3FDB];
	s0 =	simm.s32 @p2 $0x1  }
0x17: {  	s4 =	simm.s32 $0x1BF5;
	[smem:$0x3FB0] =	sst s0  }
0x18: {  	s0 =	sld [smem:$0x3F93];
	_ =	swait.ge [sflag:s4], $0x0  }
0x19: {  	s7 =	sld [smem:$0x3F94]  }
0x1a: {  	s8 =	sadd.s32 $0xFFFFE003, lr  }
0x1b: {  	s9 =	sadd.s32 $0xFFFFFEF7, lr;
	s5 =	simm.s32 $0xFFFFFFFF;
	p2 =	slt.u32 s8, $0xFFFFF086  }
0x1c: {  	p1 =	slt.u32 s9, $0xF7A;
	s5 =	simm.s32 @!p2 $0x0  }
0x1d: {  	s5 =	simm.s32 @p1 $0x1;
	p0 =	seq.s32 s7, s2  }
0x1e: {  	s7 =	smul.u32 @!p0 $0xF7A, s2;
	p2 =	seq.s32 @!p0 s5, $0x0  }
0x1f: {  	s9 =	smul.u32 $0xF7A, s1;
	s8 =	simm.s32 @!p0 $0x1BF5;
	p2 =	por !p2, p0  }
0x20: {  	[sflag:s8] =	ssyncset.s32 @!p0 $0xFFFFF086;
	s6 =	sadd.s32 @!p0 s3, s7;
	s7 =	simm.s32 @!p0 $0x108  }
0x21: {  	s3 =	sadd.s32 s3, s9;
	s6 =	sadd.s32 @!p0 $0x88, s6;
	s7 =	simm.s32 @p2 $0x1082  }
0x22: {  	[simem:s7], [sflag:s8] =	dma.local @!p0 [hbm:s6], $0xF7A  }
0x23: {  	s9 =	sor.u32 $0xD0000000, s2;
	s6 =	simm.s32 $0x108;
	_ =	swait.ge @!p0 [sflag:s8], $0x0  }
0x24: {  	s3 =	sadd.s32 $0x88, s3;
	s6 =	simm.s32 @!p1 $0x1082;
	[sflag:s4] =	ssyncset.s32 $0xFFFFF086  }
0x25: {  	[simem:s6], [sflag:s4] =	dma.local [hbm:s3], $0xF7A  }
0x26: {  	[smem:$0x3F94] =	sst s1;
	(tag) =	ssettag s2;
	_ =	strace s9  }
0x27: {  	s1 =	sld [smem:$0x3FA4]  }
0x28: {  	s2 =	sld [smem:$0x3FA5]  }
0x29: {  	s4 =	sld [smem:$0x3FA7]  }
0x2a: {  	p0 =	seq.s32 s5, $0x0;
	s5 =	sld [smem:$0x3FA8]  }
0x2b: {  	s6 =	sld [smem:$0x3FA9]  }
0x2c: {  	s7 =	sld [smem:$0x3FAA]  }
0x2d: {  	s3 =	simm.s32 $0x108;
	s8 =	sld [smem:$0x3FAB]  }
0x2e: {  	s3 =	simm.s32 @!p0 $0x1082;
	s9 =	sld [smem:$0x3FAC]  }
0x2f: {  	lr =	sadd.s32 s0, s3;
	s0 =	sld [smem:$0x3FA3]  }
0x30: {  	s3 =	sld [smem:$0x3FA6]  }
0x31: {  	[smem:$0x3FAF] =	sst s10  }
0x32: {  	s10 =	sld [smem:$0x3FAD];
	_ =	sdelay $0x3  }
0x33: {  	p0 =	seq.s32 s10, $0x1;
	s10 =	sld [smem:$0x3FAF];
	_ =	sdelay $0x3  }
0x34: {  	[smem:$0x3FAF] =	sst s10  }
0x35: {  	s10 =	sld [smem:$0x3FAE];
	_ =	sdelay $0x3  }
0x36: {  	p1 =	seq.s32 s10, $0x1;
	s10 =	sld [smem:$0x3FAF];
	_ =	sdelay $0x3  }
0x37: {  	[smem:$0x3FAF] =	sst s10  }
0x38: {  	s10 =	sld [smem:$0x3FB0]  }
0x39: {  	_ = 	snop;
	(pc) =	sbr.ind lr, $3  }
0x3a: {  	_ = 	snop  }
0x3b: {  	_ = 	snop  }
0x3c: {  	p2 =	seq.s32 s10, $0x1;
	s10 =	sld [smem:$0x3FAF]  }
0x3d: {  	_ =	shalt  }
0x3e: {  	_ =	shalt  }
0x3f: {  	_ =	shalt  }
0x40: {  	_ =	shalt  }
0x41: {  	_ =	shalt  }
0x42: {  	_ =	shalt  }
0x43: {  	_ =	shalt  }
0x44: {  	_ =	shalt  }
0x45: {  	_ =	shalt  }
0x46: {  	_ =	shalt  }
0x47: {  	_ =	shalt  }
0x48: {  	_ =	shalt  }
0x49: {  	_ =	shalt  }
0x4a: {  	_ =	shalt  }
0x4b: {  	_ =	shalt  }
0x4c: {  	_ =	shalt  }
0x4d: {  	_ =	shalt  }
0x4e: {  	_ =	shalt  }
0x4f: {  	_ =	shalt  }
0x50: {  	_ =	shalt  }
0x51: {  	_ =	shalt  }
0x52: {  	_ =	shalt  }
0x53: {  	_ =	shalt  }
0x54: {  	_ =	shalt  }
0x55: {  	_ =	shalt  }
0x56: {  	_ =	shalt  }
0x57: {  	_ =	shalt  }
0x58: {  	_ =	shalt  }
0x59: {  	_ =	shalt  }
0x5a: {  	_ =	shalt  }
0x5b: {  	_ =	shalt  }
0x5c: {  	_ =	shalt  }
0x5d: {  	_ =	shalt  }
0x5e: {  	_ =	shalt  }
0x5f: {  	_ =	shalt  }
0x60: {  	_ =	shalt  }
0x61: {  	_ =	shalt  }
0x62: {  	_ =	shalt  }
0x63: {  	_ =	shalt  }
0x64: {  	_ =	shalt  }
0x65: {  	_ =	shalt  }
0x66: {  	_ =	shalt  }
0x67: {  	_ =	shalt  }
0x68: {  	_ =	shalt  }
0x69: {  	_ =	shalt  }
0x6a: {  	_ =	shalt  }
0x6b: {  	_ =	shalt  }
0x6c: {  	_ =	shalt  }
0x6d: {  	_ =	shalt  }
0x6e: {  	_ =	shalt  }
0x6f: {  	_ =	shalt  }
0x70: {  	_ =	shalt  }
0x71: {  	_ =	shalt  }
0x72: {  	_ =	shalt  }
0x73: {  	_ =	shalt  }
0x74: {  	_ =	shalt  }
0x75: {  	_ =	shalt  }
0x76: {  	_ =	shalt  }
0x77: {  	_ =	shalt  }
0x78: {  	_ =	shalt  }
0x79: {  	_ =	shalt  }
0x7a: {  	_ =	shalt  }
0x7b: {  	_ =	shalt  }
0x7c: {  	_ =	shalt  }
0x7d: {  	_ =	shalt  }
0x7e: {  	_ =	shalt  }
0x7f: {  	_ =	shalt  }
0x80: {  	_ =	shalt  }
0x81: {  	_ =	shalt  }
0x82: {  	_ =	shalt  }
0x83: {  	_ =	shalt  }
0x84: {  	_ =	shalt  }
0x85: {  	_ =	shalt  }
0x86: {  	_ =	shalt  }
0x87: {  	_ =	shalt  }
.Lfunc_end0:
.L_simem_size_0:
called_computation_lowered:
.L_overlay_start_0:
0x88: {  	s2 =	sld [smem:$0x3FD9]  }
0x89: {  	s3 =	sld [smem:$0x3FFE];
	_ =	sdelay $0x1  }
0x8a: {  	s1 =	srdreg.scid  }
0x8b: {  	s0 =	sand.u32 $0x1, s1  }
0x8c: {  	s17 =	sshll.u32 s0, $0xA;
	s2 =	sadd.s32 s3, s2  }
0x8d: {  	s2 =	sadd.s32 s2, s17  }
0x8e: {  	[smem:$0x3FBB] =	sst s2  }
0x8f: {  	_ = 	snop  }
0x90: {  	(tm) =	ssettm $0x1  }
0x91: {  	s18 =	sld [smem:$0x3FFB];
	_ =	sdelay $0x3  }
0x92: {  	_ =	strace s18  }
0x93: {  	s2 =	sld [smem:$0x3FFC];
	_ =	sdelay $0x3  }
0x94: {  	_ =	strace s2  }
0x95: {  	s2 =	sld [smem:$0x3FFD];
	_ =	sdelay $0x3  }
0x96: {  	_ =	strace s2  }
0x97: {  	_ =	strace $0x8FFFFFFF  }
0x98: {  	s19 =	sld [smem:$0x3FDB];
	_ =	sdelay $0x1  }
0x99: {  	s20 =	simm.s32 $_scs_section_size  }
0x9a: {  	s4 =	simm.s32 $_size__tile_overlayer_lowered;
	s5 =	simm.s32 $_tile_overlayer_lowered  }
0x9b: {  	s6 =	simm.s32 $0x1BFF;
	s21 =	sshll.u32 s5, $0x1;
	s3 =	sadd.s32 s20, s19  }
0x9c: {  	s22 =	simm.s32 $0x0;
	s4 =	sshll.u32 s4, $0x1;
	s5 =	sadd.s32 s21, s3  }
0x9d: {  	[timem:s22], [sflag:s6] =	dma.local [hbm:s5], s4  }
0x9e: {  	_ =	swait.ge [sflag:s6], s4  }
0x9f: {  	s4 =	ssub.s32 $0x0, s4;
	[sflag:s6] =	ssyncset.done $0x0  }
0xa0: {  	[sflag:s6] =	ssyncadd.s32 s4;
	_ =	sdelay $0x1  }
0xa1: {  	s23 =	simm.s32 $0x1B8B  }
0xa2: {  	_ =	swait.ge [sflag:s23], $0x1  }
0xa3: {  	[sflag:s23] =	ssyncset.done $0x0  }
0xa4: {  	[sflag:s23] =	ssyncadd.s32 $0xFFFFFFFF  }
0xa5: {  	s4 =	sld [smem:$0x0]  }
0xa6: {  	s5 =	sand.u32 $0xFFFFFFFE, s1  }
0xa7: {  	p0 =	sne.s32 s1, s5  }
0xa8: {  	s5 =	sshll.u32 @p0 s5, $0xE  }
0xa9: {  	s5 =	sadd.s32 @p0 $0x11B8D, s5;
	s6 =	sshll.u32 @p0 s4, $0x11  }
0xaa: {  	s5 =	sor.u32 @p0 s6, s5  }
0xab: {  	[sflag:s5] =	ssyncadd.remote.s32 @p0 $0x1;
	_ =	sdelay $0x1  }
0xac: {  	s5 =	simm.s32 @p0 $0x1B8D  }
0xad: {  	_ =	swait.eq @p0 [sflag:s5], $0x1  }
0xae: {  	[sflag:s5] =	ssyncadd.s32 @p0 $0xFFFFFFFF  }
0xaf: {  	s6 =	sshll.u32 @!p0 s1, $0xE  }
0xb0: {  	s6 =	sor.u32 @!p0 $0x4000, s6;
	s5 =	simm.s32 @!p0 $0x1B8D  }
0xb1: {  	s4 =	sshll.u32 @!p0 s4, $0x11;
	s6 =	sadd.s32 @!p0 $0x11B8D, s6;
	_ =	swait.eq @!p0 [sflag:s5], $0x1  }
0xb2: {  	s4 =	sor.u32 @!p0 s4, s6;
	[sflag:s5] =	ssyncadd.s32 @!p0 $0xFFFFFFFF  }
0xb3: {  	s25 =	simm.s32 $0x1B8E;
	s24 =	sld [smem:$0x3FFE];
	[sflag:s4] =	ssyncadd.remote.s32 @!p0 $0x1  }
0xb4: {  	s26 =	simm.s32 $execute0_lowered;
	[smem:$0x3FD2] =	sst s25  }
0xb5: {  	s5 =	sshll.u32 s26, $0x1;
	_ =	strace $0x8000004F;
	[dreg:$0x1] =	wrdreg $0xFFFFFFFF  }
0xb6: {  	s28 =	simm.s32 $_size_execute0_lowered;
	s3 =	sadd.s32 s3, s5;
	[dreg:$0x0] =	wrdreg $0x0  }
0xb7: {  	s5 =	sshll.u32 s28, $0x1;
	[dreg:$0x2] =	wrdreg s3  }
0xb8: {  	[dreg:$0x3] =	wrdreg s5  }
0xb9: {  	[dreg:$0x4] =	wrdreg $0xC0  }
0xba: {  	_ =	task [dreg:s22], $0x5FFFF  }
0xbb: {  	[dreg:$0x1] =	wrdreg $0xFFFFFFFF  }
0xbc: {  	[dreg:$0x0] =	wrdreg $0x60  }
0xbd: {  	[dreg:$0x2] =	wrdreg s24  }
0xbe: {  	[dreg:$0x3] =	wrdreg $0x42680  }
0xbf: {  	[dreg:$0x4] =	wrdreg $0x9  }
0xc0: {  	_ =	task.clear_ibuf [dreg:s22], $0x5FFFF;
	_ =	strace $0x9000004F  }
0xc1: {  	s29 =	simm.s32 $0x9;
	_ =	strace $0x80000051  }
0xc2: {  	_ =	swait.ge [sflag:s29], $0x1  }
0xc3: {  	[sflag:s29] =	ssyncadd.s32 $0xFFFFFFFF  }
0xc4: {  	_ =	strace $0x90000051  }
0xc5: {  	_ =	sfence  }
0xc6: {  	s30 =	sld [smem:$0x0];
	_ =	sdelay $0x2  }
0xc7: {  	s31 =	sshll.u32 s1, $0xD;
	s1 =	sshrl.u32 s1, $0x2  }
0xc8: {  	s4 =	sand.u32 $0x4000, s31;
	s1 =	sadd.s32 s1, s30  }
0xc9: {  	s0 =	sor.u32 s4, s0;
	s1 =	sshll.u32 s1, $0x11  }
0xca: {  	s0 =	sor.u32 s1, s0  }
0xcb: {  	s0 =	sadd.s32 $0x8F2B, s0  }
0xcc: {  	[sflag:s0] =	ssyncadd.remote.s32 $0x1  }
0xcd: {  	_ =	sfence.sel $0xFFFF  }
0xce: {  	[dreg:$0x0] =	wrdreg $0xFFFFFFFF;
	(pc) =	sbr.abs _section_cstart, $3  }
0xcf: {  	[dreg:$0x1] =	wrdreg $0xFFFFFFFF  }
0xd0: {  	_ =	task.clear_ibuf [dreg:s22], $0x2FFFF;
	_ =	strace $0x9FFFFFFF  }
0xd1: {  	(tm) =	ssettm $0x7FFFFFFF  }
tec
execute0_lowered:
.L_overlay_start_1:
0x0: {  	(tag) =	ssettag $0x1  }
0x1: {  	s4 =	rddreg [dreg:$0x0]  }
0x2: {  	s2 =	rddreg [dreg:$0x1]  }
0x3: {  	s0 =	srdreg.scid;
	s1 =	rddreg [dreg:$0x2];
	s3 =	simm.s32 $0x0  }
0x4: {  	s12 =	simm.s32 $0x1;
	s13 =	simm.s32 $0x3E8;
	s5 =	sand.u32 $0x1, s0  }
0x5: {  	s16 =	simm.s32 $0x0;
	s0 =	stileid.u32;
	s6 =	smul.u32 $0x27100, s5  }
0x6: {  	[smem:$0x7FF] =	sst s3;
	s10 =	sadd.s32 $0x2200, s4;
	s7 =	smul.u32 $0x3E80, s0  }
0x7: {  	_ =	strace $0x80000050;
	s8 =	ssub.s32 $0x2, s5;
	s9 =	sshll.u32 s0, $0x1  }
0x8: {  	s11 =	smul.u32 $0xFA00, s0;
	p0 =	sgt.u32 s0, $0x9;
	s26 =	sshrl.u32 s8, $0x1  }
0x9: {  	s5 =	sor.u32 s5, s9;
	s14 =	sshll.u32 @!p0 s0, $0x6;
	s6 =	sadd.s32 s7, s6  }
0xa: {  	s8 =	ssub.s32 s8, s26;
	s28 =	sshrl.u32 s11, $0x2;
	s9 =	smul.u32 $0x1388, s5  }
0xb: {  	s15 =	sadd.s32 s7, s2;
	s14 =	sor.u32 @!p0 $0x1C01, s14;
	s6 =	sshrl.u32 s6, $0x3  }
0xc: {  	s15 =	sshrl.u32 @!p0 s15, $0x3;
	s6 =	sadd.s32 s6, s4;
	s4 =	sadd.s32 s28, s2  }
0xd: {  	s29 =	sshrl.u32 s9, $0x3;
	s30 =	sadd.s32 $0x3E8, s9;
	s31 =	sadd.s32 $0xBB8, s9  }
0xe: {  	s5 =	sadd.s32 $0x27EE00, s6;
	s6 =	smax.u32 s8, $0x1;
	s8 =	sshrl.u32 s30, $0x3  }
0xf: {  	s7 =	sadd.s32 s10, s29;
	s11 =	sshrl.u32 s31, $0x3;
	s8 =	sadd.s32 s10, s8  }
0x10: {  	v0 =	vimm.f32 $0.0e+00;
	v1 =	vimm.f32 $1.000000000e+00;
	s9 =	sadd.s32 $0xFA, s7;
	s10 =	sadd.s32 s10, s11;
	s11 =	sadd.s32 $0x1F4, s7  }
.LBB2_1:
0x11: {  	s17 =	simm.s32 $0x40;
	s18 =	simm.s32 $0x0  }
.LBB2_2:
0x12: {  	p1 =	sne.s32 s17, $0xF9C0;
	[tilespmem:s18+$0x3E8] =	vst v0;
	s18 =	smov.u32 s17;
	s17 =	sadd.s32 $0x40, s17  }
.Ltmp0:
0x13: {  	(pc) =	sbr.rel @p1 .LBB2_2-.Ltmp0, $2  }
0x14: {  	_ =	sdelay $0x2  }
0x15: {  	s18 =	sshra.s32 s18, $0x2  }
0x16: {  	[tilespmem:s18+$0x3E8] =	vst v0;
	s17 =	simm.s32 @!p0 $0x3E8  }
0x17: {  	[spmem:s4] =	stream.linear.scatter @!p0 [tilespmem:s17], [sflag:$0x1], $0x3E80, $0x38;
	[tilespmem:$0x6978] =	vst v63  }
0x18: {  	s17 =	simm.s32 @!p0 $0x1  }
0x19: {  	_ =	swait.ge @!p0 [sflag:s17], $0x3E80  }
0x1a: {  	[sflag:s17] =	ssyncset.done @!p0 $0x0  }
0x1b: {  	s18 =	simm.s32 $0x0;
	[sflag:s17] =	ssyncadd.s32 @!p0 $0xFFFFC180;
	s17 =	simm.s32 $0x40  }
.LBB2_4:
0x1c: {  	p1 =	sne.s32 s17, $0xF9C0;
	[tilespmem:s18+$0x3E8] =	vst v1;
	s18 =	smov.u32 s17;
	s17 =	sadd.s32 $0x40, s17  }
.Ltmp1:
0x1d: {  	(pc) =	sbr.rel @p1 .LBB2_4-.Ltmp1, $2  }
0x1e: {  	_ =	sdelay $0x2  }
0x1f: {  	s18 =	sshra.s32 s18, $0x2  }
0x20: {  	[tilespmem:s18+$0x3E8] =	vst v1  }
0x21: {  	[bflag:$0x0] =	sbarrier.arrive $0xFFFF  }
0x22: {  	[tilespmem:s3], [sflag:$0x1] =	stream.linear.gather [hbm4b:s7+s3], $0x3E8, $0x38;
	[tilespmem:$0x6978] =	vst v63  }
0x23: {  	_ =	swait.ge [sflag:s12], $0x3E8  }
0x24: {  	[sflag:s12] =	ssyncset.done $0x0  }
0x25: {  	[sflag:s12] =	ssyncadd.s32 $0xFFFFFC18  }
0x26: {  	[spmem:s2] =	stream.indirect.scatter.add.f32 [tilespmem:s13], [sflag:$0x1], $0x10, s3, s13, $0xb8;
	[tilespmem:$0x6978] =	vst v63  }
0x27: {  	_ =	swait.ge [sflag:s12], $0x3E80  }
0x28: {  	[sflag:s12] =	ssyncset.done $0x0  }
0x29: {  	[sflag:s12] =	ssyncadd.s32 $0xFFFFC180  }
0x2a: {  	[tilespmem:s3], [sflag:$0x1] =	stream.linear.gather [hbm4b:s8+s3], $0x3E8, $0x38;
	[tilespmem:$0x6978] =	vst v63  }
0x2b: {  	_ =	swait.ge [sflag:s12], $0x3E8  }
0x2c: {  	[sflag:s12] =	ssyncset.done $0x0  }
0x2d: {  	[sflag:s12] =	ssyncadd.s32 $0xFFFFFC18  }
0x2e: {  	[spmem:s2] =	stream.indirect.scatter.add.f32 [tilespmem:s13], [sflag:$0x1], $0x10, s3, s13, $0xb8;
	[tilespmem:$0x6978] =	vst v63  }
0x2f: {  	_ =	swait.ge [sflag:s12], $0x3E80  }
0x30: {  	[sflag:s12] =	ssyncset.done $0x0  }
0x31: {  	[sflag:s12] =	ssyncadd.s32 $0xFFFFC180  }
0x32: {  	[tilespmem:s3], [sflag:$0x1] =	stream.linear.gather [hbm4b:s9+s3], $0x3E8, $0x38;
	[tilespmem:$0x6978] =	vst v63  }
0x33: {  	_ =	swait.ge [sflag:s12], $0x3E8  }
0x34: {  	[sflag:s12] =	ssyncset.done $0x0  }
0x35: {  	[sflag:s12] =	ssyncadd.s32 $0xFFFFFC18  }
0x36: {  	[spmem:s2] =	stream.indirect.scatter.add.f32 [tilespmem:s13], [sflag:$0x1], $0x10, s3, s13, $0xb8;
	[tilespmem:$0x6978] =	vst v63  }
0x37: {  	_ =	swait.ge [sflag:s12], $0x3E80  }
0x38: {  	[sflag:s12] =	ssyncset.done $0x0  }
0x39: {  	[sflag:s12] =	ssyncadd.s32 $0xFFFFC180  }
0x3a: {  	[tilespmem:s3], [sflag:$0x1] =	stream.linear.gather [hbm4b:s10+s3], $0x3E8, $0x38;
	[tilespmem:$0x6978] =	vst v63  }
0x3b: {  	_ =	swait.ge [sflag:s12], $0x3E8  }
0x3c: {  	[sflag:s12] =	ssyncset.done $0x0  }
0x3d: {  	[sflag:s12] =	ssyncadd.s32 $0xFFFFFC18  }
0x3e: {  	[spmem:s2] =	stream.indirect.scatter.add.f32 [tilespmem:s13], [sflag:$0x1], $0x10, s3, s13, $0xb8;
	[tilespmem:$0x6978] =	vst v63  }
0x3f: {  	_ =	swait.ge [sflag:s12], $0x3E80  }
0x40: {  	[sflag:s12] =	ssyncset.done $0x0  }
0x41: {  	[sflag:s12] =	ssyncadd.s32 $0xFFFFC180  }
0x42: {  	[tilespmem:s3], [sflag:$0x1] =	stream.linear.gather [hbm4b:s11+s3], $0x3E8, $0x38;
	[tilespmem:$0x6978] =	vst v63  }
0x43: {  	_ =	swait.ge [sflag:s12], $0x3E8  }
0x44: {  	[sflag:s12] =	ssyncset.done $0x0  }
0x45: {  	[sflag:s12] =	ssyncadd.s32 $0xFFFFFC18  }
0x46: {  	[spmem:s2] =	stream.indirect.scatter.add.f32 [tilespmem:s13], [sflag:$0x1], $0x10, s3, s13, $0xb8;
	[tilespmem:$0x6978] =	vst v63  }
0x47: {  	_ =	swait.ge [sflag:s12], $0x3E80  }
0x48: {  	s16 =	sadd.s32 $0x1, s16;
	[sflag:s12] =	ssyncset.done $0x0  }
0x49: {  	p1 =	sne.s32 s16, s6;
	[sflag:s12] =	ssyncadd.s32 $0xFFFFC180  }
.Ltmp2:
0x4a: {  	s17 =	simm.s32 @!p0 $0x1;
	[bflag:$0x0] =	sbarrier.arrive $0xFFFF;
	(pc) =	sbr.rel @p1 .LBB2_1-.Ltmp2, $4  }
0x4b: {  	[hbm:s5], [sflag:s14] =	dma.local @!p0 [spmem:s15], $0x7D0  }
0x4c: {  	_ =	swait.ge @!p0 [sflag:s17], $0x7D0  }
0x4d: {  	[sflag:s17] =	ssyncset.done @!p0 $0x0  }
0x4e: {  	[sflag:s17] =	ssyncadd.s32 @!p0 $0xFFFFF830  }
0x4f: {  	_ =	sfence.sel $0x180000  }
0x50: {  	[bflag:$0x0] =	sbarrier.arrive $0xFFFF  }
0x51: {  	p0 =	sne.s32 s0, $0x0;
	_ =	strace $0x90000050  }
0x52: {  	s0 =	sadd.s32 @!p0 $0x100000, s1;
	[bflag:$0x2] =	sbarrier.arrive $0xFFFF  }
0x53: {  	[sflag:s0] =	ssyncadd.tile.s32 @!p0 $0x1;
	_ =	shalt  }
.Lfunc_end2:
_tile_overlayer_lowered:
.L_overlay_start_2:
0x54: {  	(tag) =	ssettag $0x2  }
0x55: {  	s0 =	rddreg [dreg:$0x0];
	s2 =	stileid.u32  }
0x56: {  	s1 =	rddreg [dreg:$0x1];
	p0 =	sne.s32 s2, $0x0  }
0x57: {  	s3 =	rddreg [dreg:$0x2];
	[bflag:$0x3] =	sbarrier.arrive $0xFFFF;
	s2 =	simm.s32 @!p0 $0x1C01  }
0x58: {  	[timem:s3], [sflag:s2] =	dma.local @!p0 [hbm:s0], s1  }
0x59: {  	s0 =	simm.s32 @!p0 $0x1  }
0x5a: {  	_ =	swait.ge @!p0 [sflag:s0], s1  }
0x5b: {  	s1 =	ssub.s32 @!p0 $0x0, s1;
	[sflag:s0] =	ssyncset.done @!p0 $0x0  }
0x5c: {  	[sflag:s0] =	ssyncadd.s32 @!p0 s1  }
0x5d: {  	[bflag:$0x3] =	sbarrier.arrive $0xFFFF  }
0x5e: {  	_ =	shalt  }

// kernel: kernel.19.cloned.1.call-start
scs
__scs_entry_jumppad:
0x0: {  	(pc) =	sbr.rel $0x88, $3  }
0x1: {  	(tag) =	ssettag $0x0;
	lr =	simm.s32 $0x1  }
0x2: {  	[smem:$0x3F94] =	sst lr;
	_ =	strace $0xD0000000  }
0x3: {  	_ = 	snop  }
0x4: {  	_ = 	snop  }
0x5: {  	_ = 	snop  }
0x6: {  	_ = 	snop  }
0x7: {  	_ = 	snop  }
__scs_overlays_trampoline_lowered:
0x8: {  	[smem:$0x3FA3] =	sst s0  }
0x9: {  	[smem:$0x3FA4] =	sst s1  }
0xa: {  	[smem:$0x3FA5] =	sst s2  }
0xb: {  	[smem:$0x3FA6] =	sst s3  }
0xc: {  	[smem:$0x3FA7] =	sst s4  }
0xd: {  	[smem:$0x3FA8] =	sst s5  }
0xe: {  	[smem:$0x3FA9] =	sst s6  }
0xf: {  	[smem:$0x3FAA] =	sst s7  }
0x10: {  	[smem:$0x3FAB] =	sst s8  }
0x11: {  	[smem:$0x3FAC] =	sst s9;
	s0 =	simm.s32 @!p0 $0x0  }
0x12: {  	s1 =	sld [smem:$0x3F92];
	s0 =	simm.s32 @p0 $0x1  }
0x13: {  	[smem:$0x3FAD] =	sst s0;
	s0 =	simm.s32 @!p1 $0x0  }
0x14: {  	s2 =	sld [smem:$0x3F91];
	s0 =	simm.s32 @p1 $0x1  }
0x15: {  	[smem:$0x3FAE] =	sst s0;
	s0 =	simm.s32 @!p2 $0x0  }
0x16: {  	s3 =	sld [smem:$0x3FDB];
	s0 =	simm.s32 @p2 $0x1  }
0x17: {  	s4 =	simm.s32 $0x1BF5;
	[smem:$0x3FB0] =	sst s0  }
0x18: {  	s0 =	sld [smem:$0x3F93];
	_ =	swait.ge [sflag:s4], $0x0  }
0x19: {  	s7 =	sld [smem:$0x3F94]  }
0x1a: {  	s8 =	sadd.s32 $0xFFFFE003, lr  }
0x1b: {  	s9 =	sadd.s32 $0xFFFFFEF7, lr;
	s5 =	simm.s32 $0xFFFFFFFF;
	p2 =	slt.u32 s8, $0xFFFFF086  }
0x1c: {  	p1 =	slt.u32 s9, $0xF7A;
	s5 =	simm.s32 @!p2 $0x0  }
0x1d: {  	s5 =	simm.s32 @p1 $0x1;
	p0 =	seq.s32 s7, s2  }
0x1e: {  	s7 =	smul.u32 @!p0 $0xF7A, s2;
	p2 =	seq.s32 @!p0 s5, $0x0  }
0x1f: {  	s9 =	smul.u32 $0xF7A, s1;
	s8 =	simm.s32 @!p0 $0x1BF5;
	p2 =	por !p2, p0  }
0x20: {  	[sflag:s8] =	ssyncset.s32 @!p0 $0xFFFFF086;
	s6 =	sadd.s32 @!p0 s3, s7;
	s7 =	simm.s32 @!p0 $0x108  }
0x21: {  	s3 =	sadd.s32 s3, s9;
	s6 =	sadd.s32 @!p0 $0x88, s6;
	s7 =	simm.s32 @p2 $0x1082  }
0x22: {  	[simem:s7], [sflag:s8] =	dma.local @!p0 [hbm:s6], $0xF7A  }
0x23: {  	s9 =	sor.u32 $0xD0000000, s2;
	s6 =	simm.s32 $0x108;
	_ =	swait.ge @!p0 [sflag:s8], $0x0  }
0x24: {  	s3 =	sadd.s32 $0x88, s3;
	s6 =	simm.s32 @!p1 $0x1082;
	[sflag:s4] =	ssyncset.s32 $0xFFFFF086  }
0x25: {  	[simem:s6], [sflag:s4] =	dma.local [hbm:s3], $0xF7A  }
0x26: {  	[smem:$0x3F94] =	sst s1;
	(tag) =	ssettag s2;
	_ =	strace s9  }
0x27: {  	s1 =	sld [smem:$0x3FA4]  }
0x28: {  	s2 =	sld [smem:$0x3FA5]  }
0x29: {  	s4 =	sld [smem:$0x3FA7]  }
0x2a: {  	p0 =	seq.s32 s5, $0x0;
	s5 =	sld [smem:$0x3FA8]  }
0x2b: {  	s6 =	sld [smem:$0x3FA9]  }
0x2c: {  	s7 =	sld [smem:$0x3FAA]  }
0x2d: {  	s3 =	simm.s32 $0x108;
	s8 =	sld [smem:$0x3FAB]  }
0x2e: {  	s3 =	simm.s32 @!p0 $0x1082;
	s9 =	sld [smem:$0x3FAC]  }
0x2f: {  	lr =	sadd.s32 s0, s3;
	s0 =	sld [smem:$0x3FA3]  }
0x30: {  	s3 =	sld [smem:$0x3FA6]  }
0x31: {  	[smem:$0x3FAF] =	sst s10  }
0x32: {  	s10 =	sld [smem:$0x3FAD];
	_ =	sdelay $0x3  }
0x33: {  	p0 =	seq.s32 s10, $0x1;
	s10 =	sld [smem:$0x3FAF];
	_ =	sdelay $0x3  }
0x34: {  	[smem:$0x3FAF] =	sst s10  }
0x35: {  	s10 =	sld [smem:$0x3FAE];
	_ =	sdelay $0x3  }
0x36: {  	p1 =	seq.s32 s10, $0x1;
	s10 =	sld [smem:$0x3FAF];
	_ =	sdelay $0x3  }
0x37: {  	[smem:$0x3FAF] =	sst s10  }
0x38: {  	s10 =	sld [smem:$0x3FB0]  }
0x39: {  	_ = 	snop;
	(pc) =	sbr.ind lr, $3  }
0x3a: {  	_ = 	snop  }
0x3b: {  	_ = 	snop  }
0x3c: {  	p2 =	seq.s32 s10, $0x1;
	s10 =	sld [smem:$0x3FAF]  }
0x3d: {  	_ =	shalt  }
0x3e: {  	_ =	shalt  }
0x3f: {  	_ =	shalt  }
0x40: {  	_ =	shalt  }
0x41: {  	_ =	shalt  }
0x42: {  	_ =	shalt  }
0x43: {  	_ =	shalt  }
0x44: {  	_ =	shalt  }
0x45: {  	_ =	shalt  }
0x46: {  	_ =	shalt  }
0x47: {  	_ =	shalt  }
0x48: {  	_ =	shalt  }
0x49: {  	_ =	shalt  }
0x4a: {  	_ =	shalt  }
0x4b: {  	_ =	shalt  }
0x4c: {  	_ =	shalt  }
0x4d: {  	_ =	shalt  }
0x4e: {  	_ =	shalt  }
0x4f: {  	_ =	shalt  }
0x50: {  	_ =	shalt  }
0x51: {  	_ =	shalt  }
0x52: {  	_ =	shalt  }
0x53: {  	_ =	shalt  }
0x54: {  	_ =	shalt  }
0x55: {  	_ =	shalt  }
0x56: {  	_ =	shalt  }
0x57: {  	_ =	shalt  }
0x58: {  	_ =	shalt  }
0x59: {  	_ =	shalt  }
0x5a: {  	_ =	shalt  }
0x5b: {  	_ =	shalt  }
0x5c: {  	_ =	shalt  }
0x5d: {  	_ =	shalt  }
0x5e: {  	_ =	shalt  }
0x5f: {  	_ =	shalt  }
0x60: {  	_ =	shalt  }
0x61: {  	_ =	shalt  }
0x62: {  	_ =	shalt  }
0x63: {  	_ =	shalt  }
0x64: {  	_ =	shalt  }
0x65: {  	_ =	shalt  }
0x66: {  	_ =	shalt  }
0x67: {  	_ =	shalt  }
0x68: {  	_ =	shalt  }
0x69: {  	_ =	shalt  }
0x6a: {  	_ =	shalt  }
0x6b: {  	_ =	shalt  }
0x6c: {  	_ =	shalt  }
0x6d: {  	_ =	shalt  }
0x6e: {  	_ =	shalt  }
0x6f: {  	_ =	shalt  }
0x70: {  	_ =	shalt  }
0x71: {  	_ =	shalt  }
0x72: {  	_ =	shalt  }
0x73: {  	_ =	shalt  }
0x74: {  	_ =	shalt  }
0x75: {  	_ =	shalt  }
0x76: {  	_ =	shalt  }
0x77: {  	_ =	shalt  }
0x78: {  	_ =	shalt  }
0x79: {  	_ =	shalt  }
0x7a: {  	_ =	shalt  }
0x7b: {  	_ =	shalt  }
0x7c: {  	_ =	shalt  }
0x7d: {  	_ =	shalt  }
0x7e: {  	_ =	shalt  }
0x7f: {  	_ =	shalt  }
0x80: {  	_ =	shalt  }
0x81: {  	_ =	shalt  }
0x82: {  	_ =	shalt  }
0x83: {  	_ =	shalt  }
0x84: {  	_ =	shalt  }
0x85: {  	_ =	shalt  }
0x86: {  	_ =	shalt  }
0x87: {  	_ =	shalt  }
.Lfunc_end0:
.L_simem_size_0:
called_computation.1_lowered:
.L_overlay_start_0:
0x88: {  	s2 =	sld [smem:$0x3FD9]  }
0x89: {  	s3 =	sld [smem:$0x3FFE];
	_ =	sdelay $0x1  }
0x8a: {  	s1 =	srdreg.scid  }
0x8b: {  	s0 =	sand.u32 $0x1, s1  }
0x8c: {  	s17 =	sshll.u32 s0, $0xA;
	s2 =	sadd.s32 s3, s2  }
0x8d: {  	s2 =	sadd.s32 s2, s17  }
0x8e: {  	[smem:$0x3FBB] =	sst s2  }
0x8f: {  	_ = 	snop  }
0x90: {  	s18 =	sld [smem:$0x3FD0];
	(tm) =	ssettm $0x1  }
0x91: {  	s19 =	sld [smem:$0x3FFB];
	_ =	sdelay $0x3  }
0x92: {  	_ =	strace s19  }
0x93: {  	s2 =	sld [smem:$0x3FFC];
	_ =	sdelay $0x3  }
0x94: {  	_ =	strace s2  }
0x95: {  	s2 =	sld [smem:$0x3FFD];
	_ =	sdelay $0x3  }
0x96: {  	_ =	strace s2  }
0x97: {  	_ =	strace $0x8FFFFFFF  }
0x98: {  	s20 =	sld [smem:$0x3FDB];
	_ =	sdelay $0x1  }
0x99: {  	s4 =	simm.s32 $_scs_section_size  }
0x9a: {  	s5 =	simm.s32 $_size__tile_overlayer_lowered;
	s6 =	simm.s32 $_tile_overlayer_lowered  }
0x9b: {  	s7 =	simm.s32 $0x1BFF;
	s21 =	sshll.u32 s6, $0x1;
	s4 =	sadd.s32 s4, s20  }
0x9c: {  	s22 =	simm.s32 $0x0;
	s5 =	sshll.u32 s5, $0x1;
	s6 =	sadd.s32 s21, s4  }
0x9d: {  	[timem:s22], [sflag:s7] =	dma.local [hbm:s6], s5  }
0x9e: {  	_ =	swait.ge [sflag:s7], s5  }
0x9f: {  	s5 =	ssub.s32 $0x0, s5;
	[sflag:s7] =	ssyncset.done $0x0  }
0xa0: {  	[sflag:s7] =	ssyncadd.s32 s5;
	_ =	sdelay $0x1  }
0xa1: {  	s23 =	simm.s32 $0x1B8B  }
0xa2: {  	_ =	swait.ge [sflag:s23], $0x1  }
0xa3: {  	[sflag:s23] =	ssyncset.done $0x0  }
0xa4: {  	[sflag:s23] =	ssyncadd.s32 $0xFFFFFFFF  }
0xa5: {  	s5 =	sld [smem:$0x0]  }
0xa6: {  	s6 =	sand.u32 $0xFFFFFFFE, s1  }
0xa7: {  	p0 =	sne.s32 s1, s6  }
0xa8: {  	s6 =	sshll.u32 @p0 s6, $0xE  }
0xa9: {  	s6 =	sadd.s32 @p0 $0x11B8D, s6;
	s7 =	sshll.u32 @p0 s5, $0x11  }
0xaa: {  	s6 =	sor.u32 @p0 s7, s6  }
0xab: {  	[sflag:s6] =	ssyncadd.remote.s32 @p0 $0x1;
	_ =	sdelay $0x1  }
0xac: {  	s6 =	simm.s32 @p0 $0x1B8D  }
0xad: {  	_ =	swait.eq @p0 [sflag:s6], $0x1  }
0xae: {  	[sflag:s6] =	ssyncadd.s32 @p0 $0xFFFFFFFF  }
0xaf: {  	s7 =	sshll.u32 @!p0 s1, $0xE  }
0xb0: {  	s7 =	sor.u32 @!p0 $0x4000, s7;
	s6 =	simm.s32 @!p0 $0x1B8D  }
0xb1: {  	s5 =	sshll.u32 @!p0 s5, $0x11;
	s7 =	sadd.s32 @!p0 $0x11B8D, s7;
	_ =	swait.eq @!p0 [sflag:s6], $0x1  }
0xb2: {  	s5 =	sor.u32 @!p0 s5, s7;
	[sflag:s6] =	ssyncadd.s32 @!p0 $0xFFFFFFFF  }
0xb3: {  	s25 =	simm.s32 $0x1B8E;
	s24 =	sld [smem:$0x3FFE];
	[sflag:s5] =	ssyncadd.remote.s32 @!p0 $0x1  }
0xb4: {  	s26 =	simm.s32 $execute0_lowered;
	[smem:$0x3FD2] =	sst s25  }
0xb5: {  	s6 =	sshll.u32 s26, $0x1;
	_ =	strace $0x80000049;
	[dreg:$0x1] =	wrdreg $0xFFFFFFFF  }
0xb6: {  	s28 =	simm.s32 $_size_execute0_lowered;
	s4 =	sadd.s32 s4, s6;
	[dreg:$0x0] =	wrdreg $0x0  }
0xb7: {  	s6 =	sshll.u32 s28, $0x1;
	[dreg:$0x2] =	wrdreg s4  }
0xb8: {  	[dreg:$0x3] =	wrdreg s6  }
0xb9: {  	[dreg:$0x4] =	wrdreg $0xC0  }
0xba: {  	_ =	task [dreg:s22], $0x5FFFF  }
0xbb: {  	[dreg:$0x1] =	wrdreg $0xFFFFFFFF  }
0xbc: {  	[dreg:$0x0] =	wrdreg $0x60  }
0xbd: {  	[dreg:$0x2] =	wrdreg s18  }
0xbe: {  	[dreg:$0x3] =	wrdreg s24  }
0xbf: {  	[dreg:$0x4] =	wrdreg $0xC  }
0xc0: {  	_ =	task.clear_ibuf [dreg:s22], $0x5FFFF;
	_ =	strace $0x90000049  }
0xc1: {  	s29 =	simm.s32 $0xC;
	_ =	strace $0x8000004B  }
0xc2: {  	_ =	swait.ge [sflag:s29], $0x1  }
0xc3: {  	[sflag:s29] =	ssyncadd.s32 $0xFFFFFFFF  }
0xc4: {  	_ =	strace $0x9000004B  }
0xc5: {  	_ =	sfence  }
0xc6: {  	s30 =	sld [smem:$0x0];
	_ =	sdelay $0x2  }
0xc7: {  	s31 =	sshll.u32 s1, $0xD;
	s1 =	sshrl.u32 s1, $0x2  }
0xc8: {  	s4 =	sand.u32 $0x4000, s31;
	s1 =	sadd.s32 s1, s30  }
0xc9: {  	s0 =	sor.u32 s4, s0;
	s1 =	sshll.u32 s1, $0x11  }
0xca: {  	s0 =	sor.u32 s1, s0  }
0xcb: {  	s0 =	sadd.s32 $0x8F2B, s0  }
0xcc: {  	[sflag:s0] =	ssyncadd.remote.s32 $0x1  }
0xcd: {  	_ =	sfence.sel $0xFFFF  }
0xce: {  	[dreg:$0x0] =	wrdreg $0xFFFFFFFF;
	(pc) =	sbr.abs _section_cstart, $3  }
0xcf: {  	[dreg:$0x1] =	wrdreg $0xFFFFFFFF  }
0xd0: {  	_ =	task.clear_ibuf [dreg:s22], $0x2FFFF;
	_ =	strace $0x9FFFFFFF  }
0xd1: {  	(tm) =	ssettm $0x7FFFFFFF  }
tec
execute0_lowered:
.L_overlay_start_1:
0x0: {  	(tag) =	ssettag $0x1  }
0x1: {  	s1 =	srdreg.scid;
	s0 =	stileid.u32  }
0x2: {  	s29 =	sand.u32 $0x1, s1;
	s31 =	sshll.u32 s0, $0x1  }
0x3: {  	s28 =	sor.u32 s29, s31  }
0x4: {  	s2 =	rddreg [dreg:$0x0];
	s30 =	smul.u32 $0x640, s28  }
0x5: {  	s12 =	rddreg [dreg:$0x1];
	s3 =	simm.s32 $0x0;
	s5 =	simm.s32 $0x5  }
0x6: {  	[smem:$0x7FF] =	sst s3;
	s26 =	sadd.s32 $0xD0C00, s12;
	s4 =	sshrl.u32 s30, $0x3  }
0x7: {  	s1 =	rddreg [dreg:$0x2];
	_ =	strace $0x8000004A;
	s4 =	sadd.s32 s26, s4  }
0x8: {  	[tilespmem:s3], [sflag:$0x5] =	stream.linear.gather [hbm4b:s4+s3], $0xC8, $0x38;
	[tilespmem:$0xCA00] =	vst v63  }
0x9: {  	_ =	swait.ge [sflag:s5], $0xC8  }
0xa: {  	s6 =	simm.s32 $0xC8;
	s14 =	sadd.s32 $0xC8, s30;
	[sflag:s5] =	ssyncset.done $0x0  }
0xb: {  	s7 =	simm.s32 $0x200;
	s8 =	sshrl.u32 s14, $0x3;
	[sflag:s5] =	ssyncadd.s32 $0xFFFFFF38  }
0xc: {  	[tilespmem:s7], [sflag:$0x1] =	stream.indirect.gather [hbm4b:s2+s6], $0x80, s3, s6, $0xb8;
	[tilespmem:$0xCA00] =	vst v63  }
0xd: {  	s9 =	simm.s32 $0x100;
	s8 =	sadd.s32 s26, s8  }
0xe: {  	[tilespmem:s9], [sflag:$0x5] =	stream.linear.gather [hbm4b:s8+s3], $0xC8, $0x38;
	[tilespmem:$0xCA00] =	vst v63  }
0xf: {  	_ =	swait.ge [sflag:s5], $0xC8  }
0x10: {  	[sflag:s5] =	ssyncset.done $0x0  }
0x11: {  	s10 =	simm.s32 $0x6600;
	s11 =	simm.s32 $0x1;
	[sflag:s5] =	ssyncadd.s32 $0xFFFFFF38  }
0x12: {  	[tilespmem:s10], [sflag:$0x2] =	stream.indirect.gather [hbm4b:s2+s6], $0x80, s9, s6, $0xb8;
	[tilespmem:$0xCA00] =	vst v63  }
0x13: {  	s13 =	smul.u32 $0x6400, s28;
	_ =	swait.ge [sflag:s11], $0x6400  }
0x14: {  	s31 =	sadd.s32 $0xD4000, s12;
	[sflag:s11] =	ssyncset.done $0x0  }
0x15: {  	s12 =	sadd.s32 s31, s13;
	s13 =	simm.s32 $0x2;
	[sflag:s11] =	ssyncadd.s32 $0xFFFF9C00  }
0x16: {  	[hbm4b:s12+s3] =	stream.linear.scatter [tilespmem:s7], [sflag:$0x3], $0x6400, $0x38;
	[tilespmem:$0xCA00] =	vst v63  }
0x17: {  	_ =	swait.ge [sflag:s13], $0x6400  }
0x18: {  	s19 =	sadd.s32 $0x190, s30;
	s14 =	sshll.u32 s14, $0x4;
	[sflag:s13] =	ssyncset.done $0x0  }
0x19: {  	s15 =	sshrl.u32 s19, $0x3;
	s14 =	sadd.s32 s31, s14;
	[sflag:s13] =	ssyncadd.s32 $0xFFFF9C00  }
0x1a: {  	[hbm4b:s14+s3] =	stream.linear.scatter [tilespmem:s10], [sflag:$0x4], $0x6400, $0x38;
	[tilespmem:$0xCA00] =	vst v63  }
0x1b: {  	s15 =	sadd.s32 s26, s15  }
0x1c: {  	[tilespmem:s3], [sflag:$0x5] =	stream.linear.gather [hbm4b:s15+s3], $0xC8, $0x38;
	[tilespmem:$0xCA00] =	vst v63  }
0x1d: {  	_ =	swait.ge [sflag:s5], $0xC8  }
0x1e: {  	[sflag:s5] =	ssyncset.done $0x0  }
0x1f: {  	s16 =	simm.s32 $0x3;
	[sflag:s5] =	ssyncadd.s32 $0xFFFFFF38  }
0x20: {  	_ =	swait.ge [sflag:s16], $0x6400  }
0x21: {  	s20 =	sadd.s32 $0x258, s30;
	[sflag:s16] =	ssyncset.done $0x0  }
0x22: {  	s17 =	sshrl.u32 s20, $0x3;
	[sflag:s16] =	ssyncadd.s32 $0xFFFF9C00  }
0x23: {  	[tilespmem:s7], [sflag:$0x1] =	stream.indirect.gather [hbm4b:s2+s6], $0x80, s3, s6, $0xb8;
	[tilespmem:$0xCA00] =	vst v63  }
0x24: {  	s17 =	sadd.s32 s26, s17  }
0x25: {  	[tilespmem:s9], [sflag:$0x5] =	stream.linear.gather [hbm4b:s17+s3], $0xC8, $0x38;
	[tilespmem:$0xCA00] =	vst v63  }
0x26: {  	_ =	swait.ge [sflag:s5], $0xC8  }
0x27: {  	[sflag:s5] =	ssyncset.done $0x0  }
0x28: {  	s18 =	simm.s32 $0x4;
	[sflag:s5] =	ssyncadd.s32 $0xFFFFFF38  }
0x29: {  	_ =	swait.ge [sflag:s18], $0x6400  }
0x2a: {  	[sflag:s18] =	ssyncset.done $0x0  }
0x2b: {  	[sflag:s18] =	ssyncadd.s32 $0xFFFF9C00  }
0x2c: {  	[tilespmem:s10], [sflag:$0x2] =	stream.indirect.gather [hbm4b:s2+s6], $0x80, s9, s6, $0xb8;
	[tilespmem:$0xCA00] =	vst v63  }
0x2d: {  	_ =	swait.ge [sflag:s11], $0x6400  }
0x2e: {  	s19 =	sshll.u32 s19, $0x4;
	[sflag:s11] =	ssyncset.done $0x0  }
0x2f: {  	s19 =	sadd.s32 s31, s19;
	[sflag:s11] =	ssyncadd.s32 $0xFFFF9C00  }
0x30: {  	[hbm4b:s19+s3] =	stream.linear.scatter [tilespmem:s7], [sflag:$0x3], $0x6400, $0x38;
	[tilespmem:$0xCA00] =	vst v63  }
0x31: {  	_ =	swait.ge [sflag:s13], $0x6400  }
0x32: {  	s23 =	sadd.s32 $0x320, s30;
	s20 =	sshll.u32 s20, $0x4;
	[sflag:s13] =	ssyncset.done $0x0  }
0x33: {  	s21 =	sshrl.u32 s23, $0x3;
	s20 =	sadd.s32 s31, s20;
	[sflag:s13] =	ssyncadd.s32 $0xFFFF9C00  }
0x34: {  	[hbm4b:s20+s3] =	stream.linear.scatter [tilespmem:s10], [sflag:$0x4], $0x6400, $0x38;
	[tilespmem:$0xCA00] =	vst v63  }
0x35: {  	s21 =	sadd.s32 s26, s21  }
0x36: {  	[tilespmem:s3], [sflag:$0x5] =	stream.linear.gather [hbm4b:s21+s3], $0xC8, $0x38;
	[tilespmem:$0xCA00] =	vst v63  }
0x37: {  	_ =	swait.ge [sflag:s5], $0xC8  }
0x38: {  	[sflag:s5] =	ssyncset.done $0x0  }
0x39: {  	[sflag:s5] =	ssyncadd.s32 $0xFFFFFF38  }
0x3a: {  	_ =	swait.ge [sflag:s16], $0x6400  }
0x3b: {  	s24 =	sadd.s32 $0x3E8, s30;
	[sflag:s16] =	ssyncset.done $0x0  }
0x3c: {  	s22 =	sshrl.u32 s24, $0x3;
	[sflag:s16] =	ssyncadd.s32 $0xFFFF9C00  }
0x3d: {  	[tilespmem:s7], [sflag:$0x1] =	stream.indirect.gather [hbm4b:s2+s6], $0x80, s3, s6, $0xb8;
	[tilespmem:$0xCA00] =	vst v63  }
0x3e: {  	s22 =	sadd.s32 s26, s22  }
0x3f: {  	[tilespmem:s9], [sflag:$0x5] =	stream.linear.gather [hbm4b:s22+s3], $0xC8, $0x38;
	[tilespmem:$0xCA00] =	vst v63  }
0x40: {  	_ =	swait.ge [sflag:s5], $0xC8  }
0x41: {  	[sflag:s5] =	ssyncset.done $0x0  }
0x42: {  	[sflag:s5] =	ssyncadd.s32 $0xFFFFFF38  }
0x43: {  	_ =	swait.ge [sflag:s18], $0x6400  }
0x44: {  	[sflag:s18] =	ssyncset.done $0x0  }
0x45: {  	[sflag:s18] =	ssyncadd.s32 $0xFFFF9C00  }
0x46: {  	[tilespmem:s10], [sflag:$0x2] =	stream.indirect.gather [hbm4b:s2+s6], $0x80, s9, s6, $0xb8;
	[tilespmem:$0xCA00] =	vst v63  }
0x47: {  	_ =	swait.ge [sflag:s11], $0x6400  }
0x48: {  	s23 =	sshll.u32 s23, $0x4;
	[sflag:s11] =	ssyncset.done $0x0  }
0x49: {  	s23 =	sadd.s32 s31, s23;
	[sflag:s11] =	ssyncadd.s32 $0xFFFF9C00  }
0x4a: {  	[hbm4b:s23+s3] =	stream.linear.scatter [tilespmem:s7], [sflag:$0x3], $0x6400, $0x38;
	[tilespmem:$0xCA00] =	vst v63  }
0x4b: {  	_ =	swait.ge [sflag:s13], $0x6400  }
0x4c: {  	s24 =	sshll.u32 s24, $0x4;
	[sflag:s13] =	ssyncset.done $0x0  }
0x4d: {  	s24 =	sadd.s32 s31, s24;
	[sflag:s13] =	ssyncadd.s32 $0xFFFF9C00  }
0x4e: {  	[hbm4b:s24+s3] =	stream.linear.scatter [tilespmem:s10], [sflag:$0x4], $0x6400, $0x38;
	[tilespmem:$0xCA00] =	vst v63  }
0x4f: {  	s25 =	sadd.s32 $0x96, s4  }
0x50: {  	[tilespmem:s3], [sflag:$0x5] =	stream.linear.gather [hbm4b:s25+s3], $0xC8, $0x38;
	[tilespmem:$0xCA00] =	vst v63  }
0x51: {  	_ =	swait.ge [sflag:s5], $0xC8  }
0x52: {  	[sflag:s5] =	ssyncset.done $0x0  }
0x53: {  	[sflag:s5] =	ssyncadd.s32 $0xFFFFFF38  }
0x54: {  	_ =	swait.ge [sflag:s16], $0x6400  }
0x55: {  	s30 =	sadd.s32 $0x578, s30;
	[sflag:s16] =	ssyncset.done $0x0  }
0x56: {  	s30 =	sshrl.u32 s30, $0x3;
	[sflag:s16] =	ssyncadd.s32 $0xFFFF9C00  }
0x57: {  	[tilespmem:s7], [sflag:$0x1] =	stream.indirect.gather [hbm4b:s2+s6], $0x80, s3, s6, $0xb8;
	[tilespmem:$0xCA00] =	vst v63  }
0x58: {  	s26 =	sadd.s32 s26, s30  }
0x59: {  	[tilespmem:s9], [sflag:$0x5] =	stream.linear.gather [hbm4b:s26+s3], $0xC8, $0x38;
	[tilespmem:$0xCA00] =	vst v63  }
0x5a: {  	_ =	swait.ge [sflag:s5], $0xC8  }
0x5b: {  	[sflag:s5] =	ssyncset.done $0x0  }
0x5c: {  	[sflag:s5] =	ssyncadd.s32 $0xFFFFFF38  }
0x5d: {  	s28 =	smul.u32 $0x32000, s28;
	_ =	swait.ge [sflag:s18], $0x6400  }
0x5e: {  	[sflag:s18] =	ssyncset.done $0x0  }
0x5f: {  	s28 =	sshrl.u32 s28, $0x3;
	[sflag:s18] =	ssyncadd.s32 $0xFFFF9C00  }
0x60: {  	[tilespmem:s10], [sflag:$0x2] =	stream.indirect.gather [hbm4b:s2+s6], $0x80, s9, s6, $0xb8;
	[tilespmem:$0xCA00] =	vst v63  }
0x61: {  	s30 =	sadd.s32 s31, s28;
	_ =	swait.ge [sflag:s11], $0x6400  }
0x62: {  	s31 =	ssub.s32 $0x2, s29;
	s28 =	sadd.s32 $0x4B00, s30;
	[sflag:s11] =	ssyncset.done $0x0  }
0x63: {  	s29 =	sadd.s32 $0x5780, s30;
	s30 =	sshrl.u32 s31, $0x1;
	[sflag:s11] =	ssyncadd.s32 $0xFFFF9C00  }
0x64: {  	[hbm4b:s28+s3] =	stream.linear.scatter [tilespmem:s7], [sflag:$0x3], $0x6400, $0x38;
	[tilespmem:$0xCA00] =	vst v63  }
0x65: {  	s30 =	ssub.s32 s31, s30;
	_ =	swait.ge [sflag:s13], $0x6400  }
0x66: {  	s30 =	smax.u32 s30, $0x1;
	[sflag:s13] =	ssyncset.done $0x0  }
0x67: {  	p0 =	sne.s32 s30, $0x1;
	[sflag:s13] =	ssyncadd.s32 $0xFFFF9C00  }
0x68: {  	[hbm4b:s29+s3] =	stream.linear.scatter [tilespmem:s10], [sflag:$0x4], $0x6400, $0x38;
	[tilespmem:$0xCA00] =	vst v63  }
.Ltmp0:
0x69: {  	_ =	swait.ge [sflag:s16], $0x6400;
	(pc) =	sbr.rel @!p0 .LBB2_2-.Ltmp0, $4  }
0x6a: {  	[sflag:s16] =	ssyncset.done $0x0  }
0x6b: {  	[sflag:s16] =	ssyncadd.s32 $0xFFFF9C00  }
0x6c: {  	_ =	swait.ge [sflag:s18], $0x6400  }
0x6d: {  	s30 =	sadd.s32 $0xFFFFFFFF, s30;
	[sflag:s18] =	ssyncset.done $0x0  }
.LBB2_1:
0x6e: {  	p0 =	sne.s32 s30, $0x1;
	s30 =	sadd.s32 $0xFFFFFFFF, s30;
	[sflag:s18] =	ssyncadd.s32 $0xFFFF9C00  }
0x6f: {  	[tilespmem:s3], [sflag:$0x5] =	stream.linear.gather [hbm4b:s4+s3], $0xC8, $0x38;
	[tilespmem:$0xCA00] =	vst v63  }
0x70: {  	_ =	swait.ge [sflag:s5], $0xC8  }
0x71: {  	[sflag:s5] =	ssyncset.done $0x0  }
0x72: {  	[sflag:s5] =	ssyncadd.s32 $0xFFFFFF38  }
0x73: {  	[tilespmem:s7], [sflag:$0x1] =	stream.indirect.gather [hbm4b:s2+s6], $0x80, s3, s6, $0xb8;
	[tilespmem:$0xCA00] =	vst v63  }
0x74: {  	_ = 	snop  }
0x75: {  	[tilespmem:s9], [sflag:$0x5] =	stream.linear.gather [hbm4b:s8+s3], $0xC8, $0x38;
	[tilespmem:$0xCA00] =	vst v63  }
0x76: {  	_ =	swait.ge [sflag:s5], $0xC8  }
0x77: {  	[sflag:s5] =	ssyncset.done $0x0  }
0x78: {  	[sflag:s5] =	ssyncadd.s32 $0xFFFFFF38  }
0x79: {  	[tilespmem:s10], [sflag:$0x2] =	stream.indirect.gather [hbm4b:s2+s6], $0x80, s9, s6, $0xb8;
	[tilespmem:$0xCA00] =	vst v63  }
0x7a: {  	_ =	swait.ge [sflag:s11], $0x6400  }
0x7b: {  	[sflag:s11] =	ssyncset.done $0x0  }
0x7c: {  	[sflag:s11] =	ssyncadd.s32 $0xFFFF9C00  }
0x7d: {  	[hbm4b:s12+s3] =	stream.linear.scatter [tilespmem:s7], [sflag:$0x3], $0x6400, $0x38;
	[tilespmem:$0xCA00] =	vst v63  }
0x7e: {  	_ =	swait.ge [sflag:s13], $0x6400  }
0x7f: {  	[sflag:s13] =	ssyncset.done $0x0  }
0x80: {  	[sflag:s13] =	ssyncadd.s32 $0xFFFF9C00  }
0x81: {  	[hbm4b:s14+s3] =	stream.linear.scatter [tilespmem:s10], [sflag:$0x4], $0x6400, $0x38;
	[tilespmem:$0xCA00] =	vst v63  }
0x82: {  	_ = 	snop  }
0x83: {  	[tilespmem:s3], [sflag:$0x5] =	stream.linear.gather [hbm4b:s15+s3], $0xC8, $0x38;
	[tilespmem:$0xCA00] =	vst v63  }
0x84: {  	_ =	swait.ge [sflag:s5], $0xC8  }
0x85: {  	[sflag:s5] =	ssyncset.done $0x0  }
0x86: {  	[sflag:s5] =	ssyncadd.s32 $0xFFFFFF38  }
0x87: {  	_ =	swait.ge [sflag:s16], $0x6400  }
0x88: {  	[sflag:s16] =	ssyncset.done $0x0  }
0x89: {  	[sflag:s16] =	ssyncadd.s32 $0xFFFF9C00  }
0x8a: {  	[tilespmem:s7], [sflag:$0x1] =	stream.indirect.gather [hbm4b:s2+s6], $0x80, s3, s6, $0xb8;
	[tilespmem:$0xCA00] =	vst v63  }
0x8b: {  	_ = 	snop  }
0x8c: {  	[tilespmem:s9], [sflag:$0x5] =	stream.linear.gather [hbm4b:s17+s3], $0xC8, $0x38;
	[tilespmem:$0xCA00] =	vst v63  }
0x8d: {  	_ =	swait.ge [sflag:s5], $0xC8  }
0x8e: {  	[sflag:s5] =	ssyncset.done $0x0  }
0x8f: {  	[sflag:s5] =	ssyncadd.s32 $0xFFFFFF38  }
0x90: {  	_ =	swait.ge [sflag:s18], $0x6400  }
0x91: {  	[sflag:s18] =	ssyncset.done $0x0  }
0x92: {  	[sflag:s18] =	ssyncadd.s32 $0xFFFF9C00  }
0x93: {  	[tilespmem:s10], [sflag:$0x2] =	stream.indirect.gather [hbm4b:s2+s6], $0x80, s9, s6, $0xb8;
	[tilespmem:$0xCA00] =	vst v63  }
0x94: {  	_ =	swait.ge [sflag:s11], $0x6400  }
0x95: {  	[sflag:s11] =	ssyncset.done $0x0  }
0x96: {  	[sflag:s11] =	ssyncadd.s32 $0xFFFF9C00  }
0x97: {  	[hbm4b:s19+s3] =	stream.linear.scatter [tilespmem:s7], [sflag:$0x3], $0x6400, $0x38;
	[tilespmem:$0xCA00] =	vst v63  }
0x98: {  	_ =	swait.ge [sflag:s13], $0x6400  }
0x99: {  	[sflag:s13] =	ssyncset.done $0x0  }
0x9a: {  	[sflag:s13] =	ssyncadd.s32 $0xFFFF9C00  }
0x9b: {  	[hbm4b:s20+s3] =	stream.linear.scatter [tilespmem:s10], [sflag:$0x4], $0x6400, $0x38;
	[tilespmem:$0xCA00] =	vst v63  }
0x9c: {  	_ = 	snop  }
0x9d: {  	[tilespmem:s3], [sflag:$0x5] =	stream.linear.gather [hbm4b:s21+s3], $0xC8, $0x38;
	[tilespmem:$0xCA00] =	vst v63  }
0x9e: {  	_ =	swait.ge [sflag:s5], $0xC8  }
0x9f: {  	[sflag:s5] =	ssyncset.done $0x0  }
0xa0: {  	[sflag:s5] =	ssyncadd.s32 $0xFFFFFF38  }
0xa1: {  	_ =	swait.ge [sflag:s16], $0x6400  }
0xa2: {  	[sflag:s16] =	ssyncset.done $0x0  }
0xa3: {  	[sflag:s16] =	ssyncadd.s32 $0xFFFF9C00  }
0xa4: {  	[tilespmem:s7], [sflag:$0x1] =	stream.indirect.gather [hbm4b:s2+s6], $0x80, s3, s6, $0xb8;
	[tilespmem:$0xCA00] =	vst v63  }
0xa5: {  	_ = 	snop  }
0xa6: {  	[tilespmem:s9], [sflag:$0x5] =	stream.linear.gather [hbm4b:s22+s3], $0xC8, $0x38;
	[tilespmem:$0xCA00] =	vst v63  }
0xa7: {  	_ =	swait.ge [sflag:s5], $0xC8  }
0xa8: {  	[sflag:s5] =	ssyncset.done $0x0  }
0xa9: {  	[sflag:s5] =	ssyncadd.s32 $0xFFFFFF38  }
0xaa: {  	_ =	swait.ge [sflag:s18], $0x6400  }
0xab: {  	[sflag:s18] =	ssyncset.done $0x0  }
0xac: {  	[sflag:s18] =	ssyncadd.s32 $0xFFFF9C00  }
0xad: {  	[tilespmem:s10], [sflag:$0x2] =	stream.indirect.gather [hbm4b:s2+s6], $0x80, s9, s6, $0xb8;
	[tilespmem:$0xCA00] =	vst v63  }
0xae: {  	_ =	swait.ge [sflag:s11], $0x6400  }
0xaf: {  	[sflag:s11] =	ssyncset.done $0x0  }
0xb0: {  	[sflag:s11] =	ssyncadd.s32 $0xFFFF9C00  }
0xb1: {  	[hbm4b:s23+s3] =	stream.linear.scatter [tilespmem:s7], [sflag:$0x3], $0x6400, $0x38;
	[tilespmem:$0xCA00] =	vst v63  }
0xb2: {  	_ =	swait.ge [sflag:s13], $0x6400  }
0xb3: {  	[sflag:s13] =	ssyncset.done $0x0  }
0xb4: {  	[sflag:s13] =	ssyncadd.s32 $0xFFFF9C00  }
0xb5: {  	[hbm4b:s24+s3] =	stream.linear.scatter [tilespmem:s10], [sflag:$0x4], $0x6400, $0x38;
	[tilespmem:$0xCA00] =	vst v63  }
0xb6: {  	_ = 	snop  }
0xb7: {  	[tilespmem:s3], [sflag:$0x5] =	stream.linear.gather [hbm4b:s25+s3], $0xC8, $0x38;
	[tilespmem:$0xCA00] =	vst v63  }
0xb8: {  	_ =	swait.ge [sflag:s5], $0xC8  }
0xb9: {  	[sflag:s5] =	ssyncset.done $0x0  }
0xba: {  	[sflag:s5] =	ssyncadd.s32 $0xFFFFFF38  }
0xbb: {  	_ =	swait.ge [sflag:s16], $0x6400  }
0xbc: {  	[sflag:s16] =	ssyncset.done $0x0  }
0xbd: {  	[sflag:s16] =	ssyncadd.s32 $0xFFFF9C00  }
0xbe: {  	[tilespmem:s7], [sflag:$0x1] =	stream.indirect.gather [hbm4b:s2+s6], $0x80, s3, s6, $0xb8;
	[tilespmem:$0xCA00] =	vst v63  }
0xbf: {  	_ = 	snop  }
0xc0: {  	[tilespmem:s9], [sflag:$0x5] =	stream.linear.gather [hbm4b:s26+s3], $0xC8, $0x38;
	[tilespmem:$0xCA00] =	vst v63  }
0xc1: {  	_ =	swait.ge [sflag:s5], $0xC8  }
0xc2: {  	[sflag:s5] =	ssyncset.done $0x0  }
0xc3: {  	[sflag:s5] =	ssyncadd.s32 $0xFFFFFF38  }
0xc4: {  	_ =	swait.ge [sflag:s18], $0x6400  }
0xc5: {  	[sflag:s18] =	ssyncset.done $0x0  }
0xc6: {  	[sflag:s18] =	ssyncadd.s32 $0xFFFF9C00  }
0xc7: {  	[tilespmem:s10], [sflag:$0x2] =	stream.indirect.gather [hbm4b:s2+s6], $0x80, s9, s6, $0xb8;
	[tilespmem:$0xCA00] =	vst v63  }
0xc8: {  	_ =	swait.ge [sflag:s11], $0x6400  }
0xc9: {  	[sflag:s11] =	ssyncset.done $0x0  }
0xca: {  	[sflag:s11] =	ssyncadd.s32 $0xFFFF9C00  }
0xcb: {  	[hbm4b:s28+s3] =	stream.linear.scatter [tilespmem:s7], [sflag:$0x3], $0x6400, $0x38;
	[tilespmem:$0xCA00] =	vst v63  }
0xcc: {  	_ =	swait.ge [sflag:s13], $0x6400  }
0xcd: {  	[sflag:s13] =	ssyncset.done $0x0  }
0xce: {  	[sflag:s13] =	ssyncadd.s32 $0xFFFF9C00  }
0xcf: {  	[hbm4b:s29+s3] =	stream.linear.scatter [tilespmem:s10], [sflag:$0x4], $0x6400, $0x38;
	[tilespmem:$0xCA00] =	vst v63  }
.Ltmp1:
0xd0: {  	_ =	swait.ge [sflag:s16], $0x6400;
	(pc) =	sbr.rel @p0 .LBB2_1-.Ltmp1, $4  }
0xd1: {  	[sflag:s16] =	ssyncset.done $0x0  }
0xd2: {  	[sflag:s16] =	ssyncadd.s32 $0xFFFF9C00  }
0xd3: {  	_ =	swait.ge [sflag:s18], $0x6400  }
0xd4: {  	[sflag:s18] =	ssyncset.done $0x0  }
.LBB2_2:
0xd5: {  	[sflag:s18] =	ssyncadd.s32 $0xFFFF9C00  }
0xd6: {  	_ =	sfence.sel $0x180000  }
0xd7: {  	[bflag:$0x0] =	sbarrier.arrive $0xFFFF  }
0xd8: {  	p0 =	sne.s32 s0, $0x0;
	_ =	strace $0x9000004A  }
0xd9: {  	s0 =	sadd.s32 @!p0 $0x100000, s1;
	[bflag:$0x2] =	sbarrier.arrive $0xFFFF  }
0xda: {  	[sflag:s0] =	ssyncadd.tile.s32 @!p0 $0x1;
	_ =	shalt  }
.Lfunc_end2:
_tile_overlayer_lowered:
.L_overlay_start_2:
0xdb: {  	(tag) =	ssettag $0x2  }
0xdc: {  	s0 =	rddreg [dreg:$0x0];
	s2 =	stileid.u32  }
0xdd: {  	s1 =	rddreg [dreg:$0x1];
	p0 =	sne.s32 s2, $0x0  }
0xde: {  	s3 =	rddreg [dreg:$0x2];
	[bflag:$0x3] =	sbarrier.arrive $0xFFFF;
	s2 =	simm.s32 @!p0 $0x1C05  }
0xdf: {  	[timem:s3], [sflag:s2] =	dma.local @!p0 [hbm:s0], s1  }
0xe0: {  	s0 =	simm.s32 @!p0 $0x5  }
0xe1: {  	_ =	swait.ge @!p0 [sflag:s0], s1  }
0xe2: {  	s1 =	ssub.s32 @!p0 $0x0, s1;
	[sflag:s0] =	ssyncset.done @!p0 $0x0  }
0xe3: {  	[sflag:s0] =	ssyncadd.s32 @!p0 s1  }
0xe4: {  	[bflag:$0x3] =	sbarrier.arrive $0xFFFF  }
0xe5: {  	_ =	shalt  }

// kernel: kernel.22.cloned.1.call-start
scs
__scs_entry_jumppad:
0x0: {  	(pc) =	sbr.rel $0x88, $3  }
0x1: {  	(tag) =	ssettag $0x0;
	lr =	simm.s32 $0x1  }
0x2: {  	[smem:$0x3F94] =	sst lr;
	_ =	strace $0xD0000000  }
0x3: {  	_ = 	snop  }
0x4: {  	_ = 	snop  }
0x5: {  	_ = 	snop  }
0x6: {  	_ = 	snop  }
0x7: {  	_ = 	snop  }
__scs_overlays_trampoline_lowered:
0x8: {  	[smem:$0x3FA3] =	sst s0  }
0x9: {  	[smem:$0x3FA4] =	sst s1  }
0xa: {  	[smem:$0x3FA5] =	sst s2  }
0xb: {  	[smem:$0x3FA6] =	sst s3  }
0xc: {  	[smem:$0x3FA7] =	sst s4  }
0xd: {  	[smem:$0x3FA8] =	sst s5  }
0xe: {  	[smem:$0x3FA9] =	sst s6  }
0xf: {  	[smem:$0x3FAA] =	sst s7  }
0x10: {  	[smem:$0x3FAB] =	sst s8  }
0x11: {  	[smem:$0x3FAC] =	sst s9;
	s0 =	simm.s32 @!p0 $0x0  }
0x12: {  	s1 =	sld [smem:$0x3F92];
	s0 =	simm.s32 @p0 $0x1  }
0x13: {  	[smem:$0x3FAD] =	sst s0;
	s0 =	simm.s32 @!p1 $0x0  }
0x14: {  	s2 =	sld [smem:$0x3F91];
	s0 =	simm.s32 @p1 $0x1  }
0x15: {  	[smem:$0x3FAE] =	sst s0;
	s0 =	simm.s32 @!p2 $0x0  }
0x16: {  	s3 =	sld [smem:$0x3FDB];
	s0 =	simm.s32 @p2 $0x1  }
0x17: {  	s4 =	simm.s32 $0x1BF5;
	[smem:$0x3FB0] =	sst s0  }
0x18: {  	s0 =	sld [smem:$0x3F93];
	_ =	swait.ge [sflag:s4], $0x0  }
0x19: {  	s7 =	sld [smem:$0x3F94]  }
0x1a: {  	s8 =	sadd.s32 $0xFFFFE003, lr  }
0x1b: {  	s9 =	sadd.s32 $0xFFFFFEF7, lr;
	s5 =	simm.s32 $0xFFFFFFFF;
	p2 =	slt.u32 s8, $0xFFFFF086  }
0x1c: {  	p1 =	slt.u32 s9, $0xF7A;
	s5 =	simm.s32 @!p2 $0x0  }
0x1d: {  	s5 =	simm.s32 @p1 $0x1;
	p0 =	seq.s32 s7, s2  }
0x1e: {  	s7 =	smul.u32 @!p0 $0xF7A, s2;
	p2 =	seq.s32 @!p0 s5, $0x0  }
0x1f: {  	s9 =	smul.u32 $0xF7A, s1;
	s8 =	simm.s32 @!p0 $0x1BF5;
	p2 =	por !p2, p0  }
0x20: {  	[sflag:s8] =	ssyncset.s32 @!p0 $0xFFFFF086;
	s6 =	sadd.s32 @!p0 s3, s7;
	s7 =	simm.s32 @!p0 $0x108  }
0x21: {  	s3 =	sadd.s32 s3, s9;
	s6 =	sadd.s32 @!p0 $0x88, s6;
	s7 =	simm.s32 @p2 $0x1082  }
0x22: {  	[simem:s7], [sflag:s8] =	dma.local @!p0 [hbm:s6], $0xF7A  }
0x23: {  	s9 =	sor.u32 $0xD0000000, s2;
	s6 =	simm.s32 $0x108;
	_ =	swait.ge @!p0 [sflag:s8], $0x0  }
0x24: {  	s3 =	sadd.s32 $0x88, s3;
	s6 =	simm.s32 @!p1 $0x1082;
	[sflag:s4] =	ssyncset.s32 $0xFFFFF086  }
0x25: {  	[simem:s6], [sflag:s4] =	dma.local [hbm:s3], $0xF7A  }
0x26: {  	[smem:$0x3F94] =	sst s1;
	(tag) =	ssettag s2;
	_ =	strace s9  }
0x27: {  	s1 =	sld [smem:$0x3FA4]  }
0x28: {  	s2 =	sld [smem:$0x3FA5]  }
0x29: {  	s4 =	sld [smem:$0x3FA7]  }
0x2a: {  	p0 =	seq.s32 s5, $0x0;
	s5 =	sld [smem:$0x3FA8]  }
0x2b: {  	s6 =	sld [smem:$0x3FA9]  }
0x2c: {  	s7 =	sld [smem:$0x3FAA]  }
0x2d: {  	s3 =	simm.s32 $0x108;
	s8 =	sld [smem:$0x3FAB]  }
0x2e: {  	s3 =	simm.s32 @!p0 $0x1082;
	s9 =	sld [smem:$0x3FAC]  }
0x2f: {  	lr =	sadd.s32 s0, s3;
	s0 =	sld [smem:$0x3FA3]  }
0x30: {  	s3 =	sld [smem:$0x3FA6]  }
0x31: {  	[smem:$0x3FAF] =	sst s10  }
0x32: {  	s10 =	sld [smem:$0x3FAD];
	_ =	sdelay $0x3  }
0x33: {  	p0 =	seq.s32 s10, $0x1;
	s10 =	sld [smem:$0x3FAF];
	_ =	sdelay $0x3  }
0x34: {  	[smem:$0x3FAF] =	sst s10  }
0x35: {  	s10 =	sld [smem:$0x3FAE];
	_ =	sdelay $0x3  }
0x36: {  	p1 =	seq.s32 s10, $0x1;
	s10 =	sld [smem:$0x3FAF];
	_ =	sdelay $0x3  }
0x37: {  	[smem:$0x3FAF] =	sst s10  }
0x38: {  	s10 =	sld [smem:$0x3FB0]  }
0x39: {  	_ = 	snop;
	(pc) =	sbr.ind lr, $3  }
0x3a: {  	_ = 	snop  }
0x3b: {  	_ = 	snop  }
0x3c: {  	p2 =	seq.s32 s10, $0x1;
	s10 =	sld [smem:$0x3FAF]  }
0x3d: {  	_ =	shalt  }
0x3e: {  	_ =	shalt  }
0x3f: {  	_ =	shalt  }
0x40: {  	_ =	shalt  }
0x41: {  	_ =	shalt  }
0x42: {  	_ =	shalt  }
0x43: {  	_ =	shalt  }
0x44: {  	_ =	shalt  }
0x45: {  	_ =	shalt  }
0x46: {  	_ =	shalt  }
0x47: {  	_ =	shalt  }
0x48: {  	_ =	shalt  }
0x49: {  	_ =	shalt  }
0x4a: {  	_ =	shalt  }
0x4b: {  	_ =	shalt  }
0x4c: {  	_ =	shalt  }
0x4d: {  	_ =	shalt  }
0x4e: {  	_ =	shalt  }
0x4f: {  	_ =	shalt  }
0x50: {  	_ =	shalt  }
0x51: {  	_ =	shalt  }
0x52: {  	_ =	shalt  }
0x53: {  	_ =	shalt  }
0x54: {  	_ =	shalt  }
0x55: {  	_ =	shalt  }
0x56: {  	_ =	shalt  }
0x57: {  	_ =	shalt  }
0x58: {  	_ =	shalt  }
0x59: {  	_ =	shalt  }
0x5a: {  	_ =	shalt  }
0x5b: {  	_ =	shalt  }
0x5c: {  	_ =	shalt  }
0x5d: {  	_ =	shalt  }
0x5e: {  	_ =	shalt  }
0x5f: {  	_ =	shalt  }
0x60: {  	_ =	shalt  }
0x61: {  	_ =	shalt  }
0x62: {  	_ =	shalt  }
0x63: {  	_ =	shalt  }
0x64: {  	_ =	shalt  }
0x65: {  	_ =	shalt  }
0x66: {  	_ =	shalt  }
0x67: {  	_ =	shalt  }
0x68: {  	_ =	shalt  }
0x69: {  	_ =	shalt  }
0x6a: {  	_ =	shalt  }
0x6b: {  	_ =	shalt  }
0x6c: {  	_ =	shalt  }
0x6d: {  	_ =	shalt  }
0x6e: {  	_ =	shalt  }
0x6f: {  	_ =	shalt  }
0x70: {  	_ =	shalt  }
0x71: {  	_ =	shalt  }
0x72: {  	_ =	shalt  }
0x73: {  	_ =	shalt  }
0x74: {  	_ =	shalt  }
0x75: {  	_ =	shalt  }
0x76: {  	_ =	shalt  }
0x77: {  	_ =	shalt  }
0x78: {  	_ =	shalt  }
0x79: {  	_ =	shalt  }
0x7a: {  	_ =	shalt  }
0x7b: {  	_ =	shalt  }
0x7c: {  	_ =	shalt  }
0x7d: {  	_ =	shalt  }
0x7e: {  	_ =	shalt  }
0x7f: {  	_ =	shalt  }
0x80: {  	_ =	shalt  }
0x81: {  	_ =	shalt  }
0x82: {  	_ =	shalt  }
0x83: {  	_ =	shalt  }
0x84: {  	_ =	shalt  }
0x85: {  	_ =	shalt  }
0x86: {  	_ =	shalt  }
0x87: {  	_ =	shalt  }
.Lfunc_end0:
.L_simem_size_0:
called_computation.2_lowered:
.L_overlay_start_0:
0x88: {  	s2 =	sld [smem:$0x3FD9]  }
0x89: {  	s3 =	sld [smem:$0x3FFE];
	_ =	sdelay $0x1  }
0x8a: {  	s1 =	srdreg.scid  }
0x8b: {  	s0 =	sand.u32 $0x1, s1  }
0x8c: {  	s17 =	sshll.u32 s0, $0xA;
	s2 =	sadd.s32 s3, s2  }
0x8d: {  	s2 =	sadd.s32 s2, s17  }
0x8e: {  	[smem:$0x3FBB] =	sst s2  }
0x8f: {  	_ = 	snop  }
0x90: {  	(tm) =	ssettm $0x1  }
0x91: {  	s18 =	sld [smem:$0x3FFB];
	_ =	sdelay $0x3  }
0x92: {  	_ =	strace s18  }
0x93: {  	s2 =	sld [smem:$0x3FFC];
	_ =	sdelay $0x3  }
0x94: {  	_ =	strace s2  }
0x95: {  	s2 =	sld [smem:$0x3FFD];
	_ =	sdelay $0x3  }
0x96: {  	_ =	strace s2  }
0x97: {  	_ =	strace $0x8FFFFFFF  }
0x98: {  	s19 =	sld [smem:$0x3FDB];
	_ =	sdelay $0x1  }
0x99: {  	s20 =	simm.s32 $_scs_section_size  }
0x9a: {  	s4 =	simm.s32 $_size__tile_overlayer_lowered;
	s5 =	simm.s32 $_tile_overlayer_lowered  }
0x9b: {  	s6 =	simm.s32 $0x1BFF;
	s21 =	sshll.u32 s5, $0x1;
	s3 =	sadd.s32 s20, s19  }
0x9c: {  	s22 =	simm.s32 $0x0;
	s4 =	sshll.u32 s4, $0x1;
	s5 =	sadd.s32 s21, s3  }
0x9d: {  	[timem:s22], [sflag:s6] =	dma.local [hbm:s5], s4  }
0x9e: {  	_ =	swait.ge [sflag:s6], s4  }
0x9f: {  	s4 =	ssub.s32 $0x0, s4;
	[sflag:s6] =	ssyncset.done $0x0  }
0xa0: {  	[sflag:s6] =	ssyncadd.s32 s4;
	_ =	sdelay $0x1  }
0xa1: {  	s23 =	simm.s32 $0x1B8B  }
0xa2: {  	_ =	swait.ge [sflag:s23], $0x1  }
0xa3: {  	[sflag:s23] =	ssyncset.done $0x0  }
0xa4: {  	[sflag:s23] =	ssyncadd.s32 $0xFFFFFFFF  }
0xa5: {  	s4 =	sld [smem:$0x0]  }
0xa6: {  	s5 =	sand.u32 $0xFFFFFFFE, s1  }
0xa7: {  	p0 =	sne.s32 s1, s5  }
0xa8: {  	s5 =	sshll.u32 @p0 s5, $0xE  }
0xa9: {  	s5 =	sadd.s32 @p0 $0x11B8D, s5;
	s6 =	sshll.u32 @p0 s4, $0x11  }
0xaa: {  	s5 =	sor.u32 @p0 s6, s5  }
0xab: {  	[sflag:s5] =	ssyncadd.remote.s32 @p0 $0x1;
	_ =	sdelay $0x1  }
0xac: {  	s5 =	simm.s32 @p0 $0x1B8D  }
0xad: {  	_ =	swait.eq @p0 [sflag:s5], $0x1  }
0xae: {  	[sflag:s5] =	ssyncadd.s32 @p0 $0xFFFFFFFF  }
0xaf: {  	s6 =	sshll.u32 @!p0 s1, $0xE  }
0xb0: {  	s6 =	sor.u32 @!p0 $0x4000, s6;
	s5 =	simm.s32 @!p0 $0x1B8D  }
0xb1: {  	s4 =	sshll.u32 @!p0 s4, $0x11;
	s6 =	sadd.s32 @!p0 $0x11B8D, s6;
	_ =	swait.eq @!p0 [sflag:s5], $0x1  }
0xb2: {  	s4 =	sor.u32 @!p0 s4, s6;
	[sflag:s5] =	ssyncadd.s32 @!p0 $0xFFFFFFFF  }
0xb3: {  	s25 =	simm.s32 $0x1B8E;
	s24 =	sld [smem:$0x3FFE];
	[sflag:s4] =	ssyncadd.remote.s32 @!p0 $0x1  }
0xb4: {  	s26 =	simm.s32 $execute0_lowered;
	[smem:$0x3FD2] =	sst s25  }
0xb5: {  	s5 =	sshll.u32 s26, $0x1;
	_ =	strace $0x80000055;
	[dreg:$0x1] =	wrdreg $0xFFFFFFFF  }
0xb6: {  	s28 =	simm.s32 $_size_execute0_lowered;
	s3 =	sadd.s32 s3, s5;
	[dreg:$0x0] =	wrdreg $0x0  }
0xb7: {  	s5 =	sshll.u32 s28, $0x1;
	[dreg:$0x2] =	wrdreg s3  }
0xb8: {  	[dreg:$0x3] =	wrdreg s5  }
0xb9: {  	[dreg:$0x4] =	wrdreg $0xC0  }
0xba: {  	_ =	task [dreg:s22], $0x5FFFF  }
0xbb: {  	[dreg:$0x1] =	wrdreg $0xFFFFFFFF  }
0xbc: {  	[dreg:$0x0] =	wrdreg $0x60  }
0xbd: {  	[dreg:$0x2] =	wrdreg s24  }
0xbe: {  	[dreg:$0x3] =	wrdreg $0xA2000  }
0xbf: {  	[dreg:$0x4] =	wrdreg $0xC  }
0xc0: {  	_ =	task.clear_ibuf [dreg:s22], $0x5FFFF;
	_ =	strace $0x90000055  }
0xc1: {  	s29 =	simm.s32 $0xC;
	_ =	strace $0x80000057  }
0xc2: {  	_ =	swait.ge [sflag:s29], $0x1  }
0xc3: {  	[sflag:s29] =	ssyncadd.s32 $0xFFFFFFFF  }
0xc4: {  	_ =	strace $0x90000057  }
0xc5: {  	_ =	sfence  }
0xc6: {  	s30 =	sld [smem:$0x0];
	_ =	sdelay $0x2  }
0xc7: {  	s31 =	sshll.u32 s1, $0xD;
	s1 =	sshrl.u32 s1, $0x2  }
0xc8: {  	s4 =	sand.u32 $0x4000, s31;
	s1 =	sadd.s32 s1, s30  }
0xc9: {  	s0 =	sor.u32 s4, s0;
	s1 =	sshll.u32 s1, $0x11  }
0xca: {  	s0 =	sor.u32 s1, s0  }
0xcb: {  	s0 =	sadd.s32 $0x8F2B, s0  }
0xcc: {  	[sflag:s0] =	ssyncadd.remote.s32 $0x1  }
0xcd: {  	_ =	sfence.sel $0xFFFF  }
0xce: {  	[dreg:$0x0] =	wrdreg $0xFFFFFFFF;
	(pc) =	sbr.abs _section_cstart, $3  }
0xcf: {  	[dreg:$0x1] =	wrdreg $0xFFFFFFFF  }
0xd0: {  	_ =	task.clear_ibuf [dreg:s22], $0x2FFFF;
	_ =	strace $0x9FFFFFFF  }
0xd1: {  	(tm) =	ssettm $0x7FFFFFFF  }
tec
execute0_lowered:
.L_overlay_start_1:
0x0: {  	(tag) =	ssettag $0x1  }
0x1: {  	s0 =	rddreg [dreg:$0x0]  }
0x2: {  	s1 =	rddreg [dreg:$0x1]  }
0x3: {  	s3 =	simm.s32 $0x0;
	s2 =	srdreg.scid;
	s10 =	stileid.u32  }
0x4: {  	s28 =	simm.s32 $0x1;
	s29 =	simm.s32 $0xA0;
	s5 =	smul.u32 $0x3E800, s10  }
0x5: {  	s30 =	simm.s32 $0x2;
	s31 =	simm.s32 $0x3;
	s7 =	smul.u32 $0x7D000, s10  }
0x6: {  	[smem:$0x7FF] =	sst s3;
	s2 =	sand.u32 $0x1, s2;
	s20 =	smul.u32 $0xC80, s10  }
0x7: {  	s4 =	sadd.s32 $0x41A600, s0;
	s8 =	sadd.s32 $0xD2600, s0;
	s23 =	smul.u32 $0xC8000, s10  }
0x8: {  	p0 =	sgt.u32 s10, $0x9;
	s6 =	sshll.u32 s2, $0xA;
	s2 =	ssub.s32 $0x2, s2  }
0x9: {  	_ =	strace $0x80000056;
	s5 =	sor.u32 s6, s5;
	s9 =	sshrl.u32 s2, $0x1  }
0xa: {  	s7 =	sshrl.u32 s7, $0x2;
	s12 =	sshrl.u32 s20, $0x3;
	s5 =	sshrl.u32 s5, $0x3  }
0xb: {  	s2 =	ssub.s32 s2, s9;
	s12 =	sadd.s32 s8, s12;
	s9 =	sor.u32 s6, s23  }
0xc: {  	s23 =	simm.s32 $0x800;
	s0 =	sadd.s32 s5, s0;
	s5 =	sadd.s32 s7, s1  }
0xd: {  	s13 =	sshrl.u32 s9, $0x3;
	s24 =	sadd.s32 $0x1E000, s9;
	s17 =	smax.u32 s2, $0x1  }
0xe: {  	s2 =	simm.s32 $0x0;
	s7 =	sadd.s32 $0x5000, s5;
	s19 =	sadd.s32 $0xA000, s5  }
0xf: {  	s21 =	sadd.s32 $0xF000, s5;
	s22 =	sadd.s32 $0x14000, s5;
	[dreg:$0x3] =	wrdreg s7  }
0x10: {  	s11 =	sadd.s32 $0x19000, s5;
	s13 =	sadd.s32 s4, s13;
	[dreg:$0x4] =	wrdreg s19  }
0x11: {  	s16 =	sadd.s32 $0x55400, s0;
	s25 =	sshrl.u32 s24, $0x3;
	[dreg:$0x5] =	wrdreg s21  }
0x12: {  	s24 =	simm.s32 $0x200;
	s0 =	simm.s32 $0x4;
	[dreg:$0x6] =	wrdreg s22  }
0x13: {  	[dreg:$0x7] =	wrdreg s11;
	s11 =	sadd.s32 $0x1E000, s5;
	s7 =	sadd.s32 $0xA0, s20  }
0x14: {  	s19 =	smul.u32 $0x190, s10;
	s18 =	sadd.s32 s25, s4;
	s20 =	sadd.s32 $0x14000, s9  }
0x15: {  	s21 =	simm.s32 $0x5;
	s14 =	sshrl.u32 s7, $0x3;
	s7 =	sshll.u32 s7, $0x8  }
0x16: {  	s22 =	simm.s32 $0x400;
	s25 =	simm.s32 $0x100;
	s6 =	sor.u32 s6, s7  }
0x17: {  	s14 =	sadd.s32 s8, s14;
	s26 =	sadd.s32 s19, s8;
	s6 =	sshrl.u32 s6, $0x3  }
0x18: {  	v0 =	vimm.f32 $0.0e+00;
	s19 =	sadd.s32 $0x3C, s26;
	s26 =	simm.s32 $0x5200;
	s15 =	sadd.s32 s4, s6  }
.LBB2_1:
0x19: {  	s6 =	simm.s32 $0x0;
	s7 =	simm.s32 $0x200  }
.LBB2_2:
0x1a: {  	p1 =	sne.s32 s7, $0x13E00;
	[tilespmem:s6+$0x270] =	vst v0  }
0x1b: {  	[tilespmem:s6+$0x200] =	vst v0  }
0x1c: {  	[tilespmem:s6+$0x210] =	vst v0  }
.Ltmp0:
0x1d: {  	[tilespmem:s6+$0x220] =	vst v0;
	(pc) =	sbr.rel @p1 .LBB2_2-.Ltmp0, $4  }
0x1e: {  	[tilespmem:s6+$0x230] =	vst v0  }
0x1f: {  	[tilespmem:s6+$0x240] =	vst v0  }
0x20: {  	[tilespmem:s6+$0x250] =	vst v0  }
0x21: {  	[tilespmem:s6+$0x260] =	vst v0;
	s6 =	sshra.s32 s7, $0x2;
	s7 =	sadd.s32 $0x200, s7  }
0x22: {  	[tilespmem:s6+$0x270] =	vst v0  }
0x23: {  	[tilespmem:s6+$0x200] =	vst v0  }
0x24: {  	[tilespmem:s6+$0x210] =	vst v0  }
0x25: {  	[tilespmem:s6+$0x220] =	vst v0  }
0x26: {  	[tilespmem:s6+$0x230] =	vst v0  }
0x27: {  	[tilespmem:s6+$0x240] =	vst v0  }
0x28: {  	[tilespmem:s6+$0x250] =	vst v0  }
0x29: {  	[tilespmem:s6+$0x260] =	vst v0;
	s6 =	simm.s32 @!p0 $0x200;
	s7 =	simm.s32 @!p0 $0x5  }
0x2a: {  	[spmem:s5] =	stream.linear.scatter @!p0 [tilespmem:s6], [sflag:$0x5], $0x5000, $0x38;
	[tilespmem:$0x1DA80] =	vst v63  }
0x2b: {  	_ =	swait.ge @!p0 [sflag:s7], $0x5000  }
0x2c: {  	[sflag:s7] =	ssyncset.done @!p0 $0x0  }
0x2d: {  	s8 =	rddreg [dreg:$0x3];
	[sflag:s7] =	ssyncadd.s32 @!p0 $0xFFFFB000  }
0x2e: {  	[spmem:s8] =	stream.linear.scatter @!p0 [tilespmem:s6], [sflag:$0x5], $0x5000, $0x38;
	[tilespmem:$0x1DA80] =	vst v63  }
0x2f: {  	_ =	swait.ge @!p0 [sflag:s7], $0x5000  }
0x30: {  	[sflag:s7] =	ssyncset.done @!p0 $0x0  }
0x31: {  	s8 =	rddreg [dreg:$0x4];
	[sflag:s7] =	ssyncadd.s32 @!p0 $0xFFFFB000  }
0x32: {  	[spmem:s8] =	stream.linear.scatter @!p0 [tilespmem:s6], [sflag:$0x5], $0x5000, $0x38;
	[tilespmem:$0x1DA80] =	vst v63  }
0x33: {  	_ =	swait.ge @!p0 [sflag:s7], $0x5000  }
0x34: {  	[sflag:s7] =	ssyncset.done @!p0 $0x0  }
0x35: {  	s8 =	rddreg [dreg:$0x5];
	[sflag:s7] =	ssyncadd.s32 @!p0 $0xFFFFB000  }
0x36: {  	[spmem:s8] =	stream.linear.scatter @!p0 [tilespmem:s6], [sflag:$0x5], $0x5000, $0x38;
	[tilespmem:$0x1DA80] =	vst v63  }
0x37: {  	_ =	swait.ge @!p0 [sflag:s7], $0x5000  }
0x38: {  	[sflag:s7] =	ssyncset.done @!p0 $0x0  }
0x39: {  	s8 =	rddreg [dreg:$0x6];
	[sflag:s7] =	ssyncadd.s32 @!p0 $0xFFFFB000  }
0x3a: {  	[spmem:s8] =	stream.linear.scatter @!p0 [tilespmem:s6], [sflag:$0x5], $0x5000, $0x38;
	[tilespmem:$0x1DA80] =	vst v63  }
0x3b: {  	_ =	swait.ge @!p0 [sflag:s7], $0x5000  }
0x3c: {  	[sflag:s7] =	ssyncset.done @!p0 $0x0  }
0x3d: {  	s8 =	rddreg [dreg:$0x7];
	[sflag:s7] =	ssyncadd.s32 @!p0 $0xFFFFB000  }
0x3e: {  	[spmem:s8] =	stream.linear.scatter @!p0 [tilespmem:s6], [sflag:$0x5], $0x5000, $0x38;
	[tilespmem:$0x1DA80] =	vst v63  }
0x3f: {  	_ =	swait.ge @!p0 [sflag:s7], $0x5000  }
0x40: {  	[sflag:s7] =	ssyncset.done @!p0 $0x0  }
0x41: {  	[sflag:s7] =	ssyncadd.s32 @!p0 $0xFFFFB000  }
0x42: {  	[spmem:s11] =	stream.linear.scatter @!p0 [tilespmem:s6], [sflag:$0x5], $0x1400, $0x38;
	[tilespmem:$0x1DA80] =	vst v63  }
0x43: {  	_ =	swait.ge @!p0 [sflag:s7], $0x1400  }
0x44: {  	[sflag:s7] =	ssyncset.done @!p0 $0x0  }
0x45: {  	[sflag:s7] =	ssyncadd.s32 @!p0 $0xFFFFEC00  }
0x46: {  	s8 =	simm.s32 $0x0;
	[bflag:$0x0] =	sbarrier.arrive $0xFFFF  }
0x47: {  	[tilespmem:s8], [sflag:$0x5] =	stream.linear.gather [hbm4b:s12+s8], $0xA0, $0x38;
	[tilespmem:$0x1DA80] =	vst v63  }
0x48: {  	_ =	swait.ge [sflag:s21], $0xA0  }
0x49: {  	[sflag:s21] =	ssyncset.done $0x0  }
0x4a: {  	[sflag:s21] =	ssyncadd.s32 $0xFFFFFF60  }
0x4b: {  	[tilespmem:s24], [sflag:$0x1] =	stream.strided.gather [hbm4b:s13+s22], $0x5000, s23, s22, $0x38;
	[tilespmem:$0x1DA80] =	vst v63  }
0x4c: {  	_ = 	snop  }
0x4d: {  	[tilespmem:s25], [sflag:$0x5] =	stream.linear.gather [hbm4b:s14+s8], $0xA0, $0x38;
	[tilespmem:$0x1DA80] =	vst v63  }
0x4e: {  	_ =	swait.ge [sflag:s21], $0xA0  }
0x4f: {  	[sflag:s21] =	ssyncset.done $0x0  }
0x50: {  	[sflag:s21] =	ssyncadd.s32 $0xFFFFFF60  }
0x51: {  	[tilespmem:s26], [sflag:$0x2] =	stream.strided.gather [hbm4b:s15+s22], $0x5000, s23, s22, $0x38;
	[tilespmem:$0x1DA80] =	vst v63  }
0x52: {  	_ =	swait.ge [sflag:s28], $0x5000  }
0x53: {  	[sflag:s28] =	ssyncset.done $0x0  }
0x54: {  	[sflag:s28] =	ssyncadd.s32 $0xFFFFB000  }
0x55: {  	[spmem:s1] =	stream.indirect.scatter.add.f32 [tilespmem:s24], [sflag:$0x3], $0x80, s3, s29, $0xb8;
	[tilespmem:$0x1DA80] =	vst v63  }
0x56: {  	_ =	swait.ge [sflag:s30], $0x5000  }
0x57: {  	[sflag:s30] =	ssyncset.done $0x0  }
0x58: {  	[sflag:s30] =	ssyncadd.s32 $0xFFFFB000  }
0x59: {  	[spmem:s1] =	stream.indirect.scatter.add.f32 [tilespmem:s26], [sflag:$0x4], $0x80, s25, s29, $0xb8;
	[tilespmem:$0x1DA80] =	vst v63  }
0x5a: {  	_ =	swait.ge [sflag:s31], $0x5000  }
0x5b: {  	[sflag:s31] =	ssyncset.done $0x0  }
0x5c: {  	s9 =	sadd.s32 $0xFFFFFFEC, s19;
	[sflag:s31] =	ssyncadd.s32 $0xFFFFB000  }
0x5d: {  	[tilespmem:s3], [sflag:$0x5] =	stream.linear.gather [hbm4b:s9+s3], $0xA0, $0x38;
	[tilespmem:$0x1DA80] =	vst v63  }
0x5e: {  	_ =	swait.ge [sflag:s21], $0xA0  }
0x5f: {  	s10 =	sshrl.u32 s20, $0x3;
	[sflag:s21] =	ssyncset.done $0x0  }
0x60: {  	s6 =	sadd.s32 s4, s10;
	[sflag:s21] =	ssyncadd.s32 $0xFFFFFF60  }
0x61: {  	[tilespmem:s24], [sflag:$0x1] =	stream.strided.gather [hbm4b:s6+s22], $0x5000, s23, s22, $0x38;
	[tilespmem:$0x1DA80] =	vst v63  }
0x62: {  	_ =	swait.ge [sflag:s0], $0x5000  }
0x63: {  	[sflag:s0] =	ssyncset.done $0x0  }
0x64: {  	[sflag:s0] =	ssyncadd.s32 $0xFFFFB000  }
0x65: {  	[tilespmem:s25], [sflag:$0x5] =	stream.linear.gather [hbm4b:s19+s3], $0xA0, $0x38;
	[tilespmem:$0x1DA80] =	vst v63  }
0x66: {  	_ =	swait.ge [sflag:s21], $0xA0  }
0x67: {  	s7 =	sadd.s32 $0x14000, s20;
	s8 =	sadd.s32 $0x28, s19;
	[sflag:s21] =	ssyncset.done $0x0  }
0x68: {  	s9 =	sadd.s32 $0x0, s18;
	s6 =	simm.s32 $0x2800;
	[sflag:s21] =	ssyncadd.s32 $0xFFFFFF60  }
.LBB2_4:
0x69: {  	[tilespmem:s26], [sflag:$0x2] =	stream.strided.gather [hbm4b:s9+s22], $0x5000, s23, s22, $0x38;
	[tilespmem:$0x1DA80] =	vst v63  }
0x6a: {  	s9 =	smov.u32 s6  }
0x6b: {  	p1 =	sne.s32 s6, $0x14000;
	s6 =	sadd.s32 $0x2800, s6;
	_ =	swait.ge [sflag:s28], $0x5000  }
0x6c: {  	[sflag:s28] =	ssyncset.done $0x0  }
0x6d: {  	[sflag:s28] =	ssyncadd.s32 $0xFFFFB000  }
0x6e: {  	[spmem:s1] =	stream.indirect.scatter.add.f32 [tilespmem:s24], [sflag:$0x3], $0x80, s3, s29, $0xb8;
	[tilespmem:$0x1DA80] =	vst v63  }
0x6f: {  	_ =	swait.ge [sflag:s30], $0x5000  }
0x70: {  	[sflag:s30] =	ssyncset.done $0x0  }
0x71: {  	[sflag:s30] =	ssyncadd.s32 $0xFFFFB000  }
0x72: {  	[spmem:s1] =	stream.indirect.scatter.add.f32 [tilespmem:s26], [sflag:$0x4], $0x80, s25, s29, $0xb8;
	[tilespmem:$0x1DA80] =	vst v63  }
0x73: {  	_ =	swait.ge [sflag:s31], $0x5000  }
0x74: {  	[sflag:s31] =	ssyncset.done $0x0  }
0x75: {  	s10 =	sadd.s32 $0xFFFFFFEC, s8;
	[sflag:s31] =	ssyncadd.s32 $0xFFFFB000  }
0x76: {  	[tilespmem:s3], [sflag:$0x5] =	stream.linear.gather [hbm4b:s10+s3], $0xA0, $0x38;
	[tilespmem:$0x1DA80] =	vst v63  }
0x77: {  	_ =	swait.ge [sflag:s21], $0xA0  }
0x78: {  	s10 =	sshrl.u32 s7, $0x3;
	[sflag:s21] =	ssyncset.done $0x0  }
0x79: {  	s10 =	sadd.s32 s4, s10;
	[sflag:s21] =	ssyncadd.s32 $0xFFFFFF60  }
0x7a: {  	[tilespmem:s24], [sflag:$0x1] =	stream.strided.gather [hbm4b:s10+s22], $0x5000, s23, s22, $0x38;
	[tilespmem:$0x1DA80] =	vst v63  }
0x7b: {  	_ =	swait.ge [sflag:s0], $0x5000  }
0x7c: {  	[sflag:s0] =	ssyncset.done $0x0  }
.Ltmp1:
0x7d: {  	[sflag:s0] =	ssyncadd.s32 $0xFFFFB000;
	(pc) =	sbr.rel @p1 .LBB2_4-.Ltmp1, $4  }
0x7e: {  	[tilespmem:s25], [sflag:$0x5] =	stream.linear.gather [hbm4b:s8+s3], $0xA0, $0x38;
	[tilespmem:$0x1DA80] =	vst v63  }
0x7f: {  	_ =	swait.ge [sflag:s21], $0xA0  }
0x80: {  	s7 =	sadd.s32 $0x14000, s7;
	[sflag:s21] =	ssyncset.done $0x0  }
0x81: {  	s9 =	sadd.s32 s9, s18;
	s8 =	sadd.s32 $0x28, s8;
	[sflag:s21] =	ssyncadd.s32 $0xFFFFFF60  }
0x82: {  	[tilespmem:s26], [sflag:$0x2] =	stream.strided.gather [hbm4b:s9+s22], $0x5000, s23, s22, $0x38;
	[tilespmem:$0x1DA80] =	vst v63  }
0x83: {  	_ =	swait.ge [sflag:s28], $0x5000  }
0x84: {  	[sflag:s28] =	ssyncset.done $0x0  }
0x85: {  	[sflag:s28] =	ssyncadd.s32 $0xFFFFB000  }
0x86: {  	[spmem:s1] =	stream.indirect.scatter.add.f32 [tilespmem:s24], [sflag:$0x3], $0x80, s3, s29, $0xb8;
	[tilespmem:$0x1DA80] =	vst v63  }
0x87: {  	_ =	swait.ge [sflag:s30], $0x5000  }
0x88: {  	[sflag:s30] =	ssyncset.done $0x0  }
0x89: {  	[sflag:s30] =	ssyncadd.s32 $0xFFFFB000  }
0x8a: {  	[spmem:s1] =	stream.indirect.scatter.add.f32 [tilespmem:s26], [sflag:$0x4], $0x80, s25, s29, $0xb8;
	[tilespmem:$0x1DA80] =	vst v63  }
0x8b: {  	_ =	swait.ge [sflag:s31], $0x5000  }
0x8c: {  	[sflag:s31] =	ssyncset.done $0x0  }
0x8d: {  	s6 =	stileid.u32;
	[sflag:s31] =	ssyncadd.s32 $0xFFFFB000  }
0x8e: {  	s7 =	sshrl.u32 @!p0 s5, $0x3;
	s8 =	simm.s32 @!p0 $0x8;
	_ =	swait.ge [sflag:s0], $0x5000  }
0x8f: {  	s9 =	simm.s32 @!p0 $0x100;
	s10 =	simm.s32 @!p0 $0x80;
	[sflag:s0] =	ssyncset.done $0x0  }
0x90: {  	s2 =	sadd.s32 $0x1, s2;
	s6 =	sshll.u32 @!p0 s6, $0x6;
	[sflag:s0] =	ssyncadd.s32 $0xFFFFB000  }
0x91: {  	p1 =	sne.s32 s2, s17;
	s6 =	sor.u32 @!p0 $0x1C05, s6;
	[bflag:$0x0] =	sbarrier.arrive $0xFFFF  }
0x92: {  	[hbm:s16@s9], [sflag:s6] =	dma.strided @!p0 [spmem:s7@s10], $0x3E80, s8, $0x10   }
.Ltmp2:
0x93: {  	_ = 	snop;
	(pc) =	sbr.rel @p1 .LBB2_1-.Ltmp2, $4  }
0x94: {  	s6 =	simm.s32 @!p0 $0x5  }
0x95: {  	_ =	swait.ge @!p0 [sflag:s6], $0x3E80  }
0x96: {  	[sflag:s6] =	ssyncset.done @!p0 $0x0  }
0x97: {  	[sflag:s6] =	ssyncadd.s32 @!p0 $0xFFFFC180  }
0x98: {  	_ =	sfence.sel $0x180000  }
0x99: {  	[bflag:$0x0] =	sbarrier.arrive $0xFFFF  }
0x9a: {  	_ =	strace $0x90000056  }
0x9b: {  	s0 =	stileid.u32;
	[bflag:$0x2] =	sbarrier.arrive $0xFFFF  }
0x9c: {  	p0 =	sne.s32 s0, $0x0;
	s0 =	rddreg [dreg:$0x2]  }
0x9d: {  	s0 =	sadd.s32 @!p0 $0x100000, s0  }
0x9e: {  	[sflag:s0] =	ssyncadd.tile.s32 @!p0 $0x1;
	_ =	shalt  }
.Lfunc_end2:
_tile_overlayer_lowered:
.L_overlay_start_2:
0x9f: {  	(tag) =	ssettag $0x2  }
0xa0: {  	s0 =	rddreg [dreg:$0x0];
	s2 =	stileid.u32  }
0xa1: {  	s1 =	rddreg [dreg:$0x1];
	p0 =	sne.s32 s2, $0x0  }
0xa2: {  	s3 =	rddreg [dreg:$0x2];
	[bflag:$0x3] =	sbarrier.arrive $0xFFFF;
	s2 =	simm.s32 @!p0 $0x1C05  }
0xa3: {  	[timem:s3], [sflag:s2] =	dma.local @!p0 [hbm:s0], s1  }
0xa4: {  	s0 =	simm.s32 @!p0 $0x5  }
0xa5: {  	_ =	swait.ge @!p0 [sflag:s0], s1  }
0xa6: {  	s1 =	ssub.s32 @!p0 $0x0, s1;
	[sflag:s0] =	ssyncset.done @!p0 $0x0  }
0xa7: {  	[sflag:s0] =	ssyncadd.s32 @!p0 s1  }
0xa8: {  	[bflag:$0x3] =	sbarrier.arrive $0xFFFF  }
0xa9: {  	_ =	shalt  }

// kernel: kernel.25.cloned.1.call-start
scs
__scs_entry_jumppad:
0x0: {  	(pc) =	sbr.rel $0x88, $3  }
0x1: {  	(tag) =	ssettag $0x0;
	lr =	simm.s32 $0x1  }
0x2: {  	[smem:$0x3F94] =	sst lr;
	_ =	strace $0xD0000000  }
0x3: {  	_ = 	snop  }
0x4: {  	_ = 	snop  }
0x5: {  	_ = 	snop  }
0x6: {  	_ = 	snop  }
0x7: {  	_ = 	snop  }
__scs_overlays_trampoline_lowered:
0x8: {  	[smem:$0x3FA3] =	sst s0  }
0x9: {  	[smem:$0x3FA4] =	sst s1  }
0xa: {  	[smem:$0x3FA5] =	sst s2  }
0xb: {  	[smem:$0x3FA6] =	sst s3  }
0xc: {  	[smem:$0x3FA7] =	sst s4  }
0xd: {  	[smem:$0x3FA8] =	sst s5  }
0xe: {  	[smem:$0x3FA9] =	sst s6  }
0xf: {  	[smem:$0x3FAA] =	sst s7  }
0x10: {  	[smem:$0x3FAB] =	sst s8  }
0x11: {  	[smem:$0x3FAC] =	sst s9;
	s0 =	simm.s32 @!p0 $0x0  }
0x12: {  	s1 =	sld [smem:$0x3F92];
	s0 =	simm.s32 @p0 $0x1  }
0x13: {  	[smem:$0x3FAD] =	sst s0;
	s0 =	simm.s32 @!p1 $0x0  }
0x14: {  	s2 =	sld [smem:$0x3F91];
	s0 =	simm.s32 @p1 $0x1  }
0x15: {  	[smem:$0x3FAE] =	sst s0;
	s0 =	simm.s32 @!p2 $0x0  }
0x16: {  	s3 =	sld [smem:$0x3FDB];
	s0 =	simm.s32 @p2 $0x1  }
0x17: {  	s4 =	simm.s32 $0x1BF5;
	[smem:$0x3FB0] =	sst s0  }
0x18: {  	s0 =	sld [smem:$0x3F93];
	_ =	swait.ge [sflag:s4], $0x0  }
0x19: {  	s7 =	sld [smem:$0x3F94]  }
0x1a: {  	s8 =	sadd.s32 $0xFFFFE003, lr  }
0x1b: {  	s9 =	sadd.s32 $0xFFFFFEF7, lr;
	s5 =	simm.s32 $0xFFFFFFFF;
	p2 =	slt.u32 s8, $0xFFFFF086  }
0x1c: {  	p1 =	slt.u32 s9, $0xF7A;
	s5 =	simm.s32 @!p2 $0x0  }
0x1d: {  	s5 =	simm.s32 @p1 $0x1;
	p0 =	seq.s32 s7, s2  }
0x1e: {  	s7 =	smul.u32 @!p0 $0xF7A, s2;
	p2 =	seq.s32 @!p0 s5, $0x0  }
0x1f: {  	s9 =	smul.u32 $0xF7A, s1;
	s8 =	simm.s32 @!p0 $0x1BF5;
	p2 =	por !p2, p0  }
0x20: {  	[sflag:s8] =	ssyncset.s32 @!p0 $0xFFFFF086;
	s6 =	sadd.s32 @!p0 s3, s7;
	s7 =	simm.s32 @!p0 $0x108  }
0x21: {  	s3 =	sadd.s32 s3, s9;
	s6 =	sadd.s32 @!p0 $0x88, s6;
	s7 =	simm.s32 @p2 $0x1082  }
0x22: {  	[simem:s7], [sflag:s8] =	dma.local @!p0 [hbm:s6], $0xF7A  }
0x23: {  	s9 =	sor.u32 $0xD0000000, s2;
	s6 =	simm.s32 $0x108;
	_ =	swait.ge @!p0 [sflag:s8], $0x0  }
0x24: {  	s3 =	sadd.s32 $0x88, s3;
	s6 =	simm.s32 @!p1 $0x1082;
	[sflag:s4] =	ssyncset.s32 $0xFFFFF086  }
0x25: {  	[simem:s6], [sflag:s4] =	dma.local [hbm:s3], $0xF7A  }
0x26: {  	[smem:$0x3F94] =	sst s1;
	(tag) =	ssettag s2;
	_ =	strace s9  }
0x27: {  	s1 =	sld [smem:$0x3FA4]  }
0x28: {  	s2 =	sld [smem:$0x3FA5]  }
0x29: {  	s4 =	sld [smem:$0x3FA7]  }
0x2a: {  	p0 =	seq.s32 s5, $0x0;
	s5 =	sld [smem:$0x3FA8]  }
0x2b: {  	s6 =	sld [smem:$0x3FA9]  }
0x2c: {  	s7 =	sld [smem:$0x3FAA]  }
0x2d: {  	s3 =	simm.s32 $0x108;
	s8 =	sld [smem:$0x3FAB]  }
0x2e: {  	s3 =	simm.s32 @!p0 $0x1082;
	s9 =	sld [smem:$0x3FAC]  }
0x2f: {  	lr =	sadd.s32 s0, s3;
	s0 =	sld [smem:$0x3FA3]  }
0x30: {  	s3 =	sld [smem:$0x3FA6]  }
0x31: {  	[smem:$0x3FAF] =	sst s10  }
0x32: {  	s10 =	sld [smem:$0x3FAD];
	_ =	sdelay $0x3  }
0x33: {  	p0 =	seq.s32 s10, $0x1;
	s10 =	sld [smem:$0x3FAF];
	_ =	sdelay $0x3  }
0x34: {  	[smem:$0x3FAF] =	sst s10  }
0x35: {  	s10 =	sld [smem:$0x3FAE];
	_ =	sdelay $0x3  }
0x36: {  	p1 =	seq.s32 s10, $0x1;
	s10 =	sld [smem:$0x3FAF];
	_ =	sdelay $0x3  }
0x37: {  	[smem:$0x3FAF] =	sst s10  }
0x38: {  	s10 =	sld [smem:$0x3FB0]  }
0x39: {  	_ = 	snop;
	(pc) =	sbr.ind lr, $3  }
0x3a: {  	_ = 	snop  }
0x3b: {  	_ = 	snop  }
0x3c: {  	p2 =	seq.s32 s10, $0x1;
	s10 =	sld [smem:$0x3FAF]  }
0x3d: {  	_ =	shalt  }
0x3e: {  	_ =	shalt  }
0x3f: {  	_ =	shalt  }
0x40: {  	_ =	shalt  }
0x41: {  	_ =	shalt  }
0x42: {  	_ =	shalt  }
0x43: {  	_ =	shalt  }
0x44: {  	_ =	shalt  }
0x45: {  	_ =	shalt  }
0x46: {  	_ =	shalt  }
0x47: {  	_ =	shalt  }
0x48: {  	_ =	shalt  }
0x49: {  	_ =	shalt  }
0x4a: {  	_ =	shalt  }
0x4b: {  	_ =	shalt  }
0x4c: {  	_ =	shalt  }
0x4d: {  	_ =	shalt  }
0x4e: {  	_ =	shalt  }
0x4f: {  	_ =	shalt  }
0x50: {  	_ =	shalt  }
0x51: {  	_ =	shalt  }
0x52: {  	_ =	shalt  }
0x53: {  	_ =	shalt  }
0x54: {  	_ =	shalt  }
0x55: {  	_ =	shalt  }
0x56: {  	_ =	shalt  }
0x57: {  	_ =	shalt  }
0x58: {  	_ =	shalt  }
0x59: {  	_ =	shalt  }
0x5a: {  	_ =	shalt  }
0x5b: {  	_ =	shalt  }
0x5c: {  	_ =	shalt  }
0x5d: {  	_ =	shalt  }
0x5e: {  	_ =	shalt  }
0x5f: {  	_ =	shalt  }
0x60: {  	_ =	shalt  }
0x61: {  	_ =	shalt  }
0x62: {  	_ =	shalt  }
0x63: {  	_ =	shalt  }
0x64: {  	_ =	shalt  }
0x65: {  	_ =	shalt  }
0x66: {  	_ =	shalt  }
0x67: {  	_ =	shalt  }
0x68: {  	_ =	shalt  }
0x69: {  	_ =	shalt  }
0x6a: {  	_ =	shalt  }
0x6b: {  	_ =	shalt  }
0x6c: {  	_ =	shalt  }
0x6d: {  	_ =	shalt  }
0x6e: {  	_ =	shalt  }
0x6f: {  	_ =	shalt  }
0x70: {  	_ =	shalt  }
0x71: {  	_ =	shalt  }
0x72: {  	_ =	shalt  }
0x73: {  	_ =	shalt  }
0x74: {  	_ =	shalt  }
0x75: {  	_ =	shalt  }
0x76: {  	_ =	shalt  }
0x77: {  	_ =	shalt  }
0x78: {  	_ =	shalt  }
0x79: {  	_ =	shalt  }
0x7a: {  	_ =	shalt  }
0x7b: {  	_ =	shalt  }
0x7c: {  	_ =	shalt  }
0x7d: {  	_ =	shalt  }
0x7e: {  	_ =	shalt  }
0x7f: {  	_ =	shalt  }
0x80: {  	_ =	shalt  }
0x81: {  	_ =	shalt  }
0x82: {  	_ =	shalt  }
0x83: {  	_ =	shalt  }
0x84: {  	_ =	shalt  }
0x85: {  	_ =	shalt  }
0x86: {  	_ =	shalt  }
0x87: {  	_ =	shalt  }
.Lfunc_end0:
.L_simem_size_0:
called_computation.3_lowered:
.L_overlay_start_0:
0x88: {  	s2 =	sld [smem:$0x3FD9]  }
0x89: {  	s3 =	sld [smem:$0x3FFE];
	_ =	sdelay $0x1  }
0x8a: {  	s1 =	srdreg.scid  }
0x8b: {  	s0 =	sand.u32 $0x1, s1  }
0x8c: {  	s17 =	sshll.u32 s0, $0xA;
	s2 =	sadd.s32 s3, s2  }
0x8d: {  	s2 =	sadd.s32 s2, s17  }
0x8e: {  	[smem:$0x3FBB] =	sst s2  }
0x8f: {  	_ = 	snop  }
0x90: {  	s2 =	sld [smem:$0x3FD0];
	(tm) =	ssettm $0x1  }
0x91: {  	s18 =	sld [smem:$0x3FFB];
	_ =	sdelay $0x3  }
0x92: {  	_ =	strace s18  }
0x93: {  	s3 =	sld [smem:$0x3FFC];
	_ =	sdelay $0x3  }
0x94: {  	_ =	strace s3  }
0x95: {  	s3 =	sld [smem:$0x3FFD];
	_ =	sdelay $0x3  }
0x96: {  	_ =	strace s3  }
0x97: {  	_ =	strace $0x8FFFFFFF  }
0x98: {  	s19 =	sld [smem:$0x3FDB];
	_ =	sdelay $0x1  }
0x99: {  	s4 =	simm.s32 $_scs_section_size  }
0x9a: {  	s5 =	simm.s32 $_size__tile_overlayer_lowered;
	s6 =	simm.s32 $_tile_overlayer_lowered  }
0x9b: {  	s22 =	simm.s32 $0x1BFF;
	s21 =	sshll.u32 s6, $0x1;
	s3 =	sadd.s32 s4, s19  }
0x9c: {  	s7 =	simm.s32 $0x0;
	s20 =	sshll.u32 s5, $0x1;
	s5 =	sadd.s32 s21, s3  }
0x9d: {  	[timem:s7], [sflag:s22] =	dma.local [hbm:s5], s20  }
0x9e: {  	_ =	swait.ge [sflag:s22], s20  }
0x9f: {  	s4 =	ssub.s32 $0x0, s20;
	[sflag:s22] =	ssyncset.done $0x0  }
0xa0: {  	[sflag:s22] =	ssyncadd.s32 s4;
	_ =	sdelay $0x1  }
0xa1: {  	s23 =	simm.s32 $0x1B8B  }
0xa2: {  	_ =	swait.ge [sflag:s23], $0x1  }
0xa3: {  	[sflag:s23] =	ssyncset.done $0x0  }
0xa4: {  	s25 =	simm.s32 $0x1B8E;
	s24 =	sld [smem:$0x3FFE];
	[sflag:s23] =	ssyncadd.s32 $0xFFFFFFFF  }
0xa5: {  	s26 =	simm.s32 $execute0_lowered;
	[smem:$0x3FD2] =	sst s25  }
0xa6: {  	s5 =	sshll.u32 s26, $0x1;
	_ =	strace $0x80000046;
	[dreg:$0x1] =	wrdreg $0xFFFFFFFF  }
0xa7: {  	s28 =	simm.s32 $_size_execute0_lowered;
	s3 =	sadd.s32 s3, s5;
	[dreg:$0x0] =	wrdreg $0x0  }
0xa8: {  	s5 =	sshll.u32 s28, $0x1;
	[dreg:$0x2] =	wrdreg s3  }
0xa9: {  	[dreg:$0x3] =	wrdreg s5  }
0xaa: {  	[dreg:$0x4] =	wrdreg $0xC0  }
0xab: {  	_ =	task [dreg:s7], $0x5FFFF  }
0xac: {  	[dreg:$0x1] =	wrdreg $0xFFFFFFFF  }
0xad: {  	[dreg:$0x0] =	wrdreg $0x60  }
0xae: {  	[dreg:$0x2] =	wrdreg s2  }
0xaf: {  	[dreg:$0x3] =	wrdreg s24  }
0xb0: {  	[dreg:$0x4] =	wrdreg $0xA  }
0xb1: {  	_ =	task.clear_ibuf [dreg:s7], $0x5FFFF;
	_ =	strace $0x90000046  }
0xb2: {  	s29 =	simm.s32 $0xA;
	_ =	strace $0x80000048  }
0xb3: {  	_ =	swait.ge [sflag:s29], $0x1  }
0xb4: {  	[sflag:s29] =	ssyncadd.s32 $0xFFFFFFFF  }
0xb5: {  	_ =	strace $0x90000048  }
0xb6: {  	_ =	sfence  }
0xb7: {  	s30 =	sld [smem:$0x0];
	_ =	sdelay $0x2  }
0xb8: {  	s31 =	sshll.u32 s1, $0xD;
	s1 =	sshrl.u32 s1, $0x2  }
0xb9: {  	s3 =	sand.u32 $0x4000, s31;
	s1 =	sadd.s32 s1, s30  }
0xba: {  	s0 =	sor.u32 s3, s0;
	s1 =	sshll.u32 s1, $0x11  }
0xbb: {  	s0 =	sor.u32 s1, s0  }
0xbc: {  	s0 =	sadd.s32 $0x8F2B, s0  }
0xbd: {  	[sflag:s0] =	ssyncadd.remote.s32 $0x1  }
0xbe: {  	_ =	sfence.sel $0xFFFF  }
0xbf: {  	[dreg:$0x0] =	wrdreg $0xFFFFFFFF;
	(pc) =	sbr.abs _section_cstart, $3  }
0xc0: {  	[dreg:$0x1] =	wrdreg $0xFFFFFFFF  }
0xc1: {  	_ =	task.clear_ibuf [dreg:s7], $0x2FFFF;
	_ =	strace $0x9FFFFFFF  }
0xc2: {  	(tm) =	ssettm $0x7FFFFFFF  }
0xc3: {  	_ =	shalt  }
tec
execute0_lowered:
.L_overlay_start_1:
0x0: {  	(tag) =	ssettag $0x1  }
0x1: {  	s1 =	srdreg.scid;
	s0 =	stileid.u32  }
0x2: {  	s29 =	sand.u32 $0x1, s1;
	s31 =	sshll.u32 s0, $0x1  }
0x3: {  	s28 =	sor.u32 s29, s31  }
0x4: {  	s2 =	rddreg [dreg:$0x0];
	s30 =	smul.u32 $0x640, s28  }
0x5: {  	s12 =	rddreg [dreg:$0x1];
	s3 =	simm.s32 $0x0;
	s5 =	simm.s32 $0x5  }
0x6: {  	[smem:$0x7FF] =	sst s3;
	s26 =	sadd.s32 $0x7200, s12;
	s4 =	sshrl.u32 s30, $0x3  }
0x7: {  	s1 =	rddreg [dreg:$0x2];
	_ =	strace $0x80000047;
	s4 =	sadd.s32 s26, s4  }
0x8: {  	[tilespmem:s3], [sflag:$0x5] =	stream.linear.gather [hbm4b:s4+s3], $0xC8, $0x38;
	[tilespmem:$0xCA00] =	vst v63  }
0x9: {  	_ =	swait.ge [sflag:s5], $0xC8  }
0xa: {  	s6 =	simm.s32 $0xC8;
	s14 =	sadd.s32 $0xC8, s30;
	[sflag:s5] =	ssyncset.done $0x0  }
0xb: {  	s7 =	simm.s32 $0x200;
	s8 =	sshrl.u32 s14, $0x3;
	[sflag:s5] =	ssyncadd.s32 $0xFFFFFF38  }
0xc: {  	[tilespmem:s7], [sflag:$0x1] =	stream.indirect.gather [hbm4b:s2+s6], $0x80, s3, s6, $0xb8;
	[tilespmem:$0xCA00] =	vst v63  }
0xd: {  	s9 =	simm.s32 $0x100;
	s8 =	sadd.s32 s26, s8  }
0xe: {  	[tilespmem:s9], [sflag:$0x5] =	stream.linear.gather [hbm4b:s8+s3], $0xC8, $0x38;
	[tilespmem:$0xCA00] =	vst v63  }
0xf: {  	_ =	swait.ge [sflag:s5], $0xC8  }
0x10: {  	[sflag:s5] =	ssyncset.done $0x0  }
0x11: {  	s10 =	simm.s32 $0x6600;
	s11 =	simm.s32 $0x1;
	[sflag:s5] =	ssyncadd.s32 $0xFFFFFF38  }
0x12: {  	[tilespmem:s10], [sflag:$0x2] =	stream.indirect.gather [hbm4b:s2+s6], $0x80, s9, s6, $0xb8;
	[tilespmem:$0xCA00] =	vst v63  }
0x13: {  	s13 =	smul.u32 $0x6400, s28;
	_ =	swait.ge [sflag:s11], $0x6400  }
0x14: {  	s31 =	sadd.s32 $0x8C00, s12;
	[sflag:s11] =	ssyncset.done $0x0  }
0x15: {  	s12 =	sadd.s32 s31, s13;
	s13 =	simm.s32 $0x2;
	[sflag:s11] =	ssyncadd.s32 $0xFFFF9C00  }
0x16: {  	[hbm4b:s12+s3] =	stream.linear.scatter [tilespmem:s7], [sflag:$0x3], $0x6400, $0x38;
	[tilespmem:$0xCA00] =	vst v63  }
0x17: {  	_ =	swait.ge [sflag:s13], $0x6400  }
0x18: {  	s19 =	sadd.s32 $0x190, s30;
	s14 =	sshll.u32 s14, $0x4;
	[sflag:s13] =	ssyncset.done $0x0  }
0x19: {  	s15 =	sshrl.u32 s19, $0x3;
	s14 =	sadd.s32 s31, s14;
	[sflag:s13] =	ssyncadd.s32 $0xFFFF9C00  }
0x1a: {  	[hbm4b:s14+s3] =	stream.linear.scatter [tilespmem:s10], [sflag:$0x4], $0x6400, $0x38;
	[tilespmem:$0xCA00] =	vst v63  }
0x1b: {  	s15 =	sadd.s32 s26, s15  }
0x1c: {  	[tilespmem:s3], [sflag:$0x5] =	stream.linear.gather [hbm4b:s15+s3], $0xC8, $0x38;
	[tilespmem:$0xCA00] =	vst v63  }
0x1d: {  	_ =	swait.ge [sflag:s5], $0xC8  }
0x1e: {  	[sflag:s5] =	ssyncset.done $0x0  }
0x1f: {  	s16 =	simm.s32 $0x3;
	[sflag:s5] =	ssyncadd.s32 $0xFFFFFF38  }
0x20: {  	_ =	swait.ge [sflag:s16], $0x6400  }
0x21: {  	s20 =	sadd.s32 $0x258, s30;
	[sflag:s16] =	ssyncset.done $0x0  }
0x22: {  	s17 =	sshrl.u32 s20, $0x3;
	[sflag:s16] =	ssyncadd.s32 $0xFFFF9C00  }
0x23: {  	[tilespmem:s7], [sflag:$0x1] =	stream.indirect.gather [hbm4b:s2+s6], $0x80, s3, s6, $0xb8;
	[tilespmem:$0xCA00] =	vst v63  }
0x24: {  	s17 =	sadd.s32 s26, s17  }
0x25: {  	[tilespmem:s9], [sflag:$0x5] =	stream.linear.gather [hbm4b:s17+s3], $0xC8, $0x38;
	[tilespmem:$0xCA00] =	vst v63  }
0x26: {  	_ =	swait.ge [sflag:s5], $0xC8  }
0x27: {  	[sflag:s5] =	ssyncset.done $0x0  }
0x28: {  	s18 =	simm.s32 $0x4;
	[sflag:s5] =	ssyncadd.s32 $0xFFFFFF38  }
0x29: {  	_ =	swait.ge [sflag:s18], $0x6400  }
0x2a: {  	[sflag:s18] =	ssyncset.done $0x0  }
0x2b: {  	[sflag:s18] =	ssyncadd.s32 $0xFFFF9C00  }
0x2c: {  	[tilespmem:s10], [sflag:$0x2] =	stream.indirect.gather [hbm4b:s2+s6], $0x80, s9, s6, $0xb8;
	[tilespmem:$0xCA00] =	vst v63  }
0x2d: {  	_ =	swait.ge [sflag:s11], $0x6400  }
0x2e: {  	s19 =	sshll.u32 s19, $0x4;
	[sflag:s11] =	ssyncset.done $0x0  }
0x2f: {  	s19 =	sadd.s32 s31, s19;
	[sflag:s11] =	ssyncadd.s32 $0xFFFF9C00  }
0x30: {  	[hbm4b:s19+s3] =	stream.linear.scatter [tilespmem:s7], [sflag:$0x3], $0x6400, $0x38;
	[tilespmem:$0xCA00] =	vst v63  }
0x31: {  	_ =	swait.ge [sflag:s13], $0x6400  }
0x32: {  	s23 =	sadd.s32 $0x320, s30;
	s20 =	sshll.u32 s20, $0x4;
	[sflag:s13] =	ssyncset.done $0x0  }
0x33: {  	s21 =	sshrl.u32 s23, $0x3;
	s20 =	sadd.s32 s31, s20;
	[sflag:s13] =	ssyncadd.s32 $0xFFFF9C00  }
0x34: {  	[hbm4b:s20+s3] =	stream.linear.scatter [tilespmem:s10], [sflag:$0x4], $0x6400, $0x38;
	[tilespmem:$0xCA00] =	vst v63  }
0x35: {  	s21 =	sadd.s32 s26, s21  }
0x36: {  	[tilespmem:s3], [sflag:$0x5] =	stream.linear.gather [hbm4b:s21+s3], $0xC8, $0x38;
	[tilespmem:$0xCA00] =	vst v63  }
0x37: {  	_ =	swait.ge [sflag:s5], $0xC8  }
0x38: {  	[sflag:s5] =	ssyncset.done $0x0  }
0x39: {  	[sflag:s5] =	ssyncadd.s32 $0xFFFFFF38  }
0x3a: {  	_ =	swait.ge [sflag:s16], $0x6400  }
0x3b: {  	s24 =	sadd.s32 $0x3E8, s30;
	[sflag:s16] =	ssyncset.done $0x0  }
0x3c: {  	s22 =	sshrl.u32 s24, $0x3;
	[sflag:s16] =	ssyncadd.s32 $0xFFFF9C00  }
0x3d: {  	[tilespmem:s7], [sflag:$0x1] =	stream.indirect.gather [hbm4b:s2+s6], $0x80, s3, s6, $0xb8;
	[tilespmem:$0xCA00] =	vst v63  }
0x3e: {  	s22 =	sadd.s32 s26, s22  }
0x3f: {  	[tilespmem:s9], [sflag:$0x5] =	stream.linear.gather [hbm4b:s22+s3], $0xC8, $0x38;
	[tilespmem:$0xCA00] =	vst v63  }
0x40: {  	_ =	swait.ge [sflag:s5], $0xC8  }
0x41: {  	[sflag:s5] =	ssyncset.done $0x0  }
0x42: {  	[sflag:s5] =	ssyncadd.s32 $0xFFFFFF38  }
0x43: {  	_ =	swait.ge [sflag:s18], $0x6400  }
0x44: {  	[sflag:s18] =	ssyncset.done $0x0  }
0x45: {  	[sflag:s18] =	ssyncadd.s32 $0xFFFF9C00  }
0x46: {  	[tilespmem:s10], [sflag:$0x2] =	stream.indirect.gather [hbm4b:s2+s6], $0x80, s9, s6, $0xb8;
	[tilespmem:$0xCA00] =	vst v63  }
0x47: {  	_ =	swait.ge [sflag:s11], $0x6400  }
0x48: {  	s23 =	sshll.u32 s23, $0x4;
	[sflag:s11] =	ssyncset.done $0x0  }
0x49: {  	s23 =	sadd.s32 s31, s23;
	[sflag:s11] =	ssyncadd.s32 $0xFFFF9C00  }
0x4a: {  	[hbm4b:s23+s3] =	stream.linear.scatter [tilespmem:s7], [sflag:$0x3], $0x6400, $0x38;
	[tilespmem:$0xCA00] =	vst v63  }
0x4b: {  	_ =	swait.ge [sflag:s13], $0x6400  }
0x4c: {  	s24 =	sshll.u32 s24, $0x4;
	[sflag:s13] =	ssyncset.done $0x0  }
0x4d: {  	s24 =	sadd.s32 s31, s24;
	[sflag:s13] =	ssyncadd.s32 $0xFFFF9C00  }
0x4e: {  	[hbm4b:s24+s3] =	stream.linear.scatter [tilespmem:s10], [sflag:$0x4], $0x6400, $0x38;
	[tilespmem:$0xCA00] =	vst v63  }
0x4f: {  	s25 =	sadd.s32 $0x96, s4  }
0x50: {  	[tilespmem:s3], [sflag:$0x5] =	stream.linear.gather [hbm4b:s25+s3], $0xC8, $0x38;
	[tilespmem:$0xCA00] =	vst v63  }
0x51: {  	_ =	swait.ge [sflag:s5], $0xC8  }
0x52: {  	[sflag:s5] =	ssyncset.done $0x0  }
0x53: {  	[sflag:s5] =	ssyncadd.s32 $0xFFFFFF38  }
0x54: {  	_ =	swait.ge [sflag:s16], $0x6400  }
0x55: {  	s30 =	sadd.s32 $0x578, s30;
	[sflag:s16] =	ssyncset.done $0x0  }
0x56: {  	s30 =	sshrl.u32 s30, $0x3;
	[sflag:s16] =	ssyncadd.s32 $0xFFFF9C00  }
0x57: {  	[tilespmem:s7], [sflag:$0x1] =	stream.indirect.gather [hbm4b:s2+s6], $0x80, s3, s6, $0xb8;
	[tilespmem:$0xCA00] =	vst v63  }
0x58: {  	s26 =	sadd.s32 s26, s30  }
0x59: {  	[tilespmem:s9], [sflag:$0x5] =	stream.linear.gather [hbm4b:s26+s3], $0xC8, $0x38;
	[tilespmem:$0xCA00] =	vst v63  }
0x5a: {  	_ =	swait.ge [sflag:s5], $0xC8  }
0x5b: {  	[sflag:s5] =	ssyncset.done $0x0  }
0x5c: {  	[sflag:s5] =	ssyncadd.s32 $0xFFFFFF38  }
0x5d: {  	s28 =	smul.u32 $0x32000, s28;
	_ =	swait.ge [sflag:s18], $0x6400  }
0x5e: {  	[sflag:s18] =	ssyncset.done $0x0  }
0x5f: {  	s28 =	sshrl.u32 s28, $0x3;
	[sflag:s18] =	ssyncadd.s32 $0xFFFF9C00  }
0x60: {  	[tilespmem:s10], [sflag:$0x2] =	stream.indirect.gather [hbm4b:s2+s6], $0x80, s9, s6, $0xb8;
	[tilespmem:$0xCA00] =	vst v63  }
0x61: {  	s30 =	sadd.s32 s31, s28;
	_ =	swait.ge [sflag:s11], $0x6400  }
0x62: {  	s31 =	ssub.s32 $0x2, s29;
	s28 =	sadd.s32 $0x4B00, s30;
	[sflag:s11] =	ssyncset.done $0x0  }
0x63: {  	s29 =	sadd.s32 $0x5780, s30;
	s30 =	sshrl.u32 s31, $0x1;
	[sflag:s11] =	ssyncadd.s32 $0xFFFF9C00  }
0x64: {  	[hbm4b:s28+s3] =	stream.linear.scatter [tilespmem:s7], [sflag:$0x3], $0x6400, $0x38;
	[tilespmem:$0xCA00] =	vst v63  }
0x65: {  	s30 =	ssub.s32 s31, s30;
	_ =	swait.ge [sflag:s13], $0x6400  }
0x66: {  	s30 =	smax.u32 s30, $0x1;
	[sflag:s13] =	ssyncset.done $0x0  }
0x67: {  	p0 =	sne.s32 s30, $0x1;
	[sflag:s13] =	ssyncadd.s32 $0xFFFF9C00  }
0x68: {  	[hbm4b:s29+s3] =	stream.linear.scatter [tilespmem:s10], [sflag:$0x4], $0x6400, $0x38;
	[tilespmem:$0xCA00] =	vst v63  }
.Ltmp0:
0x69: {  	_ =	swait.ge [sflag:s16], $0x6400;
	(pc) =	sbr.rel @!p0 .LBB2_2-.Ltmp0, $4  }
0x6a: {  	[sflag:s16] =	ssyncset.done $0x0  }
0x6b: {  	[sflag:s16] =	ssyncadd.s32 $0xFFFF9C00  }
0x6c: {  	_ =	swait.ge [sflag:s18], $0x6400  }
0x6d: {  	s30 =	sadd.s32 $0xFFFFFFFF, s30;
	[sflag:s18] =	ssyncset.done $0x0  }
.LBB2_1:
0x6e: {  	p0 =	sne.s32 s30, $0x1;
	s30 =	sadd.s32 $0xFFFFFFFF, s30;
	[sflag:s18] =	ssyncadd.s32 $0xFFFF9C00  }
0x6f: {  	[tilespmem:s3], [sflag:$0x5] =	stream.linear.gather [hbm4b:s4+s3], $0xC8, $0x38;
	[tilespmem:$0xCA00] =	vst v63  }
0x70: {  	_ =	swait.ge [sflag:s5], $0xC8  }
0x71: {  	[sflag:s5] =	ssyncset.done $0x0  }
0x72: {  	[sflag:s5] =	ssyncadd.s32 $0xFFFFFF38  }
0x73: {  	[tilespmem:s7], [sflag:$0x1] =	stream.indirect.gather [hbm4b:s2+s6], $0x80, s3, s6, $0xb8;
	[tilespmem:$0xCA00] =	vst v63  }
0x74: {  	_ = 	snop  }
0x75: {  	[tilespmem:s9], [sflag:$0x5] =	stream.linear.gather [hbm4b:s8+s3], $0xC8, $0x38;
	[tilespmem:$0xCA00] =	vst v63  }
0x76: {  	_ =	swait.ge [sflag:s5], $0xC8  }
0x77: {  	[sflag:s5] =	ssyncset.done $0x0  }
0x78: {  	[sflag:s5] =	ssyncadd.s32 $0xFFFFFF38  }
0x79: {  	[tilespmem:s10], [sflag:$0x2] =	stream.indirect.gather [hbm4b:s2+s6], $0x80, s9, s6, $0xb8;
	[tilespmem:$0xCA00] =	vst v63  }
0x7a: {  	_ =	swait.ge [sflag:s11], $0x6400  }
0x7b: {  	[sflag:s11] =	ssyncset.done $0x0  }
0x7c: {  	[sflag:s11] =	ssyncadd.s32 $0xFFFF9C00  }
0x7d: {  	[hbm4b:s12+s3] =	stream.linear.scatter [tilespmem:s7], [sflag:$0x3], $0x6400, $0x38;
	[tilespmem:$0xCA00] =	vst v63  }
0x7e: {  	_ =	swait.ge [sflag:s13], $0x6400  }
0x7f: {  	[sflag:s13] =	ssyncset.done $0x0  }
0x80: {  	[sflag:s13] =	ssyncadd.s32 $0xFFFF9C00  }
0x81: {  	[hbm4b:s14+s3] =	stream.linear.scatter [tilespmem:s10], [sflag:$0x4], $0x6400, $0x38;
	[tilespmem:$0xCA00] =	vst v63  }
0x82: {  	_ = 	snop  }
0x83: {  	[tilespmem:s3], [sflag:$0x5] =	stream.linear.gather [hbm4b:s15+s3], $0xC8, $0x38;
	[tilespmem:$0xCA00] =	vst v63  }
0x84: {  	_ =	swait.ge [sflag:s5], $0xC8  }
0x85: {  	[sflag:s5] =	ssyncset.done $0x0  }
0x86: {  	[sflag:s5] =	ssyncadd.s32 $0xFFFFFF38  }
0x87: {  	_ =	swait.ge [sflag:s16], $0x6400  }
0x88: {  	[sflag:s16] =	ssyncset.done $0x0  }
0x89: {  	[sflag:s16] =	ssyncadd.s32 $0xFFFF9C00  }
0x8a: {  	[tilespmem:s7], [sflag:$0x1] =	stream.indirect.gather [hbm4b:s2+s6], $0x80, s3, s6, $0xb8;
	[tilespmem:$0xCA00] =	vst v63  }
0x8b: {  	_ = 	snop  }
0x8c: {  	[tilespmem:s9], [sflag:$0x5] =	stream.linear.gather [hbm4b:s17+s3], $0xC8, $0x38;
	[tilespmem:$0xCA00] =	vst v63  }
0x8d: {  	_ =	swait.ge [sflag:s5], $0xC8  }
0x8e: {  	[sflag:s5] =	ssyncset.done $0x0  }
0x8f: {  	[sflag:s5] =	ssyncadd.s32 $0xFFFFFF38  }
0x90: {  	_ =	swait.ge [sflag:s18], $0x6400  }
0x91: {  	[sflag:s18] =	ssyncset.done $0x0  }
0x92: {  	[sflag:s18] =	ssyncadd.s32 $0xFFFF9C00  }
0x93: {  	[tilespmem:s10], [sflag:$0x2] =	stream.indirect.gather [hbm4b:s2+s6], $0x80, s9, s6, $0xb8;
	[tilespmem:$0xCA00] =	vst v63  }
0x94: {  	_ =	swait.ge [sflag:s11], $0x6400  }
0x95: {  	[sflag:s11] =	ssyncset.done $0x0  }
0x96: {  	[sflag:s11] =	ssyncadd.s32 $0xFFFF9C00  }
0x97: {  	[hbm4b:s19+s3] =	stream.linear.scatter [tilespmem:s7], [sflag:$0x3], $0x6400, $0x38;
	[tilespmem:$0xCA00] =	vst v63  }
0x98: {  	_ =	swait.ge [sflag:s13], $0x6400  }
0x99: {  	[sflag:s13] =	ssyncset.done $0x0  }
0x9a: {  	[sflag:s13] =	ssyncadd.s32 $0xFFFF9C00  }
0x9b: {  	[hbm4b:s20+s3] =	stream.linear.scatter [tilespmem:s10], [sflag:$0x4], $0x6400, $0x38;
	[tilespmem:$0xCA00] =	vst v63  }
0x9c: {  	_ = 	snop  }
0x9d: {  	[tilespmem:s3], [sflag:$0x5] =	stream.linear.gather [hbm4b:s21+s3], $0xC8, $0x38;
	[tilespmem:$0xCA00] =	vst v63  }
0x9e: {  	_ =	swait.ge [sflag:s5], $0xC8  }
0x9f: {  	[sflag:s5] =	ssyncset.done $0x0  }
0xa0: {  	[sflag:s5] =	ssyncadd.s32 $0xFFFFFF38  }
0xa1: {  	_ =	swait.ge [sflag:s16], $0x6400  }
0xa2: {  	[sflag:s16] =	ssyncset.done $0x0  }
0xa3: {  	[sflag:s16] =	ssyncadd.s32 $0xFFFF9C00  }
0xa4: {  	[tilespmem:s7], [sflag:$0x1] =	stream.indirect.gather [hbm4b:s2+s6], $0x80, s3, s6, $0xb8;
	[tilespmem:$0xCA00] =	vst v63  }
0xa5: {  	_ = 	snop  }
0xa6: {  	[tilespmem:s9], [sflag:$0x5] =	stream.linear.gather [hbm4b:s22+s3], $0xC8, $0x38;
	[tilespmem:$0xCA00] =	vst v63  }
0xa7: {  	_ =	swait.ge [sflag:s5], $0xC8  }
0xa8: {  	[sflag:s5] =	ssyncset.done $0x0  }
0xa9: {  	[sflag:s5] =	ssyncadd.s32 $0xFFFFFF38  }
0xaa: {  	_ =	swait.ge [sflag:s18], $0x6400  }
0xab: {  	[sflag:s18] =	ssyncset.done $0x0  }
0xac: {  	[sflag:s18] =	ssyncadd.s32 $0xFFFF9C00  }
0xad: {  	[tilespmem:s10], [sflag:$0x2] =	stream.indirect.gather [hbm4b:s2+s6], $0x80, s9, s6, $0xb8;
	[tilespmem:$0xCA00] =	vst v63  }
0xae: {  	_ =	swait.ge [sflag:s11], $0x6400  }
0xaf: {  	[sflag:s11] =	ssyncset.done $0x0  }
0xb0: {  	[sflag:s11] =	ssyncadd.s32 $0xFFFF9C00  }
0xb1: {  	[hbm4b:s23+s3] =	stream.linear.scatter [tilespmem:s7], [sflag:$0x3], $0x6400, $0x38;
	[tilespmem:$0xCA00] =	vst v63  }
0xb2: {  	_ =	swait.ge [sflag:s13], $0x6400  }
0xb3: {  	[sflag:s13] =	ssyncset.done $0x0  }
0xb4: {  	[sflag:s13] =	ssyncadd.s32 $0xFFFF9C00  }
0xb5: {  	[hbm4b:s24+s3] =	stream.linear.scatter [tilespmem:s10], [sflag:$0x4], $0x6400, $0x38;
	[tilespmem:$0xCA00] =	vst v63  }
0xb6: {  	_ = 	snop  }
0xb7: {  	[tilespmem:s3], [sflag:$0x5] =	stream.linear.gather [hbm4b:s25+s3], $0xC8, $0x38;
	[tilespmem:$0xCA00] =	vst v63  }
0xb8: {  	_ =	swait.ge [sflag:s5], $0xC8  }
0xb9: {  	[sflag:s5] =	ssyncset.done $0x0  }
0xba: {  	[sflag:s5] =	ssyncadd.s32 $0xFFFFFF38  }
0xbb: {  	_ =	swait.ge [sflag:s16], $0x6400  }
0xbc: {  	[sflag:s16] =	ssyncset.done $0x0  }
0xbd: {  	[sflag:s16] =	ssyncadd.s32 $0xFFFF9C00  }
0xbe: {  	[tilespmem:s7], [sflag:$0x1] =	stream.indirect.gather [hbm4b:s2+s6], $0x80, s3, s6, $0xb8;
	[tilespmem:$0xCA00] =	vst v63  }
0xbf: {  	_ = 	snop  }
0xc0: {  	[tilespmem:s9], [sflag:$0x5] =	stream.linear.gather [hbm4b:s26+s3], $0xC8, $0x38;
	[tilespmem:$0xCA00] =	vst v63  }
0xc1: {  	_ =	swait.ge [sflag:s5], $0xC8  }
0xc2: {  	[sflag:s5] =	ssyncset.done $0x0  }
0xc3: {  	[sflag:s5] =	ssyncadd.s32 $0xFFFFFF38  }
0xc4: {  	_ =	swait.ge [sflag:s18], $0x6400  }
0xc5: {  	[sflag:s18] =	ssyncset.done $0x0  }
0xc6: {  	[sflag:s18] =	ssyncadd.s32 $0xFFFF9C00  }
0xc7: {  	[tilespmem:s10], [sflag:$0x2] =	stream.indirect.gather [hbm4b:s2+s6], $0x80, s9, s6, $0xb8;
	[tilespmem:$0xCA00] =	vst v63  }
0xc8: {  	_ =	swait.ge [sflag:s11], $0x6400  }
0xc9: {  	[sflag:s11] =	ssyncset.done $0x0  }
0xca: {  	[sflag:s11] =	ssyncadd.s32 $0xFFFF9C00  }
0xcb: {  	[hbm4b:s28+s3] =	stream.linear.scatter [tilespmem:s7], [sflag:$0x3], $0x6400, $0x38;
	[tilespmem:$0xCA00] =	vst v63  }
0xcc: {  	_ =	swait.ge [sflag:s13], $0x6400  }
0xcd: {  	[sflag:s13] =	ssyncset.done $0x0  }
0xce: {  	[sflag:s13] =	ssyncadd.s32 $0xFFFF9C00  }
0xcf: {  	[hbm4b:s29+s3] =	stream.linear.scatter [tilespmem:s10], [sflag:$0x4], $0x6400, $0x38;
	[tilespmem:$0xCA00] =	vst v63  }
.Ltmp1:
0xd0: {  	_ =	swait.ge [sflag:s16], $0x6400;
	(pc) =	sbr.rel @p0 .LBB2_1-.Ltmp1, $4  }
0xd1: {  	[sflag:s16] =	ssyncset.done $0x0  }
0xd2: {  	[sflag:s16] =	ssyncadd.s32 $0xFFFF9C00  }
0xd3: {  	_ =	swait.ge [sflag:s18], $0x6400  }
0xd4: {  	[sflag:s18] =	ssyncset.done $0x0  }
.LBB2_2:
0xd5: {  	[sflag:s18] =	ssyncadd.s32 $0xFFFF9C00  }
0xd6: {  	_ =	sfence.sel $0x180000  }
0xd7: {  	[bflag:$0x0] =	sbarrier.arrive $0xFFFF  }
0xd8: {  	p0 =	sne.s32 s0, $0x0;
	_ =	strace $0x90000047  }
0xd9: {  	s0 =	sadd.s32 @!p0 $0x100000, s1;
	[bflag:$0x2] =	sbarrier.arrive $0xFFFF  }
0xda: {  	[sflag:s0] =	ssyncadd.tile.s32 @!p0 $0x1;
	_ =	shalt  }
.Lfunc_end2:
_tile_overlayer_lowered:
.L_overlay_start_2:
0xdb: {  	(tag) =	ssettag $0x2  }
0xdc: {  	s0 =	rddreg [dreg:$0x0];
	s2 =	stileid.u32  }
0xdd: {  	s1 =	rddreg [dreg:$0x1];
	p0 =	sne.s32 s2, $0x0  }
0xde: {  	s3 =	rddreg [dreg:$0x2];
	[bflag:$0x3] =	sbarrier.arrive $0xFFFF;
	s2 =	simm.s32 @!p0 $0x1C05  }
0xdf: {  	[timem:s3], [sflag:s2] =	dma.local @!p0 [hbm:s0], s1  }
0xe0: {  	s0 =	simm.s32 @!p0 $0x5  }
0xe1: {  	_ =	swait.ge @!p0 [sflag:s0], s1  }
0xe2: {  	s1 =	ssub.s32 @!p0 $0x0, s1;
	[sflag:s0] =	ssyncset.done @!p0 $0x0  }
0xe3: {  	[sflag:s0] =	ssyncadd.s32 @!p0 s1  }
0xe4: {  	[bflag:$0x3] =	sbarrier.arrive $0xFFFF  }
0xe5: {  	_ =	shalt  }

// kernel: kernel.28.cloned.1.call-start
scs
__scs_entry_jumppad:
0x0: {  	(pc) =	sbr.rel $0x88, $3  }
0x1: {  	(tag) =	ssettag $0x0;
	lr =	simm.s32 $0x1  }
0x2: {  	[smem:$0x3F94] =	sst lr;
	_ =	strace $0xD0000000  }
0x3: {  	_ = 	snop  }
0x4: {  	_ = 	snop  }
0x5: {  	_ = 	snop  }
0x6: {  	_ = 	snop  }
0x7: {  	_ = 	snop  }
__scs_overlays_trampoline_lowered:
0x8: {  	[smem:$0x3FA3] =	sst s0  }
0x9: {  	[smem:$0x3FA4] =	sst s1  }
0xa: {  	[smem:$0x3FA5] =	sst s2  }
0xb: {  	[smem:$0x3FA6] =	sst s3  }
0xc: {  	[smem:$0x3FA7] =	sst s4  }
0xd: {  	[smem:$0x3FA8] =	sst s5  }
0xe: {  	[smem:$0x3FA9] =	sst s6  }
0xf: {  	[smem:$0x3FAA] =	sst s7  }
0x10: {  	[smem:$0x3FAB] =	sst s8  }
0x11: {  	[smem:$0x3FAC] =	sst s9;
	s0 =	simm.s32 @!p0 $0x0  }
0x12: {  	s1 =	sld [smem:$0x3F92];
	s0 =	simm.s32 @p0 $0x1  }
0x13: {  	[smem:$0x3FAD] =	sst s0;
	s0 =	simm.s32 @!p1 $0x0  }
0x14: {  	s2 =	sld [smem:$0x3F91];
	s0 =	simm.s32 @p1 $0x1  }
0x15: {  	[smem:$0x3FAE] =	sst s0;
	s0 =	simm.s32 @!p2 $0x0  }
0x16: {  	s3 =	sld [smem:$0x3FDB];
	s0 =	simm.s32 @p2 $0x1  }
0x17: {  	s4 =	simm.s32 $0x1BF5;
	[smem:$0x3FB0] =	sst s0  }
0x18: {  	s0 =	sld [smem:$0x3F93];
	_ =	swait.ge [sflag:s4], $0x0  }
0x19: {  	s7 =	sld [smem:$0x3F94]  }
0x1a: {  	s8 =	sadd.s32 $0xFFFFE003, lr  }
0x1b: {  	s9 =	sadd.s32 $0xFFFFFEF7, lr;
	s5 =	simm.s32 $0xFFFFFFFF;
	p2 =	slt.u32 s8, $0xFFFFF086  }
0x1c: {  	p1 =	slt.u32 s9, $0xF7A;
	s5 =	simm.s32 @!p2 $0x0  }
0x1d: {  	s5 =	simm.s32 @p1 $0x1;
	p0 =	seq.s32 s7, s2  }
0x1e: {  	s7 =	smul.u32 @!p0 $0xF7A, s2;
	p2 =	seq.s32 @!p0 s5, $0x0  }
0x1f: {  	s9 =	smul.u32 $0xF7A, s1;
	s8 =	simm.s32 @!p0 $0x1BF5;
	p2 =	por !p2, p0  }
0x20: {  	[sflag:s8] =	ssyncset.s32 @!p0 $0xFFFFF086;
	s6 =	sadd.s32 @!p0 s3, s7;
	s7 =	simm.s32 @!p0 $0x108  }
0x21: {  	s3 =	sadd.s32 s3, s9;
	s6 =	sadd.s32 @!p0 $0x88, s6;
	s7 =	simm.s32 @p2 $0x1082  }
0x22: {  	[simem:s7], [sflag:s8] =	dma.local @!p0 [hbm:s6], $0xF7A  }
0x23: {  	s9 =	sor.u32 $0xD0000000, s2;
	s6 =	simm.s32 $0x108;
	_ =	swait.ge @!p0 [sflag:s8], $0x0  }
0x24: {  	s3 =	sadd.s32 $0x88, s3;
	s6 =	simm.s32 @!p1 $0x1082;
	[sflag:s4] =	ssyncset.s32 $0xFFFFF086  }
0x25: {  	[simem:s6], [sflag:s4] =	dma.local [hbm:s3], $0xF7A  }
0x26: {  	[smem:$0x3F94] =	sst s1;
	(tag) =	ssettag s2;
	_ =	strace s9  }
0x27: {  	s1 =	sld [smem:$0x3FA4]  }
0x28: {  	s2 =	sld [smem:$0x3FA5]  }
0x29: {  	s4 =	sld [smem:$0x3FA7]  }
0x2a: {  	p0 =	seq.s32 s5, $0x0;
	s5 =	sld [smem:$0x3FA8]  }
0x2b: {  	s6 =	sld [smem:$0x3FA9]  }
0x2c: {  	s7 =	sld [smem:$0x3FAA]  }
0x2d: {  	s3 =	simm.s32 $0x108;
	s8 =	sld [smem:$0x3FAB]  }
0x2e: {  	s3 =	simm.s32 @!p0 $0x1082;
	s9 =	sld [smem:$0x3FAC]  }
0x2f: {  	lr =	sadd.s32 s0, s3;
	s0 =	sld [smem:$0x3FA3]  }
0x30: {  	s3 =	sld [smem:$0x3FA6]  }
0x31: {  	[smem:$0x3FAF] =	sst s10  }
0x32: {  	s10 =	sld [smem:$0x3FAD];
	_ =	sdelay $0x3  }
0x33: {  	p0 =	seq.s32 s10, $0x1;
	s10 =	sld [smem:$0x3FAF];
	_ =	sdelay $0x3  }
0x34: {  	[smem:$0x3FAF] =	sst s10  }
0x35: {  	s10 =	sld [smem:$0x3FAE];
	_ =	sdelay $0x3  }
0x36: {  	p1 =	seq.s32 s10, $0x1;
	s10 =	sld [smem:$0x3FAF];
	_ =	sdelay $0x3  }
0x37: {  	[smem:$0x3FAF] =	sst s10  }
0x38: {  	s10 =	sld [smem:$0x3FB0]  }
0x39: {  	_ = 	snop;
	(pc) =	sbr.ind lr, $3  }
0x3a: {  	_ = 	snop  }
0x3b: {  	_ = 	snop  }
0x3c: {  	p2 =	seq.s32 s10, $0x1;
	s10 =	sld [smem:$0x3FAF]  }
0x3d: {  	_ =	shalt  }
0x3e: {  	_ =	shalt  }
0x3f: {  	_ =	shalt  }
0x40: {  	_ =	shalt  }
0x41: {  	_ =	shalt  }
0x42: {  	_ =	shalt  }
0x43: {  	_ =	shalt  }
0x44: {  	_ =	shalt  }
0x45: {  	_ =	shalt  }
0x46: {  	_ =	shalt  }
0x47: {  	_ =	shalt  }
0x48: {  	_ =	shalt  }
0x49: {  	_ =	shalt  }
0x4a: {  	_ =	shalt  }
0x4b: {  	_ =	shalt  }
0x4c: {  	_ =	shalt  }
0x4d: {  	_ =	shalt  }
0x4e: {  	_ =	shalt  }
0x4f: {  	_ =	shalt  }
0x50: {  	_ =	shalt  }
0x51: {  	_ =	shalt  }
0x52: {  	_ =	shalt  }
0x53: {  	_ =	shalt  }
0x54: {  	_ =	shalt  }
0x55: {  	_ =	shalt  }
0x56: {  	_ =	shalt  }
0x57: {  	_ =	shalt  }
0x58: {  	_ =	shalt  }
0x59: {  	_ =	shalt  }
0x5a: {  	_ =	shalt  }
0x5b: {  	_ =	shalt  }
0x5c: {  	_ =	shalt  }
0x5d: {  	_ =	shalt  }
0x5e: {  	_ =	shalt  }
0x5f: {  	_ =	shalt  }
0x60: {  	_ =	shalt  }
0x61: {  	_ =	shalt  }
0x62: {  	_ =	shalt  }
0x63: {  	_ =	shalt  }
0x64: {  	_ =	shalt  }
0x65: {  	_ =	shalt  }
0x66: {  	_ =	shalt  }
0x67: {  	_ =	shalt  }
0x68: {  	_ =	shalt  }
0x69: {  	_ =	shalt  }
0x6a: {  	_ =	shalt  }
0x6b: {  	_ =	shalt  }
0x6c: {  	_ =	shalt  }
0x6d: {  	_ =	shalt  }
0x6e: {  	_ =	shalt  }
0x6f: {  	_ =	shalt  }
0x70: {  	_ =	shalt  }
0x71: {  	_ =	shalt  }
0x72: {  	_ =	shalt  }
0x73: {  	_ =	shalt  }
0x74: {  	_ =	shalt  }
0x75: {  	_ =	shalt  }
0x76: {  	_ =	shalt  }
0x77: {  	_ =	shalt  }
0x78: {  	_ =	shalt  }
0x79: {  	_ =	shalt  }
0x7a: {  	_ =	shalt  }
0x7b: {  	_ =	shalt  }
0x7c: {  	_ =	shalt  }
0x7d: {  	_ =	shalt  }
0x7e: {  	_ =	shalt  }
0x7f: {  	_ =	shalt  }
0x80: {  	_ =	shalt  }
0x81: {  	_ =	shalt  }
0x82: {  	_ =	shalt  }
0x83: {  	_ =	shalt  }
0x84: {  	_ =	shalt  }
0x85: {  	_ =	shalt  }
0x86: {  	_ =	shalt  }
0x87: {  	_ =	shalt  }
.Lfunc_end0:
.L_simem_size_0:
called_computation.4_lowered:
.L_overlay_start_0:
0x88: {  	s2 =	sld [smem:$0x3FD9]  }
0x89: {  	s3 =	sld [smem:$0x3FFE];
	_ =	sdelay $0x1  }
0x8a: {  	s1 =	srdreg.scid  }
0x8b: {  	s0 =	sand.u32 $0x1, s1  }
0x8c: {  	s17 =	sshll.u32 s0, $0xA;
	s2 =	sadd.s32 s3, s2  }
0x8d: {  	s2 =	sadd.s32 s2, s17  }
0x8e: {  	[smem:$0x3FBB] =	sst s2  }
0x8f: {  	_ = 	snop  }
0x90: {  	(tm) =	ssettm $0x1  }
0x91: {  	s18 =	sld [smem:$0x3FFB];
	_ =	sdelay $0x3  }
0x92: {  	_ =	strace s18  }
0x93: {  	s2 =	sld [smem:$0x3FFC];
	_ =	sdelay $0x3  }
0x94: {  	_ =	strace s2  }
0x95: {  	s2 =	sld [smem:$0x3FFD];
	_ =	sdelay $0x3  }
0x96: {  	_ =	strace s2  }
0x97: {  	_ =	strace $0x8FFFFFFF  }
0x98: {  	s19 =	sld [smem:$0x3FDB];
	_ =	sdelay $0x1  }
0x99: {  	s20 =	simm.s32 $_scs_section_size  }
0x9a: {  	s4 =	simm.s32 $_size__tile_overlayer_lowered;
	s5 =	simm.s32 $_tile_overlayer_lowered  }
0x9b: {  	s6 =	simm.s32 $0x1BFF;
	s21 =	sshll.u32 s5, $0x1;
	s3 =	sadd.s32 s20, s19  }
0x9c: {  	s22 =	simm.s32 $0x0;
	s4 =	sshll.u32 s4, $0x1;
	s5 =	sadd.s32 s21, s3  }
0x9d: {  	[timem:s22], [sflag:s6] =	dma.local [hbm:s5], s4  }
0x9e: {  	_ =	swait.ge [sflag:s6], s4  }
0x9f: {  	s4 =	ssub.s32 $0x0, s4;
	[sflag:s6] =	ssyncset.done $0x0  }
0xa0: {  	[sflag:s6] =	ssyncadd.s32 s4;
	_ =	sdelay $0x1  }
0xa1: {  	s23 =	simm.s32 $0x1B8B  }
0xa2: {  	_ =	swait.ge [sflag:s23], $0x1  }
0xa3: {  	[sflag:s23] =	ssyncset.done $0x0  }
0xa4: {  	[sflag:s23] =	ssyncadd.s32 $0xFFFFFFFF  }
0xa5: {  	s4 =	sld [smem:$0x0]  }
0xa6: {  	s5 =	sand.u32 $0xFFFFFFFE, s1  }
0xa7: {  	p0 =	sne.s32 s1, s5  }
0xa8: {  	s5 =	sshll.u32 @p0 s5, $0xE  }
0xa9: {  	s5 =	sadd.s32 @p0 $0x11B8D, s5;
	s6 =	sshll.u32 @p0 s4, $0x11  }
0xaa: {  	s5 =	sor.u32 @p0 s6, s5  }
0xab: {  	[sflag:s5] =	ssyncadd.remote.s32 @p0 $0x1;
	_ =	sdelay $0x1  }
0xac: {  	s5 =	simm.s32 @p0 $0x1B8D  }
0xad: {  	_ =	swait.eq @p0 [sflag:s5], $0x1  }
0xae: {  	[sflag:s5] =	ssyncadd.s32 @p0 $0xFFFFFFFF  }
0xaf: {  	s6 =	sshll.u32 @!p0 s1, $0xE  }
0xb0: {  	s6 =	sor.u32 @!p0 $0x4000, s6;
	s5 =	simm.s32 @!p0 $0x1B8D  }
0xb1: {  	s4 =	sshll.u32 @!p0 s4, $0x11;
	s6 =	sadd.s32 @!p0 $0x11B8D, s6;
	_ =	swait.eq @!p0 [sflag:s5], $0x1  }
0xb2: {  	s4 =	sor.u32 @!p0 s4, s6;
	[sflag:s5] =	ssyncadd.s32 @!p0 $0xFFFFFFFF  }
0xb3: {  	s25 =	simm.s32 $0x1B8E;
	s24 =	sld [smem:$0x3FFE];
	[sflag:s4] =	ssyncadd.remote.s32 @!p0 $0x1  }
0xb4: {  	s26 =	simm.s32 $execute0_lowered;
	[smem:$0x3FD2] =	sst s25  }
0xb5: {  	s5 =	sshll.u32 s26, $0x1;
	_ =	strace $0x80000052;
	[dreg:$0x1] =	wrdreg $0xFFFFFFFF  }
0xb6: {  	s28 =	simm.s32 $_size_execute0_lowered;
	s3 =	sadd.s32 s3, s5;
	[dreg:$0x0] =	wrdreg $0x0  }
0xb7: {  	s5 =	sshll.u32 s28, $0x1;
	[dreg:$0x2] =	wrdreg s3  }
0xb8: {  	[dreg:$0x3] =	wrdreg s5  }
0xb9: {  	[dreg:$0x4] =	wrdreg $0xC0  }
0xba: {  	_ =	task [dreg:s22], $0x5FFFF  }
0xbb: {  	[dreg:$0x1] =	wrdreg $0xFFFFFFFF  }
0xbc: {  	[dreg:$0x0] =	wrdreg $0x60  }
0xbd: {  	[dreg:$0x2] =	wrdreg s24  }
0xbe: {  	[dreg:$0x3] =	wrdreg $0xA2000  }
0xbf: {  	[dreg:$0x4] =	wrdreg $0xA  }
0xc0: {  	_ =	task.clear_ibuf [dreg:s22], $0x5FFFF;
	_ =	strace $0x90000052  }
0xc1: {  	s29 =	simm.s32 $0xA;
	_ =	strace $0x80000054  }
0xc2: {  	_ =	swait.ge [sflag:s29], $0x1  }
0xc3: {  	[sflag:s29] =	ssyncadd.s32 $0xFFFFFFFF  }
0xc4: {  	_ =	strace $0x90000054  }
0xc5: {  	_ =	sfence  }
0xc6: {  	s30 =	sld [smem:$0x0];
	_ =	sdelay $0x2  }
0xc7: {  	s31 =	sshll.u32 s1, $0xD;
	s1 =	sshrl.u32 s1, $0x2  }
0xc8: {  	s4 =	sand.u32 $0x4000, s31;
	s1 =	sadd.s32 s1, s30  }
0xc9: {  	s0 =	sor.u32 s4, s0;
	s1 =	sshll.u32 s1, $0x11  }
0xca: {  	s0 =	sor.u32 s1, s0  }
0xcb: {  	s0 =	sadd.s32 $0x8F2B, s0  }
0xcc: {  	[sflag:s0] =	ssyncadd.remote.s32 $0x1  }
0xcd: {  	_ =	sfence.sel $0xFFFF  }
0xce: {  	[dreg:$0x0] =	wrdreg $0xFFFFFFFF;
	(pc) =	sbr.abs _section_cstart, $3  }
0xcf: {  	[dreg:$0x1] =	wrdreg $0xFFFFFFFF  }
0xd0: {  	_ =	task.clear_ibuf [dreg:s22], $0x2FFFF;
	_ =	strace $0x9FFFFFFF  }
0xd1: {  	(tm) =	ssettm $0x7FFFFFFF  }
tec
execute0_lowered:
.L_overlay_start_1:
0x0: {  	(tag) =	ssettag $0x1  }
0x1: {  	s0 =	rddreg [dreg:$0x0]  }
0x2: {  	s1 =	rddreg [dreg:$0x1]  }
0x3: {  	s3 =	simm.s32 $0x0;
	s2 =	srdreg.scid;
	s10 =	stileid.u32  }
0x4: {  	s28 =	simm.s32 $0x1;
	s29 =	simm.s32 $0xA0;
	s5 =	smul.u32 $0x3E800, s10  }
0x5: {  	s30 =	simm.s32 $0x2;
	s31 =	simm.s32 $0x3;
	s7 =	smul.u32 $0x7D000, s10  }
0x6: {  	[smem:$0x7FF] =	sst s3;
	s4 =	sadd.s32 $0x28A600, s0;
	s20 =	smul.u32 $0xC80, s10  }
0x7: {  	s2 =	sand.u32 $0x1, s2;
	s8 =	sadd.s32 $0x288C00, s0;
	s23 =	smul.u32 $0xC8000, s10  }
0x8: {  	p0 =	sgt.u32 s10, $0x9;
	s6 =	sshll.u32 s2, $0xA;
	s2 =	ssub.s32 $0x2, s2  }
0x9: {  	_ =	strace $0x80000053;
	s5 =	sor.u32 s6, s5;
	s9 =	sshrl.u32 s2, $0x1  }
0xa: {  	s7 =	sshrl.u32 s7, $0x2;
	s12 =	sshrl.u32 s20, $0x3;
	s5 =	sshrl.u32 s5, $0x3  }
0xb: {  	s2 =	ssub.s32 s2, s9;
	s12 =	sadd.s32 s8, s12;
	s9 =	sor.u32 s6, s23  }
0xc: {  	s23 =	simm.s32 $0x800;
	s0 =	sadd.s32 s5, s0;
	s5 =	sadd.s32 s7, s1  }
0xd: {  	s13 =	sshrl.u32 s9, $0x3;
	s24 =	sadd.s32 $0x1E000, s9;
	s17 =	smax.u32 s2, $0x1  }
0xe: {  	s2 =	simm.s32 $0x0;
	s7 =	sadd.s32 $0x5000, s5;
	s19 =	sadd.s32 $0xA000, s5  }
0xf: {  	s21 =	sadd.s32 $0xF000, s5;
	s22 =	sadd.s32 $0x14000, s5;
	[dreg:$0x3] =	wrdreg s7  }
0x10: {  	s11 =	sadd.s32 $0x19000, s5;
	s13 =	sadd.s32 s4, s13;
	[dreg:$0x4] =	wrdreg s19  }
0x11: {  	s16 =	sadd.s32 $0x7200, s0;
	s25 =	sshrl.u32 s24, $0x3;
	[dreg:$0x5] =	wrdreg s21  }
0x12: {  	s24 =	simm.s32 $0x200;
	s0 =	simm.s32 $0x4;
	[dreg:$0x6] =	wrdreg s22  }
0x13: {  	[dreg:$0x7] =	wrdreg s11;
	s11 =	sadd.s32 $0x1E000, s5;
	s7 =	sadd.s32 $0xA0, s20  }
0x14: {  	s19 =	smul.u32 $0x190, s10;
	s18 =	sadd.s32 s25, s4;
	s20 =	sadd.s32 $0x14000, s9  }
0x15: {  	s21 =	simm.s32 $0x5;
	s14 =	sshrl.u32 s7, $0x3;
	s7 =	sshll.u32 s7, $0x8  }
0x16: {  	s22 =	simm.s32 $0x400;
	s25 =	simm.s32 $0x100;
	s6 =	sor.u32 s6, s7  }
0x17: {  	s14 =	sadd.s32 s8, s14;
	s26 =	sadd.s32 s19, s8;
	s6 =	sshrl.u32 s6, $0x3  }
0x18: {  	v0 =	vimm.f32 $0.0e+00;
	s19 =	sadd.s32 $0x3C, s26;
	s26 =	simm.s32 $0x5200;
	s15 =	sadd.s32 s4, s6  }
.LBB2_1:
0x19: {  	s6 =	simm.s32 $0x0;
	s7 =	simm.s32 $0x200  }
.LBB2_2:
0x1a: {  	p1 =	sne.s32 s7, $0x13E00;
	[tilespmem:s6+$0x270] =	vst v0  }
0x1b: {  	[tilespmem:s6+$0x200] =	vst v0  }
0x1c: {  	[tilespmem:s6+$0x210] =	vst v0  }
.Ltmp0:
0x1d: {  	[tilespmem:s6+$0x220] =	vst v0;
	(pc) =	sbr.rel @p1 .LBB2_2-.Ltmp0, $4  }
0x1e: {  	[tilespmem:s6+$0x230] =	vst v0  }
0x1f: {  	[tilespmem:s6+$0x240] =	vst v0  }
0x20: {  	[tilespmem:s6+$0x250] =	vst v0  }
0x21: {  	[tilespmem:s6+$0x260] =	vst v0;
	s6 =	sshra.s32 s7, $0x2;
	s7 =	sadd.s32 $0x200, s7  }
0x22: {  	[tilespmem:s6+$0x270] =	vst v0  }
0x23: {  	[tilespmem:s6+$0x200] =	vst v0  }
0x24: {  	[tilespmem:s6+$0x210] =	vst v0  }
0x25: {  	[tilespmem:s6+$0x220] =	vst v0  }
0x26: {  	[tilespmem:s6+$0x230] =	vst v0  }
0x27: {  	[tilespmem:s6+$0x240] =	vst v0  }
0x28: {  	[tilespmem:s6+$0x250] =	vst v0  }
0x29: {  	[tilespmem:s6+$0x260] =	vst v0;
	s6 =	simm.s32 @!p0 $0x200;
	s7 =	simm.s32 @!p0 $0x5  }
0x2a: {  	[spmem:s5] =	stream.linear.scatter @!p0 [tilespmem:s6], [sflag:$0x5], $0x5000, $0x38;
	[tilespmem:$0x1DA80] =	vst v63  }
0x2b: {  	_ =	swait.ge @!p0 [sflag:s7], $0x5000  }
0x2c: {  	[sflag:s7] =	ssyncset.done @!p0 $0x0  }
0x2d: {  	s8 =	rddreg [dreg:$0x3];
	[sflag:s7] =	ssyncadd.s32 @!p0 $0xFFFFB000  }
0x2e: {  	[spmem:s8] =	stream.linear.scatter @!p0 [tilespmem:s6], [sflag:$0x5], $0x5000, $0x38;
	[tilespmem:$0x1DA80] =	vst v63  }
0x2f: {  	_ =	swait.ge @!p0 [sflag:s7], $0x5000  }
0x30: {  	[sflag:s7] =	ssyncset.done @!p0 $0x0  }
0x31: {  	s8 =	rddreg [dreg:$0x4];
	[sflag:s7] =	ssyncadd.s32 @!p0 $0xFFFFB000  }
0x32: {  	[spmem:s8] =	stream.linear.scatter @!p0 [tilespmem:s6], [sflag:$0x5], $0x5000, $0x38;
	[tilespmem:$0x1DA80] =	vst v63  }
0x33: {  	_ =	swait.ge @!p0 [sflag:s7], $0x5000  }
0x34: {  	[sflag:s7] =	ssyncset.done @!p0 $0x0  }
0x35: {  	s8 =	rddreg [dreg:$0x5];
	[sflag:s7] =	ssyncadd.s32 @!p0 $0xFFFFB000  }
0x36: {  	[spmem:s8] =	stream.linear.scatter @!p0 [tilespmem:s6], [sflag:$0x5], $0x5000, $0x38;
	[tilespmem:$0x1DA80] =	vst v63  }
0x37: {  	_ =	swait.ge @!p0 [sflag:s7], $0x5000  }
0x38: {  	[sflag:s7] =	ssyncset.done @!p0 $0x0  }
0x39: {  	s8 =	rddreg [dreg:$0x6];
	[sflag:s7] =	ssyncadd.s32 @!p0 $0xFFFFB000  }
0x3a: {  	[spmem:s8] =	stream.linear.scatter @!p0 [tilespmem:s6], [sflag:$0x5], $0x5000, $0x38;
	[tilespmem:$0x1DA80] =	vst v63  }
0x3b: {  	_ =	swait.ge @!p0 [sflag:s7], $0x5000  }
0x3c: {  	[sflag:s7] =	ssyncset.done @!p0 $0x0  }
0x3d: {  	s8 =	rddreg [dreg:$0x7];
	[sflag:s7] =	ssyncadd.s32 @!p0 $0xFFFFB000  }
0x3e: {  	[spmem:s8] =	stream.linear.scatter @!p0 [tilespmem:s6], [sflag:$0x5], $0x5000, $0x38;
	[tilespmem:$0x1DA80] =	vst v63  }
0x3f: {  	_ =	swait.ge @!p0 [sflag:s7], $0x5000  }
0x40: {  	[sflag:s7] =	ssyncset.done @!p0 $0x0  }
0x41: {  	[sflag:s7] =	ssyncadd.s32 @!p0 $0xFFFFB000  }
0x42: {  	[spmem:s11] =	stream.linear.scatter @!p0 [tilespmem:s6], [sflag:$0x5], $0x1400, $0x38;
	[tilespmem:$0x1DA80] =	vst v63  }
0x43: {  	_ =	swait.ge @!p0 [sflag:s7], $0x1400  }
0x44: {  	[sflag:s7] =	ssyncset.done @!p0 $0x0  }
0x45: {  	[sflag:s7] =	ssyncadd.s32 @!p0 $0xFFFFEC00  }
0x46: {  	s8 =	simm.s32 $0x0;
	[bflag:$0x0] =	sbarrier.arrive $0xFFFF  }
0x47: {  	[tilespmem:s8], [sflag:$0x5] =	stream.linear.gather [hbm4b:s12+s8], $0xA0, $0x38;
	[tilespmem:$0x1DA80] =	vst v63  }
0x48: {  	_ =	swait.ge [sflag:s21], $0xA0  }
0x49: {  	[sflag:s21] =	ssyncset.done $0x0  }
0x4a: {  	[sflag:s21] =	ssyncadd.s32 $0xFFFFFF60  }
0x4b: {  	[tilespmem:s24], [sflag:$0x1] =	stream.strided.gather [hbm4b:s13+s22], $0x5000, s23, s22, $0x38;
	[tilespmem:$0x1DA80] =	vst v63  }
0x4c: {  	_ = 	snop  }
0x4d: {  	[tilespmem:s25], [sflag:$0x5] =	stream.linear.gather [hbm4b:s14+s8], $0xA0, $0x38;
	[tilespmem:$0x1DA80] =	vst v63  }
0x4e: {  	_ =	swait.ge [sflag:s21], $0xA0  }
0x4f: {  	[sflag:s21] =	ssyncset.done $0x0  }
0x50: {  	[sflag:s21] =	ssyncadd.s32 $0xFFFFFF60  }
0x51: {  	[tilespmem:s26], [sflag:$0x2] =	stream.strided.gather [hbm4b:s15+s22], $0x5000, s23, s22, $0x38;
	[tilespmem:$0x1DA80] =	vst v63  }
0x52: {  	_ =	swait.ge [sflag:s28], $0x5000  }
0x53: {  	[sflag:s28] =	ssyncset.done $0x0  }
0x54: {  	[sflag:s28] =	ssyncadd.s32 $0xFFFFB000  }
0x55: {  	[spmem:s1] =	stream.indirect.scatter.add.f32 [tilespmem:s24], [sflag:$0x3], $0x80, s3, s29, $0xb8;
	[tilespmem:$0x1DA80] =	vst v63  }
0x56: {  	_ =	swait.ge [sflag:s30], $0x5000  }
0x57: {  	[sflag:s30] =	ssyncset.done $0x0  }
0x58: {  	[sflag:s30] =	ssyncadd.s32 $0xFFFFB000  }
0x59: {  	[spmem:s1] =	stream.indirect.scatter.add.f32 [tilespmem:s26], [sflag:$0x4], $0x80, s25, s29, $0xb8;
	[tilespmem:$0x1DA80] =	vst v63  }
0x5a: {  	_ =	swait.ge [sflag:s31], $0x5000  }
0x5b: {  	[sflag:s31] =	ssyncset.done $0x0  }
0x5c: {  	s9 =	sadd.s32 $0xFFFFFFEC, s19;
	[sflag:s31] =	ssyncadd.s32 $0xFFFFB000  }
0x5d: {  	[tilespmem:s3], [sflag:$0x5] =	stream.linear.gather [hbm4b:s9+s3], $0xA0, $0x38;
	[tilespmem:$0x1DA80] =	vst v63  }
0x5e: {  	_ =	swait.ge [sflag:s21], $0xA0  }
0x5f: {  	s10 =	sshrl.u32 s20, $0x3;
	[sflag:s21] =	ssyncset.done $0x0  }
0x60: {  	s6 =	sadd.s32 s4, s10;
	[sflag:s21] =	ssyncadd.s32 $0xFFFFFF60  }
0x61: {  	[tilespmem:s24], [sflag:$0x1] =	stream.strided.gather [hbm4b:s6+s22], $0x5000, s23, s22, $0x38;
	[tilespmem:$0x1DA80] =	vst v63  }
0x62: {  	_ =	swait.ge [sflag:s0], $0x5000  }
0x63: {  	[sflag:s0] =	ssyncset.done $0x0  }
0x64: {  	[sflag:s0] =	ssyncadd.s32 $0xFFFFB000  }
0x65: {  	[tilespmem:s25], [sflag:$0x5] =	stream.linear.gather [hbm4b:s19+s3], $0xA0, $0x38;
	[tilespmem:$0x1DA80] =	vst v63  }
0x66: {  	_ =	swait.ge [sflag:s21], $0xA0  }
0x67: {  	s7 =	sadd.s32 $0x14000, s20;
	s8 =	sadd.s32 $0x28, s19;
	[sflag:s21] =	ssyncset.done $0x0  }
0x68: {  	s9 =	sadd.s32 $0x0, s18;
	s6 =	simm.s32 $0x2800;
	[sflag:s21] =	ssyncadd.s32 $0xFFFFFF60  }
.LBB2_4:
0x69: {  	[tilespmem:s26], [sflag:$0x2] =	stream.strided.gather [hbm4b:s9+s22], $0x5000, s23, s22, $0x38;
	[tilespmem:$0x1DA80] =	vst v63  }
0x6a: {  	s9 =	smov.u32 s6  }
0x6b: {  	p1 =	sne.s32 s6, $0x14000;
	s6 =	sadd.s32 $0x2800, s6;
	_ =	swait.ge [sflag:s28], $0x5000  }
0x6c: {  	[sflag:s28] =	ssyncset.done $0x0  }
0x6d: {  	[sflag:s28] =	ssyncadd.s32 $0xFFFFB000  }
0x6e: {  	[spmem:s1] =	stream.indirect.scatter.add.f32 [tilespmem:s24], [sflag:$0x3], $0x80, s3, s29, $0xb8;
	[tilespmem:$0x1DA80] =	vst v63  }
0x6f: {  	_ =	swait.ge [sflag:s30], $0x5000  }
0x70: {  	[sflag:s30] =	ssyncset.done $0x0  }
0x71: {  	[sflag:s30] =	ssyncadd.s32 $0xFFFFB000  }
0x72: {  	[spmem:s1] =	stream.indirect.scatter.add.f32 [tilespmem:s26], [sflag:$0x4], $0x80, s25, s29, $0xb8;
	[tilespmem:$0x1DA80] =	vst v63  }
0x73: {  	_ =	swait.ge [sflag:s31], $0x5000  }
0x74: {  	[sflag:s31] =	ssyncset.done $0x0  }
0x75: {  	s10 =	sadd.s32 $0xFFFFFFEC, s8;
	[sflag:s31] =	ssyncadd.s32 $0xFFFFB000  }
0x76: {  	[tilespmem:s3], [sflag:$0x5] =	stream.linear.gather [hbm4b:s10+s3], $0xA0, $0x38;
	[tilespmem:$0x1DA80] =	vst v63  }
0x77: {  	_ =	swait.ge [sflag:s21], $0xA0  }
0x78: {  	s10 =	sshrl.u32 s7, $0x3;
	[sflag:s21] =	ssyncset.done $0x0  }
0x79: {  	s10 =	sadd.s32 s4, s10;
	[sflag:s21] =	ssyncadd.s32 $0xFFFFFF60  }
0x7a: {  	[tilespmem:s24], [sflag:$0x1] =	stream.strided.gather [hbm4b:s10+s22], $0x5000, s23, s22, $0x38;
	[tilespmem:$0x1DA80] =	vst v63  }
0x7b: {  	_ =	swait.ge [sflag:s0], $0x5000  }
0x7c: {  	[sflag:s0] =	ssyncset.done $0x0  }
.Ltmp1:
0x7d: {  	[sflag:s0] =	ssyncadd.s32 $0xFFFFB000;
	(pc) =	sbr.rel @p1 .LBB2_4-.Ltmp1, $4  }
0x7e: {  	[tilespmem:s25], [sflag:$0x5] =	stream.linear.gather [hbm4b:s8+s3], $0xA0, $0x38;
	[tilespmem:$0x1DA80] =	vst v63  }
0x7f: {  	_ =	swait.ge [sflag:s21], $0xA0  }
0x80: {  	s7 =	sadd.s32 $0x14000, s7;
	[sflag:s21] =	ssyncset.done $0x0  }
0x81: {  	s9 =	sadd.s32 s9, s18;
	s8 =	sadd.s32 $0x28, s8;
	[sflag:s21] =	ssyncadd.s32 $0xFFFFFF60  }
0x82: {  	[tilespmem:s26], [sflag:$0x2] =	stream.strided.gather [hbm4b:s9+s22], $0x5000, s23, s22, $0x38;
	[tilespmem:$0x1DA80] =	vst v63  }
0x83: {  	_ =	swait.ge [sflag:s28], $0x5000  }
0x84: {  	[sflag:s28] =	ssyncset.done $0x0  }
0x85: {  	[sflag:s28] =	ssyncadd.s32 $0xFFFFB000  }
0x86: {  	[spmem:s1] =	stream.indirect.scatter.add.f32 [tilespmem:s24], [sflag:$0x3], $0x80, s3, s29, $0xb8;
	[tilespmem:$0x1DA80] =	vst v63  }
0x87: {  	_ =	swait.ge [sflag:s30], $0x5000  }
0x88: {  	[sflag:s30] =	ssyncset.done $0x0  }
0x89: {  	[sflag:s30] =	ssyncadd.s32 $0xFFFFB000  }
0x8a: {  	[spmem:s1] =	stream.indirect.scatter.add.f32 [tilespmem:s26], [sflag:$0x4], $0x80, s25, s29, $0xb8;
	[tilespmem:$0x1DA80] =	vst v63  }
0x8b: {  	_ =	swait.ge [sflag:s31], $0x5000  }
0x8c: {  	[sflag:s31] =	ssyncset.done $0x0  }
0x8d: {  	s6 =	stileid.u32;
	[sflag:s31] =	ssyncadd.s32 $0xFFFFB000  }
0x8e: {  	s7 =	sshrl.u32 @!p0 s5, $0x3;
	s8 =	simm.s32 @!p0 $0x8;
	_ =	swait.ge [sflag:s0], $0x5000  }
0x8f: {  	s9 =	simm.s32 @!p0 $0x100;
	s10 =	simm.s32 @!p0 $0x80;
	[sflag:s0] =	ssyncset.done $0x0  }
0x90: {  	s2 =	sadd.s32 $0x1, s2;
	s6 =	sshll.u32 @!p0 s6, $0x6;
	[sflag:s0] =	ssyncadd.s32 $0xFFFFB000  }
0x91: {  	p1 =	sne.s32 s2, s17;
	s6 =	sor.u32 @!p0 $0x1C05, s6;
	[bflag:$0x0] =	sbarrier.arrive $0xFFFF  }
0x92: {  	[hbm:s16@s9], [sflag:s6] =	dma.strided @!p0 [spmem:s7@s10], $0x3E80, s8, $0x10   }
.Ltmp2:
0x93: {  	_ = 	snop;
	(pc) =	sbr.rel @p1 .LBB2_1-.Ltmp2, $4  }
0x94: {  	s6 =	simm.s32 @!p0 $0x5  }
0x95: {  	_ =	swait.ge @!p0 [sflag:s6], $0x3E80  }
0x96: {  	[sflag:s6] =	ssyncset.done @!p0 $0x0  }
0x97: {  	[sflag:s6] =	ssyncadd.s32 @!p0 $0xFFFFC180  }
0x98: {  	_ =	sfence.sel $0x180000  }
0x99: {  	[bflag:$0x0] =	sbarrier.arrive $0xFFFF  }
0x9a: {  	_ =	strace $0x90000053  }
0x9b: {  	s0 =	stileid.u32;
	[bflag:$0x2] =	sbarrier.arrive $0xFFFF  }
0x9c: {  	p0 =	sne.s32 s0, $0x0;
	s0 =	rddreg [dreg:$0x2]  }
0x9d: {  	s0 =	sadd.s32 @!p0 $0x100000, s0  }
0x9e: {  	[sflag:s0] =	ssyncadd.tile.s32 @!p0 $0x1;
	_ =	shalt  }
.Lfunc_end2:
_tile_overlayer_lowered:
.L_overlay_start_2:
0x9f: {  	(tag) =	ssettag $0x2  }
0xa0: {  	s0 =	rddreg [dreg:$0x0];
	s2 =	stileid.u32  }
0xa1: {  	s1 =	rddreg [dreg:$0x1];
	p0 =	sne.s32 s2, $0x0  }
0xa2: {  	s3 =	rddreg [dreg:$0x2];
	[bflag:$0x3] =	sbarrier.arrive $0xFFFF;
	s2 =	simm.s32 @!p0 $0x1C05  }
0xa3: {  	[timem:s3], [sflag:s2] =	dma.local @!p0 [hbm:s0], s1  }
0xa4: {  	s0 =	simm.s32 @!p0 $0x5  }
0xa5: {  	_ =	swait.ge @!p0 [sflag:s0], s1  }
0xa6: {  	s1 =	ssub.s32 @!p0 $0x0, s1;
	[sflag:s0] =	ssyncset.done @!p0 $0x0  }
0xa7: {  	[sflag:s0] =	ssyncadd.s32 @!p0 s1  }
0xa8: {  	[bflag:$0x3] =	sbarrier.arrive $0xFFFF  }
0xa9: {  	_ =	shalt  }

// kernel: kernel.31.cloned.1.call-start
scs
__scs_entry_jumppad:
0x0: {  	(pc) =	sbr.rel $0x88, $3  }
0x1: {  	(tag) =	ssettag $0x0;
	lr =	simm.s32 $0x1  }
0x2: {  	[smem:$0x3F94] =	sst lr;
	_ =	strace $0xD0000000  }
0x3: {  	_ = 	snop  }
0x4: {  	_ = 	snop  }
0x5: {  	_ = 	snop  }
0x6: {  	_ = 	snop  }
0x7: {  	_ = 	snop  }
__scs_overlays_trampoline_lowered:
0x8: {  	[smem:$0x3FA3] =	sst s0  }
0x9: {  	[smem:$0x3FA4] =	sst s1  }
0xa: {  	[smem:$0x3FA5] =	sst s2  }
0xb: {  	[smem:$0x3FA6] =	sst s3  }
0xc: {  	[smem:$0x3FA7] =	sst s4  }
0xd: {  	[smem:$0x3FA8] =	sst s5  }
0xe: {  	[smem:$0x3FA9] =	sst s6  }
0xf: {  	[smem:$0x3FAA] =	sst s7  }
0x10: {  	[smem:$0x3FAB] =	sst s8  }
0x11: {  	[smem:$0x3FAC] =	sst s9;
	s0 =	simm.s32 @!p0 $0x0  }
0x12: {  	s1 =	sld [smem:$0x3F92];
	s0 =	simm.s32 @p0 $0x1  }
0x13: {  	[smem:$0x3FAD] =	sst s0;
	s0 =	simm.s32 @!p1 $0x0  }
0x14: {  	s2 =	sld [smem:$0x3F91];
	s0 =	simm.s32 @p1 $0x1  }
0x15: {  	[smem:$0x3FAE] =	sst s0;
	s0 =	simm.s32 @!p2 $0x0  }
0x16: {  	s3 =	sld [smem:$0x3FDB];
	s0 =	simm.s32 @p2 $0x1  }
0x17: {  	s4 =	simm.s32 $0x1BF5;
	[smem:$0x3FB0] =	sst s0  }
0x18: {  	s0 =	sld [smem:$0x3F93];
	_ =	swait.ge [sflag:s4], $0x0  }
0x19: {  	s7 =	sld [smem:$0x3F94]  }
0x1a: {  	s8 =	sadd.s32 $0xFFFFE003, lr  }
0x1b: {  	s9 =	sadd.s32 $0xFFFFFEF7, lr;
	s5 =	simm.s32 $0xFFFFFFFF;
	p2 =	slt.u32 s8, $0xFFFFF086  }
0x1c: {  	p1 =	slt.u32 s9, $0xF7A;
	s5 =	simm.s32 @!p2 $0x0  }
0x1d: {  	s5 =	simm.s32 @p1 $0x1;
	p0 =	seq.s32 s7, s2  }
0x1e: {  	s7 =	smul.u32 @!p0 $0xF7A, s2;
	p2 =	seq.s32 @!p0 s5, $0x0  }
0x1f: {  	s9 =	smul.u32 $0xF7A, s1;
	s8 =	simm.s32 @!p0 $0x1BF5;
	p2 =	por !p2, p0  }
0x20: {  	[sflag:s8] =	ssyncset.s32 @!p0 $0xFFFFF086;
	s6 =	sadd.s32 @!p0 s3, s7;
	s7 =	simm.s32 @!p0 $0x108  }
0x21: {  	s3 =	sadd.s32 s3, s9;
	s6 =	sadd.s32 @!p0 $0x88, s6;
	s7 =	simm.s32 @p2 $0x1082  }
0x22: {  	[simem:s7], [sflag:s8] =	dma.local @!p0 [hbm:s6], $0xF7A  }
0x23: {  	s9 =	sor.u32 $0xD0000000, s2;
	s6 =	simm.s32 $0x108;
	_ =	swait.ge @!p0 [sflag:s8], $0x0  }
0x24: {  	s3 =	sadd.s32 $0x88, s3;
	s6 =	simm.s32 @!p1 $0x1082;
	[sflag:s4] =	ssyncset.s32 $0xFFFFF086  }
0x25: {  	[simem:s6], [sflag:s4] =	dma.local [hbm:s3], $0xF7A  }
0x26: {  	[smem:$0x3F94] =	sst s1;
	(tag) =	ssettag s2;
	_ =	strace s9  }
0x27: {  	s1 =	sld [smem:$0x3FA4]  }
0x28: {  	s2 =	sld [smem:$0x3FA5]  }
0x29: {  	s4 =	sld [smem:$0x3FA7]  }
0x2a: {  	p0 =	seq.s32 s5, $0x0;
	s5 =	sld [smem:$0x3FA8]  }
0x2b: {  	s6 =	sld [smem:$0x3FA9]  }
0x2c: {  	s7 =	sld [smem:$0x3FAA]  }
0x2d: {  	s3 =	simm.s32 $0x108;
	s8 =	sld [smem:$0x3FAB]  }
0x2e: {  	s3 =	simm.s32 @!p0 $0x1082;
	s9 =	sld [smem:$0x3FAC]  }
0x2f: {  	lr =	sadd.s32 s0, s3;
	s0 =	sld [smem:$0x3FA3]  }
0x30: {  	s3 =	sld [smem:$0x3FA6]  }
0x31: {  	[smem:$0x3FAF] =	sst s10  }
0x32: {  	s10 =	sld [smem:$0x3FAD];
	_ =	sdelay $0x3  }
0x33: {  	p0 =	seq.s32 s10, $0x1;
	s10 =	sld [smem:$0x3FAF];
	_ =	sdelay $0x3  }
0x34: {  	[smem:$0x3FAF] =	sst s10  }
0x35: {  	s10 =	sld [smem:$0x3FAE];
	_ =	sdelay $0x3  }
0x36: {  	p1 =	seq.s32 s10, $0x1;
	s10 =	sld [smem:$0x3FAF];
	_ =	sdelay $0x3  }
0x37: {  	[smem:$0x3FAF] =	sst s10  }
0x38: {  	s10 =	sld [smem:$0x3FB0]  }
0x39: {  	_ = 	snop;
	(pc) =	sbr.ind lr, $3  }
0x3a: {  	_ = 	snop  }
0x3b: {  	_ = 	snop  }
0x3c: {  	p2 =	seq.s32 s10, $0x1;
	s10 =	sld [smem:$0x3FAF]  }
0x3d: {  	_ =	shalt  }
0x3e: {  	_ =	shalt  }
0x3f: {  	_ =	shalt  }
0x40: {  	_ =	shalt  }
0x41: {  	_ =	shalt  }
0x42: {  	_ =	shalt  }
0x43: {  	_ =	shalt  }
0x44: {  	_ =	shalt  }
0x45: {  	_ =	shalt  }
0x46: {  	_ =	shalt  }
0x47: {  	_ =	shalt  }
0x48: {  	_ =	shalt  }
0x49: {  	_ =	shalt  }
0x4a: {  	_ =	shalt  }
0x4b: {  	_ =	shalt  }
0x4c: {  	_ =	shalt  }
0x4d: {  	_ =	shalt  }
0x4e: {  	_ =	shalt  }
0x4f: {  	_ =	shalt  }
0x50: {  	_ =	shalt  }
0x51: {  	_ =	shalt  }
0x52: {  	_ =	shalt  }
0x53: {  	_ =	shalt  }
0x54: {  	_ =	shalt  }
0x55: {  	_ =	shalt  }
0x56: {  	_ =	shalt  }
0x57: {  	_ =	shalt  }
0x58: {  	_ =	shalt  }
0x59: {  	_ =	shalt  }
0x5a: {  	_ =	shalt  }
0x5b: {  	_ =	shalt  }
0x5c: {  	_ =	shalt  }
0x5d: {  	_ =	shalt  }
0x5e: {  	_ =	shalt  }
0x5f: {  	_ =	shalt  }
0x60: {  	_ =	shalt  }
0x61: {  	_ =	shalt  }
0x62: {  	_ =	shalt  }
0x63: {  	_ =	shalt  }
0x64: {  	_ =	shalt  }
0x65: {  	_ =	shalt  }
0x66: {  	_ =	shalt  }
0x67: {  	_ =	shalt  }
0x68: {  	_ =	shalt  }
0x69: {  	_ =	shalt  }
0x6a: {  	_ =	shalt  }
0x6b: {  	_ =	shalt  }
0x6c: {  	_ =	shalt  }
0x6d: {  	_ =	shalt  }
0x6e: {  	_ =	shalt  }
0x6f: {  	_ =	shalt  }
0x70: {  	_ =	shalt  }
0x71: {  	_ =	shalt  }
0x72: {  	_ =	shalt  }
0x73: {  	_ =	shalt  }
0x74: {  	_ =	shalt  }
0x75: {  	_ =	shalt  }
0x76: {  	_ =	shalt  }
0x77: {  	_ =	shalt  }
0x78: {  	_ =	shalt  }
0x79: {  	_ =	shalt  }
0x7a: {  	_ =	shalt  }
0x7b: {  	_ =	shalt  }
0x7c: {  	_ =	shalt  }
0x7d: {  	_ =	shalt  }
0x7e: {  	_ =	shalt  }
0x7f: {  	_ =	shalt  }
0x80: {  	_ =	shalt  }
0x81: {  	_ =	shalt  }
0x82: {  	_ =	shalt  }
0x83: {  	_ =	shalt  }
0x84: {  	_ =	shalt  }
0x85: {  	_ =	shalt  }
0x86: {  	_ =	shalt  }
0x87: {  	_ =	shalt  }
.Lfunc_end0:
.L_simem_size_0:
called_computation.5_lowered:
.L_overlay_start_0:
0x88: {  	s2 =	sld [smem:$0x3FD9]  }
0x89: {  	s3 =	sld [smem:$0x3FFE];
	_ =	sdelay $0x1  }
0x8a: {  	s1 =	srdreg.scid  }
0x8b: {  	s0 =	sand.u32 $0x1, s1  }
0x8c: {  	s17 =	sshll.u32 s0, $0xA;
	s2 =	sadd.s32 s3, s2  }
0x8d: {  	s2 =	sadd.s32 s2, s17  }
0x8e: {  	[smem:$0x3FBB] =	sst s2  }
0x8f: {  	_ = 	snop  }
0x90: {  	s18 =	sld [smem:$0x3FD0];
	(tm) =	ssettm $0x1  }
0x91: {  	s19 =	sld [smem:$0x3FFB];
	_ =	sdelay $0x3  }
0x92: {  	_ =	strace s19  }
0x93: {  	s2 =	sld [smem:$0x3FFC];
	_ =	sdelay $0x3  }
0x94: {  	_ =	strace s2  }
0x95: {  	s2 =	sld [smem:$0x3FFD];
	_ =	sdelay $0x3  }
0x96: {  	_ =	strace s2  }
0x97: {  	_ =	strace $0x8FFFFFFF  }
0x98: {  	s20 =	sld [smem:$0x3FDB];
	_ =	sdelay $0x1  }
0x99: {  	s4 =	simm.s32 $_scs_section_size  }
0x9a: {  	s5 =	simm.s32 $_size__tile_overlayer_lowered;
	s6 =	simm.s32 $_tile_overlayer_lowered  }
0x9b: {  	s7 =	simm.s32 $0x1BFF;
	s21 =	sshll.u32 s6, $0x1;
	s4 =	sadd.s32 s4, s20  }
0x9c: {  	s22 =	simm.s32 $0x0;
	s5 =	sshll.u32 s5, $0x1;
	s6 =	sadd.s32 s21, s4  }
0x9d: {  	[timem:s22], [sflag:s7] =	dma.local [hbm:s6], s5  }
0x9e: {  	_ =	swait.ge [sflag:s7], s5  }
0x9f: {  	s5 =	ssub.s32 $0x0, s5;
	[sflag:s7] =	ssyncset.done $0x0  }
0xa0: {  	[sflag:s7] =	ssyncadd.s32 s5;
	_ =	sdelay $0x1  }
0xa1: {  	s23 =	simm.s32 $0x1B8B  }
0xa2: {  	_ =	swait.ge [sflag:s23], $0x1  }
0xa3: {  	[sflag:s23] =	ssyncset.done $0x0  }
0xa4: {  	[sflag:s23] =	ssyncadd.s32 $0xFFFFFFFF  }
0xa5: {  	s5 =	sld [smem:$0x0]  }
0xa6: {  	s6 =	sand.u32 $0xFFFFFFFE, s1  }
0xa7: {  	p0 =	sne.s32 s1, s6  }
0xa8: {  	s6 =	sshll.u32 @p0 s6, $0xE  }
0xa9: {  	s6 =	sadd.s32 @p0 $0x11B8D, s6;
	s7 =	sshll.u32 @p0 s5, $0x11  }
0xaa: {  	s6 =	sor.u32 @p0 s7, s6  }
0xab: {  	[sflag:s6] =	ssyncadd.remote.s32 @p0 $0x1;
	_ =	sdelay $0x1  }
0xac: {  	s6 =	simm.s32 @p0 $0x1B8D  }
0xad: {  	_ =	swait.eq @p0 [sflag:s6], $0x1  }
0xae: {  	[sflag:s6] =	ssyncadd.s32 @p0 $0xFFFFFFFF  }
0xaf: {  	s7 =	sshll.u32 @!p0 s1, $0xE  }
0xb0: {  	s7 =	sor.u32 @!p0 $0x4000, s7;
	s6 =	simm.s32 @!p0 $0x1B8D  }
0xb1: {  	s5 =	sshll.u32 @!p0 s5, $0x11;
	s7 =	sadd.s32 @!p0 $0x11B8D, s7;
	_ =	swait.eq @!p0 [sflag:s6], $0x1  }
0xb2: {  	s5 =	sor.u32 @!p0 s5, s7;
	[sflag:s6] =	ssyncadd.s32 @!p0 $0xFFFFFFFF  }
0xb3: {  	s25 =	simm.s32 $0x1B8E;
	s24 =	sld [smem:$0x3FFE];
	[sflag:s5] =	ssyncadd.remote.s32 @!p0 $0x1  }
0xb4: {  	s26 =	simm.s32 $execute0_lowered;
	[smem:$0x3FD2] =	sst s25  }
0xb5: {  	s6 =	sshll.u32 s26, $0x1;
	_ =	strace $0x8000004C;
	[dreg:$0x1] =	wrdreg $0xFFFFFFFF  }
0xb6: {  	s28 =	simm.s32 $_size_execute0_lowered;
	s4 =	sadd.s32 s4, s6;
	[dreg:$0x0] =	wrdreg $0x0  }
0xb7: {  	s6 =	sshll.u32 s28, $0x1;
	[dreg:$0x2] =	wrdreg s4  }
0xb8: {  	[dreg:$0x3] =	wrdreg s6  }
0xb9: {  	[dreg:$0x4] =	wrdreg $0xC0  }
0xba: {  	_ =	task [dreg:s22], $0x5FFFF  }
0xbb: {  	[dreg:$0x1] =	wrdreg $0xFFFFFFFF  }
0xbc: {  	[dreg:$0x0] =	wrdreg $0x60  }
0xbd: {  	[dreg:$0x2] =	wrdreg s18  }
0xbe: {  	[dreg:$0x3] =	wrdreg s24  }
0xbf: {  	[dreg:$0x4] =	wrdreg $0xB  }
0xc0: {  	_ =	task.clear_ibuf [dreg:s22], $0x5FFFF;
	_ =	strace $0x9000004C  }
0xc1: {  	s29 =	simm.s32 $0xB;
	_ =	strace $0x8000004E  }
0xc2: {  	_ =	swait.ge [sflag:s29], $0x1  }
0xc3: {  	[sflag:s29] =	ssyncadd.s32 $0xFFFFFFFF  }
0xc4: {  	_ =	strace $0x9000004E  }
0xc5: {  	_ =	sfence  }
0xc6: {  	s30 =	sld [smem:$0x0];
	_ =	sdelay $0x2  }
0xc7: {  	s31 =	sshll.u32 s1, $0xD;
	s1 =	sshrl.u32 s1, $0x2  }
0xc8: {  	s4 =	sand.u32 $0x4000, s31;
	s1 =	sadd.s32 s1, s30  }
0xc9: {  	s0 =	sor.u32 s4, s0;
	s1 =	sshll.u32 s1, $0x11  }
0xca: {  	s0 =	sor.u32 s1, s0  }
0xcb: {  	s0 =	sadd.s32 $0x8F2B, s0  }
0xcc: {  	[sflag:s0] =	ssyncadd.remote.s32 $0x1  }
0xcd: {  	_ =	sfence.sel $0xFFFF  }
0xce: {  	[dreg:$0x0] =	wrdreg $0xFFFFFFFF;
	(pc) =	sbr.abs _section_cstart, $3  }
0xcf: {  	[dreg:$0x1] =	wrdreg $0xFFFFFFFF  }
0xd0: {  	_ =	task.clear_ibuf [dreg:s22], $0x2FFFF;
	_ =	strace $0x9FFFFFFF  }
0xd1: {  	(tm) =	ssettm $0x7FFFFFFF  }
tec
execute0_lowered:
.L_overlay_start_1:
0x0: {  	(tag) =	ssettag $0x1  }
0x1: {  	s1 =	srdreg.scid;
	s0 =	stileid.u32  }
0x2: {  	s31 =	sand.u32 $0x1, s1;
	s0 =	sshll.u32 s0, $0x1  }
0x3: {  	s29 =	sor.u32 s31, s0  }
0x4: {  	s26 =	smul.u32 $0x708, s29  }
0x5: {  	s2 =	rddreg [dreg:$0x0]  }
0x6: {  	s11 =	rddreg [dreg:$0x1];
	s3 =	simm.s32 $0x0;
	s13 =	sadd.s32 $0xC8, s26  }
0x7: {  	[smem:$0x7FF] =	sst s3;
	s28 =	sadd.s32 $0x19C000, s11;
	s4 =	sshrl.u32 s13, $0x3  }
0x8: {  	_ =	strace $0x8000004D;
	s5 =	sshrl.u32 s26, $0x3;
	s6 =	sadd.s32 s28, s4  }
0x9: {  	s4 =	sadd.s32 s28, s5;
	s5 =	simm.s32 $0x5;
	[dreg:$0x3] =	wrdreg s6  }
0xa: {  	[tilespmem:s3], [sflag:$0x5] =	stream.linear.gather [hbm4b:s4+s3], $0xC8, $0x38;
	[tilespmem:$0xCA00] =	vst v63  }
0xb: {  	_ =	swait.ge [sflag:s5], $0xC8  }
0xc: {  	[sflag:s5] =	ssyncset.done $0x0  }
0xd: {  	s7 =	simm.s32 $0x200;
	s6 =	simm.s32 $0xC8;
	[sflag:s5] =	ssyncadd.s32 $0xFFFFFF38  }
0xe: {  	[tilespmem:s7], [sflag:$0x1] =	stream.indirect.gather [hbm4b:s2+s6], $0x80, s3, s6, $0xb8;
	[tilespmem:$0xCA00] =	vst v63  }
0xf: {  	s8 =	simm.s32 $0x100;
	s9 =	rddreg [dreg:$0x3]  }
0x10: {  	[tilespmem:s8], [sflag:$0x5] =	stream.linear.gather [hbm4b:s9+s3], $0xC8, $0x38;
	[tilespmem:$0xCA00] =	vst v63  }
0x11: {  	_ =	swait.ge [sflag:s5], $0xC8  }
0x12: {  	[sflag:s5] =	ssyncset.done $0x0  }
0x13: {  	s10 =	simm.s32 $0x1;
	s9 =	simm.s32 $0x6600;
	[sflag:s5] =	ssyncadd.s32 $0xFFFFFF38  }
0x14: {  	[tilespmem:s9], [sflag:$0x2] =	stream.indirect.gather [hbm4b:s2+s6], $0x80, s8, s6, $0xb8;
	[tilespmem:$0xCA00] =	vst v63  }
0x15: {  	s12 =	smul.u32 $0x7080, s29;
	_ =	swait.ge [sflag:s10], $0x6400  }
0x16: {  	s30 =	sadd.s32 $0x19DE00, s11;
	[sflag:s10] =	ssyncset.done $0x0  }
0x17: {  	s11 =	sadd.s32 s30, s12;
	s12 =	simm.s32 $0x2;
	[sflag:s10] =	ssyncadd.s32 $0xFFFF9C00  }
0x18: {  	[hbm4b:s11+s3] =	stream.linear.scatter [tilespmem:s7], [sflag:$0x3], $0x6400, $0x38;
	[tilespmem:$0xCA00] =	vst v63  }
0x19: {  	_ =	swait.ge [sflag:s12], $0x6400  }
0x1a: {  	s18 =	sadd.s32 $0x190, s26;
	s13 =	sshll.u32 s13, $0x4;
	[sflag:s12] =	ssyncset.done $0x0  }
0x1b: {  	s14 =	sshrl.u32 s18, $0x3;
	s13 =	sadd.s32 s30, s13;
	[sflag:s12] =	ssyncadd.s32 $0xFFFF9C00  }
0x1c: {  	[hbm4b:s13+s3] =	stream.linear.scatter [tilespmem:s9], [sflag:$0x4], $0x6400, $0x38;
	[tilespmem:$0xCA00] =	vst v63  }
0x1d: {  	s14 =	sadd.s32 s28, s14  }
0x1e: {  	[tilespmem:s3], [sflag:$0x5] =	stream.linear.gather [hbm4b:s14+s3], $0xC8, $0x38;
	[tilespmem:$0xCA00] =	vst v63  }
0x1f: {  	_ =	swait.ge [sflag:s5], $0xC8  }
0x20: {  	[sflag:s5] =	ssyncset.done $0x0  }
0x21: {  	s15 =	simm.s32 $0x3;
	[sflag:s5] =	ssyncadd.s32 $0xFFFFFF38  }
0x22: {  	_ =	swait.ge [sflag:s15], $0x6400  }
0x23: {  	s19 =	sadd.s32 $0x258, s26;
	[sflag:s15] =	ssyncset.done $0x0  }
0x24: {  	s16 =	sshrl.u32 s19, $0x3;
	[sflag:s15] =	ssyncadd.s32 $0xFFFF9C00  }
0x25: {  	[tilespmem:s7], [sflag:$0x1] =	stream.indirect.gather [hbm4b:s2+s6], $0x80, s3, s6, $0xb8;
	[tilespmem:$0xCA00] =	vst v63  }
0x26: {  	s16 =	sadd.s32 s28, s16  }
0x27: {  	[tilespmem:s8], [sflag:$0x5] =	stream.linear.gather [hbm4b:s16+s3], $0xC8, $0x38;
	[tilespmem:$0xCA00] =	vst v63  }
0x28: {  	_ =	swait.ge [sflag:s5], $0xC8  }
0x29: {  	[sflag:s5] =	ssyncset.done $0x0  }
0x2a: {  	s17 =	simm.s32 $0x4;
	[sflag:s5] =	ssyncadd.s32 $0xFFFFFF38  }
0x2b: {  	_ =	swait.ge [sflag:s17], $0x6400  }
0x2c: {  	[sflag:s17] =	ssyncset.done $0x0  }
0x2d: {  	[sflag:s17] =	ssyncadd.s32 $0xFFFF9C00  }
0x2e: {  	[tilespmem:s9], [sflag:$0x2] =	stream.indirect.gather [hbm4b:s2+s6], $0x80, s8, s6, $0xb8;
	[tilespmem:$0xCA00] =	vst v63  }
0x2f: {  	_ =	swait.ge [sflag:s10], $0x6400  }
0x30: {  	s18 =	sshll.u32 s18, $0x4;
	[sflag:s10] =	ssyncset.done $0x0  }
0x31: {  	s18 =	sadd.s32 s30, s18;
	[sflag:s10] =	ssyncadd.s32 $0xFFFF9C00  }
0x32: {  	[hbm4b:s18+s3] =	stream.linear.scatter [tilespmem:s7], [sflag:$0x3], $0x6400, $0x38;
	[tilespmem:$0xCA00] =	vst v63  }
0x33: {  	_ =	swait.ge [sflag:s12], $0x6400  }
0x34: {  	s22 =	sadd.s32 $0x320, s26;
	s19 =	sshll.u32 s19, $0x4;
	[sflag:s12] =	ssyncset.done $0x0  }
0x35: {  	s20 =	sshrl.u32 s22, $0x3;
	s19 =	sadd.s32 s30, s19;
	[sflag:s12] =	ssyncadd.s32 $0xFFFF9C00  }
0x36: {  	[hbm4b:s19+s3] =	stream.linear.scatter [tilespmem:s9], [sflag:$0x4], $0x6400, $0x38;
	[tilespmem:$0xCA00] =	vst v63  }
0x37: {  	s20 =	sadd.s32 s28, s20  }
0x38: {  	[tilespmem:s3], [sflag:$0x5] =	stream.linear.gather [hbm4b:s20+s3], $0xC8, $0x38;
	[tilespmem:$0xCA00] =	vst v63  }
0x39: {  	_ =	swait.ge [sflag:s5], $0xC8  }
0x3a: {  	[sflag:s5] =	ssyncset.done $0x0  }
0x3b: {  	[sflag:s5] =	ssyncadd.s32 $0xFFFFFF38  }
0x3c: {  	_ =	swait.ge [sflag:s15], $0x6400  }
0x3d: {  	s23 =	sadd.s32 $0x3E8, s26;
	[sflag:s15] =	ssyncset.done $0x0  }
0x3e: {  	s21 =	sshrl.u32 s23, $0x3;
	[sflag:s15] =	ssyncadd.s32 $0xFFFF9C00  }
0x3f: {  	[tilespmem:s7], [sflag:$0x1] =	stream.indirect.gather [hbm4b:s2+s6], $0x80, s3, s6, $0xb8;
	[tilespmem:$0xCA00] =	vst v63  }
0x40: {  	s21 =	sadd.s32 s28, s21  }
0x41: {  	[tilespmem:s8], [sflag:$0x5] =	stream.linear.gather [hbm4b:s21+s3], $0xC8, $0x38;
	[tilespmem:$0xCA00] =	vst v63  }
0x42: {  	_ =	swait.ge [sflag:s5], $0xC8  }
0x43: {  	[sflag:s5] =	ssyncset.done $0x0  }
0x44: {  	[sflag:s5] =	ssyncadd.s32 $0xFFFFFF38  }
0x45: {  	_ =	swait.ge [sflag:s17], $0x6400  }
0x46: {  	[sflag:s17] =	ssyncset.done $0x0  }
0x47: {  	[sflag:s17] =	ssyncadd.s32 $0xFFFF9C00  }
0x48: {  	[tilespmem:s9], [sflag:$0x2] =	stream.indirect.gather [hbm4b:s2+s6], $0x80, s8, s6, $0xb8;
	[tilespmem:$0xCA00] =	vst v63  }
0x49: {  	_ =	swait.ge [sflag:s10], $0x6400  }
0x4a: {  	s22 =	sshll.u32 s22, $0x4;
	[sflag:s10] =	ssyncset.done $0x0  }
0x4b: {  	s22 =	sadd.s32 s30, s22;
	[sflag:s10] =	ssyncadd.s32 $0xFFFF9C00  }
0x4c: {  	[hbm4b:s22+s3] =	stream.linear.scatter [tilespmem:s7], [sflag:$0x3], $0x6400, $0x38;
	[tilespmem:$0xCA00] =	vst v63  }
0x4d: {  	_ =	swait.ge [sflag:s12], $0x6400  }
0x4e: {  	s23 =	sshll.u32 s23, $0x4;
	[sflag:s12] =	ssyncset.done $0x0  }
0x4f: {  	s23 =	sadd.s32 s30, s23;
	[sflag:s12] =	ssyncadd.s32 $0xFFFF9C00  }
0x50: {  	[hbm4b:s23+s3] =	stream.linear.scatter [tilespmem:s9], [sflag:$0x4], $0x6400, $0x38;
	[tilespmem:$0xCA00] =	vst v63  }
0x51: {  	s24 =	sadd.s32 $0x96, s4  }
0x52: {  	[tilespmem:s3], [sflag:$0x5] =	stream.linear.gather [hbm4b:s24+s3], $0xC8, $0x38;
	[tilespmem:$0xCA00] =	vst v63  }
0x53: {  	_ =	swait.ge [sflag:s5], $0xC8  }
0x54: {  	[sflag:s5] =	ssyncset.done $0x0  }
0x55: {  	[sflag:s5] =	ssyncadd.s32 $0xFFFFFF38  }
0x56: {  	_ =	swait.ge [sflag:s15], $0x6400  }
0x57: {  	s25 =	sadd.s32 $0x578, s26;
	[sflag:s15] =	ssyncset.done $0x0  }
0x58: {  	s25 =	sshrl.u32 s25, $0x3;
	[sflag:s15] =	ssyncadd.s32 $0xFFFF9C00  }
0x59: {  	[tilespmem:s7], [sflag:$0x1] =	stream.indirect.gather [hbm4b:s2+s6], $0x80, s3, s6, $0xb8;
	[tilespmem:$0xCA00] =	vst v63  }
0x5a: {  	s25 =	sadd.s32 s28, s25  }
0x5b: {  	[tilespmem:s8], [sflag:$0x5] =	stream.linear.gather [hbm4b:s25+s3], $0xC8, $0x38;
	[tilespmem:$0xCA00] =	vst v63  }
0x5c: {  	_ =	swait.ge [sflag:s5], $0xC8  }
0x5d: {  	[sflag:s5] =	ssyncset.done $0x0  }
0x5e: {  	[sflag:s5] =	ssyncadd.s32 $0xFFFFFF38  }
0x5f: {  	_ =	swait.ge [sflag:s17], $0x6400  }
0x60: {  	[sflag:s17] =	ssyncset.done $0x0  }
0x61: {  	s29 =	smul.u32 $0x38400, s29;
	[sflag:s17] =	ssyncadd.s32 $0xFFFF9C00  }
0x62: {  	[tilespmem:s9], [sflag:$0x2] =	stream.indirect.gather [hbm4b:s2+s6], $0x80, s8, s6, $0xb8;
	[tilespmem:$0xCA00] =	vst v63  }
0x63: {  	s29 =	sshrl.u32 s29, $0x3;
	_ =	swait.ge [sflag:s10], $0x6400  }
0x64: {  	s1 =	sadd.s32 $0x640, s26;
	s29 =	sadd.s32 s30, s29;
	[sflag:s10] =	ssyncset.done $0x0  }
0x65: {  	s0 =	sshrl.u32 s1, $0x3;
	s26 =	sadd.s32 $0x4B00, s29;
	[sflag:s10] =	ssyncadd.s32 $0xFFFF9C00  }
0x66: {  	[hbm4b:s26+s3] =	stream.linear.scatter [tilespmem:s7], [sflag:$0x3], $0x6400, $0x38;
	[tilespmem:$0xCA00] =	vst v63  }
0x67: {  	s28 =	sadd.s32 s28, s0  }
0x68: {  	[tilespmem:s3], [sflag:$0x5] =	stream.linear.gather [hbm4b:s28+s3], $0xC8, $0x38;
	[tilespmem:$0xCA00] =	vst v63  }
0x69: {  	_ =	swait.ge [sflag:s5], $0xC8  }
0x6a: {  	[sflag:s5] =	ssyncset.done $0x0  }
0x6b: {  	[sflag:s5] =	ssyncadd.s32 $0xFFFFFF38  }
0x6c: {  	_ =	swait.ge [sflag:s15], $0x6400  }
0x6d: {  	[sflag:s15] =	ssyncset.done $0x0  }
0x6e: {  	[sflag:s15] =	ssyncadd.s32 $0xFFFF9C00  }
0x6f: {  	[tilespmem:s7], [sflag:$0x1] =	stream.indirect.gather [hbm4b:s2+s6], $0x80, s3, s6, $0xb8;
	[tilespmem:$0xCA00] =	vst v63  }
0x70: {  	s1 =	sshll.u32 s1, $0x4;
	_ =	swait.ge [sflag:s12], $0x6400  }
0x71: {  	s29 =	sadd.s32 $0x5780, s29;
	s0 =	ssub.s32 $0x2, s31;
	[sflag:s12] =	ssyncset.done $0x0  }
0x72: {  	s30 =	sadd.s32 s30, s1;
	s1 =	sshrl.u32 s0, $0x1;
	[sflag:s12] =	ssyncadd.s32 $0xFFFF9C00  }
0x73: {  	[hbm4b:s29+s3] =	stream.linear.scatter [tilespmem:s9], [sflag:$0x4], $0x6400, $0x38;
	[tilespmem:$0xCA00] =	vst v63  }
0x74: {  	s0 =	ssub.s32 s0, s1;
	_ =	swait.ge [sflag:s10], $0x6400  }
0x75: {  	s0 =	smax.u32 s0, $0x1;
	[sflag:s10] =	ssyncset.done $0x0  }
0x76: {  	p0 =	sne.s32 s0, $0x1;
	[sflag:s10] =	ssyncadd.s32 $0xFFFF9C00  }
0x77: {  	[hbm4b:s30+s3] =	stream.linear.scatter [tilespmem:s7], [sflag:$0x3], $0x6400, $0x38;
	[tilespmem:$0xCA00] =	vst v63  }
.Ltmp0:
0x78: {  	_ =	swait.ge [sflag:s15], $0x6400;
	(pc) =	sbr.rel @!p0 .LBB2_2-.Ltmp0, $4  }
0x79: {  	[sflag:s15] =	ssyncset.done $0x0  }
0x7a: {  	[sflag:s15] =	ssyncadd.s32 $0xFFFF9C00  }
0x7b: {  	_ =	swait.ge [sflag:s17], $0x6400  }
0x7c: {  	s31 =	sadd.s32 $0xFFFFFFFF, s0;
	[sflag:s17] =	ssyncset.done $0x0  }
.LBB2_1:
0x7d: {  	[sflag:s17] =	ssyncadd.s32 $0xFFFF9C00  }
0x7e: {  	[tilespmem:s3], [sflag:$0x5] =	stream.linear.gather [hbm4b:s4+s3], $0xC8, $0x38;
	[tilespmem:$0xCA00] =	vst v63  }
0x7f: {  	_ =	swait.ge [sflag:s5], $0xC8  }
0x80: {  	[sflag:s5] =	ssyncset.done $0x0  }
0x81: {  	[sflag:s5] =	ssyncadd.s32 $0xFFFFFF38  }
0x82: {  	[tilespmem:s7], [sflag:$0x1] =	stream.indirect.gather [hbm4b:s2+s6], $0x80, s3, s6, $0xb8;
	[tilespmem:$0xCA00] =	vst v63  }
0x83: {  	s0 =	rddreg [dreg:$0x3]  }
0x84: {  	[tilespmem:s8], [sflag:$0x5] =	stream.linear.gather [hbm4b:s0+s3], $0xC8, $0x38;
	[tilespmem:$0xCA00] =	vst v63  }
0x85: {  	_ =	swait.ge [sflag:s5], $0xC8  }
0x86: {  	[sflag:s5] =	ssyncset.done $0x0  }
0x87: {  	[sflag:s5] =	ssyncadd.s32 $0xFFFFFF38  }
0x88: {  	[tilespmem:s9], [sflag:$0x2] =	stream.indirect.gather [hbm4b:s2+s6], $0x80, s8, s6, $0xb8;
	[tilespmem:$0xCA00] =	vst v63  }
0x89: {  	_ =	swait.ge [sflag:s10], $0x6400  }
0x8a: {  	[sflag:s10] =	ssyncset.done $0x0  }
0x8b: {  	[sflag:s10] =	ssyncadd.s32 $0xFFFF9C00  }
0x8c: {  	[hbm4b:s11+s3] =	stream.linear.scatter [tilespmem:s7], [sflag:$0x3], $0x6400, $0x38;
	[tilespmem:$0xCA00] =	vst v63  }
0x8d: {  	_ =	swait.ge [sflag:s12], $0x6400  }
0x8e: {  	[sflag:s12] =	ssyncset.done $0x0  }
0x8f: {  	[sflag:s12] =	ssyncadd.s32 $0xFFFF9C00  }
0x90: {  	[hbm4b:s13+s3] =	stream.linear.scatter [tilespmem:s9], [sflag:$0x4], $0x6400, $0x38;
	[tilespmem:$0xCA00] =	vst v63  }
0x91: {  	_ = 	snop  }
0x92: {  	[tilespmem:s3], [sflag:$0x5] =	stream.linear.gather [hbm4b:s14+s3], $0xC8, $0x38;
	[tilespmem:$0xCA00] =	vst v63  }
0x93: {  	_ =	swait.ge [sflag:s5], $0xC8  }
0x94: {  	[sflag:s5] =	ssyncset.done $0x0  }
0x95: {  	[sflag:s5] =	ssyncadd.s32 $0xFFFFFF38  }
0x96: {  	_ =	swait.ge [sflag:s15], $0x6400  }
0x97: {  	[sflag:s15] =	ssyncset.done $0x0  }
0x98: {  	[sflag:s15] =	ssyncadd.s32 $0xFFFF9C00  }
0x99: {  	[tilespmem:s7], [sflag:$0x1] =	stream.indirect.gather [hbm4b:s2+s6], $0x80, s3, s6, $0xb8;
	[tilespmem:$0xCA00] =	vst v63  }
0x9a: {  	_ = 	snop  }
0x9b: {  	[tilespmem:s8], [sflag:$0x5] =	stream.linear.gather [hbm4b:s16+s3], $0xC8, $0x38;
	[tilespmem:$0xCA00] =	vst v63  }
0x9c: {  	_ =	swait.ge [sflag:s5], $0xC8  }
0x9d: {  	[sflag:s5] =	ssyncset.done $0x0  }
0x9e: {  	[sflag:s5] =	ssyncadd.s32 $0xFFFFFF38  }
0x9f: {  	_ =	swait.ge [sflag:s17], $0x6400  }
0xa0: {  	[sflag:s17] =	ssyncset.done $0x0  }
0xa1: {  	[sflag:s17] =	ssyncadd.s32 $0xFFFF9C00  }
0xa2: {  	[tilespmem:s9], [sflag:$0x2] =	stream.indirect.gather [hbm4b:s2+s6], $0x80, s8, s6, $0xb8;
	[tilespmem:$0xCA00] =	vst v63  }
0xa3: {  	_ =	swait.ge [sflag:s10], $0x6400  }
0xa4: {  	[sflag:s10] =	ssyncset.done $0x0  }
0xa5: {  	[sflag:s10] =	ssyncadd.s32 $0xFFFF9C00  }
0xa6: {  	[hbm4b:s18+s3] =	stream.linear.scatter [tilespmem:s7], [sflag:$0x3], $0x6400, $0x38;
	[tilespmem:$0xCA00] =	vst v63  }
0xa7: {  	_ =	swait.ge [sflag:s12], $0x6400  }
0xa8: {  	[sflag:s12] =	ssyncset.done $0x0  }
0xa9: {  	[sflag:s12] =	ssyncadd.s32 $0xFFFF9C00  }
0xaa: {  	[hbm4b:s19+s3] =	stream.linear.scatter [tilespmem:s9], [sflag:$0x4], $0x6400, $0x38;
	[tilespmem:$0xCA00] =	vst v63  }
0xab: {  	_ = 	snop  }
0xac: {  	[tilespmem:s3], [sflag:$0x5] =	stream.linear.gather [hbm4b:s20+s3], $0xC8, $0x38;
	[tilespmem:$0xCA00] =	vst v63  }
0xad: {  	_ =	swait.ge [sflag:s5], $0xC8  }
0xae: {  	[sflag:s5] =	ssyncset.done $0x0  }
0xaf: {  	[sflag:s5] =	ssyncadd.s32 $0xFFFFFF38  }
0xb0: {  	_ =	swait.ge [sflag:s15], $0x6400  }
0xb1: {  	[sflag:s15] =	ssyncset.done $0x0  }
0xb2: {  	[sflag:s15] =	ssyncadd.s32 $0xFFFF9C00  }
0xb3: {  	[tilespmem:s7], [sflag:$0x1] =	stream.indirect.gather [hbm4b:s2+s6], $0x80, s3, s6, $0xb8;
	[tilespmem:$0xCA00] =	vst v63  }
0xb4: {  	_ = 	snop  }
0xb5: {  	[tilespmem:s8], [sflag:$0x5] =	stream.linear.gather [hbm4b:s21+s3], $0xC8, $0x38;
	[tilespmem:$0xCA00] =	vst v63  }
0xb6: {  	_ =	swait.ge [sflag:s5], $0xC8  }
0xb7: {  	[sflag:s5] =	ssyncset.done $0x0  }
0xb8: {  	[sflag:s5] =	ssyncadd.s32 $0xFFFFFF38  }
0xb9: {  	_ =	swait.ge [sflag:s17], $0x6400  }
0xba: {  	[sflag:s17] =	ssyncset.done $0x0  }
0xbb: {  	[sflag:s17] =	ssyncadd.s32 $0xFFFF9C00  }
0xbc: {  	[tilespmem:s9], [sflag:$0x2] =	stream.indirect.gather [hbm4b:s2+s6], $0x80, s8, s6, $0xb8;
	[tilespmem:$0xCA00] =	vst v63  }
0xbd: {  	_ =	swait.ge [sflag:s10], $0x6400  }
0xbe: {  	[sflag:s10] =	ssyncset.done $0x0  }
0xbf: {  	[sflag:s10] =	ssyncadd.s32 $0xFFFF9C00  }
0xc0: {  	[hbm4b:s22+s3] =	stream.linear.scatter [tilespmem:s7], [sflag:$0x3], $0x6400, $0x38;
	[tilespmem:$0xCA00] =	vst v63  }
0xc1: {  	_ =	swait.ge [sflag:s12], $0x6400  }
0xc2: {  	[sflag:s12] =	ssyncset.done $0x0  }
0xc3: {  	[sflag:s12] =	ssyncadd.s32 $0xFFFF9C00  }
0xc4: {  	[hbm4b:s23+s3] =	stream.linear.scatter [tilespmem:s9], [sflag:$0x4], $0x6400, $0x38;
	[tilespmem:$0xCA00] =	vst v63  }
0xc5: {  	_ = 	snop  }
0xc6: {  	[tilespmem:s3], [sflag:$0x5] =	stream.linear.gather [hbm4b:s24+s3], $0xC8, $0x38;
	[tilespmem:$0xCA00] =	vst v63  }
0xc7: {  	_ =	swait.ge [sflag:s5], $0xC8  }
0xc8: {  	[sflag:s5] =	ssyncset.done $0x0  }
0xc9: {  	[sflag:s5] =	ssyncadd.s32 $0xFFFFFF38  }
0xca: {  	_ =	swait.ge [sflag:s15], $0x6400  }
0xcb: {  	[sflag:s15] =	ssyncset.done $0x0  }
0xcc: {  	[sflag:s15] =	ssyncadd.s32 $0xFFFF9C00  }
0xcd: {  	[tilespmem:s7], [sflag:$0x1] =	stream.indirect.gather [hbm4b:s2+s6], $0x80, s3, s6, $0xb8;
	[tilespmem:$0xCA00] =	vst v63  }
0xce: {  	_ = 	snop  }
0xcf: {  	[tilespmem:s8], [sflag:$0x5] =	stream.linear.gather [hbm4b:s25+s3], $0xC8, $0x38;
	[tilespmem:$0xCA00] =	vst v63  }
0xd0: {  	_ =	swait.ge [sflag:s5], $0xC8  }
0xd1: {  	[sflag:s5] =	ssyncset.done $0x0  }
0xd2: {  	[sflag:s5] =	ssyncadd.s32 $0xFFFFFF38  }
0xd3: {  	_ =	swait.ge [sflag:s17], $0x6400  }
0xd4: {  	[sflag:s17] =	ssyncset.done $0x0  }
0xd5: {  	[sflag:s17] =	ssyncadd.s32 $0xFFFF9C00  }
0xd6: {  	[tilespmem:s9], [sflag:$0x2] =	stream.indirect.gather [hbm4b:s2+s6], $0x80, s8, s6, $0xb8;
	[tilespmem:$0xCA00] =	vst v63  }
0xd7: {  	_ =	swait.ge [sflag:s10], $0x6400  }
0xd8: {  	[sflag:s10] =	ssyncset.done $0x0  }
0xd9: {  	[sflag:s10] =	ssyncadd.s32 $0xFFFF9C00  }
0xda: {  	[hbm4b:s26+s3] =	stream.linear.scatter [tilespmem:s7], [sflag:$0x3], $0x6400, $0x38;
	[tilespmem:$0xCA00] =	vst v63  }
0xdb: {  	_ = 	snop  }
0xdc: {  	[tilespmem:s3], [sflag:$0x5] =	stream.linear.gather [hbm4b:s28+s3], $0xC8, $0x38;
	[tilespmem:$0xCA00] =	vst v63  }
0xdd: {  	_ =	swait.ge [sflag:s5], $0xC8  }
0xde: {  	[sflag:s5] =	ssyncset.done $0x0  }
0xdf: {  	[sflag:s5] =	ssyncadd.s32 $0xFFFFFF38  }
0xe0: {  	_ =	swait.ge [sflag:s15], $0x6400  }
0xe1: {  	[sflag:s15] =	ssyncset.done $0x0  }
0xe2: {  	[sflag:s15] =	ssyncadd.s32 $0xFFFF9C00  }
0xe3: {  	[tilespmem:s7], [sflag:$0x1] =	stream.indirect.gather [hbm4b:s2+s6], $0x80, s3, s6, $0xb8;
	[tilespmem:$0xCA00] =	vst v63  }
0xe4: {  	_ =	swait.ge [sflag:s12], $0x6400  }
0xe5: {  	[sflag:s12] =	ssyncset.done $0x0  }
0xe6: {  	[sflag:s12] =	ssyncadd.s32 $0xFFFF9C00  }
0xe7: {  	[hbm4b:s29+s3] =	stream.linear.scatter [tilespmem:s9], [sflag:$0x4], $0x6400, $0x38;
	[tilespmem:$0xCA00] =	vst v63  }
0xe8: {  	_ =	swait.ge [sflag:s10], $0x6400  }
0xe9: {  	[sflag:s10] =	ssyncset.done $0x0  }
0xea: {  	p0 =	sne.s32 s31, $0x1;
	[sflag:s10] =	ssyncadd.s32 $0xFFFF9C00  }
0xeb: {  	[hbm4b:s30+s3] =	stream.linear.scatter [tilespmem:s7], [sflag:$0x3], $0x6400, $0x38;
	[tilespmem:$0xCA00] =	vst v63  }
.Ltmp1:
0xec: {  	_ =	swait.ge [sflag:s15], $0x6400;
	(pc) =	sbr.rel @p0 .LBB2_1-.Ltmp1, $4  }
0xed: {  	[sflag:s15] =	ssyncset.done $0x0  }
0xee: {  	[sflag:s15] =	ssyncadd.s32 $0xFFFF9C00  }
0xef: {  	_ =	swait.ge [sflag:s17], $0x6400  }
0xf0: {  	s31 =	sadd.s32 $0xFFFFFFFF, s31;
	[sflag:s17] =	ssyncset.done $0x0  }
.LBB2_2:
0xf1: {  	[sflag:s17] =	ssyncadd.s32 $0xFFFF9C00  }
0xf2: {  	_ =	sfence.sel $0x180000  }
0xf3: {  	[bflag:$0x0] =	sbarrier.arrive $0xFFFF  }
0xf4: {  	_ =	strace $0x9000004D  }
0xf5: {  	s0 =	stileid.u32;
	[bflag:$0x2] =	sbarrier.arrive $0xFFFF  }
0xf6: {  	p0 =	sne.s32 s0, $0x0;
	s0 =	rddreg [dreg:$0x2]  }
0xf7: {  	s0 =	sadd.s32 @!p0 $0x100000, s0  }
0xf8: {  	[sflag:s0] =	ssyncadd.tile.s32 @!p0 $0x1;
	_ =	shalt  }
.Lfunc_end2:
_tile_overlayer_lowered:
.L_overlay_start_2:
0xf9: {  	(tag) =	ssettag $0x2  }
0xfa: {  	s0 =	rddreg [dreg:$0x0];
	s2 =	stileid.u32  }
0xfb: {  	s1 =	rddreg [dreg:$0x1];
	p0 =	sne.s32 s2, $0x0  }
0xfc: {  	s3 =	rddreg [dreg:$0x2];
	[bflag:$0x3] =	sbarrier.arrive $0xFFFF;
	s2 =	simm.s32 @!p0 $0x1C05  }
0xfd: {  	[timem:s3], [sflag:s2] =	dma.local @!p0 [hbm:s0], s1  }
0xfe: {  	s0 =	simm.s32 @!p0 $0x5  }
0xff: {  	_ =	swait.ge @!p0 [sflag:s0], s1  }
0x100: {  	s1 =	ssub.s32 @!p0 $0x0, s1;
	[sflag:s0] =	ssyncset.done @!p0 $0x0  }
0x101: {  	[sflag:s0] =	ssyncadd.s32 @!p0 s1  }
0x102: {  	[bflag:$0x3] =	sbarrier.arrive $0xFFFF  }
0x103: {  	_ =	shalt  }

// kernel: kernel.34.cloned.1.call-start
scs
__scs_entry_jumppad:
0x0: {  	(pc) =	sbr.rel $0x88, $3  }
0x1: {  	(tag) =	ssettag $0x0;
	lr =	simm.s32 $0x1  }
0x2: {  	[smem:$0x3F94] =	sst lr;
	_ =	strace $0xD0000000  }
0x3: {  	_ = 	snop  }
0x4: {  	_ = 	snop  }
0x5: {  	_ = 	snop  }
0x6: {  	_ = 	snop  }
0x7: {  	_ = 	snop  }
__scs_overlays_trampoline_lowered:
0x8: {  	[smem:$0x3FA3] =	sst s0  }
0x9: {  	[smem:$0x3FA4] =	sst s1  }
0xa: {  	[smem:$0x3FA5] =	sst s2  }
0xb: {  	[smem:$0x3FA6] =	sst s3  }
0xc: {  	[smem:$0x3FA7] =	sst s4  }
0xd: {  	[smem:$0x3FA8] =	sst s5  }
0xe: {  	[smem:$0x3FA9] =	sst s6  }
0xf: {  	[smem:$0x3FAA] =	sst s7  }
0x10: {  	[smem:$0x3FAB] =	sst s8  }
0x11: {  	[smem:$0x3FAC] =	sst s9;
	s0 =	simm.s32 @!p0 $0x0  }
0x12: {  	s1 =	sld [smem:$0x3F92];
	s0 =	simm.s32 @p0 $0x1  }
0x13: {  	[smem:$0x3FAD] =	sst s0;
	s0 =	simm.s32 @!p1 $0x0  }
0x14: {  	s2 =	sld [smem:$0x3F91];
	s0 =	simm.s32 @p1 $0x1  }
0x15: {  	[smem:$0x3FAE] =	sst s0;
	s0 =	simm.s32 @!p2 $0x0  }
0x16: {  	s3 =	sld [smem:$0x3FDB];
	s0 =	simm.s32 @p2 $0x1  }
0x17: {  	s4 =	simm.s32 $0x1BF5;
	[smem:$0x3FB0] =	sst s0  }
0x18: {  	s0 =	sld [smem:$0x3F93];
	_ =	swait.ge [sflag:s4], $0x0  }
0x19: {  	s7 =	sld [smem:$0x3F94]  }
0x1a: {  	s8 =	sadd.s32 $0xFFFFE003, lr  }
0x1b: {  	s9 =	sadd.s32 $0xFFFFFEF7, lr;
	s5 =	simm.s32 $0xFFFFFFFF;
	p2 =	slt.u32 s8, $0xFFFFF086  }
0x1c: {  	p1 =	slt.u32 s9, $0xF7A;
	s5 =	simm.s32 @!p2 $0x0  }
0x1d: {  	s5 =	simm.s32 @p1 $0x1;
	p0 =	seq.s32 s7, s2  }
0x1e: {  	s7 =	smul.u32 @!p0 $0xF7A, s2;
	p2 =	seq.s32 @!p0 s5, $0x0  }
0x1f: {  	s9 =	smul.u32 $0xF7A, s1;
	s8 =	simm.s32 @!p0 $0x1BF5;
	p2 =	por !p2, p0  }
0x20: {  	[sflag:s8] =	ssyncset.s32 @!p0 $0xFFFFF086;
	s6 =	sadd.s32 @!p0 s3, s7;
	s7 =	simm.s32 @!p0 $0x108  }
0x21: {  	s3 =	sadd.s32 s3, s9;
	s6 =	sadd.s32 @!p0 $0x88, s6;
	s7 =	simm.s32 @p2 $0x1082  }
0x22: {  	[simem:s7], [sflag:s8] =	dma.local @!p0 [hbm:s6], $0xF7A  }
0x23: {  	s9 =	sor.u32 $0xD0000000, s2;
	s6 =	simm.s32 $0x108;
	_ =	swait.ge @!p0 [sflag:s8], $0x0  }
0x24: {  	s3 =	sadd.s32 $0x88, s3;
	s6 =	simm.s32 @!p1 $0x1082;
	[sflag:s4] =	ssyncset.s32 $0xFFFFF086  }
0x25: {  	[simem:s6], [sflag:s4] =	dma.local [hbm:s3], $0xF7A  }
0x26: {  	[smem:$0x3F94] =	sst s1;
	(tag) =	ssettag s2;
	_ =	strace s9  }
0x27: {  	s1 =	sld [smem:$0x3FA4]  }
0x28: {  	s2 =	sld [smem:$0x3FA5]  }
0x29: {  	s4 =	sld [smem:$0x3FA7]  }
0x2a: {  	p0 =	seq.s32 s5, $0x0;
	s5 =	sld [smem:$0x3FA8]  }
0x2b: {  	s6 =	sld [smem:$0x3FA9]  }
0x2c: {  	s7 =	sld [smem:$0x3FAA]  }
0x2d: {  	s3 =	simm.s32 $0x108;
	s8 =	sld [smem:$0x3FAB]  }
0x2e: {  	s3 =	simm.s32 @!p0 $0x1082;
	s9 =	sld [smem:$0x3FAC]  }
0x2f: {  	lr =	sadd.s32 s0, s3;
	s0 =	sld [smem:$0x3FA3]  }
0x30: {  	s3 =	sld [smem:$0x3FA6]  }
0x31: {  	[smem:$0x3FAF] =	sst s10  }
0x32: {  	s10 =	sld [smem:$0x3FAD];
	_ =	sdelay $0x3  }
0x33: {  	p0 =	seq.s32 s10, $0x1;
	s10 =	sld [smem:$0x3FAF];
	_ =	sdelay $0x3  }
0x34: {  	[smem:$0x3FAF] =	sst s10  }
0x35: {  	s10 =	sld [smem:$0x3FAE];
	_ =	sdelay $0x3  }
0x36: {  	p1 =	seq.s32 s10, $0x1;
	s10 =	sld [smem:$0x3FAF];
	_ =	sdelay $0x3  }
0x37: {  	[smem:$0x3FAF] =	sst s10  }
0x38: {  	s10 =	sld [smem:$0x3FB0]  }
0x39: {  	_ = 	snop;
	(pc) =	sbr.ind lr, $3  }
0x3a: {  	_ = 	snop  }
0x3b: {  	_ = 	snop  }
0x3c: {  	p2 =	seq.s32 s10, $0x1;
	s10 =	sld [smem:$0x3FAF]  }
0x3d: {  	_ =	shalt  }
0x3e: {  	_ =	shalt  }
0x3f: {  	_ =	shalt  }
0x40: {  	_ =	shalt  }
0x41: {  	_ =	shalt  }
0x42: {  	_ =	shalt  }
0x43: {  	_ =	shalt  }
0x44: {  	_ =	shalt  }
0x45: {  	_ =	shalt  }
0x46: {  	_ =	shalt  }
0x47: {  	_ =	shalt  }
0x48: {  	_ =	shalt  }
0x49: {  	_ =	shalt  }
0x4a: {  	_ =	shalt  }
0x4b: {  	_ =	shalt  }
0x4c: {  	_ =	shalt  }
0x4d: {  	_ =	shalt  }
0x4e: {  	_ =	shalt  }
0x4f: {  	_ =	shalt  }
0x50: {  	_ =	shalt  }
0x51: {  	_ =	shalt  }
0x52: {  	_ =	shalt  }
0x53: {  	_ =	shalt  }
0x54: {  	_ =	shalt  }
0x55: {  	_ =	shalt  }
0x56: {  	_ =	shalt  }
0x57: {  	_ =	shalt  }
0x58: {  	_ =	shalt  }
0x59: {  	_ =	shalt  }
0x5a: {  	_ =	shalt  }
0x5b: {  	_ =	shalt  }
0x5c: {  	_ =	shalt  }
0x5d: {  	_ =	shalt  }
0x5e: {  	_ =	shalt  }
0x5f: {  	_ =	shalt  }
0x60: {  	_ =	shalt  }
0x61: {  	_ =	shalt  }
0x62: {  	_ =	shalt  }
0x63: {  	_ =	shalt  }
0x64: {  	_ =	shalt  }
0x65: {  	_ =	shalt  }
0x66: {  	_ =	shalt  }
0x67: {  	_ =	shalt  }
0x68: {  	_ =	shalt  }
0x69: {  	_ =	shalt  }
0x6a: {  	_ =	shalt  }
0x6b: {  	_ =	shalt  }
0x6c: {  	_ =	shalt  }
0x6d: {  	_ =	shalt  }
0x6e: {  	_ =	shalt  }
0x6f: {  	_ =	shalt  }
0x70: {  	_ =	shalt  }
0x71: {  	_ =	shalt  }
0x72: {  	_ =	shalt  }
0x73: {  	_ =	shalt  }
0x74: {  	_ =	shalt  }
0x75: {  	_ =	shalt  }
0x76: {  	_ =	shalt  }
0x77: {  	_ =	shalt  }
0x78: {  	_ =	shalt  }
0x79: {  	_ =	shalt  }
0x7a: {  	_ =	shalt  }
0x7b: {  	_ =	shalt  }
0x7c: {  	_ =	shalt  }
0x7d: {  	_ =	shalt  }
0x7e: {  	_ =	shalt  }
0x7f: {  	_ =	shalt  }
0x80: {  	_ =	shalt  }
0x81: {  	_ =	shalt  }
0x82: {  	_ =	shalt  }
0x83: {  	_ =	shalt  }
0x84: {  	_ =	shalt  }
0x85: {  	_ =	shalt  }
0x86: {  	_ =	shalt  }
0x87: {  	_ =	shalt  }
.Lfunc_end0:
.L_simem_size_0:
called_computation.6_lowered:
.L_overlay_start_0:
0x88: {  	s2 =	sld [smem:$0x3FD9]  }
0x89: {  	s3 =	sld [smem:$0x3FFE];
	_ =	sdelay $0x1  }
0x8a: {  	s1 =	srdreg.scid  }
0x8b: {  	s0 =	sand.u32 $0x1, s1  }
0x8c: {  	s17 =	sshll.u32 s0, $0xA;
	s2 =	sadd.s32 s3, s2  }
0x8d: {  	s2 =	sadd.s32 s2, s17  }
0x8e: {  	[smem:$0x3FBB] =	sst s2  }
0x8f: {  	_ = 	snop  }
0x90: {  	s18 =	sld [smem:$0x3FD0];
	(tm) =	ssettm $0x1  }
0x91: {  	s19 =	sld [smem:$0x3FFB];
	_ =	sdelay $0x3  }
0x92: {  	_ =	strace s19  }
0x93: {  	s2 =	sld [smem:$0x3FFC];
	_ =	sdelay $0x3  }
0x94: {  	_ =	strace s2  }
0x95: {  	s2 =	sld [smem:$0x3FFD];
	_ =	sdelay $0x3  }
0x96: {  	_ =	strace s2  }
0x97: {  	_ =	strace $0x8FFFFFFF  }
0x98: {  	s20 =	sld [smem:$0x3FDB];
	_ =	sdelay $0x1  }
0x99: {  	s4 =	simm.s32 $_scs_section_size  }
0x9a: {  	s5 =	simm.s32 $_size__tile_overlayer_lowered;
	s6 =	simm.s32 $_tile_overlayer_lowered  }
0x9b: {  	s7 =	simm.s32 $0x1BFF;
	s21 =	sshll.u32 s6, $0x1;
	s4 =	sadd.s32 s4, s20  }
0x9c: {  	s22 =	simm.s32 $0x0;
	s5 =	sshll.u32 s5, $0x1;
	s6 =	sadd.s32 s21, s4  }
0x9d: {  	[timem:s22], [sflag:s7] =	dma.local [hbm:s6], s5  }
0x9e: {  	_ =	swait.ge [sflag:s7], s5  }
0x9f: {  	s5 =	ssub.s32 $0x0, s5;
	[sflag:s7] =	ssyncset.done $0x0  }
0xa0: {  	[sflag:s7] =	ssyncadd.s32 s5;
	_ =	sdelay $0x1  }
0xa1: {  	s23 =	simm.s32 $0x1B8B  }
0xa2: {  	_ =	swait.ge [sflag:s23], $0x1  }
0xa3: {  	[sflag:s23] =	ssyncset.done $0x0  }
0xa4: {  	[sflag:s23] =	ssyncadd.s32 $0xFFFFFFFF  }
0xa5: {  	s5 =	sld [smem:$0x0]  }
0xa6: {  	s6 =	sand.u32 $0xFFFFFFFE, s1  }
0xa7: {  	p0 =	sne.s32 s1, s6  }
0xa8: {  	s6 =	sshll.u32 @p0 s6, $0xE  }
0xa9: {  	s6 =	sadd.s32 @p0 $0x11B8D, s6;
	s7 =	sshll.u32 @p0 s5, $0x11  }
0xaa: {  	s6 =	sor.u32 @p0 s7, s6  }
0xab: {  	[sflag:s6] =	ssyncadd.remote.s32 @p0 $0x1;
	_ =	sdelay $0x1  }
0xac: {  	s6 =	simm.s32 @p0 $0x1B8D  }
0xad: {  	_ =	swait.eq @p0 [sflag:s6], $0x1  }
0xae: {  	[sflag:s6] =	ssyncadd.s32 @p0 $0xFFFFFFFF  }
0xaf: {  	s7 =	sshll.u32 @!p0 s1, $0xE  }
0xb0: {  	s7 =	sor.u32 @!p0 $0x4000, s7;
	s6 =	simm.s32 @!p0 $0x1B8D  }
0xb1: {  	s5 =	sshll.u32 @!p0 s5, $0x11;
	s7 =	sadd.s32 @!p0 $0x11B8D, s7;
	_ =	swait.eq @!p0 [sflag:s6], $0x1  }
0xb2: {  	s5 =	sor.u32 @!p0 s5, s7;
	[sflag:s6] =	ssyncadd.s32 @!p0 $0xFFFFFFFF  }
0xb3: {  	s25 =	simm.s32 $0x1B8E;
	s24 =	sld [smem:$0x3FFE];
	[sflag:s5] =	ssyncadd.remote.s32 @!p0 $0x1  }
0xb4: {  	s26 =	simm.s32 $execute0_lowered;
	[smem:$0x3FD2] =	sst s25  }
0xb5: {  	s6 =	sshll.u32 s26, $0x1;
	_ =	strace $0x80000058;
	[dreg:$0x1] =	wrdreg $0xFFFFFFFF  }
0xb6: {  	s28 =	simm.s32 $_size_execute0_lowered;
	s4 =	sadd.s32 s4, s6;
	[dreg:$0x0] =	wrdreg $0x0  }
0xb7: {  	s6 =	sshll.u32 s28, $0x1;
	[dreg:$0x2] =	wrdreg s4  }
0xb8: {  	[dreg:$0x3] =	wrdreg s6  }
0xb9: {  	[dreg:$0x4] =	wrdreg $0xC0  }
0xba: {  	_ =	task [dreg:s22], $0x5FFFF  }
0xbb: {  	[dreg:$0x1] =	wrdreg $0xFFFFFFFF  }
0xbc: {  	[dreg:$0x0] =	wrdreg $0x60  }
0xbd: {  	[dreg:$0x2] =	wrdreg s24  }
0xbe: {  	[dreg:$0x3] =	wrdreg s18  }
0xbf: {  	[dreg:$0x4] =	wrdreg $0x92000  }
0xc0: {  	[dreg:$0x5] =	wrdreg $0xB  }
0xc1: {  	_ =	task.clear_ibuf [dreg:s22], $0x6FFFF;
	_ =	strace $0x90000058  }
0xc2: {  	s29 =	simm.s32 $0xB;
	_ =	strace $0x8000005A  }
0xc3: {  	_ =	swait.ge [sflag:s29], $0x1  }
0xc4: {  	[sflag:s29] =	ssyncadd.s32 $0xFFFFFFFF  }
0xc5: {  	_ =	strace $0x9000005A  }
0xc6: {  	_ =	sfence  }
0xc7: {  	s30 =	sld [smem:$0x0];
	_ =	sdelay $0x2  }
0xc8: {  	s31 =	sshll.u32 s1, $0xD;
	s1 =	sshrl.u32 s1, $0x2  }
0xc9: {  	s4 =	sand.u32 $0x4000, s31;
	s1 =	sadd.s32 s1, s30  }
0xca: {  	s0 =	sor.u32 s4, s0;
	s1 =	sshll.u32 s1, $0x11  }
0xcb: {  	s0 =	sor.u32 s1, s0  }
0xcc: {  	s0 =	sadd.s32 $0x8F2B, s0  }
0xcd: {  	[sflag:s0] =	ssyncadd.remote.s32 $0x1  }
0xce: {  	_ =	sfence.sel $0xFFFF  }
0xcf: {  	[dreg:$0x0] =	wrdreg $0xFFFFFFFF;
	(pc) =	sbr.abs _section_cstart, $3  }
0xd0: {  	[dreg:$0x1] =	wrdreg $0xFFFFFFFF  }
0xd1: {  	_ =	task.clear_ibuf [dreg:s22], $0x2FFFF;
	_ =	strace $0x9FFFFFFF  }
0xd2: {  	(tm) =	ssettm $0x7FFFFFFF  }
0xd3: {  	_ =	shalt  }
tec
execute0_lowered:
.L_overlay_start_1:
0x0: {  	(tag) =	ssettag $0x1  }
0x1: {  	s0 =	rddreg [dreg:$0x0]  }
0x2: {  	s1 =	rddreg [dreg:$0x1]  }
0x3: {  	s2 =	rddreg [dreg:$0x2];
	s3 =	simm.s32 $0x0;
	s12 =	stileid.u32  }
0x4: {  	s4 =	srdreg.scid;
	s28 =	simm.s32 $0x100;
	s29 =	simm.s32 $0x4A00  }
0x5: {  	s30 =	simm.s32 $0x1;
	s31 =	simm.s32 $0x90;
	s5 =	smul.u32 $0x7D000, s12  }
0x6: {  	[smem:$0x7FF] =	sst s3;
	s6 =	sand.u32 $0x1, s4;
	s26 =	smul.u32 $0xE10, s12  }
0x7: {  	s4 =	sadd.s32 $0x5AA600, s0;
	s0 =	sadd.s32 $0xA3600, s0;
	s14 =	smul.u32 $0xE1000, s12  }
0x8: {  	p0 =	sgt.u32 s12, $0x9;
	_ =	strace $0x80000059;
	s7 =	ssub.s32 $0x2, s6  }
0x9: {  	s6 =	sshll.u32 s6, $0xA;
	s5 =	sshrl.u32 s5, $0x2;
	s8 =	sshrl.u32 s7, $0x1  }
0xa: {  	s17 =	sshrl.u32 s26, $0x3;
	s11 =	sadd.s32 $0x90, s26;
	s5 =	sadd.s32 s5, s2  }
0xb: {  	s7 =	ssub.s32 s7, s8;
	s19 =	sshrl.u32 s11, $0x3;
	s25 =	sadd.s32 $0x4800, s5  }
0xc: {  	s11 =	sshll.u32 s11, $0x8;
	s9 =	sadd.s32 $0x9000, s5;
	[dreg:$0x4] =	wrdreg s25  }
0xd: {  	s8 =	sadd.s32 $0xD80, s26;
	s13 =	sadd.s32 $0xD800, s5;
	[dreg:$0x5] =	wrdreg s9  }
0xe: {  	s10 =	sadd.s32 $0x12000, s5;
	s15 =	sadd.s32 $0x16800, s5;
	[dreg:$0x6] =	wrdreg s13  }
0xf: {  	s16 =	sadd.s32 $0x1B000, s5;
	s20 =	sor.u32 s6, s11;
	[dreg:$0x7] =	wrdreg s10  }
0x10: {  	s21 =	sshll.u32 s8, $0x8;
	s8 =	sshrl.u32 s8, $0x3;
	[dreg:$0x8] =	wrdreg s15  }
0x11: {  	[dreg:$0x9] =	wrdreg s16;
	s9 =	sor.u32 s6, s14;
	s10 =	sadd.s32 s0, s17  }
0x12: {  	s14 =	sadd.s32 s0, s19;
	s17 =	smul.u32 $0x3E800, s12;
	s22 =	sor.u32 s6, s21  }
0x13: {  	s16 =	sadd.s32 s0, s8;
	s25 =	smul.u32 $0x1C2, s12;
	s19 =	smax.u32 s7, $0x1  }
0x14: {  	s7 =	simm.s32 $0x0;
	[dreg:$0xa] =	wrdreg s10;
	s18 =	sshrl.u32 s9, $0x3  }
0x15: {  	s10 =	sshrl.u32 s20, $0x3;
	s23 =	sshrl.u32 s22, $0x3;
	s24 =	sadd.s32 $0x1B000, s9  }
0x16: {  	s22 =	sadd.s32 $0x12000, s9;
	s13 =	sadd.s32 s4, s18;
	s15 =	sadd.s32 s4, s10  }
0x17: {  	s6 =	sor.u32 s6, s17;
	s17 =	sadd.s32 s4, s23;
	s26 =	sshrl.u32 s24, $0x3  }
0x18: {  	s0 =	sadd.s32 s25, s0;
	s23 =	simm.s32 $0x5;
	s24 =	simm.s32 $0x400  }
0x19: {  	s25 =	simm.s32 $0x800;
	s6 =	sshrl.u32 s6, $0x3;
	s20 =	sadd.s32 s26, s4  }
0x1a: {  	s21 =	sadd.s32 $0x36, s0;
	s26 =	simm.s32 $0x200;
	s0 =	simm.s32 $0x2  }
0x1b: {  	v0 =	vimm.f32 $0.0e+00;
	s18 =	sadd.s32 s1, s6;
	s1 =	simm.s32 $0x3;
	s6 =	simm.s32 $0x4  }
.LBB2_1:
0x1c: {  	s8 =	simm.s32 $0x0;
	s9 =	simm.s32 $0x200  }
.LBB2_2:
0x1d: {  	p1 =	sne.s32 s9, $0x11E00;
	[tilespmem:s8+$0x270] =	vst v0  }
0x1e: {  	[tilespmem:s8+$0x200] =	vst v0  }
0x1f: {  	[tilespmem:s8+$0x210] =	vst v0  }
.Ltmp0:
0x20: {  	[tilespmem:s8+$0x220] =	vst v0;
	(pc) =	sbr.rel @p1 .LBB2_2-.Ltmp0, $4  }
0x21: {  	[tilespmem:s8+$0x230] =	vst v0  }
0x22: {  	[tilespmem:s8+$0x240] =	vst v0  }
0x23: {  	[tilespmem:s8+$0x250] =	vst v0  }
0x24: {  	[tilespmem:s8+$0x260] =	vst v0;
	s8 =	sshra.s32 s9, $0x2;
	s9 =	sadd.s32 $0x200, s9  }
0x25: {  	[tilespmem:s8+$0x270] =	vst v0  }
0x26: {  	[tilespmem:s8+$0x200] =	vst v0  }
0x27: {  	[tilespmem:s8+$0x210] =	vst v0  }
0x28: {  	[tilespmem:s8+$0x220] =	vst v0  }
0x29: {  	[tilespmem:s8+$0x230] =	vst v0  }
0x2a: {  	[tilespmem:s8+$0x240] =	vst v0  }
0x2b: {  	[tilespmem:s8+$0x250] =	vst v0  }
0x2c: {  	[tilespmem:s8+$0x260] =	vst v0;
	s8 =	simm.s32 @!p0 $0x200;
	s9 =	simm.s32 @!p0 $0x5  }
0x2d: {  	[spmem:s5] =	stream.linear.scatter @!p0 [tilespmem:s8], [sflag:$0x5], $0x4800, $0x38;
	[tilespmem:$0x1CA80] =	vst v63  }
0x2e: {  	_ =	swait.ge @!p0 [sflag:s9], $0x4800  }
0x2f: {  	[sflag:s9] =	ssyncset.done @!p0 $0x0  }
0x30: {  	s10 =	rddreg [dreg:$0x4];
	[sflag:s9] =	ssyncadd.s32 @!p0 $0xFFFFB800  }
0x31: {  	[spmem:s10] =	stream.linear.scatter @!p0 [tilespmem:s8], [sflag:$0x5], $0x4800, $0x38;
	[tilespmem:$0x1CA80] =	vst v63  }
0x32: {  	_ =	swait.ge @!p0 [sflag:s9], $0x4800  }
0x33: {  	[sflag:s9] =	ssyncset.done @!p0 $0x0  }
0x34: {  	s10 =	rddreg [dreg:$0x5];
	[sflag:s9] =	ssyncadd.s32 @!p0 $0xFFFFB800  }
0x35: {  	[spmem:s10] =	stream.linear.scatter @!p0 [tilespmem:s8], [sflag:$0x5], $0x4800, $0x38;
	[tilespmem:$0x1CA80] =	vst v63  }
0x36: {  	_ =	swait.ge @!p0 [sflag:s9], $0x4800  }
0x37: {  	[sflag:s9] =	ssyncset.done @!p0 $0x0  }
0x38: {  	s10 =	rddreg [dreg:$0x6];
	[sflag:s9] =	ssyncadd.s32 @!p0 $0xFFFFB800  }
0x39: {  	[spmem:s10] =	stream.linear.scatter @!p0 [tilespmem:s8], [sflag:$0x5], $0x4800, $0x38;
	[tilespmem:$0x1CA80] =	vst v63  }
0x3a: {  	_ =	swait.ge @!p0 [sflag:s9], $0x4800  }
0x3b: {  	[sflag:s9] =	ssyncset.done @!p0 $0x0  }
0x3c: {  	s10 =	rddreg [dreg:$0x7];
	[sflag:s9] =	ssyncadd.s32 @!p0 $0xFFFFB800  }
0x3d: {  	[spmem:s10] =	stream.linear.scatter @!p0 [tilespmem:s8], [sflag:$0x5], $0x4800, $0x38;
	[tilespmem:$0x1CA80] =	vst v63  }
0x3e: {  	_ =	swait.ge @!p0 [sflag:s9], $0x4800  }
0x3f: {  	[sflag:s9] =	ssyncset.done @!p0 $0x0  }
0x40: {  	s10 =	rddreg [dreg:$0x8];
	[sflag:s9] =	ssyncadd.s32 @!p0 $0xFFFFB800  }
0x41: {  	[spmem:s10] =	stream.linear.scatter @!p0 [tilespmem:s8], [sflag:$0x5], $0x4800, $0x38;
	[tilespmem:$0x1CA80] =	vst v63  }
0x42: {  	_ =	swait.ge @!p0 [sflag:s9], $0x4800  }
0x43: {  	[sflag:s9] =	ssyncset.done @!p0 $0x0  }
0x44: {  	s10 =	rddreg [dreg:$0x9];
	[sflag:s9] =	ssyncadd.s32 @!p0 $0xFFFFB800  }
0x45: {  	[spmem:s10] =	stream.linear.scatter @!p0 [tilespmem:s8], [sflag:$0x5], $0x4400, $0x38;
	[tilespmem:$0x1CA80] =	vst v63  }
0x46: {  	_ =	swait.ge @!p0 [sflag:s9], $0x4400  }
0x47: {  	[sflag:s9] =	ssyncset.done @!p0 $0x0  }
0x48: {  	[sflag:s9] =	ssyncadd.s32 @!p0 $0xFFFFBC00  }
0x49: {  	[bflag:$0x0] =	sbarrier.arrive $0xFFFF  }
0x4a: {  	s12 =	simm.s32 $0x0;
	s10 =	rddreg [dreg:$0xa]  }
0x4b: {  	[tilespmem:s12], [sflag:$0x5] =	stream.linear.gather [hbm4b:s10+s12], $0x90, $0x38;
	[tilespmem:$0x1CA80] =	vst v63  }
0x4c: {  	_ =	swait.ge [sflag:s23], $0x90  }
0x4d: {  	[sflag:s23] =	ssyncset.done $0x0  }
0x4e: {  	[sflag:s23] =	ssyncadd.s32 $0xFFFFFF70  }
0x4f: {  	[tilespmem:s26], [sflag:$0x1] =	stream.strided.gather [hbm4b:s13+s24], $0x4800, s25, s24, $0x38;
	[tilespmem:$0x1CA80] =	vst v63  }
0x50: {  	_ = 	snop  }
0x51: {  	[tilespmem:s28], [sflag:$0x5] =	stream.linear.gather [hbm4b:s14+s12], $0x90, $0x38;
	[tilespmem:$0x1CA80] =	vst v63  }
0x52: {  	_ =	swait.ge [sflag:s23], $0x90  }
0x53: {  	[sflag:s23] =	ssyncset.done $0x0  }
0x54: {  	[sflag:s23] =	ssyncadd.s32 $0xFFFFFF70  }
0x55: {  	[tilespmem:s29], [sflag:$0x2] =	stream.strided.gather [hbm4b:s15+s24], $0x4800, s25, s24, $0x38;
	[tilespmem:$0x1CA80] =	vst v63  }
0x56: {  	_ =	swait.ge [sflag:s30], $0x4800  }
0x57: {  	[sflag:s30] =	ssyncset.done $0x0  }
0x58: {  	[sflag:s30] =	ssyncadd.s32 $0xFFFFB800  }
0x59: {  	[spmem:s2] =	stream.indirect.scatter.add.f32 [tilespmem:s26], [sflag:$0x3], $0x80, s3, s31, $0xb8;
	[tilespmem:$0x1CA80] =	vst v63  }
0x5a: {  	_ =	swait.ge [sflag:s0], $0x4800  }
0x5b: {  	[sflag:s0] =	ssyncset.done $0x0  }
0x5c: {  	[sflag:s0] =	ssyncadd.s32 $0xFFFFB800  }
0x5d: {  	[spmem:s2] =	stream.indirect.scatter.add.f32 [tilespmem:s29], [sflag:$0x4], $0x80, s28, s31, $0xb8;
	[tilespmem:$0x1CA80] =	vst v63  }
0x5e: {  	_ =	swait.ge [sflag:s1], $0x4800  }
0x5f: {  	[sflag:s1] =	ssyncset.done $0x0  }
0x60: {  	s11 =	sadd.s32 $0xFFFFFFEE, s21;
	[sflag:s1] =	ssyncadd.s32 $0xFFFFB800  }
0x61: {  	[tilespmem:s3], [sflag:$0x5] =	stream.linear.gather [hbm4b:s11+s3], $0x90, $0x38;
	[tilespmem:$0x1CA80] =	vst v63  }
0x62: {  	_ =	swait.ge [sflag:s23], $0x90  }
0x63: {  	s12 =	sshrl.u32 s22, $0x3;
	[sflag:s23] =	ssyncset.done $0x0  }
0x64: {  	s8 =	sadd.s32 s4, s12;
	[sflag:s23] =	ssyncadd.s32 $0xFFFFFF70  }
0x65: {  	[tilespmem:s26], [sflag:$0x1] =	stream.strided.gather [hbm4b:s8+s24], $0x4800, s25, s24, $0x38;
	[tilespmem:$0x1CA80] =	vst v63  }
0x66: {  	_ =	swait.ge [sflag:s6], $0x4800  }
0x67: {  	[sflag:s6] =	ssyncset.done $0x0  }
0x68: {  	[sflag:s6] =	ssyncadd.s32 $0xFFFFB800  }
0x69: {  	[tilespmem:s28], [sflag:$0x5] =	stream.linear.gather [hbm4b:s21+s3], $0x90, $0x38;
	[tilespmem:$0x1CA80] =	vst v63  }
0x6a: {  	_ =	swait.ge [sflag:s23], $0x90  }
0x6b: {  	s9 =	sadd.s32 $0x12000, s22;
	s10 =	sadd.s32 $0x24, s21;
	[sflag:s23] =	ssyncset.done $0x0  }
0x6c: {  	s11 =	sadd.s32 $0x0, s20;
	s8 =	simm.s32 $0x2400;
	[sflag:s23] =	ssyncadd.s32 $0xFFFFFF70  }
.LBB2_4:
0x6d: {  	[tilespmem:s29], [sflag:$0x2] =	stream.strided.gather [hbm4b:s11+s24], $0x4800, s25, s24, $0x38;
	[tilespmem:$0x1CA80] =	vst v63  }
0x6e: {  	s11 =	smov.u32 s8  }
0x6f: {  	p1 =	sne.s32 s8, $0x16800;
	s8 =	sadd.s32 $0x2400, s8;
	_ =	swait.ge [sflag:s30], $0x4800  }
0x70: {  	[sflag:s30] =	ssyncset.done $0x0  }
0x71: {  	[sflag:s30] =	ssyncadd.s32 $0xFFFFB800  }
0x72: {  	[spmem:s2] =	stream.indirect.scatter.add.f32 [tilespmem:s26], [sflag:$0x3], $0x80, s3, s31, $0xb8;
	[tilespmem:$0x1CA80] =	vst v63  }
0x73: {  	_ =	swait.ge [sflag:s0], $0x4800  }
0x74: {  	[sflag:s0] =	ssyncset.done $0x0  }
0x75: {  	[sflag:s0] =	ssyncadd.s32 $0xFFFFB800  }
0x76: {  	[spmem:s2] =	stream.indirect.scatter.add.f32 [tilespmem:s29], [sflag:$0x4], $0x80, s28, s31, $0xb8;
	[tilespmem:$0x1CA80] =	vst v63  }
0x77: {  	_ =	swait.ge [sflag:s1], $0x4800  }
0x78: {  	[sflag:s1] =	ssyncset.done $0x0  }
0x79: {  	s12 =	sadd.s32 $0xFFFFFFEE, s10;
	[sflag:s1] =	ssyncadd.s32 $0xFFFFB800  }
0x7a: {  	[tilespmem:s3], [sflag:$0x5] =	stream.linear.gather [hbm4b:s12+s3], $0x90, $0x38;
	[tilespmem:$0x1CA80] =	vst v63  }
0x7b: {  	_ =	swait.ge [sflag:s23], $0x90  }
0x7c: {  	s12 =	sshrl.u32 s9, $0x3;
	[sflag:s23] =	ssyncset.done $0x0  }
0x7d: {  	s12 =	sadd.s32 s4, s12;
	[sflag:s23] =	ssyncadd.s32 $0xFFFFFF70  }
0x7e: {  	[tilespmem:s26], [sflag:$0x1] =	stream.strided.gather [hbm4b:s12+s24], $0x4800, s25, s24, $0x38;
	[tilespmem:$0x1CA80] =	vst v63  }
0x7f: {  	_ =	swait.ge [sflag:s6], $0x4800  }
0x80: {  	[sflag:s6] =	ssyncset.done $0x0  }
.Ltmp1:
0x81: {  	[sflag:s6] =	ssyncadd.s32 $0xFFFFB800;
	(pc) =	sbr.rel @p1 .LBB2_4-.Ltmp1, $4  }
0x82: {  	[tilespmem:s28], [sflag:$0x5] =	stream.linear.gather [hbm4b:s10+s3], $0x90, $0x38;
	[tilespmem:$0x1CA80] =	vst v63  }
0x83: {  	_ =	swait.ge [sflag:s23], $0x90  }
0x84: {  	s9 =	sadd.s32 $0x12000, s9;
	[sflag:s23] =	ssyncset.done $0x0  }
0x85: {  	s11 =	sadd.s32 s11, s20;
	s10 =	sadd.s32 $0x24, s10;
	[sflag:s23] =	ssyncadd.s32 $0xFFFFFF70  }
0x86: {  	[tilespmem:s29], [sflag:$0x2] =	stream.strided.gather [hbm4b:s11+s24], $0x4800, s25, s24, $0x38;
	[tilespmem:$0x1CA80] =	vst v63  }
0x87: {  	_ =	swait.ge [sflag:s30], $0x4800  }
0x88: {  	[sflag:s30] =	ssyncset.done $0x0  }
0x89: {  	[sflag:s30] =	ssyncadd.s32 $0xFFFFB800  }
0x8a: {  	[spmem:s2] =	stream.indirect.scatter.add.f32 [tilespmem:s26], [sflag:$0x3], $0x80, s3, s31, $0xb8;
	[tilespmem:$0x1CA80] =	vst v63  }
0x8b: {  	_ =	swait.ge [sflag:s1], $0x4800  }
0x8c: {  	[sflag:s1] =	ssyncset.done $0x0  }
0x8d: {  	[sflag:s1] =	ssyncadd.s32 $0xFFFFB800  }
0x8e: {  	[tilespmem:s3], [sflag:$0x5] =	stream.linear.gather [hbm4b:s16+s3], $0x90, $0x38;
	[tilespmem:$0x1CA80] =	vst v63  }
0x8f: {  	_ =	swait.ge [sflag:s23], $0x90  }
0x90: {  	[sflag:s23] =	ssyncset.done $0x0  }
0x91: {  	[sflag:s23] =	ssyncadd.s32 $0xFFFFFF70  }
0x92: {  	[tilespmem:s26], [sflag:$0x1] =	stream.strided.gather [hbm4b:s17+s24], $0x4800, s25, s24, $0x38;
	[tilespmem:$0x1CA80] =	vst v63  }
0x93: {  	_ =	swait.ge [sflag:s0], $0x4800  }
0x94: {  	[sflag:s0] =	ssyncset.done $0x0  }
0x95: {  	[sflag:s0] =	ssyncadd.s32 $0xFFFFB800  }
0x96: {  	[spmem:s2] =	stream.indirect.scatter.add.f32 [tilespmem:s29], [sflag:$0x4], $0x80, s28, s31, $0xb8;
	[tilespmem:$0x1CA80] =	vst v63  }
0x97: {  	_ =	swait.ge [sflag:s30], $0x4800  }
0x98: {  	[sflag:s30] =	ssyncset.done $0x0  }
0x99: {  	[sflag:s30] =	ssyncadd.s32 $0xFFFFB800  }
0x9a: {  	[spmem:s2] =	stream.indirect.scatter.add.f32 [tilespmem:s26], [sflag:$0x3], $0x80, s3, s31, $0xb8;
	[tilespmem:$0x1CA80] =	vst v63  }
0x9b: {  	_ =	swait.ge [sflag:s1], $0x4800  }
0x9c: {  	[sflag:s1] =	ssyncset.done $0x0  }
0x9d: {  	s8 =	stileid.u32;
	[sflag:s1] =	ssyncadd.s32 $0xFFFFB800  }
0x9e: {  	s9 =	sshrl.u32 @!p0 s5, $0x3;
	s10 =	simm.s32 @!p0 $0x8;
	_ =	swait.ge [sflag:s6], $0x4800  }
0x9f: {  	s11 =	simm.s32 @!p0 $0x100;
	s12 =	simm.s32 @!p0 $0x80;
	[sflag:s6] =	ssyncset.done $0x0  }
0xa0: {  	s7 =	sadd.s32 $0x1, s7;
	s8 =	sshll.u32 @!p0 s8, $0x6;
	[sflag:s6] =	ssyncadd.s32 $0xFFFFB800  }
0xa1: {  	p1 =	sne.s32 s7, s19;
	s8 =	sor.u32 @!p0 $0x1C05, s8;
	[bflag:$0x0] =	sbarrier.arrive $0xFFFF  }
0xa2: {  	[hbm:s18@s11], [sflag:s8] =	dma.strided @!p0 [spmem:s9@s12], $0x3E80, s10, $0x10   }
.Ltmp2:
0xa3: {  	_ = 	snop;
	(pc) =	sbr.rel @p1 .LBB2_1-.Ltmp2, $4  }
0xa4: {  	s8 =	simm.s32 @!p0 $0x5  }
0xa5: {  	_ =	swait.ge @!p0 [sflag:s8], $0x3E80  }
0xa6: {  	[sflag:s8] =	ssyncset.done @!p0 $0x0  }
0xa7: {  	[sflag:s8] =	ssyncadd.s32 @!p0 $0xFFFFC180  }
0xa8: {  	_ =	sfence.sel $0x180000  }
0xa9: {  	[bflag:$0x0] =	sbarrier.arrive $0xFFFF  }
0xaa: {  	_ =	strace $0x90000059  }
0xab: {  	s0 =	stileid.u32;
	[bflag:$0x2] =	sbarrier.arrive $0xFFFF  }
0xac: {  	p0 =	sne.s32 s0, $0x0;
	s0 =	rddreg [dreg:$0x3]  }
0xad: {  	s0 =	sadd.s32 @!p0 $0x100000, s0  }
0xae: {  	[sflag:s0] =	ssyncadd.tile.s32 @!p0 $0x1;
	_ =	shalt  }
.Lfunc_end2:
_tile_overlayer_lowered:
.L_overlay_start_2:
0xaf: {  	(tag) =	ssettag $0x2  }
0xb0: {  	s0 =	rddreg [dreg:$0x0];
	s2 =	stileid.u32  }
0xb1: {  	s1 =	rddreg [dreg:$0x1];
	p0 =	sne.s32 s2, $0x0  }
0xb2: {  	s3 =	rddreg [dreg:$0x2];
	[bflag:$0x3] =	sbarrier.arrive $0xFFFF;
	s2 =	simm.s32 @!p0 $0x1C05  }
0xb3: {  	[timem:s3], [sflag:s2] =	dma.local @!p0 [hbm:s0], s1  }
0xb4: {  	s0 =	simm.s32 @!p0 $0x5  }
0xb5: {  	_ =	swait.ge @!p0 [sflag:s0], s1  }
0xb6: {  	s1 =	ssub.s32 @!p0 $0x0, s1;
	[sflag:s0] =	ssyncset.done @!p0 $0x0  }
0xb7: {  	[sflag:s0] =	ssyncadd.s32 @!p0 s1  }
0xb8: {  	[bflag:$0x3] =	sbarrier.arrive $0xFFFF  }
0xb9: {  	_ =	shalt  }

</sc_bundles>
